<compile_context>
chip_gen: v7x
topology: tpu7x:2x2x1
jax: 0.10.2.dev20260603
libtpu: 0.0.44.dev20260713+nightly
codegen_flags: <defaults>
</compile_context>

<pallas_src>
import jax
import jax.numpy as jnp
from jax import lax
from jax.experimental import pallas as pl
from jax.experimental.pallas import tpu as pltpu
from jax.experimental.pallas import tpu_sc as plsc

N_NODES = 100000
N_EDGES = 3200000
D_IN = 17

BLK = 14336
GRID = 7
N2 = BLK * GRID
R = N2 // 128
RB = 112
NC, NS = 2, 16
NW = NC * NS
EP_TILE = 99968
K = 9088
NCHUNK = EP_TILE // K
TAIL_BASE = NW * EP_TILE
TAIL_N = N_EDGES - TAIL_BASE
NROW_T = N2 // NS


def _proj_body(xt_ref, w2_ref, p_ref, r_ref):
    pr = lax.dot_general(w2_ref[...], xt_ref[...],
                         dimension_numbers=(((0,), (0,)), ((), ())),
                         preferred_element_type=jnp.float32)
    p_ref[...] = pr[0].reshape(BLK // 128, 128)
    r_ref[...] = pr[1].reshape(BLK // 128, 128)


def _proj(xt, w2):
    return pl.pallas_call(
        _proj_body,
        grid=(GRID,),
        in_specs=[
            pl.BlockSpec((D_IN, BLK), lambda i: (0, i)),
            pl.BlockSpec((D_IN, 2), lambda i: (0, 0)),
        ],
        out_specs=[
            pl.BlockSpec((BLK // 128, 128), lambda i: (i, 0)),
            pl.BlockSpec((BLK // 128, 128), lambda i: (i, 0)),
        ],
        out_shape=[
            jax.ShapeDtypeStruct((R, 128), jnp.float32),
            jax.ShapeDtypeStruct((R, 128), jnp.float32),
        ],
    )(xt, w2)


def _deinterleave(eib, src_v, dst_v, n):
    def body(i, _):
        for u in range(8):
            off = pl.ds(pl.multiple_of(i * 128 + u * 16, 16), 16)
            src_v[off] = eib[0, off]
            dst_v[off] = eib[1, off]
        return 0

    lax.fori_loop(0, n // 128, body, 0)


def _sc_body(ei_hbm, p_hbm, z_hbm, ones_hbm, s_out, c_out,
             ei_v0, ei_v1, src_v0, src_v1, dst_v0, dst_v1, vals_v0,
             vals_v1, ones_v, stage_v, src_t, dst_t, vals_t,
             p_s, s_s, c_s, sem_i0, sem_i1, sem_g, sem_s, sem_c):
    c = lax.axis_index("c")
    s = lax.axis_index("s")
    wid = c * NS + s
    row = s * NROW_T
    ei_bufs = (ei_v0, ei_v1)
    src_bufs = (src_v0, src_v1)
    dst_bufs = (dst_v0, dst_v1)
    vals_bufs = (vals_v0, vals_v1)
    sems = (sem_i0, sem_i1)

    def idx_start(j):
        base = wid * EP_TILE + j * K
        return pltpu.async_copy(ei_hbm.at[:, pl.ds(base, K)],
                                ei_bufs[j % 2], sems[j % 2])

    d_idx = idx_start(0)

    pltpu.sync_copy(z_hbm, stage_v)
    pltpu.sync_copy(stage_v, s_s.at[pl.ds(row, NROW_T)])
    pltpu.sync_copy(stage_v, c_s.at[pl.ds(row, NROW_T)])
    pltpu.sync_copy(p_hbm.at[pl.ds(row, NROW_T)], stage_v)
    pltpu.sync_copy(stage_v, p_s.at[pl.ds(row, NROW_T)])
    pltpu.sync_copy(ones_hbm, ones_v)
    plsc.subcore_barrier()

    d_ss = d_sc = None
    for j in range(NCHUNK):
        b = j % 2
        d_idx.wait()
        if j + 1 < NCHUNK:
            d_idx = idx_start(j + 1)
        if j >= 2:
            d_ss2.wait()
            d_sc2.wait()
        _deinterleave(ei_bufs[b], src_bufs[b], dst_bufs[b], K)
        pltpu.async_copy(p_s.at[src_bufs[b]], vals_bufs[b], sem_g).wait()
        d_ss2, d_sc2 = d_ss, d_sc
        d_ss = pltpu.async_copy(vals_bufs[b], s_s.at[dst_bufs[b]],
                                sem_s, add=True)
        d_sc = pltpu.async_copy(ones_v, c_s.at[dst_bufs[b]],
                                sem_c, add=True)
    d_ss2.wait()
    d_sc2.wait()
    d_ss.wait()
    d_sc.wait()

    @pl.when(wid == NW - 1)
    def _tail():
        pltpu.sync_copy(ei_hbm.at[:, pl.ds(TAIL_BASE, TAIL_N)],
                        ei_v0.at[:, pl.ds(0, TAIL_N)])
        _deinterleave(ei_v0, src_t, dst_t, TAIL_N)
        pltpu.async_copy(p_s.at[src_t], vals_t, sem_g).wait()
        pltpu.sync_copy(vals_t, s_s.at[dst_t], add=True)
        pltpu.sync_copy(ones_v.at[pl.ds(0, TAIL_N)], c_s.at[dst_t],
                        add=True)

    plsc.subcore_barrier()
    off = c * N2 + row
    pltpu.sync_copy(s_s.at[pl.ds(row, NROW_T)], stage_v)
    pltpu.sync_copy(stage_v, s_out.at[pl.ds(off, NROW_T)])
    pltpu.sync_copy(c_s.at[pl.ds(row, NROW_T)], stage_v)
    pltpu.sync_copy(stage_v, c_out.at[pl.ds(off, NROW_T)])


def _segment_acc(ei, p, z, ones):
    mesh = plsc.VectorSubcoreMesh(core_axis_name="c", subcore_axis_name="s",
                                  num_cores=NC, num_subcores=NS)
    f = pl.kernel(
        _sc_body,
        out_type=[
            jax.ShapeDtypeStruct((NC * N2,), jnp.float32),
            jax.ShapeDtypeStruct((NC * N2,), jnp.float32),
        ],
        mesh=mesh,
        scratch_types=[
            pltpu.VMEM((2, K), jnp.int32),
            pltpu.VMEM((2, K), jnp.int32),
            pltpu.VMEM((K,), jnp.int32),
            pltpu.VMEM((K,), jnp.int32),
            pltpu.VMEM((K,), jnp.int32),
            pltpu.VMEM((K,), jnp.int32),
            pltpu.VMEM((K,), jnp.float32),
            pltpu.VMEM((K,), jnp.float32),
            pltpu.VMEM((K,), jnp.float32),
            pltpu.VMEM((NROW_T,), jnp.float32),
            pltpu.VMEM((TAIL_N,), jnp.int32),
            pltpu.VMEM((TAIL_N,), jnp.int32),
            pltpu.VMEM((TAIL_N,), jnp.float32),
            pltpu.VMEM_SHARED((N2,), jnp.float32),
            pltpu.VMEM_SHARED((N2,), jnp.float32),
            pltpu.VMEM_SHARED((N2,), jnp.float32),
            pltpu.SemaphoreType.DMA,
            pltpu.SemaphoreType.DMA,
            pltpu.SemaphoreType.DMA,
            pltpu.SemaphoreType.DMA,
            pltpu.SemaphoreType.DMA,
        ],
    )
    return f(ei, p, z, ones)


def _combine_body(s0_ref, s1_ref, c0_ref, c1_ref, r_ref, scal_ref, out_ref):
    ssum = s0_ref[...] + s1_ref[...]
    cnt = c0_ref[...] + c1_ref[...]
    mean = ssum / jnp.maximum(cnt, 1.0)
    h = mean + scal_ref[0, 0] + r_ref[...]
    h = jnp.where(h > 0, h, jnp.exp(h) - 1.0)
    out_ref[...] = h * scal_ref[0, 1] + scal_ref[0, 2]


def _combine(s2m, c2m, r2d, scal):
    spec0 = pl.BlockSpec((RB, 128), lambda i: (i, 0))
    spec1 = pl.BlockSpec((RB, 128), lambda i: (i + R // RB, 0))
    return pl.pallas_call(
        _combine_body,
        grid=(R // RB,),
        in_specs=[
            spec0, spec1, spec0, spec1, spec0,
            pl.BlockSpec(memory_space=pltpu.SMEM),
        ],
        out_specs=pl.BlockSpec((RB, 128), lambda i: (i, 0)),
        out_shape=jax.ShapeDtypeStruct((R, 128), jnp.float32),
    )(s2m, s2m, c2m, c2m, r2d, scal)


def kernel(x, edge_index, edge_weight, W_l, b_l, W_r, W_out, b_out):
    ei = edge_index.astype(jnp.int32)
    w2 = jnp.concatenate([W_l, W_r], axis=0).T
    p2d, r2d = _proj(x.T, w2)
    z = jnp.zeros((NROW_T,), jnp.float32)
    ones = jnp.ones((K,), jnp.float32)
    s2, c2 = _segment_acc(ei, p2d.reshape(N2), z, ones)
    scal = jnp.concatenate([b_l, W_out[0], b_out]).reshape(1, 3)
    out2d = _combine(s2.reshape(2 * R, 128), c2.reshape(2 * R, 128),
                     r2d, scal)
    return out2d.reshape(N2, 1)[:N_NODES]

# --- scband reference (transcript-rebuilt; emitter-appended) ---
"""Pipeline reference for scband-gnn-40157944218343 (READ-ONLY COPY).

The authoritative reference and input builder live on the scoring server;
editing this copy changes nothing except your own understanding.
"""

import jax, jax.numpy as jnp
import numpy as np

N_NODES = 100000
N_EDGES = 3200000
D_IN = 17
D_HID = 1


def setup_inputs(seed: int = 0) -> dict:
    key = jax.random.key(seed)
    k_x, k_ei, k_ew, k_wl, k_bl, k_wr, k_wo, k_bo = jax.random.split(key, 8)
    x = jax.random.normal(k_x, (N_NODES, D_IN), dtype=jnp.float32)
    edge_index = jax.random.randint(k_ei, (2, N_EDGES), 0, N_NODES, dtype=jnp.int64)
    edge_weight = jax.random.uniform(k_ew, (N_EDGES,), dtype=jnp.float32)
    # SAGEConv params: lin_l (applied to aggregated neighbors, with bias), lin_r (root, no bias)
    s = 1.0 / np.sqrt(D_IN)
    W_l = jax.random.uniform(k_wl, (D_HID, D_IN), minval=-s, maxval=s, dtype=jnp.float32)
    b_l = jax.random.uniform(k_bl, (D_HID,), minval=-s, maxval=s, dtype=jnp.float32)
    W_r = jax.random.uniform(k_wr, (D_HID, D_IN), minval=-s, maxval=s, dtype=jnp.float32)
    # out Linear(1, 1)
    W_out = jax.random.uniform(k_wo, (1, D_HID), minval=-1.0, maxval=1.0, dtype=jnp.float32)
    b_out = jax.random.uniform(k_bo, (1,), minval=-1.0, maxval=1.0, dtype=jnp.float32)
    return {"x": x, "edge_index": edge_index, "edge_weight": edge_weight,
            "W_l": W_l, "b_l": b_l, "W_r": W_r, "W_out": W_out, "b_out": b_out}


def reference(x, edge_index, edge_weight, W_l, b_l, W_r, W_out, b_out):
    # SAGEConv with mean aggregation: out = lin_l(mean_j x_j) + lin_r(x_i)
    src = edge_index[0]
    dst = edge_index[1]
    msgs = jnp.take(x, src, axis=0)  # gather source node feats [E, D_IN]
    summed = jax.ops.segment_sum(msgs, dst, num_segments=N_NODES)
    counts = jax.ops.segment_sum(jnp.ones((msgs.shape[0],), dtype=x.dtype), dst, num_segments=N_NODES)
    mean = summed / jnp.clip(counts, 1.0, None)[:, None]
    h = mean @ W_l.T + b_l + x @ W_r.T
    h = jax.nn.elu(h)
    out = h @ W_out.T + b_out
    return out

if __name__ == "__main__":
    import jax
    _d = setup_inputs()
    print(jax.jit(kernel)(*tuple(_d.values())))

</pallas_src>

<mosaic_0001>
#map = affine_map<(d0, d1) -> (0, 0)>
#map1 = affine_map<(d0, d1) -> (0)>
module attributes {stable_mosaic.version = 14 : i64} {
  func.func @_sc_body(%arg0: i32, %arg1: i32, %arg2: memref<2x3200000xi32, #tpu.memory_space<hbm>>, %arg3: memref<100352xf32, #tpu.memory_space<hbm>>, %arg4: memref<6272xf32, #tpu.memory_space<hbm>>, %arg5: memref<9088xf32, #tpu.memory_space<hbm>>, %arg6: memref<200704xf32, #tpu.memory_space<hbm>>, %arg7: memref<200704xf32, #tpu.memory_space<hbm>>, %arg8: memref<2x9088xi32, #tpu.memory_space<vmem>>, %arg9: memref<2x9088xi32, #tpu.memory_space<vmem>>, %arg10: memref<9088xi32, #tpu.memory_space<vmem>>, %arg11: memref<9088xi32, #tpu.memory_space<vmem>>, %arg12: memref<9088xi32, #tpu.memory_space<vmem>>, %arg13: memref<9088xi32, #tpu.memory_space<vmem>>, %arg14: memref<9088xf32, #tpu.memory_space<vmem>>, %arg15: memref<9088xf32, #tpu.memory_space<vmem>>, %arg16: memref<9088xf32, #tpu.memory_space<vmem>>, %arg17: memref<6272xf32, #tpu.memory_space<vmem>>, %arg18: memref<1024xi32, #tpu.memory_space<vmem>>, %arg19: memref<1024xi32, #tpu.memory_space<vmem>>, %arg20: memref<1024xf32, #tpu.memory_space<vmem>>, %arg21: memref<100352xf32, #tpu.memory_space<vmem_shared>>, %arg22: memref<100352xf32, #tpu.memory_space<vmem_shared>>, %arg23: memref<100352xf32, #tpu.memory_space<vmem_shared>>, %arg24: memref<!tpu.dma_semaphore, #tpu.memory_space<semaphore_mem>>, %arg25: memref<!tpu.dma_semaphore, #tpu.memory_space<semaphore_mem>>, %arg26: memref<!tpu.dma_semaphore, #tpu.memory_space<semaphore_mem>>, %arg27: memref<!tpu.dma_semaphore, #tpu.memory_space<semaphore_mem>>, %arg28: memref<!tpu.dma_semaphore, #tpu.memory_space<semaphore_mem>>) attributes {dimension_semantics = [#tpu.dimension_semantics<core_parallel>, #tpu.dimension_semantics<subcore_parallel>], iteration_bounds = array<i64: 2, 16>, scalar_prefetch = 0 : i64, scratch_operands = 21 : i64, tpu.core_type = #tpu.core_type<sc_vector_subcore>, window_params = [{transform_indices = #map}, {transform_indices = #map1}, {transform_indices = #map1}, {transform_indices = #map1}, {transform_indices = #map1}, {transform_indices = #map1}]} {
    %mul3A = arith.constant 16 : i32
    %mul3A_0 = arith.muli %arg0, %mul3A : i32
    %add3A = arith.addi %mul3A_0, %arg1 : i32
    %mul3A_1 = arith.constant 6272 : i32
    %mul3A_2 = arith.muli %arg1, %mul3A_1 : i32
    %mul3A_3 = arith.constant 99968 : i32
    %mul3A_4 = arith.muli %add3A, %mul3A_3 : i32
    %add3A_5 = arith.constant 0 : i32
    %add3A_6 = arith.addi %mul3A_4, %add3A_5 : i32
    %dma_start3A = arith.constant 0 : i32
    %dma_start3A_7 = tpu.memref_slice %arg2[%dma_start3A, %add3A_6] : memref<2x3200000xi32, #tpu.memory_space<hbm>> -> memref<2x9088xi32, #tpu.memory_space<hbm>>
    %dma_start3A_8 = arith.constant 0 : i32
    %dma_start3A_9 = tpu.memref_slice %arg2[%dma_start3A_8, %add3A_6] : memref<2x3200000xi32, #tpu.memory_space<hbm>> -> memref<2x9088xi32, #tpu.memory_space<hbm>>
    tpu.enqueue_dma source(%dma_start3A_9 : memref<2x9088xi32, #tpu.memory_space<hbm>>) target(%arg8 : memref<2x9088xi32, #tpu.memory_space<vmem>>) target_semaphore(%arg24 : memref<!tpu.dma_semaphore, #tpu.memory_space<semaphore_mem>>)
    "tpu.region"() ({
      %run_scoped3A = tpu.sem_alloc : memref<!tpu.dma_semaphore, #tpu.memory_space<semaphore_mem>>
      tpu.enqueue_dma source(%arg4 : memref<6272xf32, #tpu.memory_space<hbm>>) target(%arg17 : memref<6272xf32, #tpu.memory_space<vmem>>) target_semaphore(%run_scoped3A : memref<!tpu.dma_semaphore, #tpu.memory_space<semaphore_mem>>)
      tpu.wait_dma2 semaphore(%run_scoped3A : memref<!tpu.dma_semaphore, #tpu.memory_space<semaphore_mem>>) src(%arg4 : memref<6272xf32, #tpu.memory_space<hbm>>) dst(%arg17 : memref<6272xf32, #tpu.memory_space<vmem>>)
      tpu.yield
    }) : () -> ()
    "tpu.region"() ({
      %run_scoped3A = tpu.sem_alloc : memref<!tpu.dma_semaphore, #tpu.memory_space<semaphore_mem>>
      %dma_start3A_347 = tpu.memref_slice %arg22[%mul3A_2] : memref<100352xf32, #tpu.memory_space<vmem_shared>> -> memref<6272xf32, #tpu.memory_space<vmem_shared>>
      %dma_start3A_348 = tpu.memref_slice %arg22[%mul3A_2] : memref<100352xf32, #tpu.memory_space<vmem_shared>> -> memref<6272xf32, #tpu.memory_space<vmem_shared>>
      tpu.enqueue_dma source(%arg17 : memref<6272xf32, #tpu.memory_space<vmem>>) target(%dma_start3A_348 : memref<6272xf32, #tpu.memory_space<vmem_shared>>) target_semaphore(%run_scoped3A : memref<!tpu.dma_semaphore, #tpu.memory_space<semaphore_mem>>)
      %dma_wait3A_349 = tpu.memref_slice %arg22[%mul3A_2] : memref<100352xf32, #tpu.memory_space<vmem_shared>> -> memref<6272xf32, #tpu.memory_space<vmem_shared>>
      %dma_wait3A_350 = tpu.memref_slice %arg22[%mul3A_2] : memref<100352xf32, #tpu.memory_space<vmem_shared>> -> memref<6272xf32, #tpu.memory_space<vmem_shared>>
      tpu.wait_dma2 semaphore(%run_scoped3A : memref<!tpu.dma_semaphore, #tpu.memory_space<semaphore_mem>>) src(%arg17 : memref<6272xf32, #tpu.memory_space<vmem>>) dst(%dma_wait3A_350 : memref<6272xf32, #tpu.memory_space<vmem_shared>>)
      tpu.yield
    }) : () -> ()
    "tpu.region"() ({
      %run_scoped3A = tpu.sem_alloc : memref<!tpu.dma_semaphore, #tpu.memory_space<semaphore_mem>>
      %dma_start3A_347 = tpu.memref_slice %arg23[%mul3A_2] : memref<100352xf32, #tpu.memory_space<vmem_shared>> -> memref<6272xf32, #tpu.memory_space<vmem_shared>>
      %dma_start3A_348 = tpu.memref_slice %arg23[%mul3A_2] : memref<100352xf32, #tpu.memory_space<vmem_shared>> -> memref<6272xf32, #tpu.memory_space<vmem_shared>>
      tpu.enqueue_dma source(%arg17 : memref<6272xf32, #tpu.memory_space<vmem>>) target(%dma_start3A_348 : memref<6272xf32, #tpu.memory_space<vmem_shared>>) target_semaphore(%run_scoped3A : memref<!tpu.dma_semaphore, #tpu.memory_space<semaphore_mem>>)
      %dma_wait3A_349 = tpu.memref_slice %arg23[%mul3A_2] : memref<100352xf32, #tpu.memory_space<vmem_shared>> -> memref<6272xf32, #tpu.memory_space<vmem_shared>>
      %dma_wait3A_350 = tpu.memref_slice %arg23[%mul3A_2] : memref<100352xf32, #tpu.memory_space<vmem_shared>> -> memref<6272xf32, #tpu.memory_space<vmem_shared>>
      tpu.wait_dma2 semaphore(%run_scoped3A : memref<!tpu.dma_semaphore, #tpu.memory_space<semaphore_mem>>) src(%arg17 : memref<6272xf32, #tpu.memory_space<vmem>>) dst(%dma_wait3A_350 : memref<6272xf32, #tpu.memory_space<vmem_shared>>)
      tpu.yield
    }) : () -> ()
    "tpu.region"() ({
      %run_scoped3A = tpu.sem_alloc : memref<!tpu.dma_semaphore, #tpu.memory_space<semaphore_mem>>
      %dma_start3A_347 = tpu.memref_slice %arg3[%mul3A_2] : memref<100352xf32, #tpu.memory_space<hbm>> -> memref<6272xf32, #tpu.memory_space<hbm>>
      %dma_start3A_348 = tpu.memref_slice %arg3[%mul3A_2] : memref<100352xf32, #tpu.memory_space<hbm>> -> memref<6272xf32, #tpu.memory_space<hbm>>
      tpu.enqueue_dma source(%dma_start3A_348 : memref<6272xf32, #tpu.memory_space<hbm>>) target(%arg17 : memref<6272xf32, #tpu.memory_space<vmem>>) target_semaphore(%run_scoped3A : memref<!tpu.dma_semaphore, #tpu.memory_space<semaphore_mem>>)
      %dma_wait3A_349 = tpu.memref_slice %arg3[%mul3A_2] : memref<100352xf32, #tpu.memory_space<hbm>> -> memref<6272xf32, #tpu.memory_space<hbm>>
      %dma_wait3A_350 = tpu.memref_slice %arg3[%mul3A_2] : memref<100352xf32, #tpu.memory_space<hbm>> -> memref<6272xf32, #tpu.memory_space<hbm>>
      tpu.wait_dma2 semaphore(%run_scoped3A : memref<!tpu.dma_semaphore, #tpu.memory_space<semaphore_mem>>) src(%dma_wait3A_350 : memref<6272xf32, #tpu.memory_space<hbm>>) dst(%arg17 : memref<6272xf32, #tpu.memory_space<vmem>>)
      tpu.yield
    }) : () -> ()
    "tpu.region"() ({
      %run_scoped3A = tpu.sem_alloc : memref<!tpu.dma_semaphore, #tpu.memory_space<semaphore_mem>>
      %dma_start3A_347 = tpu.memref_slice %arg21[%mul3A_2] : memref<100352xf32, #tpu.memory_space<vmem_shared>> -> memref<6272xf32, #tpu.memory_space<vmem_shared>>
      %dma_start3A_348 = tpu.memref_slice %arg21[%mul3A_2] : memref<100352xf32, #tpu.memory_space<vmem_shared>> -> memref<6272xf32, #tpu.memory_space<vmem_shared>>
      tpu.enqueue_dma source(%arg17 : memref<6272xf32, #tpu.memory_space<vmem>>) target(%dma_start3A_348 : memref<6272xf32, #tpu.memory_space<vmem_shared>>) target_semaphore(%run_scoped3A : memref<!tpu.dma_semaphore, #tpu.memory_space<semaphore_mem>>)
      %dma_wait3A_349 = tpu.memref_slice %arg21[%mul3A_2] : memref<100352xf32, #tpu.memory_space<vmem_shared>> -> memref<6272xf32, #tpu.memory_space<vmem_shared>>
      %dma_wait3A_350 = tpu.memref_slice %arg21[%mul3A_2] : memref<100352xf32, #tpu.memory_space<vmem_shared>> -> memref<6272xf32, #tpu.memory_space<vmem_shared>>
      tpu.wait_dma2 semaphore(%run_scoped3A : memref<!tpu.dma_semaphore, #tpu.memory_space<semaphore_mem>>) src(%arg17 : memref<6272xf32, #tpu.memory_space<vmem>>) dst(%dma_wait3A_350 : memref<6272xf32, #tpu.memory_space<vmem_shared>>)
      tpu.yield
    }) : () -> ()
    "tpu.region"() ({
      %run_scoped3A = tpu.sem_alloc : memref<!tpu.dma_semaphore, #tpu.memory_space<semaphore_mem>>
      tpu.enqueue_dma source(%arg5 : memref<9088xf32, #tpu.memory_space<hbm>>) target(%arg16 : memref<9088xf32, #tpu.memory_space<vmem>>) target_semaphore(%run_scoped3A : memref<!tpu.dma_semaphore, #tpu.memory_space<semaphore_mem>>)
      tpu.wait_dma2 semaphore(%run_scoped3A : memref<!tpu.dma_semaphore, #tpu.memory_space<semaphore_mem>>) src(%arg5 : memref<9088xf32, #tpu.memory_space<hbm>>) dst(%arg16 : memref<9088xf32, #tpu.memory_space<vmem>>)
      tpu.yield
    }) : () -> ()
    %barrier3A = arith.constant 0 : index
    tpu.barrier barrier_id(%barrier3A)
    %dma_wait3A = arith.constant 0 : i32
    %dma_wait3A_10 = tpu.memref_slice %arg2[%dma_wait3A, %add3A_6] : memref<2x3200000xi32, #tpu.memory_space<hbm>> -> memref<2x9088xi32, #tpu.memory_space<hbm>>
    %dma_wait3A_11 = arith.constant 0 : i32
    %dma_wait3A_12 = tpu.memref_slice %arg2[%dma_wait3A_11, %add3A_6] : memref<2x3200000xi32, #tpu.memory_space<hbm>> -> memref<2x9088xi32, #tpu.memory_space<hbm>>
    tpu.wait_dma2 semaphore(%arg24 : memref<!tpu.dma_semaphore, #tpu.memory_space<semaphore_mem>>) src(%dma_wait3A_12 : memref<2x9088xi32, #tpu.memory_space<hbm>>) dst(%arg8 : memref<2x9088xi32, #tpu.memory_space<vmem>>)
    %mul3A_13 = arith.constant 99968 : i32
    %mul3A_14 = arith.muli %add3A, %mul3A_13 : i32
    %add3A_15 = arith.constant 9088 : i32
    %add3A_16 = arith.addi %mul3A_14, %add3A_15 : i32
    %dma_start3A_17 = arith.constant 0 : i32
    %dma_start3A_18 = tpu.memref_slice %arg2[%dma_start3A_17, %add3A_16] : memref<2x3200000xi32, #tpu.memory_space<hbm>> -> memref<2x9088xi32, #tpu.memory_space<hbm>>
    %dma_start3A_19 = arith.constant 0 : i32
    %dma_start3A_20 = tpu.memref_slice %arg2[%dma_start3A_19, %add3A_16] : memref<2x3200000xi32, #tpu.memory_space<hbm>> -> memref<2x9088xi32, #tpu.memory_space<hbm>>
    tpu.enqueue_dma source(%dma_start3A_20 : memref<2x9088xi32, #tpu.memory_space<hbm>>) target(%arg9 : memref<2x9088xi32, #tpu.memory_space<vmem>>) target_semaphore(%arg25 : memref<!tpu.dma_semaphore, #tpu.memory_space<semaphore_mem>>)
    %scan3A = arith.constant 0 : i32
    %scan3A_21 = arith.constant 0 : i32
    %scan3A_22 = arith.constant 71 : i32
    %scan3A_23 = arith.addi %scan3A_21, %scan3A_22 : i32
    %scan3A_24 = arith.constant 1 : i32
    %scan3A_25 = scf.for %scan3A_347 = %scan3A_21 to %scan3A_23 step %scan3A_24 iter_args(%scan3A_348 = %scan3A) -> (i32)  : i32 {
      %mul3A_349 = arith.constant 128 : i32
      %mul3A_350 = arith.muli %scan3A_347, %mul3A_349 : i32
      %add3A_351 = arith.constant 0 : i32
      %add3A_352 = arith.addi %mul3A_350, %add3A_351 : i32
      %multiple_of3A = tpu.assume_multiple %add3A_352, 16 : i32
      %get3A = arith.constant 0 : i32
      %get3A_353 = arith.index_cast %get3A : i32 to index
      %get3A_354 = arith.index_cast %multiple_of3A : i32 to index
      %get3A_355 = tpu.vector_load %arg8[%get3A_353, %get3A_354] {strides = array<i32>} : memref<2x9088xi32, #tpu.memory_space<vmem>>, vector<1x16xi32>,
      %get3A_356 = vector.shape_cast %get3A_355 : vector<1x16xi32> to vector<16xi32>
      %swap3A = arith.index_cast %multiple_of3A : i32 to index
      %swap3A_357 = tpu.vector_load %arg10[%swap3A] {strides = array<i32>} : memref<9088xi32, #tpu.memory_space<vmem>>, vector<16xi32>,
      %swap3A_358 = vector.shape_cast %swap3A_357 : vector<16xi32> to vector<16xi32>
      %swap3A_359 = vector.shape_cast %get3A_356 : vector<16xi32> to vector<16xi32>
      tpu.vector_store %arg10[%swap3A], %swap3A_359 {strides = array<i32>} : memref<9088xi32, #tpu.memory_space<vmem>>, vector<16xi32>,
      %get3A_360 = arith.constant 1 : i32
      %get3A_361 = arith.index_cast %get3A_360 : i32 to index
      %get3A_362 = arith.index_cast %multiple_of3A : i32 to index
      %get3A_363 = tpu.vector_load %arg8[%get3A_361, %get3A_362] {strides = array<i32>} : memref<2x9088xi32, #tpu.memory_space<vmem>>, vector<1x16xi32>,
      %get3A_364 = vector.shape_cast %get3A_363 : vector<1x16xi32> to vector<16xi32>
      %swap3A_365 = arith.index_cast %multiple_of3A : i32 to index
      %swap3A_366 = tpu.vector_load %arg12[%swap3A_365] {strides = array<i32>} : memref<9088xi32, #tpu.memory_space<vmem>>, vector<16xi32>,
      %swap3A_367 = vector.shape_cast %swap3A_366 : vector<16xi32> to vector<16xi32>
      %swap3A_368 = vector.shape_cast %get3A_364 : vector<16xi32> to vector<16xi32>
      tpu.vector_store %arg12[%swap3A_365], %swap3A_368 {strides = array<i32>} : memref<9088xi32, #tpu.memory_space<vmem>>, vector<16xi32>,
      %mul3A_369 = arith.constant 128 : i32
      %mul3A_370 = arith.muli %scan3A_347, %mul3A_369 : i32
      %add3A_371 = arith.constant 16 : i32
      %add3A_372 = arith.addi %mul3A_370, %add3A_371 : i32
      %multiple_of3A_373 = tpu.assume_multiple %add3A_372, 16 : i32
      %get3A_374 = arith.constant 0 : i32
      %get3A_375 = arith.index_cast %get3A_374 : i32 to index
      %get3A_376 = arith.index_cast %multiple_of3A_373 : i32 to index
      %get3A_377 = tpu.vector_load %arg8[%get3A_375, %get3A_376] {strides = array<i32>} : memref<2x9088xi32, #tpu.memory_space<vmem>>, vector<1x16xi32>,
      %get3A_378 = vector.shape_cast %get3A_377 : vector<1x16xi32> to vector<16xi32>
      %swap3A_379 = arith.index_cast %multiple_of3A_373 : i32 to index
      %swap3A_380 = tpu.vector_load %arg10[%swap3A_379] {strides = array<i32>} : memref<9088xi32, #tpu.memory_space<vmem>>, vector<16xi32>,
      %swap3A_381 = vector.shape_cast %swap3A_380 : vector<16xi32> to vector<16xi32>
      %swap3A_382 = vector.shape_cast %get3A_378 : vector<16xi32> to vector<16xi32>
      tpu.vector_store %arg10[%swap3A_379], %swap3A_382 {strides = array<i32>} : memref<9088xi32, #tpu.memory_space<vmem>>, vector<16xi32>,
      %get3A_383 = arith.constant 1 : i32
      %get3A_384 = arith.index_cast %get3A_383 : i32 to index
      %get3A_385 = arith.index_cast %multiple_of3A_373 : i32 to index
      %get3A_386 = tpu.vector_load %arg8[%get3A_384, %get3A_385] {strides = array<i32>} : memref<2x9088xi32, #tpu.memory_space<vmem>>, vector<1x16xi32>,
      %get3A_387 = vector.shape_cast %get3A_386 : vector<1x16xi32> to vector<16xi32>
      %swap3A_388 = arith.index_cast %multiple_of3A_373 : i32 to index
      %swap3A_389 = tpu.vector_load %arg12[%swap3A_388] {strides = array<i32>} : memref<9088xi32, #tpu.memory_space<vmem>>, vector<16xi32>,
      %swap3A_390 = vector.shape_cast %swap3A_389 : vector<16xi32> to vector<16xi32>
      %swap3A_391 = vector.shape_cast %get3A_387 : vector<16xi32> to vector<16xi32>
      tpu.vector_store %arg12[%swap3A_388], %swap3A_391 {strides = array<i32>} : memref<9088xi32, #tpu.memory_space<vmem>>, vector<16xi32>,
      %mul3A_392 = arith.constant 128 : i32
      %mul3A_393 = arith.muli %scan3A_347, %mul3A_392 : i32
      %add3A_394 = arith.constant 32 : i32
      %add3A_395 = arith.addi %mul3A_393, %add3A_394 : i32
      %multiple_of3A_396 = tpu.assume_multiple %add3A_395, 16 : i32
      %get3A_397 = arith.constant 0 : i32
      %get3A_398 = arith.index_cast %get3A_397 : i32 to index
      %get3A_399 = arith.index_cast %multiple_of3A_396 : i32 to index
      %get3A_400 = tpu.vector_load %arg8[%get3A_398, %get3A_399] {strides = array<i32>} : memref<2x9088xi32, #tpu.memory_space<vmem>>, vector<1x16xi32>,
      %get3A_401 = vector.shape_cast %get3A_400 : vector<1x16xi32> to vector<16xi32>
      %swap3A_402 = arith.index_cast %multiple_of3A_396 : i32 to index
      %swap3A_403 = tpu.vector_load %arg10[%swap3A_402] {strides = array<i32>} : memref<9088xi32, #tpu.memory_space<vmem>>, vector<16xi32>,
      %swap3A_404 = vector.shape_cast %swap3A_403 : vector<16xi32> to vector<16xi32>
      %swap3A_405 = vector.shape_cast %get3A_401 : vector<16xi32> to vector<16xi32>
      tpu.vector_store %arg10[%swap3A_402], %swap3A_405 {strides = array<i32>} : memref<9088xi32, #tpu.memory_space<vmem>>, vector<16xi32>,
      %get3A_406 = arith.constant 1 : i32
      %get3A_407 = arith.index_cast %get3A_406 : i32 to index
      %get3A_408 = arith.index_cast %multiple_of3A_396 : i32 to index
      %get3A_409 = tpu.vector_load %arg8[%get3A_407, %get3A_408] {strides = array<i32>} : memref<2x9088xi32, #tpu.memory_space<vmem>>, vector<1x16xi32>,
      %get3A_410 = vector.shape_cast %get3A_409 : vector<1x16xi32> to vector<16xi32>
      %swap3A_411 = arith.index_cast %multiple_of3A_396 : i32 to index
      %swap3A_412 = tpu.vector_load %arg12[%swap3A_411] {strides = array<i32>} : memref<9088xi32, #tpu.memory_space<vmem>>, vector<16xi32>,
      %swap3A_413 = vector.shape_cast %swap3A_412 : vector<16xi32> to vector<16xi32>
      %swap3A_414 = vector.shape_cast %get3A_410 : vector<16xi32> to vector<16xi32>
      tpu.vector_store %arg12[%swap3A_411], %swap3A_414 {strides = array<i32>} : memref<9088xi32, #tpu.memory_space<vmem>>, vector<16xi32>,
      %mul3A_415 = arith.constant 128 : i32
      %mul3A_416 = arith.muli %scan3A_347, %mul3A_415 : i32
      %add3A_417 = arith.constant 48 : i32
      %add3A_418 = arith.addi %mul3A_416, %add3A_417 : i32
      %multiple_of3A_419 = tpu.assume_multiple %add3A_418, 16 : i32
      %get3A_420 = arith.constant 0 : i32
      %get3A_421 = arith.index_cast %get3A_420 : i32 to index
      %get3A_422 = arith.index_cast %multiple_of3A_419 : i32 to index
      %get3A_423 = tpu.vector_load %arg8[%get3A_421, %get3A_422] {strides = array<i32>} : memref<2x9088xi32, #tpu.memory_space<vmem>>, vector<1x16xi32>,
      %get3A_424 = vector.shape_cast %get3A_423 : vector<1x16xi32> to vector<16xi32>
      %swap3A_425 = arith.index_cast %multiple_of3A_419 : i32 to index
      %swap3A_426 = tpu.vector_load %arg10[%swap3A_425] {strides = array<i32>} : memref<9088xi32, #tpu.memory_space<vmem>>, vector<16xi32>,
      %swap3A_427 = vector.shape_cast %swap3A_426 : vector<16xi32> to vector<16xi32>
      %swap3A_428 = vector.shape_cast %get3A_424 : vector<16xi32> to vector<16xi32>
      tpu.vector_store %arg10[%swap3A_425], %swap3A_428 {strides = array<i32>} : memref<9088xi32, #tpu.memory_space<vmem>>, vector<16xi32>,
      %get3A_429 = arith.constant 1 : i32
      %get3A_430 = arith.index_cast %get3A_429 : i32 to index
      %get3A_431 = arith.index_cast %multiple_of3A_419 : i32 to index
      %get3A_432 = tpu.vector_load %arg8[%get3A_430, %get3A_431] {strides = array<i32>} : memref<2x9088xi32, #tpu.memory_space<vmem>>, vector<1x16xi32>,
      %get3A_433 = vector.shape_cast %get3A_432 : vector<1x16xi32> to vector<16xi32>
      %swap3A_434 = arith.index_cast %multiple_of3A_419 : i32 to index
      %swap3A_435 = tpu.vector_load %arg12[%swap3A_434] {strides = array<i32>} : memref<9088xi32, #tpu.memory_space<vmem>>, vector<16xi32>,
      %swap3A_436 = vector.shape_cast %swap3A_435 : vector<16xi32> to vector<16xi32>
      %swap3A_437 = vector.shape_cast %get3A_433 : vector<16xi32> to vector<16xi32>
      tpu.vector_store %arg12[%swap3A_434], %swap3A_437 {strides = array<i32>} : memref<9088xi32, #tpu.memory_space<vmem>>, vector<16xi32>,
      %mul3A_438 = arith.constant 128 : i32
      %mul3A_439 = arith.muli %scan3A_347, %mul3A_438 : i32
      %add3A_440 = arith.constant 64 : i32
      %add3A_441 = arith.addi %mul3A_439, %add3A_440 : i32
      %multiple_of3A_442 = tpu.assume_multiple %add3A_441, 16 : i32
      %get3A_443 = arith.constant 0 : i32
      %get3A_444 = arith.index_cast %get3A_443 : i32 to index
      %get3A_445 = arith.index_cast %multiple_of3A_442 : i32 to index
      %get3A_446 = tpu.vector_load %arg8[%get3A_444, %get3A_445] {strides = array<i32>} : memref<2x9088xi32, #tpu.memory_space<vmem>>, vector<1x16xi32>,
      %get3A_447 = vector.shape_cast %get3A_446 : vector<1x16xi32> to vector<16xi32>
      %swap3A_448 = arith.index_cast %multiple_of3A_442 : i32 to index
      %swap3A_449 = tpu.vector_load %arg10[%swap3A_448] {strides = array<i32>} : memref<9088xi32, #tpu.memory_space<vmem>>, vector<16xi32>,
      %swap3A_450 = vector.shape_cast %swap3A_449 : vector<16xi32> to vector<16xi32>
      %swap3A_451 = vector.shape_cast %get3A_447 : vector<16xi32> to vector<16xi32>
      tpu.vector_store %arg10[%swap3A_448], %swap3A_451 {strides = array<i32>} : memref<9088xi32, #tpu.memory_space<vmem>>, vector<16xi32>,
      %get3A_452 = arith.constant 1 : i32
      %get3A_453 = arith.index_cast %get3A_452 : i32 to index
      %get3A_454 = arith.index_cast %multiple_of3A_442 : i32 to index
      %get3A_455 = tpu.vector_load %arg8[%get3A_453, %get3A_454] {strides = array<i32>} : memref<2x9088xi32, #tpu.memory_space<vmem>>, vector<1x16xi32>,
      %get3A_456 = vector.shape_cast %get3A_455 : vector<1x16xi32> to vector<16xi32>
      %swap3A_457 = arith.index_cast %multiple_of3A_442 : i32 to index
      %swap3A_458 = tpu.vector_load %arg12[%swap3A_457] {strides = array<i32>} : memref<9088xi32, #tpu.memory_space<vmem>>, vector<16xi32>,
      %swap3A_459 = vector.shape_cast %swap3A_458 : vector<16xi32> to vector<16xi32>
      %swap3A_460 = vector.shape_cast %get3A_456 : vector<16xi32> to vector<16xi32>
      tpu.vector_store %arg12[%swap3A_457], %swap3A_460 {strides = array<i32>} : memref<9088xi32, #tpu.memory_space<vmem>>, vector<16xi32>,
      %mul3A_461 = arith.constant 128 : i32
      %mul3A_462 = arith.muli %scan3A_347, %mul3A_461 : i32
      %add3A_463 = arith.constant 80 : i32
      %add3A_464 = arith.addi %mul3A_462, %add3A_463 : i32
      %multiple_of3A_465 = tpu.assume_multiple %add3A_464, 16 : i32
      %get3A_466 = arith.constant 0 : i32
      %get3A_467 = arith.index_cast %get3A_466 : i32 to index
      %get3A_468 = arith.index_cast %multiple_of3A_465 : i32 to index
      %get3A_469 = tpu.vector_load %arg8[%get3A_467, %get3A_468] {strides = array<i32>} : memref<2x9088xi32, #tpu.memory_space<vmem>>, vector<1x16xi32>,
      %get3A_470 = vector.shape_cast %get3A_469 : vector<1x16xi32> to vector<16xi32>
      %swap3A_471 = arith.index_cast %multiple_of3A_465 : i32 to index
      %swap3A_472 = tpu.vector_load %arg10[%swap3A_471] {strides = array<i32>} : memref<9088xi32, #tpu.memory_space<vmem>>, vector<16xi32>,
      %swap3A_473 = vector.shape_cast %swap3A_472 : vector<16xi32> to vector<16xi32>
      %swap3A_474 = vector.shape_cast %get3A_470 : vector<16xi32> to vector<16xi32>
      tpu.vector_store %arg10[%swap3A_471], %swap3A_474 {strides = array<i32>} : memref<9088xi32, #tpu.memory_space<vmem>>, vector<16xi32>,
      %get3A_475 = arith.constant 1 : i32
      %get3A_476 = arith.index_cast %get3A_475 : i32 to index
      %get3A_477 = arith.index_cast %multiple_of3A_465 : i32 to index
      %get3A_478 = tpu.vector_load %arg8[%get3A_476, %get3A_477] {strides = array<i32>} : memref<2x9088xi32, #tpu.memory_space<vmem>>, vector<1x16xi32>,
      %get3A_479 = vector.shape_cast %get3A_478 : vector<1x16xi32> to vector<16xi32>
      %swap3A_480 = arith.index_cast %multiple_of3A_465 : i32 to index
      %swap3A_481 = tpu.vector_load %arg12[%swap3A_480] {strides = array<i32>} : memref<9088xi32, #tpu.memory_space<vmem>>, vector<16xi32>,
      %swap3A_482 = vector.shape_cast %swap3A_481 : vector<16xi32> to vector<16xi32>
      %swap3A_483 = vector.shape_cast %get3A_479 : vector<16xi32> to vector<16xi32>
      tpu.vector_store %arg12[%swap3A_480], %swap3A_483 {strides = array<i32>} : memref<9088xi32, #tpu.memory_space<vmem>>, vector<16xi32>,
      %mul3A_484 = arith.constant 128 : i32
      %mul3A_485 = arith.muli %scan3A_347, %mul3A_484 : i32
      %add3A_486 = arith.constant 96 : i32
      %add3A_487 = arith.addi %mul3A_485, %add3A_486 : i32
      %multiple_of3A_488 = tpu.assume_multiple %add3A_487, 16 : i32
      %get3A_489 = arith.constant 0 : i32
      %get3A_490 = arith.index_cast %get3A_489 : i32 to index
      %get3A_491 = arith.index_cast %multiple_of3A_488 : i32 to index
      %get3A_492 = tpu.vector_load %arg8[%get3A_490, %get3A_491] {strides = array<i32>} : memref<2x9088xi32, #tpu.memory_space<vmem>>, vector<1x16xi32>,
      %get3A_493 = vector.shape_cast %get3A_492 : vector<1x16xi32> to vector<16xi32>
      %swap3A_494 = arith.index_cast %multiple_of3A_488 : i32 to index
      %swap3A_495 = tpu.vector_load %arg10[%swap3A_494] {strides = array<i32>} : memref<9088xi32, #tpu.memory_space<vmem>>, vector<16xi32>,
      %swap3A_496 = vector.shape_cast %swap3A_495 : vector<16xi32> to vector<16xi32>
      %swap3A_497 = vector.shape_cast %get3A_493 : vector<16xi32> to vector<16xi32>
      tpu.vector_store %arg10[%swap3A_494], %swap3A_497 {strides = array<i32>} : memref<9088xi32, #tpu.memory_space<vmem>>, vector<16xi32>,
      %get3A_498 = arith.constant 1 : i32
      %get3A_499 = arith.index_cast %get3A_498 : i32 to index
      %get3A_500 = arith.index_cast %multiple_of3A_488 : i32 to index
      %get3A_501 = tpu.vector_load %arg8[%get3A_499, %get3A_500] {strides = array<i32>} : memref<2x9088xi32, #tpu.memory_space<vmem>>, vector<1x16xi32>,
      %get3A_502 = vector.shape_cast %get3A_501 : vector<1x16xi32> to vector<16xi32>
      %swap3A_503 = arith.index_cast %multiple_of3A_488 : i32 to index
      %swap3A_504 = tpu.vector_load %arg12[%swap3A_503] {strides = array<i32>} : memref<9088xi32, #tpu.memory_space<vmem>>, vector<16xi32>,
      %swap3A_505 = vector.shape_cast %swap3A_504 : vector<16xi32> to vector<16xi32>
      %swap3A_506 = vector.shape_cast %get3A_502 : vector<16xi32> to vector<16xi32>
      tpu.vector_store %arg12[%swap3A_503], %swap3A_506 {strides = array<i32>} : memref<9088xi32, #tpu.memory_space<vmem>>, vector<16xi32>,
      %mul3A_507 = arith.constant 128 : i32
      %mul3A_508 = arith.muli %scan3A_347, %mul3A_507 : i32
      %add3A_509 = arith.constant 112 : i32
      %add3A_510 = arith.addi %mul3A_508, %add3A_509 : i32
      %multiple_of3A_511 = tpu.assume_multiple %add3A_510, 16 : i32
      %get3A_512 = arith.constant 0 : i32
      %get3A_513 = arith.index_cast %get3A_512 : i32 to index
      %get3A_514 = arith.index_cast %multiple_of3A_511 : i32 to index
      %get3A_515 = tpu.vector_load %arg8[%get3A_513, %get3A_514] {strides = array<i32>} : memref<2x9088xi32, #tpu.memory_space<vmem>>, vector<1x16xi32>,
      %get3A_516 = vector.shape_cast %get3A_515 : vector<1x16xi32> to vector<16xi32>
      %swap3A_517 = arith.index_cast %multiple_of3A_511 : i32 to index
      %swap3A_518 = tpu.vector_load %arg10[%swap3A_517] {strides = array<i32>} : memref<9088xi32, #tpu.memory_space<vmem>>, vector<16xi32>,
      %swap3A_519 = vector.shape_cast %swap3A_518 : vector<16xi32> to vector<16xi32>
      %swap3A_520 = vector.shape_cast %get3A_516 : vector<16xi32> to vector<16xi32>
      tpu.vector_store %arg10[%swap3A_517], %swap3A_520 {strides = array<i32>} : memref<9088xi32, #tpu.memory_space<vmem>>, vector<16xi32>,
      %get3A_521 = arith.constant 1 : i32
      %get3A_522 = arith.index_cast %get3A_521 : i32 to index
      %get3A_523 = arith.index_cast %multiple_of3A_511 : i32 to index
      %get3A_524 = tpu.vector_load %arg8[%get3A_522, %get3A_523] {strides = array<i32>} : memref<2x9088xi32, #tpu.memory_space<vmem>>, vector<1x16xi32>,
      %get3A_525 = vector.shape_cast %get3A_524 : vector<1x16xi32> to vector<16xi32>
      %swap3A_526 = arith.index_cast %multiple_of3A_511 : i32 to index
      %swap3A_527 = tpu.vector_load %arg12[%swap3A_526] {strides = array<i32>} : memref<9088xi32, #tpu.memory_space<vmem>>, vector<16xi32>,
      %swap3A_528 = vector.shape_cast %swap3A_527 : vector<16xi32> to vector<16xi32>
      %swap3A_529 = vector.shape_cast %get3A_525 : vector<16xi32> to vector<16xi32>
      tpu.vector_store %arg12[%swap3A_526], %swap3A_529 {strides = array<i32>} : memref<9088xi32, #tpu.memory_space<vmem>>, vector<16xi32>,
      %scan3A_530 = arith.constant 0 : i32
      scf.yield %scan3A_530 : i32
    }
    %scan3A_26 = arith.constant 71 : i32
    %dma_start3A_27 = arith.constant 0 : i32
    %dma_start3A_28 = tpu.memref_slice %arg21[%dma_start3A_27] : memref<100352xf32, #tpu.memory_space<vmem_shared>> -> memref<100352xf32, #tpu.memory_space<vmem_shared>>
    tpu.enqueue_indirect_dma source(%dma_start3A_28 : memref<100352xf32, #tpu.memory_space<vmem_shared>>) target(%arg14 : memref<9088xf32, #tpu.memory_space<vmem>>) offsets(%arg10 : memref<9088xi32, #tpu.memory_space<vmem>>) semaphore(%arg26 : memref<!tpu.dma_semaphore, #tpu.memory_space<semaphore_mem>>)
    %dma_wait3A_29 = arith.constant 0 : i32
    %dma_wait3A_30 = tpu.memref_slice %arg21[%dma_wait3A_29] : memref<100352xf32, #tpu.memory_space<vmem_shared>> -> memref<100352xf32, #tpu.memory_space<vmem_shared>>
    tpu.wait_indirect_dma semaphore(%arg26 : memref<!tpu.dma_semaphore, #tpu.memory_space<semaphore_mem>>) src(%dma_wait3A_30 : memref<100352xf32, #tpu.memory_space<vmem_shared>>) dst(%arg14 : memref<9088xf32, #tpu.memory_space<vmem>>)
    %dma_start3A_31 = arith.constant 0 : i32
    %dma_start3A_32 = tpu.memref_slice %arg22[%dma_start3A_31] : memref<100352xf32, #tpu.memory_space<vmem_shared>> -> memref<100352xf32, #tpu.memory_space<vmem_shared>>
    tpu.enqueue_indirect_dma source(%arg14 : memref<9088xf32, #tpu.memory_space<vmem>>) target(%dma_start3A_32 : memref<100352xf32, #tpu.memory_space<vmem_shared>>) offsets(%arg12 : memref<9088xi32, #tpu.memory_space<vmem>>) semaphore(%arg27 : memref<!tpu.dma_semaphore, #tpu.memory_space<semaphore_mem>>) {add = true}
    %dma_start3A_33 = arith.constant 0 : i32
    %dma_start3A_34 = tpu.memref_slice %arg23[%dma_start3A_33] : memref<100352xf32, #tpu.memory_space<vmem_shared>> -> memref<100352xf32, #tpu.memory_space<vmem_shared>>
    tpu.enqueue_indirect_dma source(%arg16 : memref<9088xf32, #tpu.memory_space<vmem>>) target(%dma_start3A_34 : memref<100352xf32, #tpu.memory_space<vmem_shared>>) offsets(%arg12 : memref<9088xi32, #tpu.memory_space<vmem>>) semaphore(%arg28 : memref<!tpu.dma_semaphore, #tpu.memory_space<semaphore_mem>>) {add = true}
    %dma_wait3A_35 = arith.constant 0 : i32
    %dma_wait3A_36 = tpu.memref_slice %arg2[%dma_wait3A_35, %add3A_16] : memref<2x3200000xi32, #tpu.memory_space<hbm>> -> memref<2x9088xi32, #tpu.memory_space<hbm>>
    %dma_wait3A_37 = arith.constant 0 : i32
    %dma_wait3A_38 = tpu.memref_slice %arg2[%dma_wait3A_37, %add3A_16] : memref<2x3200000xi32, #tpu.memory_space<hbm>> -> memref<2x9088xi32, #tpu.memory_space<hbm>>
    tpu.wait_dma2 semaphore(%arg25 : memref<!tpu.dma_semaphore, #tpu.memory_space<semaphore_mem>>) src(%dma_wait3A_38 : memref<2x9088xi32, #tpu.memory_space<hbm>>) dst(%arg9 : memref<2x9088xi32, #tpu.memory_space<vmem>>)
    %mul3A_39 = arith.constant 99968 : i32
    %mul3A_40 = arith.muli %add3A, %mul3A_39 : i32
    %add3A_41 = arith.constant 18176 : i32
    %add3A_42 = arith.addi %mul3A_40, %add3A_41 : i32
    %dma_start3A_43 = arith.constant 0 : i32
    %dma_start3A_44 = tpu.memref_slice %arg2[%dma_start3A_43, %add3A_42] : memref<2x3200000xi32, #tpu.memory_space<hbm>> -> memref<2x9088xi32, #tpu.memory_space<hbm>>
    %dma_start3A_45 = arith.constant 0 : i32
    %dma_start3A_46 = tpu.memref_slice %arg2[%dma_start3A_45, %add3A_42] : memref<2x3200000xi32, #tpu.memory_space<hbm>> -> memref<2x9088xi32, #tpu.memory_space<hbm>>
    tpu.enqueue_dma source(%dma_start3A_46 : memref<2x9088xi32, #tpu.memory_space<hbm>>) target(%arg8 : memref<2x9088xi32, #tpu.memory_space<vmem>>) target_semaphore(%arg24 : memref<!tpu.dma_semaphore, #tpu.memory_space<semaphore_mem>>)
    %scan3A_47 = arith.constant 0 : i32
    %scan3A_48 = arith.constant 0 : i32
    %scan3A_49 = arith.constant 71 : i32
    %scan3A_50 = arith.addi %scan3A_48, %scan3A_49 : i32
    %scan3A_51 = arith.constant 1 : i32
    %scan3A_52 = scf.for %scan3A_347 = %scan3A_48 to %scan3A_50 step %scan3A_51 iter_args(%scan3A_348 = %scan3A_47) -> (i32)  : i32 {
      %mul3A_349 = arith.constant 128 : i32
      %mul3A_350 = arith.muli %scan3A_347, %mul3A_349 : i32
      %add3A_351 = arith.constant 0 : i32
      %add3A_352 = arith.addi %mul3A_350, %add3A_351 : i32
      %multiple_of3A = tpu.assume_multiple %add3A_352, 16 : i32
      %get3A = arith.constant 0 : i32
      %get3A_353 = arith.index_cast %get3A : i32 to index
      %get3A_354 = arith.index_cast %multiple_of3A : i32 to index
      %get3A_355 = tpu.vector_load %arg9[%get3A_353, %get3A_354] {strides = array<i32>} : memref<2x9088xi32, #tpu.memory_space<vmem>>, vector<1x16xi32>,
      %get3A_356 = vector.shape_cast %get3A_355 : vector<1x16xi32> to vector<16xi32>
      %swap3A = arith.index_cast %multiple_of3A : i32 to index
      %swap3A_357 = tpu.vector_load %arg11[%swap3A] {strides = array<i32>} : memref<9088xi32, #tpu.memory_space<vmem>>, vector<16xi32>,
      %swap3A_358 = vector.shape_cast %swap3A_357 : vector<16xi32> to vector<16xi32>
      %swap3A_359 = vector.shape_cast %get3A_356 : vector<16xi32> to vector<16xi32>
      tpu.vector_store %arg11[%swap3A], %swap3A_359 {strides = array<i32>} : memref<9088xi32, #tpu.memory_space<vmem>>, vector<16xi32>,
      %get3A_360 = arith.constant 1 : i32
      %get3A_361 = arith.index_cast %get3A_360 : i32 to index
      %get3A_362 = arith.index_cast %multiple_of3A : i32 to index
      %get3A_363 = tpu.vector_load %arg9[%get3A_361, %get3A_362] {strides = array<i32>} : memref<2x9088xi32, #tpu.memory_space<vmem>>, vector<1x16xi32>,
      %get3A_364 = vector.shape_cast %get3A_363 : vector<1x16xi32> to vector<16xi32>
      %swap3A_365 = arith.index_cast %multiple_of3A : i32 to index
      %swap3A_366 = tpu.vector_load %arg13[%swap3A_365] {strides = array<i32>} : memref<9088xi32, #tpu.memory_space<vmem>>, vector<16xi32>,
      %swap3A_367 = vector.shape_cast %swap3A_366 : vector<16xi32> to vector<16xi32>
      %swap3A_368 = vector.shape_cast %get3A_364 : vector<16xi32> to vector<16xi32>
      tpu.vector_store %arg13[%swap3A_365], %swap3A_368 {strides = array<i32>} : memref<9088xi32, #tpu.memory_space<vmem>>, vector<16xi32>,
      %mul3A_369 = arith.constant 128 : i32
      %mul3A_370 = arith.muli %scan3A_347, %mul3A_369 : i32
      %add3A_371 = arith.constant 16 : i32
      %add3A_372 = arith.addi %mul3A_370, %add3A_371 : i32
      %multiple_of3A_373 = tpu.assume_multiple %add3A_372, 16 : i32
      %get3A_374 = arith.constant 0 : i32
      %get3A_375 = arith.index_cast %get3A_374 : i32 to index
      %get3A_376 = arith.index_cast %multiple_of3A_373 : i32 to index
      %get3A_377 = tpu.vector_load %arg9[%get3A_375, %get3A_376] {strides = array<i32>} : memref<2x9088xi32, #tpu.memory_space<vmem>>, vector<1x16xi32>,
      %get3A_378 = vector.shape_cast %get3A_377 : vector<1x16xi32> to vector<16xi32>
      %swap3A_379 = arith.index_cast %multiple_of3A_373 : i32 to index
      %swap3A_380 = tpu.vector_load %arg11[%swap3A_379] {strides = array<i32>} : memref<9088xi32, #tpu.memory_space<vmem>>, vector<16xi32>,
      %swap3A_381 = vector.shape_cast %swap3A_380 : vector<16xi32> to vector<16xi32>
      %swap3A_382 = vector.shape_cast %get3A_378 : vector<16xi32> to vector<16xi32>
      tpu.vector_store %arg11[%swap3A_379], %swap3A_382 {strides = array<i32>} : memref<9088xi32, #tpu.memory_space<vmem>>, vector<16xi32>,
      %get3A_383 = arith.constant 1 : i32
      %get3A_384 = arith.index_cast %get3A_383 : i32 to index
      %get3A_385 = arith.index_cast %multiple_of3A_373 : i32 to index
      %get3A_386 = tpu.vector_load %arg9[%get3A_384, %get3A_385] {strides = array<i32>} : memref<2x9088xi32, #tpu.memory_space<vmem>>, vector<1x16xi32>,
      %get3A_387 = vector.shape_cast %get3A_386 : vector<1x16xi32> to vector<16xi32>
      %swap3A_388 = arith.index_cast %multiple_of3A_373 : i32 to index
      %swap3A_389 = tpu.vector_load %arg13[%swap3A_388] {strides = array<i32>} : memref<9088xi32, #tpu.memory_space<vmem>>, vector<16xi32>,
      %swap3A_390 = vector.shape_cast %swap3A_389 : vector<16xi32> to vector<16xi32>
      %swap3A_391 = vector.shape_cast %get3A_387 : vector<16xi32> to vector<16xi32>
      tpu.vector_store %arg13[%swap3A_388], %swap3A_391 {strides = array<i32>} : memref<9088xi32, #tpu.memory_space<vmem>>, vector<16xi32>,
      %mul3A_392 = arith.constant 128 : i32
      %mul3A_393 = arith.muli %scan3A_347, %mul3A_392 : i32
      %add3A_394 = arith.constant 32 : i32
      %add3A_395 = arith.addi %mul3A_393, %add3A_394 : i32
      %multiple_of3A_396 = tpu.assume_multiple %add3A_395, 16 : i32
      %get3A_397 = arith.constant 0 : i32
      %get3A_398 = arith.index_cast %get3A_397 : i32 to index
      %get3A_399 = arith.index_cast %multiple_of3A_396 : i32 to index
      %get3A_400 = tpu.vector_load %arg9[%get3A_398, %get3A_399] {strides = array<i32>} : memref<2x9088xi32, #tpu.memory_space<vmem>>, vector<1x16xi32>,
      %get3A_401 = vector.shape_cast %get3A_400 : vector<1x16xi32> to vector<16xi32>
      %swap3A_402 = arith.index_cast %multiple_of3A_396 : i32 to index
      %swap3A_403 = tpu.vector_load %arg11[%swap3A_402] {strides = array<i32>} : memref<9088xi32, #tpu.memory_space<vmem>>, vector<16xi32>,
      %swap3A_404 = vector.shape_cast %swap3A_403 : vector<16xi32> to vector<16xi32>
      %swap3A_405 = vector.shape_cast %get3A_401 : vector<16xi32> to vector<16xi32>
      tpu.vector_store %arg11[%swap3A_402], %swap3A_405 {strides = array<i32>} : memref<9088xi32, #tpu.memory_space<vmem>>, vector<16xi32>,
      %get3A_406 = arith.constant 1 : i32
      %get3A_407 = arith.index_cast %get3A_406 : i32 to index
      %get3A_408 = arith.index_cast %multiple_of3A_396 : i32 to index
      %get3A_409 = tpu.vector_load %arg9[%get3A_407, %get3A_408] {strides = array<i32>} : memref<2x9088xi32, #tpu.memory_space<vmem>>, vector<1x16xi32>,
      %get3A_410 = vector.shape_cast %get3A_409 : vector<1x16xi32> to vector<16xi32>
      %swap3A_411 = arith.index_cast %multiple_of3A_396 : i32 to index
      %swap3A_412 = tpu.vector_load %arg13[%swap3A_411] {strides = array<i32>} : memref<9088xi32, #tpu.memory_space<vmem>>, vector<16xi32>,
      %swap3A_413 = vector.shape_cast %swap3A_412 : vector<16xi32> to vector<16xi32>
      %swap3A_414 = vector.shape_cast %get3A_410 : vector<16xi32> to vector<16xi32>
      tpu.vector_store %arg13[%swap3A_411], %swap3A_414 {strides = array<i32>} : memref<9088xi32, #tpu.memory_space<vmem>>, vector<16xi32>,
      %mul3A_415 = arith.constant 128 : i32
      %mul3A_416 = arith.muli %scan3A_347, %mul3A_415 : i32
      %add3A_417 = arith.constant 48 : i32
      %add3A_418 = arith.addi %mul3A_416, %add3A_417 : i32
      %multiple_of3A_419 = tpu.assume_multiple %add3A_418, 16 : i32
      %get3A_420 = arith.constant 0 : i32
      %get3A_421 = arith.index_cast %get3A_420 : i32 to index
      %get3A_422 = arith.index_cast %multiple_of3A_419 : i32 to index
      %get3A_423 = tpu.vector_load %arg9[%get3A_421, %get3A_422] {strides = array<i32>} : memref<2x9088xi32, #tpu.memory_space<vmem>>, vector<1x16xi32>,
      %get3A_424 = vector.shape_cast %get3A_423 : vector<1x16xi32> to vector<16xi32>
      %swap3A_425 = arith.index_cast %multiple_of3A_419 : i32 to index
      %swap3A_426 = tpu.vector_load %arg11[%swap3A_425] {strides = array<i32>} : memref<9088xi32, #tpu.memory_space<vmem>>, vector<16xi32>,
      %swap3A_427 = vector.shape_cast %swap3A_426 : vector<16xi32> to vector<16xi32>
      %swap3A_428 = vector.shape_cast %get3A_424 : vector<16xi32> to vector<16xi32>
      tpu.vector_store %arg11[%swap3A_425], %swap3A_428 {strides = array<i32>} : memref<9088xi32, #tpu.memory_space<vmem>>, vector<16xi32>,
      %get3A_429 = arith.constant 1 : i32
      %get3A_430 = arith.index_cast %get3A_429 : i32 to index
      %get3A_431 = arith.index_cast %multiple_of3A_419 : i32 to index
      %get3A_432 = tpu.vector_load %arg9[%get3A_430, %get3A_431] {strides = array<i32>} : memref<2x9088xi32, #tpu.memory_space<vmem>>, vector<1x16xi32>,
      %get3A_433 = vector.shape_cast %get3A_432 : vector<1x16xi32> to vector<16xi32>
      %swap3A_434 = arith.index_cast %multiple_of3A_419 : i32 to index
      %swap3A_435 = tpu.vector_load %arg13[%swap3A_434] {strides = array<i32>} : memref<9088xi32, #tpu.memory_space<vmem>>, vector<16xi32>,
      %swap3A_436 = vector.shape_cast %swap3A_435 : vector<16xi32> to vector<16xi32>
      %swap3A_437 = vector.shape_cast %get3A_433 : vector<16xi32> to vector<16xi32>
      tpu.vector_store %arg13[%swap3A_434], %swap3A_437 {strides = array<i32>} : memref<9088xi32, #tpu.memory_space<vmem>>, vector<16xi32>,
      %mul3A_438 = arith.constant 128 : i32
      %mul3A_439 = arith.muli %scan3A_347, %mul3A_438 : i32
      %add3A_440 = arith.constant 64 : i32
      %add3A_441 = arith.addi %mul3A_439, %add3A_440 : i32
      %multiple_of3A_442 = tpu.assume_multiple %add3A_441, 16 : i32
      %get3A_443 = arith.constant 0 : i32
      %get3A_444 = arith.index_cast %get3A_443 : i32 to index
      %get3A_445 = arith.index_cast %multiple_of3A_442 : i32 to index
      %get3A_446 = tpu.vector_load %arg9[%get3A_444, %get3A_445] {strides = array<i32>} : memref<2x9088xi32, #tpu.memory_space<vmem>>, vector<1x16xi32>,
      %get3A_447 = vector.shape_cast %get3A_446 : vector<1x16xi32> to vector<16xi32>
      %swap3A_448 = arith.index_cast %multiple_of3A_442 : i32 to index
      %swap3A_449 = tpu.vector_load %arg11[%swap3A_448] {strides = array<i32>} : memref<9088xi32, #tpu.memory_space<vmem>>, vector<16xi32>,
      %swap3A_450 = vector.shape_cast %swap3A_449 : vector<16xi32> to vector<16xi32>
      %swap3A_451 = vector.shape_cast %get3A_447 : vector<16xi32> to vector<16xi32>
      tpu.vector_store %arg11[%swap3A_448], %swap3A_451 {strides = array<i32>} : memref<9088xi32, #tpu.memory_space<vmem>>, vector<16xi32>,
      %get3A_452 = arith.constant 1 : i32
      %get3A_453 = arith.index_cast %get3A_452 : i32 to index
      %get3A_454 = arith.index_cast %multiple_of3A_442 : i32 to index
      %get3A_455 = tpu.vector_load %arg9[%get3A_453, %get3A_454] {strides = array<i32>} : memref<2x9088xi32, #tpu.memory_space<vmem>>, vector<1x16xi32>,
      %get3A_456 = vector.shape_cast %get3A_455 : vector<1x16xi32> to vector<16xi32>
      %swap3A_457 = arith.index_cast %multiple_of3A_442 : i32 to index
      %swap3A_458 = tpu.vector_load %arg13[%swap3A_457] {strides = array<i32>} : memref<9088xi32, #tpu.memory_space<vmem>>, vector<16xi32>,
      %swap3A_459 = vector.shape_cast %swap3A_458 : vector<16xi32> to vector<16xi32>
      %swap3A_460 = vector.shape_cast %get3A_456 : vector<16xi32> to vector<16xi32>
      tpu.vector_store %arg13[%swap3A_457], %swap3A_460 {strides = array<i32>} : memref<9088xi32, #tpu.memory_space<vmem>>, vector<16xi32>,
      %mul3A_461 = arith.constant 128 : i32
      %mul3A_462 = arith.muli %scan3A_347, %mul3A_461 : i32
      %add3A_463 = arith.constant 80 : i32
      %add3A_464 = arith.addi %mul3A_462, %add3A_463 : i32
      %multiple_of3A_465 = tpu.assume_multiple %add3A_464, 16 : i32
      %get3A_466 = arith.constant 0 : i32
      %get3A_467 = arith.index_cast %get3A_466 : i32 to index
      %get3A_468 = arith.index_cast %multiple_of3A_465 : i32 to index
      %get3A_469 = tpu.vector_load %arg9[%get3A_467, %get3A_468] {strides = array<i32>} : memref<2x9088xi32, #tpu.memory_space<vmem>>, vector<1x16xi32>,
      %get3A_470 = vector.shape_cast %get3A_469 : vector<1x16xi32> to vector<16xi32>
      %swap3A_471 = arith.index_cast %multiple_of3A_465 : i32 to index
      %swap3A_472 = tpu.vector_load %arg11[%swap3A_471] {strides = array<i32>} : memref<9088xi32, #tpu.memory_space<vmem>>, vector<16xi32>,
      %swap3A_473 = vector.shape_cast %swap3A_472 : vector<16xi32> to vector<16xi32>
      %swap3A_474 = vector.shape_cast %get3A_470 : vector<16xi32> to vector<16xi32>
      tpu.vector_store %arg11[%swap3A_471], %swap3A_474 {strides = array<i32>} : memref<9088xi32, #tpu.memory_space<vmem>>, vector<16xi32>,
      %get3A_475 = arith.constant 1 : i32
      %get3A_476 = arith.index_cast %get3A_475 : i32 to index
      %get3A_477 = arith.index_cast %multiple_of3A_465 : i32 to index
      %get3A_478 = tpu.vector_load %arg9[%get3A_476, %get3A_477] {strides = array<i32>} : memref<2x9088xi32, #tpu.memory_space<vmem>>, vector<1x16xi32>,
      %get3A_479 = vector.shape_cast %get3A_478 : vector<1x16xi32> to vector<16xi32>
      %swap3A_480 = arith.index_cast %multiple_of3A_465 : i32 to index
      %swap3A_481 = tpu.vector_load %arg13[%swap3A_480] {strides = array<i32>} : memref<9088xi32, #tpu.memory_space<vmem>>, vector<16xi32>,
      %swap3A_482 = vector.shape_cast %swap3A_481 : vector<16xi32> to vector<16xi32>
      %swap3A_483 = vector.shape_cast %get3A_479 : vector<16xi32> to vector<16xi32>
      tpu.vector_store %arg13[%swap3A_480], %swap3A_483 {strides = array<i32>} : memref<9088xi32, #tpu.memory_space<vmem>>, vector<16xi32>,
      %mul3A_484 = arith.constant 128 : i32
      %mul3A_485 = arith.muli %scan3A_347, %mul3A_484 : i32
      %add3A_486 = arith.constant 96 : i32
      %add3A_487 = arith.addi %mul3A_485, %add3A_486 : i32
      %multiple_of3A_488 = tpu.assume_multiple %add3A_487, 16 : i32
      %get3A_489 = arith.constant 0 : i32
      %get3A_490 = arith.index_cast %get3A_489 : i32 to index
      %get3A_491 = arith.index_cast %multiple_of3A_488 : i32 to index
      %get3A_492 = tpu.vector_load %arg9[%get3A_490, %get3A_491] {strides = array<i32>} : memref<2x9088xi32, #tpu.memory_space<vmem>>, vector<1x16xi32>,
      %get3A_493 = vector.shape_cast %get3A_492 : vector<1x16xi32> to vector<16xi32>
      %swap3A_494 = arith.index_cast %multiple_of3A_488 : i32 to index
      %swap3A_495 = tpu.vector_load %arg11[%swap3A_494] {strides = array<i32>} : memref<9088xi32, #tpu.memory_space<vmem>>, vector<16xi32>,
      %swap3A_496 = vector.shape_cast %swap3A_495 : vector<16xi32> to vector<16xi32>
      %swap3A_497 = vector.shape_cast %get3A_493 : vector<16xi32> to vector<16xi32>
      tpu.vector_store %arg11[%swap3A_494], %swap3A_497 {strides = array<i32>} : memref<9088xi32, #tpu.memory_space<vmem>>, vector<16xi32>,
      %get3A_498 = arith.constant 1 : i32
      %get3A_499 = arith.index_cast %get3A_498 : i32 to index
      %get3A_500 = arith.index_cast %multiple_of3A_488 : i32 to index
      %get3A_501 = tpu.vector_load %arg9[%get3A_499, %get3A_500] {strides = array<i32>} : memref<2x9088xi32, #tpu.memory_space<vmem>>, vector<1x16xi32>,
      %get3A_502 = vector.shape_cast %get3A_501 : vector<1x16xi32> to vector<16xi32>
      %swap3A_503 = arith.index_cast %multiple_of3A_488 : i32 to index
      %swap3A_504 = tpu.vector_load %arg13[%swap3A_503] {strides = array<i32>} : memref<9088xi32, #tpu.memory_space<vmem>>, vector<16xi32>,
      %swap3A_505 = vector.shape_cast %swap3A_504 : vector<16xi32> to vector<16xi32>
      %swap3A_506 = vector.shape_cast %get3A_502 : vector<16xi32> to vector<16xi32>
      tpu.vector_store %arg13[%swap3A_503], %swap3A_506 {strides = array<i32>} : memref<9088xi32, #tpu.memory_space<vmem>>, vector<16xi32>,
      %mul3A_507 = arith.constant 128 : i32
      %mul3A_508 = arith.muli %scan3A_347, %mul3A_507 : i32
      %add3A_509 = arith.constant 112 : i32
      %add3A_510 = arith.addi %mul3A_508, %add3A_509 : i32
      %multiple_of3A_511 = tpu.assume_multiple %add3A_510, 16 : i32
      %get3A_512 = arith.constant 0 : i32
      %get3A_513 = arith.index_cast %get3A_512 : i32 to index
      %get3A_514 = arith.index_cast %multiple_of3A_511 : i32 to index
      %get3A_515 = tpu.vector_load %arg9[%get3A_513, %get3A_514] {strides = array<i32>} : memref<2x9088xi32, #tpu.memory_space<vmem>>, vector<1x16xi32>,
      %get3A_516 = vector.shape_cast %get3A_515 : vector<1x16xi32> to vector<16xi32>
      %swap3A_517 = arith.index_cast %multiple_of3A_511 : i32 to index
      %swap3A_518 = tpu.vector_load %arg11[%swap3A_517] {strides = array<i32>} : memref<9088xi32, #tpu.memory_space<vmem>>, vector<16xi32>,
      %swap3A_519 = vector.shape_cast %swap3A_518 : vector<16xi32> to vector<16xi32>
      %swap3A_520 = vector.shape_cast %get3A_516 : vector<16xi32> to vector<16xi32>
      tpu.vector_store %arg11[%swap3A_517], %swap3A_520 {strides = array<i32>} : memref<9088xi32, #tpu.memory_space<vmem>>, vector<16xi32>,
      %get3A_521 = arith.constant 1 : i32
      %get3A_522 = arith.index_cast %get3A_521 : i32 to index
      %get3A_523 = arith.index_cast %multiple_of3A_511 : i32 to index
      %get3A_524 = tpu.vector_load %arg9[%get3A_522, %get3A_523] {strides = array<i32>} : memref<2x9088xi32, #tpu.memory_space<vmem>>, vector<1x16xi32>,
      %get3A_525 = vector.shape_cast %get3A_524 : vector<1x16xi32> to vector<16xi32>
      %swap3A_526 = arith.index_cast %multiple_of3A_511 : i32 to index
      %swap3A_527 = tpu.vector_load %arg13[%swap3A_526] {strides = array<i32>} : memref<9088xi32, #tpu.memory_space<vmem>>, vector<16xi32>,
      %swap3A_528 = vector.shape_cast %swap3A_527 : vector<16xi32> to vector<16xi32>
      %swap3A_529 = vector.shape_cast %get3A_525 : vector<16xi32> to vector<16xi32>
      tpu.vector_store %arg13[%swap3A_526], %swap3A_529 {strides = array<i32>} : memref<9088xi32, #tpu.memory_space<vmem>>, vector<16xi32>,
      %scan3A_530 = arith.constant 0 : i32
      scf.yield %scan3A_530 : i32
    }
    %scan3A_53 = arith.constant 71 : i32
    %dma_start3A_54 = arith.constant 0 : i32
    %dma_start3A_55 = tpu.memref_slice %arg21[%dma_start3A_54] : memref<100352xf32, #tpu.memory_space<vmem_shared>> -> memref<100352xf32, #tpu.memory_space<vmem_shared>>
    tpu.enqueue_indirect_dma source(%dma_start3A_55 : memref<100352xf32, #tpu.memory_space<vmem_shared>>) target(%arg15 : memref<9088xf32, #tpu.memory_space<vmem>>) offsets(%arg11 : memref<9088xi32, #tpu.memory_space<vmem>>) semaphore(%arg26 : memref<!tpu.dma_semaphore, #tpu.memory_space<semaphore_mem>>)
    %dma_wait3A_56 = arith.constant 0 : i32
    %dma_wait3A_57 = tpu.memref_slice %arg21[%dma_wait3A_56] : memref<100352xf32, #tpu.memory_space<vmem_shared>> -> memref<100352xf32, #tpu.memory_space<vmem_shared>>
    tpu.wait_indirect_dma semaphore(%arg26 : memref<!tpu.dma_semaphore, #tpu.memory_space<semaphore_mem>>) src(%dma_wait3A_57 : memref<100352xf32, #tpu.memory_space<vmem_shared>>) dst(%arg15 : memref<9088xf32, #tpu.memory_space<vmem>>)
    %dma_start3A_58 = arith.constant 0 : i32
    %dma_start3A_59 = tpu.memref_slice %arg22[%dma_start3A_58] : memref<100352xf32, #tpu.memory_space<vmem_shared>> -> memref<100352xf32, #tpu.memory_space<vmem_shared>>
    tpu.enqueue_indirect_dma source(%arg15 : memref<9088xf32, #tpu.memory_space<vmem>>) target(%dma_start3A_59 : memref<100352xf32, #tpu.memory_space<vmem_shared>>) offsets(%arg13 : memref<9088xi32, #tpu.memory_space<vmem>>) semaphore(%arg27 : memref<!tpu.dma_semaphore, #tpu.memory_space<semaphore_mem>>) {add = true}
    %dma_start3A_60 = arith.constant 0 : i32
    %dma_start3A_61 = tpu.memref_slice %arg23[%dma_start3A_60] : memref<100352xf32, #tpu.memory_space<vmem_shared>> -> memref<100352xf32, #tpu.memory_space<vmem_shared>>
    tpu.enqueue_indirect_dma source(%arg16 : memref<9088xf32, #tpu.memory_space<vmem>>) target(%dma_start3A_61 : memref<100352xf32, #tpu.memory_space<vmem_shared>>) offsets(%arg13 : memref<9088xi32, #tpu.memory_space<vmem>>) semaphore(%arg28 : memref<!tpu.dma_semaphore, #tpu.memory_space<semaphore_mem>>) {add = true}
    %dma_wait3A_62 = arith.constant 0 : i32
    %dma_wait3A_63 = tpu.memref_slice %arg2[%dma_wait3A_62, %add3A_42] : memref<2x3200000xi32, #tpu.memory_space<hbm>> -> memref<2x9088xi32, #tpu.memory_space<hbm>>
    %dma_wait3A_64 = arith.constant 0 : i32
    %dma_wait3A_65 = tpu.memref_slice %arg2[%dma_wait3A_64, %add3A_42] : memref<2x3200000xi32, #tpu.memory_space<hbm>> -> memref<2x9088xi32, #tpu.memory_space<hbm>>
    tpu.wait_dma2 semaphore(%arg24 : memref<!tpu.dma_semaphore, #tpu.memory_space<semaphore_mem>>) src(%dma_wait3A_65 : memref<2x9088xi32, #tpu.memory_space<hbm>>) dst(%arg8 : memref<2x9088xi32, #tpu.memory_space<vmem>>)
    %mul3A_66 = arith.constant 99968 : i32
    %mul3A_67 = arith.muli %add3A, %mul3A_66 : i32
    %add3A_68 = arith.constant 27264 : i32
    %add3A_69 = arith.addi %mul3A_67, %add3A_68 : i32
    %dma_start3A_70 = arith.constant 0 : i32
    %dma_start3A_71 = tpu.memref_slice %arg2[%dma_start3A_70, %add3A_69] : memref<2x3200000xi32, #tpu.memory_space<hbm>> -> memref<2x9088xi32, #tpu.memory_space<hbm>>
    %dma_start3A_72 = arith.constant 0 : i32
    %dma_start3A_73 = tpu.memref_slice %arg2[%dma_start3A_72, %add3A_69] : memref<2x3200000xi32, #tpu.memory_space<hbm>> -> memref<2x9088xi32, #tpu.memory_space<hbm>>
    tpu.enqueue_dma source(%dma_start3A_73 : memref<2x9088xi32, #tpu.memory_space<hbm>>) target(%arg9 : memref<2x9088xi32, #tpu.memory_space<vmem>>) target_semaphore(%arg25 : memref<!tpu.dma_semaphore, #tpu.memory_space<semaphore_mem>>)
    %dma_wait3A_74 = arith.constant 0 : i32
    %dma_wait3A_75 = tpu.memref_slice %arg22[%dma_wait3A_74] : memref<100352xf32, #tpu.memory_space<vmem_shared>> -> memref<100352xf32, #tpu.memory_space<vmem_shared>>
    tpu.wait_indirect_dma semaphore(%arg27 : memref<!tpu.dma_semaphore, #tpu.memory_space<semaphore_mem>>) src(%arg14 : memref<9088xf32, #tpu.memory_space<vmem>>) dst(%dma_wait3A_75 : memref<100352xf32, #tpu.memory_space<vmem_shared>>)
    %dma_wait3A_76 = arith.constant 0 : i32
    %dma_wait3A_77 = tpu.memref_slice %arg23[%dma_wait3A_76] : memref<100352xf32, #tpu.memory_space<vmem_shared>> -> memref<100352xf32, #tpu.memory_space<vmem_shared>>
    tpu.wait_indirect_dma semaphore(%arg28 : memref<!tpu.dma_semaphore, #tpu.memory_space<semaphore_mem>>) src(%arg16 : memref<9088xf32, #tpu.memory_space<vmem>>) dst(%dma_wait3A_77 : memref<100352xf32, #tpu.memory_space<vmem_shared>>)
    %scan3A_78 = arith.constant 0 : i32
    %scan3A_79 = arith.constant 0 : i32
    %scan3A_80 = arith.constant 71 : i32
    %scan3A_81 = arith.addi %scan3A_79, %scan3A_80 : i32
    %scan3A_82 = arith.constant 1 : i32
    %scan3A_83 = scf.for %scan3A_347 = %scan3A_79 to %scan3A_81 step %scan3A_82 iter_args(%scan3A_348 = %scan3A_78) -> (i32)  : i32 {
      %mul3A_349 = arith.constant 128 : i32
      %mul3A_350 = arith.muli %scan3A_347, %mul3A_349 : i32
      %add3A_351 = arith.constant 0 : i32
      %add3A_352 = arith.addi %mul3A_350, %add3A_351 : i32
      %multiple_of3A = tpu.assume_multiple %add3A_352, 16 : i32
      %get3A = arith.constant 0 : i32
      %get3A_353 = arith.index_cast %get3A : i32 to index
      %get3A_354 = arith.index_cast %multiple_of3A : i32 to index
      %get3A_355 = tpu.vector_load %arg8[%get3A_353, %get3A_354] {strides = array<i32>} : memref<2x9088xi32, #tpu.memory_space<vmem>>, vector<1x16xi32>,
      %get3A_356 = vector.shape_cast %get3A_355 : vector<1x16xi32> to vector<16xi32>
      %swap3A = arith.index_cast %multiple_of3A : i32 to index
      %swap3A_357 = tpu.vector_load %arg10[%swap3A] {strides = array<i32>} : memref<9088xi32, #tpu.memory_space<vmem>>, vector<16xi32>,
      %swap3A_358 = vector.shape_cast %swap3A_357 : vector<16xi32> to vector<16xi32>
      %swap3A_359 = vector.shape_cast %get3A_356 : vector<16xi32> to vector<16xi32>
      tpu.vector_store %arg10[%swap3A], %swap3A_359 {strides = array<i32>} : memref<9088xi32, #tpu.memory_space<vmem>>, vector<16xi32>,
      %get3A_360 = arith.constant 1 : i32
      %get3A_361 = arith.index_cast %get3A_360 : i32 to index
      %get3A_362 = arith.index_cast %multiple_of3A : i32 to index
      %get3A_363 = tpu.vector_load %arg8[%get3A_361, %get3A_362] {strides = array<i32>} : memref<2x9088xi32, #tpu.memory_space<vmem>>, vector<1x16xi32>,
      %get3A_364 = vector.shape_cast %get3A_363 : vector<1x16xi32> to vector<16xi32>
      %swap3A_365 = arith.index_cast %multiple_of3A : i32 to index
      %swap3A_366 = tpu.vector_load %arg12[%swap3A_365] {strides = array<i32>} : memref<9088xi32, #tpu.memory_space<vmem>>, vector<16xi32>,
      %swap3A_367 = vector.shape_cast %swap3A_366 : vector<16xi32> to vector<16xi32>
      %swap3A_368 = vector.shape_cast %get3A_364 : vector<16xi32> to vector<16xi32>
      tpu.vector_store %arg12[%swap3A_365], %swap3A_368 {strides = array<i32>} : memref<9088xi32, #tpu.memory_space<vmem>>, vector<16xi32>,
      %mul3A_369 = arith.constant 128 : i32
      %mul3A_370 = arith.muli %scan3A_347, %mul3A_369 : i32
      %add3A_371 = arith.constant 16 : i32
      %add3A_372 = arith.addi %mul3A_370, %add3A_371 : i32
      %multiple_of3A_373 = tpu.assume_multiple %add3A_372, 16 : i32
      %get3A_374 = arith.constant 0 : i32
      %get3A_375 = arith.index_cast %get3A_374 : i32 to index
      %get3A_376 = arith.index_cast %multiple_of3A_373 : i32 to index
      %get3A_377 = tpu.vector_load %arg8[%get3A_375, %get3A_376] {strides = array<i32>} : memref<2x9088xi32, #tpu.memory_space<vmem>>, vector<1x16xi32>,
      %get3A_378 = vector.shape_cast %get3A_377 : vector<1x16xi32> to vector<16xi32>
      %swap3A_379 = arith.index_cast %multiple_of3A_373 : i32 to index
      %swap3A_380 = tpu.vector_load %arg10[%swap3A_379] {strides = array<i32>} : memref<9088xi32, #tpu.memory_space<vmem>>, vector<16xi32>,
      %swap3A_381 = vector.shape_cast %swap3A_380 : vector<16xi32> to vector<16xi32>
      %swap3A_382 = vector.shape_cast %get3A_378 : vector<16xi32> to vector<16xi32>
      tpu.vector_store %arg10[%swap3A_379], %swap3A_382 {strides = array<i32>} : memref<9088xi32, #tpu.memory_space<vmem>>, vector<16xi32>,
      %get3A_383 = arith.constant 1 : i32
      %get3A_384 = arith.index_cast %get3A_383 : i32 to index
      %get3A_385 = arith.index_cast %multiple_of3A_373 : i32 to index
      %get3A_386 = tpu.vector_load %arg8[%get3A_384, %get3A_385] {strides = array<i32>} : memref<2x9088xi32, #tpu.memory_space<vmem>>, vector<1x16xi32>,
      %get3A_387 = vector.shape_cast %get3A_386 : vector<1x16xi32> to vector<16xi32>
      %swap3A_388 = arith.index_cast %multiple_of3A_373 : i32 to index
      %swap3A_389 = tpu.vector_load %arg12[%swap3A_388] {strides = array<i32>} : memref<9088xi32, #tpu.memory_space<vmem>>, vector<16xi32>,
      %swap3A_390 = vector.shape_cast %swap3A_389 : vector<16xi32> to vector<16xi32>
      %swap3A_391 = vector.shape_cast %get3A_387 : vector<16xi32> to vector<16xi32>
      tpu.vector_store %arg12[%swap3A_388], %swap3A_391 {strides = array<i32>} : memref<9088xi32, #tpu.memory_space<vmem>>, vector<16xi32>,
      %mul3A_392 = arith.constant 128 : i32
      %mul3A_393 = arith.muli %scan3A_347, %mul3A_392 : i32
      %add3A_394 = arith.constant 32 : i32
      %add3A_395 = arith.addi %mul3A_393, %add3A_394 : i32
      %multiple_of3A_396 = tpu.assume_multiple %add3A_395, 16 : i32
      %get3A_397 = arith.constant 0 : i32
      %get3A_398 = arith.index_cast %get3A_397 : i32 to index
      %get3A_399 = arith.index_cast %multiple_of3A_396 : i32 to index
      %get3A_400 = tpu.vector_load %arg8[%get3A_398, %get3A_399] {strides = array<i32>} : memref<2x9088xi32, #tpu.memory_space<vmem>>, vector<1x16xi32>,
      %get3A_401 = vector.shape_cast %get3A_400 : vector<1x16xi32> to vector<16xi32>
      %swap3A_402 = arith.index_cast %multiple_of3A_396 : i32 to index
      %swap3A_403 = tpu.vector_load %arg10[%swap3A_402] {strides = array<i32>} : memref<9088xi32, #tpu.memory_space<vmem>>, vector<16xi32>,
      %swap3A_404 = vector.shape_cast %swap3A_403 : vector<16xi32> to vector<16xi32>
      %swap3A_405 = vector.shape_cast %get3A_401 : vector<16xi32> to vector<16xi32>
      tpu.vector_store %arg10[%swap3A_402], %swap3A_405 {strides = array<i32>} : memref<9088xi32, #tpu.memory_space<vmem>>, vector<16xi32>,
      %get3A_406 = arith.constant 1 : i32
      %get3A_407 = arith.index_cast %get3A_406 : i32 to index
      %get3A_408 = arith.index_cast %multiple_of3A_396 : i32 to index
      %get3A_409 = tpu.vector_load %arg8[%get3A_407, %get3A_408] {strides = array<i32>} : memref<2x9088xi32, #tpu.memory_space<vmem>>, vector<1x16xi32>,
      %get3A_410 = vector.shape_cast %get3A_409 : vector<1x16xi32> to vector<16xi32>
      %swap3A_411 = arith.index_cast %multiple_of3A_396 : i32 to index
      %swap3A_412 = tpu.vector_load %arg12[%swap3A_411] {strides = array<i32>} : memref<9088xi32, #tpu.memory_space<vmem>>, vector<16xi32>,
      %swap3A_413 = vector.shape_cast %swap3A_412 : vector<16xi32> to vector<16xi32>
      %swap3A_414 = vector.shape_cast %get3A_410 : vector<16xi32> to vector<16xi32>
      tpu.vector_store %arg12[%swap3A_411], %swap3A_414 {strides = array<i32>} : memref<9088xi32, #tpu.memory_space<vmem>>, vector<16xi32>,
      %mul3A_415 = arith.constant 128 : i32
      %mul3A_416 = arith.muli %scan3A_347, %mul3A_415 : i32
      %add3A_417 = arith.constant 48 : i32
      %add3A_418 = arith.addi %mul3A_416, %add3A_417 : i32
      %multiple_of3A_419 = tpu.assume_multiple %add3A_418, 16 : i32
      %get3A_420 = arith.constant 0 : i32
      %get3A_421 = arith.index_cast %get3A_420 : i32 to index
      %get3A_422 = arith.index_cast %multiple_of3A_419 : i32 to index
      %get3A_423 = tpu.vector_load %arg8[%get3A_421, %get3A_422] {strides = array<i32>} : memref<2x9088xi32, #tpu.memory_space<vmem>>, vector<1x16xi32>,
      %get3A_424 = vector.shape_cast %get3A_423 : vector<1x16xi32> to vector<16xi32>
      %swap3A_425 = arith.index_cast %multiple_of3A_419 : i32 to index
      %swap3A_426 = tpu.vector_load %arg10[%swap3A_425] {strides = array<i32>} : memref<9088xi32, #tpu.memory_space<vmem>>, vector<16xi32>,
      %swap3A_427 = vector.shape_cast %swap3A_426 : vector<16xi32> to vector<16xi32>
      %swap3A_428 = vector.shape_cast %get3A_424 : vector<16xi32> to vector<16xi32>
      tpu.vector_store %arg10[%swap3A_425], %swap3A_428 {strides = array<i32>} : memref<9088xi32, #tpu.memory_space<vmem>>, vector<16xi32>,
      %get3A_429 = arith.constant 1 : i32
      %get3A_430 = arith.index_cast %get3A_429 : i32 to index
      %get3A_431 = arith.index_cast %multiple_of3A_419 : i32 to index
      %get3A_432 = tpu.vector_load %arg8[%get3A_430, %get3A_431] {strides = array<i32>} : memref<2x9088xi32, #tpu.memory_space<vmem>>, vector<1x16xi32>,
      %get3A_433 = vector.shape_cast %get3A_432 : vector<1x16xi32> to vector<16xi32>
      %swap3A_434 = arith.index_cast %multiple_of3A_419 : i32 to index
      %swap3A_435 = tpu.vector_load %arg12[%swap3A_434] {strides = array<i32>} : memref<9088xi32, #tpu.memory_space<vmem>>, vector<16xi32>,
      %swap3A_436 = vector.shape_cast %swap3A_435 : vector<16xi32> to vector<16xi32>
      %swap3A_437 = vector.shape_cast %get3A_433 : vector<16xi32> to vector<16xi32>
      tpu.vector_store %arg12[%swap3A_434], %swap3A_437 {strides = array<i32>} : memref<9088xi32, #tpu.memory_space<vmem>>, vector<16xi32>,
      %mul3A_438 = arith.constant 128 : i32
      %mul3A_439 = arith.muli %scan3A_347, %mul3A_438 : i32
      %add3A_440 = arith.constant 64 : i32
      %add3A_441 = arith.addi %mul3A_439, %add3A_440 : i32
      %multiple_of3A_442 = tpu.assume_multiple %add3A_441, 16 : i32
      %get3A_443 = arith.constant 0 : i32
      %get3A_444 = arith.index_cast %get3A_443 : i32 to index
      %get3A_445 = arith.index_cast %multiple_of3A_442 : i32 to index
      %get3A_446 = tpu.vector_load %arg8[%get3A_444, %get3A_445] {strides = array<i32>} : memref<2x9088xi32, #tpu.memory_space<vmem>>, vector<1x16xi32>,
      %get3A_447 = vector.shape_cast %get3A_446 : vector<1x16xi32> to vector<16xi32>
      %swap3A_448 = arith.index_cast %multiple_of3A_442 : i32 to index
      %swap3A_449 = tpu.vector_load %arg10[%swap3A_448] {strides = array<i32>} : memref<9088xi32, #tpu.memory_space<vmem>>, vector<16xi32>,
      %swap3A_450 = vector.shape_cast %swap3A_449 : vector<16xi32> to vector<16xi32>
      %swap3A_451 = vector.shape_cast %get3A_447 : vector<16xi32> to vector<16xi32>
      tpu.vector_store %arg10[%swap3A_448], %swap3A_451 {strides = array<i32>} : memref<9088xi32, #tpu.memory_space<vmem>>, vector<16xi32>,
      %get3A_452 = arith.constant 1 : i32
      %get3A_453 = arith.index_cast %get3A_452 : i32 to index
      %get3A_454 = arith.index_cast %multiple_of3A_442 : i32 to index
      %get3A_455 = tpu.vector_load %arg8[%get3A_453, %get3A_454] {strides = array<i32>} : memref<2x9088xi32, #tpu.memory_space<vmem>>, vector<1x16xi32>,
      %get3A_456 = vector.shape_cast %get3A_455 : vector<1x16xi32> to vector<16xi32>
      %swap3A_457 = arith.index_cast %multiple_of3A_442 : i32 to index
      %swap3A_458 = tpu.vector_load %arg12[%swap3A_457] {strides = array<i32>} : memref<9088xi32, #tpu.memory_space<vmem>>, vector<16xi32>,
      %swap3A_459 = vector.shape_cast %swap3A_458 : vector<16xi32> to vector<16xi32>
      %swap3A_460 = vector.shape_cast %get3A_456 : vector<16xi32> to vector<16xi32>
      tpu.vector_store %arg12[%swap3A_457], %swap3A_460 {strides = array<i32>} : memref<9088xi32, #tpu.memory_space<vmem>>, vector<16xi32>,
      %mul3A_461 = arith.constant 128 : i32
      %mul3A_462 = arith.muli %scan3A_347, %mul3A_461 : i32
      %add3A_463 = arith.constant 80 : i32
      %add3A_464 = arith.addi %mul3A_462, %add3A_463 : i32
      %multiple_of3A_465 = tpu.assume_multiple %add3A_464, 16 : i32
      %get3A_466 = arith.constant 0 : i32
      %get3A_467 = arith.index_cast %get3A_466 : i32 to index
      %get3A_468 = arith.index_cast %multiple_of3A_465 : i32 to index
      %get3A_469 = tpu.vector_load %arg8[%get3A_467, %get3A_468] {strides = array<i32>} : memref<2x9088xi32, #tpu.memory_space<vmem>>, vector<1x16xi32>,
      %get3A_470 = vector.shape_cast %get3A_469 : vector<1x16xi32> to vector<16xi32>
      %swap3A_471 = arith.index_cast %multiple_of3A_465 : i32 to index
      %swap3A_472 = tpu.vector_load %arg10[%swap3A_471] {strides = array<i32>} : memref<9088xi32, #tpu.memory_space<vmem>>, vector<16xi32>,
      %swap3A_473 = vector.shape_cast %swap3A_472 : vector<16xi32> to vector<16xi32>
      %swap3A_474 = vector.shape_cast %get3A_470 : vector<16xi32> to vector<16xi32>
      tpu.vector_store %arg10[%swap3A_471], %swap3A_474 {strides = array<i32>} : memref<9088xi32, #tpu.memory_space<vmem>>, vector<16xi32>,
      %get3A_475 = arith.constant 1 : i32
      %get3A_476 = arith.index_cast %get3A_475 : i32 to index
      %get3A_477 = arith.index_cast %multiple_of3A_465 : i32 to index
      %get3A_478 = tpu.vector_load %arg8[%get3A_476, %get3A_477] {strides = array<i32>} : memref<2x9088xi32, #tpu.memory_space<vmem>>, vector<1x16xi32>,
      %get3A_479 = vector.shape_cast %get3A_478 : vector<1x16xi32> to vector<16xi32>
      %swap3A_480 = arith.index_cast %multiple_of3A_465 : i32 to index
      %swap3A_481 = tpu.vector_load %arg12[%swap3A_480] {strides = array<i32>} : memref<9088xi32, #tpu.memory_space<vmem>>, vector<16xi32>,
      %swap3A_482 = vector.shape_cast %swap3A_481 : vector<16xi32> to vector<16xi32>
      %swap3A_483 = vector.shape_cast %get3A_479 : vector<16xi32> to vector<16xi32>
      tpu.vector_store %arg12[%swap3A_480], %swap3A_483 {strides = array<i32>} : memref<9088xi32, #tpu.memory_space<vmem>>, vector<16xi32>,
      %mul3A_484 = arith.constant 128 : i32
      %mul3A_485 = arith.muli %scan3A_347, %mul3A_484 : i32
      %add3A_486 = arith.constant 96 : i32
      %add3A_487 = arith.addi %mul3A_485, %add3A_486 : i32
      %multiple_of3A_488 = tpu.assume_multiple %add3A_487, 16 : i32
      %get3A_489 = arith.constant 0 : i32
      %get3A_490 = arith.index_cast %get3A_489 : i32 to index
      %get3A_491 = arith.index_cast %multiple_of3A_488 : i32 to index
      %get3A_492 = tpu.vector_load %arg8[%get3A_490, %get3A_491] {strides = array<i32>} : memref<2x9088xi32, #tpu.memory_space<vmem>>, vector<1x16xi32>,
      %get3A_493 = vector.shape_cast %get3A_492 : vector<1x16xi32> to vector<16xi32>
      %swap3A_494 = arith.index_cast %multiple_of3A_488 : i32 to index
      %swap3A_495 = tpu.vector_load %arg10[%swap3A_494] {strides = array<i32>} : memref<9088xi32, #tpu.memory_space<vmem>>, vector<16xi32>,
      %swap3A_496 = vector.shape_cast %swap3A_495 : vector<16xi32> to vector<16xi32>
      %swap3A_497 = vector.shape_cast %get3A_493 : vector<16xi32> to vector<16xi32>
      tpu.vector_store %arg10[%swap3A_494], %swap3A_497 {strides = array<i32>} : memref<9088xi32, #tpu.memory_space<vmem>>, vector<16xi32>,
      %get3A_498 = arith.constant 1 : i32
      %get3A_499 = arith.index_cast %get3A_498 : i32 to index
      %get3A_500 = arith.index_cast %multiple_of3A_488 : i32 to index
      %get3A_501 = tpu.vector_load %arg8[%get3A_499, %get3A_500] {strides = array<i32>} : memref<2x9088xi32, #tpu.memory_space<vmem>>, vector<1x16xi32>,
      %get3A_502 = vector.shape_cast %get3A_501 : vector<1x16xi32> to vector<16xi32>
      %swap3A_503 = arith.index_cast %multiple_of3A_488 : i32 to index
      %swap3A_504 = tpu.vector_load %arg12[%swap3A_503] {strides = array<i32>} : memref<9088xi32, #tpu.memory_space<vmem>>, vector<16xi32>,
      %swap3A_505 = vector.shape_cast %swap3A_504 : vector<16xi32> to vector<16xi32>
      %swap3A_506 = vector.shape_cast %get3A_502 : vector<16xi32> to vector<16xi32>
      tpu.vector_store %arg12[%swap3A_503], %swap3A_506 {strides = array<i32>} : memref<9088xi32, #tpu.memory_space<vmem>>, vector<16xi32>,
      %mul3A_507 = arith.constant 128 : i32
      %mul3A_508 = arith.muli %scan3A_347, %mul3A_507 : i32
      %add3A_509 = arith.constant 112 : i32
      %add3A_510 = arith.addi %mul3A_508, %add3A_509 : i32
      %multiple_of3A_511 = tpu.assume_multiple %add3A_510, 16 : i32
      %get3A_512 = arith.constant 0 : i32
      %get3A_513 = arith.index_cast %get3A_512 : i32 to index
      %get3A_514 = arith.index_cast %multiple_of3A_511 : i32 to index
      %get3A_515 = tpu.vector_load %arg8[%get3A_513, %get3A_514] {strides = array<i32>} : memref<2x9088xi32, #tpu.memory_space<vmem>>, vector<1x16xi32>,
      %get3A_516 = vector.shape_cast %get3A_515 : vector<1x16xi32> to vector<16xi32>
      %swap3A_517 = arith.index_cast %multiple_of3A_511 : i32 to index
      %swap3A_518 = tpu.vector_load %arg10[%swap3A_517] {strides = array<i32>} : memref<9088xi32, #tpu.memory_space<vmem>>, vector<16xi32>,
      %swap3A_519 = vector.shape_cast %swap3A_518 : vector<16xi32> to vector<16xi32>
      %swap3A_520 = vector.shape_cast %get3A_516 : vector<16xi32> to vector<16xi32>
      tpu.vector_store %arg10[%swap3A_517], %swap3A_520 {strides = array<i32>} : memref<9088xi32, #tpu.memory_space<vmem>>, vector<16xi32>,
      %get3A_521 = arith.constant 1 : i32
      %get3A_522 = arith.index_cast %get3A_521 : i32 to index
      %get3A_523 = arith.index_cast %multiple_of3A_511 : i32 to index
      %get3A_524 = tpu.vector_load %arg8[%get3A_522, %get3A_523] {strides = array<i32>} : memref<2x9088xi32, #tpu.memory_space<vmem>>, vector<1x16xi32>,
      %get3A_525 = vector.shape_cast %get3A_524 : vector<1x16xi32> to vector<16xi32>
      %swap3A_526 = arith.index_cast %multiple_of3A_511 : i32 to index
      %swap3A_527 = tpu.vector_load %arg12[%swap3A_526] {strides = array<i32>} : memref<9088xi32, #tpu.memory_space<vmem>>, vector<16xi32>,
      %swap3A_528 = vector.shape_cast %swap3A_527 : vector<16xi32> to vector<16xi32>
      %swap3A_529 = vector.shape_cast %get3A_525 : vector<16xi32> to vector<16xi32>
      tpu.vector_store %arg12[%swap3A_526], %swap3A_529 {strides = array<i32>} : memref<9088xi32, #tpu.memory_space<vmem>>, vector<16xi32>,
      %scan3A_530 = arith.constant 0 : i32
      scf.yield %scan3A_530 : i32
    }
    %scan3A_84 = arith.constant 71 : i32
    %dma_start3A_85 = arith.constant 0 : i32
    %dma_start3A_86 = tpu.memref_slice %arg21[%dma_start3A_85] : memref<100352xf32, #tpu.memory_space<vmem_shared>> -> memref<100352xf32, #tpu.memory_space<vmem_shared>>
    tpu.enqueue_indirect_dma source(%dma_start3A_86 : memref<100352xf32, #tpu.memory_space<vmem_shared>>) target(%arg14 : memref<9088xf32, #tpu.memory_space<vmem>>) offsets(%arg10 : memref<9088xi32, #tpu.memory_space<vmem>>) semaphore(%arg26 : memref<!tpu.dma_semaphore, #tpu.memory_space<semaphore_mem>>)
    %dma_wait3A_87 = arith.constant 0 : i32
    %dma_wait3A_88 = tpu.memref_slice %arg21[%dma_wait3A_87] : memref<100352xf32, #tpu.memory_space<vmem_shared>> -> memref<100352xf32, #tpu.memory_space<vmem_shared>>
    tpu.wait_indirect_dma semaphore(%arg26 : memref<!tpu.dma_semaphore, #tpu.memory_space<semaphore_mem>>) src(%dma_wait3A_88 : memref<100352xf32, #tpu.memory_space<vmem_shared>>) dst(%arg14 : memref<9088xf32, #tpu.memory_space<vmem>>)
    %dma_start3A_89 = arith.constant 0 : i32
    %dma_start3A_90 = tpu.memref_slice %arg22[%dma_start3A_89] : memref<100352xf32, #tpu.memory_space<vmem_shared>> -> memref<100352xf32, #tpu.memory_space<vmem_shared>>
    tpu.enqueue_indirect_dma source(%arg14 : memref<9088xf32, #tpu.memory_space<vmem>>) target(%dma_start3A_90 : memref<100352xf32, #tpu.memory_space<vmem_shared>>) offsets(%arg12 : memref<9088xi32, #tpu.memory_space<vmem>>) semaphore(%arg27 : memref<!tpu.dma_semaphore, #tpu.memory_space<semaphore_mem>>) {add = true}
    %dma_start3A_91 = arith.constant 0 : i32
    %dma_start3A_92 = tpu.memref_slice %arg23[%dma_start3A_91] : memref<100352xf32, #tpu.memory_space<vmem_shared>> -> memref<100352xf32, #tpu.memory_space<vmem_shared>>
    tpu.enqueue_indirect_dma source(%arg16 : memref<9088xf32, #tpu.memory_space<vmem>>) target(%dma_start3A_92 : memref<100352xf32, #tpu.memory_space<vmem_shared>>) offsets(%arg12 : memref<9088xi32, #tpu.memory_space<vmem>>) semaphore(%arg28 : memref<!tpu.dma_semaphore, #tpu.memory_space<semaphore_mem>>) {add = true}
    %dma_wait3A_93 = arith.constant 0 : i32
    %dma_wait3A_94 = tpu.memref_slice %arg2[%dma_wait3A_93, %add3A_69] : memref<2x3200000xi32, #tpu.memory_space<hbm>> -> memref<2x9088xi32, #tpu.memory_space<hbm>>
    %dma_wait3A_95 = arith.constant 0 : i32
    %dma_wait3A_96 = tpu.memref_slice %arg2[%dma_wait3A_95, %add3A_69] : memref<2x3200000xi32, #tpu.memory_space<hbm>> -> memref<2x9088xi32, #tpu.memory_space<hbm>>
    tpu.wait_dma2 semaphore(%arg25 : memref<!tpu.dma_semaphore, #tpu.memory_space<semaphore_mem>>) src(%dma_wait3A_96 : memref<2x9088xi32, #tpu.memory_space<hbm>>) dst(%arg9 : memref<2x9088xi32, #tpu.memory_space<vmem>>)
    %mul3A_97 = arith.constant 99968 : i32
    %mul3A_98 = arith.muli %add3A, %mul3A_97 : i32
    %add3A_99 = arith.constant 36352 : i32
    %add3A_100 = arith.addi %mul3A_98, %add3A_99 : i32
    %dma_start3A_101 = arith.constant 0 : i32
    %dma_start3A_102 = tpu.memref_slice %arg2[%dma_start3A_101, %add3A_100] : memref<2x3200000xi32, #tpu.memory_space<hbm>> -> memref<2x9088xi32, #tpu.memory_space<hbm>>
    %dma_start3A_103 = arith.constant 0 : i32
    %dma_start3A_104 = tpu.memref_slice %arg2[%dma_start3A_103, %add3A_100] : memref<2x3200000xi32, #tpu.memory_space<hbm>> -> memref<2x9088xi32, #tpu.memory_space<hbm>>
    tpu.enqueue_dma source(%dma_start3A_104 : memref<2x9088xi32, #tpu.memory_space<hbm>>) target(%arg8 : memref<2x9088xi32, #tpu.memory_space<vmem>>) target_semaphore(%arg24 : memref<!tpu.dma_semaphore, #tpu.memory_space<semaphore_mem>>)
    %dma_wait3A_105 = arith.constant 0 : i32
    %dma_wait3A_106 = tpu.memref_slice %arg22[%dma_wait3A_105] : memref<100352xf32, #tpu.memory_space<vmem_shared>> -> memref<100352xf32, #tpu.memory_space<vmem_shared>>
    tpu.wait_indirect_dma semaphore(%arg27 : memref<!tpu.dma_semaphore, #tpu.memory_space<semaphore_mem>>) src(%arg15 : memref<9088xf32, #tpu.memory_space<vmem>>) dst(%dma_wait3A_106 : memref<100352xf32, #tpu.memory_space<vmem_shared>>)
    %dma_wait3A_107 = arith.constant 0 : i32
    %dma_wait3A_108 = tpu.memref_slice %arg23[%dma_wait3A_107] : memref<100352xf32, #tpu.memory_space<vmem_shared>> -> memref<100352xf32, #tpu.memory_space<vmem_shared>>
    tpu.wait_indirect_dma semaphore(%arg28 : memref<!tpu.dma_semaphore, #tpu.memory_space<semaphore_mem>>) src(%arg16 : memref<9088xf32, #tpu.memory_space<vmem>>) dst(%dma_wait3A_108 : memref<100352xf32, #tpu.memory_space<vmem_shared>>)
    %scan3A_109 = arith.constant 0 : i32
    %scan3A_110 = arith.constant 0 : i32
    %scan3A_111 = arith.constant 71 : i32
    %scan3A_112 = arith.addi %scan3A_110, %scan3A_111 : i32
    %scan3A_113 = arith.constant 1 : i32
    %scan3A_114 = scf.for %scan3A_347 = %scan3A_110 to %scan3A_112 step %scan3A_113 iter_args(%scan3A_348 = %scan3A_109) -> (i32)  : i32 {
      %mul3A_349 = arith.constant 128 : i32
      %mul3A_350 = arith.muli %scan3A_347, %mul3A_349 : i32
      %add3A_351 = arith.constant 0 : i32
      %add3A_352 = arith.addi %mul3A_350, %add3A_351 : i32
      %multiple_of3A = tpu.assume_multiple %add3A_352, 16 : i32
      %get3A = arith.constant 0 : i32
      %get3A_353 = arith.index_cast %get3A : i32 to index
      %get3A_354 = arith.index_cast %multiple_of3A : i32 to index
      %get3A_355 = tpu.vector_load %arg9[%get3A_353, %get3A_354] {strides = array<i32>} : memref<2x9088xi32, #tpu.memory_space<vmem>>, vector<1x16xi32>,
      %get3A_356 = vector.shape_cast %get3A_355 : vector<1x16xi32> to vector<16xi32>
      %swap3A = arith.index_cast %multiple_of3A : i32 to index
      %swap3A_357 = tpu.vector_load %arg11[%swap3A] {strides = array<i32>} : memref<9088xi32, #tpu.memory_space<vmem>>, vector<16xi32>,
      %swap3A_358 = vector.shape_cast %swap3A_357 : vector<16xi32> to vector<16xi32>
      %swap3A_359 = vector.shape_cast %get3A_356 : vector<16xi32> to vector<16xi32>
      tpu.vector_store %arg11[%swap3A], %swap3A_359 {strides = array<i32>} : memref<9088xi32, #tpu.memory_space<vmem>>, vector<16xi32>,
      %get3A_360 = arith.constant 1 : i32
      %get3A_361 = arith.index_cast %get3A_360 : i32 to index
      %get3A_362 = arith.index_cast %multiple_of3A : i32 to index
      %get3A_363 = tpu.vector_load %arg9[%get3A_361, %get3A_362] {strides = array<i32>} : memref<2x9088xi32, #tpu.memory_space<vmem>>, vector<1x16xi32>,
      %get3A_364 = vector.shape_cast %get3A_363 : vector<1x16xi32> to vector<16xi32>
      %swap3A_365 = arith.index_cast %multiple_of3A : i32 to index
      %swap3A_366 = tpu.vector_load %arg13[%swap3A_365] {strides = array<i32>} : memref<9088xi32, #tpu.memory_space<vmem>>, vector<16xi32>,
      %swap3A_367 = vector.shape_cast %swap3A_366 : vector<16xi32> to vector<16xi32>
      %swap3A_368 = vector.shape_cast %get3A_364 : vector<16xi32> to vector<16xi32>
      tpu.vector_store %arg13[%swap3A_365], %swap3A_368 {strides = array<i32>} : memref<9088xi32, #tpu.memory_space<vmem>>, vector<16xi32>,
      %mul3A_369 = arith.constant 128 : i32
      %mul3A_370 = arith.muli %scan3A_347, %mul3A_369 : i32
      %add3A_371 = arith.constant 16 : i32
      %add3A_372 = arith.addi %mul3A_370, %add3A_371 : i32
      %multiple_of3A_373 = tpu.assume_multiple %add3A_372, 16 : i32
      %get3A_374 = arith.constant 0 : i32
      %get3A_375 = arith.index_cast %get3A_374 : i32 to index
      %get3A_376 = arith.index_cast %multiple_of3A_373 : i32 to index
      %get3A_377 = tpu.vector_load %arg9[%get3A_375, %get3A_376] {strides = array<i32>} : memref<2x9088xi32, #tpu.memory_space<vmem>>, vector<1x16xi32>,
      %get3A_378 = vector.shape_cast %get3A_377 : vector<1x16xi32> to vector<16xi32>
      %swap3A_379 = arith.index_cast %multiple_of3A_373 : i32 to index
      %swap3A_380 = tpu.vector_load %arg11[%swap3A_379] {strides = array<i32>} : memref<9088xi32, #tpu.memory_space<vmem>>, vector<16xi32>,
      %swap3A_381 = vector.shape_cast %swap3A_380 : vector<16xi32> to vector<16xi32>
      %swap3A_382 = vector.shape_cast %get3A_378 : vector<16xi32> to vector<16xi32>
      tpu.vector_store %arg11[%swap3A_379], %swap3A_382 {strides = array<i32>} : memref<9088xi32, #tpu.memory_space<vmem>>, vector<16xi32>,
      %get3A_383 = arith.constant 1 : i32
      %get3A_384 = arith.index_cast %get3A_383 : i32 to index
      %get3A_385 = arith.index_cast %multiple_of3A_373 : i32 to index
      %get3A_386 = tpu.vector_load %arg9[%get3A_384, %get3A_385] {strides = array<i32>} : memref<2x9088xi32, #tpu.memory_space<vmem>>, vector<1x16xi32>,
      %get3A_387 = vector.shape_cast %get3A_386 : vector<1x16xi32> to vector<16xi32>
      %swap3A_388 = arith.index_cast %multiple_of3A_373 : i32 to index
      %swap3A_389 = tpu.vector_load %arg13[%swap3A_388] {strides = array<i32>} : memref<9088xi32, #tpu.memory_space<vmem>>, vector<16xi32>,
      %swap3A_390 = vector.shape_cast %swap3A_389 : vector<16xi32> to vector<16xi32>
      %swap3A_391 = vector.shape_cast %get3A_387 : vector<16xi32> to vector<16xi32>
      tpu.vector_store %arg13[%swap3A_388], %swap3A_391 {strides = array<i32>} : memref<9088xi32, #tpu.memory_space<vmem>>, vector<16xi32>,
      %mul3A_392 = arith.constant 128 : i32
      %mul3A_393 = arith.muli %scan3A_347, %mul3A_392 : i32
      %add3A_394 = arith.constant 32 : i32
      %add3A_395 = arith.addi %mul3A_393, %add3A_394 : i32
      %multiple_of3A_396 = tpu.assume_multiple %add3A_395, 16 : i32
      %get3A_397 = arith.constant 0 : i32
      %get3A_398 = arith.index_cast %get3A_397 : i32 to index
      %get3A_399 = arith.index_cast %multiple_of3A_396 : i32 to index
      %get3A_400 = tpu.vector_load %arg9[%get3A_398, %get3A_399] {strides = array<i32>} : memref<2x9088xi32, #tpu.memory_space<vmem>>, vector<1x16xi32>,
      %get3A_401 = vector.shape_cast %get3A_400 : vector<1x16xi32> to vector<16xi32>
      %swap3A_402 = arith.index_cast %multiple_of3A_396 : i32 to index
      %swap3A_403 = tpu.vector_load %arg11[%swap3A_402] {strides = array<i32>} : memref<9088xi32, #tpu.memory_space<vmem>>, vector<16xi32>,
      %swap3A_404 = vector.shape_cast %swap3A_403 : vector<16xi32> to vector<16xi32>
      %swap3A_405 = vector.shape_cast %get3A_401 : vector<16xi32> to vector<16xi32>
      tpu.vector_store %arg11[%swap3A_402], %swap3A_405 {strides = array<i32>} : memref<9088xi32, #tpu.memory_space<vmem>>, vector<16xi32>,
      %get3A_406 = arith.constant 1 : i32
      %get3A_407 = arith.index_cast %get3A_406 : i32 to index
      %get3A_408 = arith.index_cast %multiple_of3A_396 : i32 to index
      %get3A_409 = tpu.vector_load %arg9[%get3A_407, %get3A_408] {strides = array<i32>} : memref<2x9088xi32, #tpu.memory_space<vmem>>, vector<1x16xi32>,
      %get3A_410 = vector.shape_cast %get3A_409 : vector<1x16xi32> to vector<16xi32>
      %swap3A_411 = arith.index_cast %multiple_of3A_396 : i32 to index
      %swap3A_412 = tpu.vector_load %arg13[%swap3A_411] {strides = array<i32>} : memref<9088xi32, #tpu.memory_space<vmem>>, vector<16xi32>,
      %swap3A_413 = vector.shape_cast %swap3A_412 : vector<16xi32> to vector<16xi32>
      %swap3A_414 = vector.shape_cast %get3A_410 : vector<16xi32> to vector<16xi32>
      tpu.vector_store %arg13[%swap3A_411], %swap3A_414 {strides = array<i32>} : memref<9088xi32, #tpu.memory_space<vmem>>, vector<16xi32>,
      %mul3A_415 = arith.constant 128 : i32
      %mul3A_416 = arith.muli %scan3A_347, %mul3A_415 : i32
      %add3A_417 = arith.constant 48 : i32
      %add3A_418 = arith.addi %mul3A_416, %add3A_417 : i32
      %multiple_of3A_419 = tpu.assume_multiple %add3A_418, 16 : i32
      %get3A_420 = arith.constant 0 : i32
      %get3A_421 = arith.index_cast %get3A_420 : i32 to index
      %get3A_422 = arith.index_cast %multiple_of3A_419 : i32 to index
      %get3A_423 = tpu.vector_load %arg9[%get3A_421, %get3A_422] {strides = array<i32>} : memref<2x9088xi32, #tpu.memory_space<vmem>>, vector<1x16xi32>,
      %get3A_424 = vector.shape_cast %get3A_423 : vector<1x16xi32> to vector<16xi32>
      %swap3A_425 = arith.index_cast %multiple_of3A_419 : i32 to index
      %swap3A_426 = tpu.vector_load %arg11[%swap3A_425] {strides = array<i32>} : memref<9088xi32, #tpu.memory_space<vmem>>, vector<16xi32>,
      %swap3A_427 = vector.shape_cast %swap3A_426 : vector<16xi32> to vector<16xi32>
      %swap3A_428 = vector.shape_cast %get3A_424 : vector<16xi32> to vector<16xi32>
      tpu.vector_store %arg11[%swap3A_425], %swap3A_428 {strides = array<i32>} : memref<9088xi32, #tpu.memory_space<vmem>>, vector<16xi32>,
      %get3A_429 = arith.constant 1 : i32
      %get3A_430 = arith.index_cast %get3A_429 : i32 to index
      %get3A_431 = arith.index_cast %multiple_of3A_419 : i32 to index
      %get3A_432 = tpu.vector_load %arg9[%get3A_430, %get3A_431] {strides = array<i32>} : memref<2x9088xi32, #tpu.memory_space<vmem>>, vector<1x16xi32>,
      %get3A_433 = vector.shape_cast %get3A_432 : vector<1x16xi32> to vector<16xi32>
      %swap3A_434 = arith.index_cast %multiple_of3A_419 : i32 to index
      %swap3A_435 = tpu.vector_load %arg13[%swap3A_434] {strides = array<i32>} : memref<9088xi32, #tpu.memory_space<vmem>>, vector<16xi32>,
      %swap3A_436 = vector.shape_cast %swap3A_435 : vector<16xi32> to vector<16xi32>
      %swap3A_437 = vector.shape_cast %get3A_433 : vector<16xi32> to vector<16xi32>
      tpu.vector_store %arg13[%swap3A_434], %swap3A_437 {strides = array<i32>} : memref<9088xi32, #tpu.memory_space<vmem>>, vector<16xi32>,
      %mul3A_438 = arith.constant 128 : i32
      %mul3A_439 = arith.muli %scan3A_347, %mul3A_438 : i32
      %add3A_440 = arith.constant 64 : i32
      %add3A_441 = arith.addi %mul3A_439, %add3A_440 : i32
      %multiple_of3A_442 = tpu.assume_multiple %add3A_441, 16 : i32
      %get3A_443 = arith.constant 0 : i32
      %get3A_444 = arith.index_cast %get3A_443 : i32 to index
      %get3A_445 = arith.index_cast %multiple_of3A_442 : i32 to index
      %get3A_446 = tpu.vector_load %arg9[%get3A_444, %get3A_445] {strides = array<i32>} : memref<2x9088xi32, #tpu.memory_space<vmem>>, vector<1x16xi32>,
      %get3A_447 = vector.shape_cast %get3A_446 : vector<1x16xi32> to vector<16xi32>
      %swap3A_448 = arith.index_cast %multiple_of3A_442 : i32 to index
      %swap3A_449 = tpu.vector_load %arg11[%swap3A_448] {strides = array<i32>} : memref<9088xi32, #tpu.memory_space<vmem>>, vector<16xi32>,
      %swap3A_450 = vector.shape_cast %swap3A_449 : vector<16xi32> to vector<16xi32>
      %swap3A_451 = vector.shape_cast %get3A_447 : vector<16xi32> to vector<16xi32>
      tpu.vector_store %arg11[%swap3A_448], %swap3A_451 {strides = array<i32>} : memref<9088xi32, #tpu.memory_space<vmem>>, vector<16xi32>,
      %get3A_452 = arith.constant 1 : i32
      %get3A_453 = arith.index_cast %get3A_452 : i32 to index
      %get3A_454 = arith.index_cast %multiple_of3A_442 : i32 to index
      %get3A_455 = tpu.vector_load %arg9[%get3A_453, %get3A_454] {strides = array<i32>} : memref<2x9088xi32, #tpu.memory_space<vmem>>, vector<1x16xi32>,
      %get3A_456 = vector.shape_cast %get3A_455 : vector<1x16xi32> to vector<16xi32>
      %swap3A_457 = arith.index_cast %multiple_of3A_442 : i32 to index
      %swap3A_458 = tpu.vector_load %arg13[%swap3A_457] {strides = array<i32>} : memref<9088xi32, #tpu.memory_space<vmem>>, vector<16xi32>,
      %swap3A_459 = vector.shape_cast %swap3A_458 : vector<16xi32> to vector<16xi32>
      %swap3A_460 = vector.shape_cast %get3A_456 : vector<16xi32> to vector<16xi32>
      tpu.vector_store %arg13[%swap3A_457], %swap3A_460 {strides = array<i32>} : memref<9088xi32, #tpu.memory_space<vmem>>, vector<16xi32>,
      %mul3A_461 = arith.constant 128 : i32
      %mul3A_462 = arith.muli %scan3A_347, %mul3A_461 : i32
      %add3A_463 = arith.constant 80 : i32
      %add3A_464 = arith.addi %mul3A_462, %add3A_463 : i32
      %multiple_of3A_465 = tpu.assume_multiple %add3A_464, 16 : i32
      %get3A_466 = arith.constant 0 : i32
      %get3A_467 = arith.index_cast %get3A_466 : i32 to index
      %get3A_468 = arith.index_cast %multiple_of3A_465 : i32 to index
      %get3A_469 = tpu.vector_load %arg9[%get3A_467, %get3A_468] {strides = array<i32>} : memref<2x9088xi32, #tpu.memory_space<vmem>>, vector<1x16xi32>,
      %get3A_470 = vector.shape_cast %get3A_469 : vector<1x16xi32> to vector<16xi32>
      %swap3A_471 = arith.index_cast %multiple_of3A_465 : i32 to index
      %swap3A_472 = tpu.vector_load %arg11[%swap3A_471] {strides = array<i32>} : memref<9088xi32, #tpu.memory_space<vmem>>, vector<16xi32>,
      %swap3A_473 = vector.shape_cast %swap3A_472 : vector<16xi32> to vector<16xi32>
      %swap3A_474 = vector.shape_cast %get3A_470 : vector<16xi32> to vector<16xi32>
      tpu.vector_store %arg11[%swap3A_471], %swap3A_474 {strides = array<i32>} : memref<9088xi32, #tpu.memory_space<vmem>>, vector<16xi32>,
      %get3A_475 = arith.constant 1 : i32
      %get3A_476 = arith.index_cast %get3A_475 : i32 to index
      %get3A_477 = arith.index_cast %multiple_of3A_465 : i32 to index
      %get3A_478 = tpu.vector_load %arg9[%get3A_476, %get3A_477] {strides = array<i32>} : memref<2x9088xi32, #tpu.memory_space<vmem>>, vector<1x16xi32>,
      %get3A_479 = vector.shape_cast %get3A_478 : vector<1x16xi32> to vector<16xi32>
      %swap3A_480 = arith.index_cast %multiple_of3A_465 : i32 to index
      %swap3A_481 = tpu.vector_load %arg13[%swap3A_480] {strides = array<i32>} : memref<9088xi32, #tpu.memory_space<vmem>>, vector<16xi32>,
      %swap3A_482 = vector.shape_cast %swap3A_481 : vector<16xi32> to vector<16xi32>
      %swap3A_483 = vector.shape_cast %get3A_479 : vector<16xi32> to vector<16xi32>
      tpu.vector_store %arg13[%swap3A_480], %swap3A_483 {strides = array<i32>} : memref<9088xi32, #tpu.memory_space<vmem>>, vector<16xi32>,
      %mul3A_484 = arith.constant 128 : i32
      %mul3A_485 = arith.muli %scan3A_347, %mul3A_484 : i32
      %add3A_486 = arith.constant 96 : i32
      %add3A_487 = arith.addi %mul3A_485, %add3A_486 : i32
      %multiple_of3A_488 = tpu.assume_multiple %add3A_487, 16 : i32
      %get3A_489 = arith.constant 0 : i32
      %get3A_490 = arith.index_cast %get3A_489 : i32 to index
      %get3A_491 = arith.index_cast %multiple_of3A_488 : i32 to index
      %get3A_492 = tpu.vector_load %arg9[%get3A_490, %get3A_491] {strides = array<i32>} : memref<2x9088xi32, #tpu.memory_space<vmem>>, vector<1x16xi32>,
      %get3A_493 = vector.shape_cast %get3A_492 : vector<1x16xi32> to vector<16xi32>
      %swap3A_494 = arith.index_cast %multiple_of3A_488 : i32 to index
      %swap3A_495 = tpu.vector_load %arg11[%swap3A_494] {strides = array<i32>} : memref<9088xi32, #tpu.memory_space<vmem>>, vector<16xi32>,
      %swap3A_496 = vector.shape_cast %swap3A_495 : vector<16xi32> to vector<16xi32>
      %swap3A_497 = vector.shape_cast %get3A_493 : vector<16xi32> to vector<16xi32>
      tpu.vector_store %arg11[%swap3A_494], %swap3A_497 {strides = array<i32>} : memref<9088xi32, #tpu.memory_space<vmem>>, vector<16xi32>,
      %get3A_498 = arith.constant 1 : i32
      %get3A_499 = arith.index_cast %get3A_498 : i32 to index
      %get3A_500 = arith.index_cast %multiple_of3A_488 : i32 to index
      %get3A_501 = tpu.vector_load %arg9[%get3A_499, %get3A_500] {strides = array<i32>} : memref<2x9088xi32, #tpu.memory_space<vmem>>, vector<1x16xi32>,
      %get3A_502 = vector.shape_cast %get3A_501 : vector<1x16xi32> to vector<16xi32>
      %swap3A_503 = arith.index_cast %multiple_of3A_488 : i32 to index
      %swap3A_504 = tpu.vector_load %arg13[%swap3A_503] {strides = array<i32>} : memref<9088xi32, #tpu.memory_space<vmem>>, vector<16xi32>,
      %swap3A_505 = vector.shape_cast %swap3A_504 : vector<16xi32> to vector<16xi32>
      %swap3A_506 = vector.shape_cast %get3A_502 : vector<16xi32> to vector<16xi32>
      tpu.vector_store %arg13[%swap3A_503], %swap3A_506 {strides = array<i32>} : memref<9088xi32, #tpu.memory_space<vmem>>, vector<16xi32>,
      %mul3A_507 = arith.constant 128 : i32
      %mul3A_508 = arith.muli %scan3A_347, %mul3A_507 : i32
      %add3A_509 = arith.constant 112 : i32
      %add3A_510 = arith.addi %mul3A_508, %add3A_509 : i32
      %multiple_of3A_511 = tpu.assume_multiple %add3A_510, 16 : i32
      %get3A_512 = arith.constant 0 : i32
      %get3A_513 = arith.index_cast %get3A_512 : i32 to index
      %get3A_514 = arith.index_cast %multiple_of3A_511 : i32 to index
      %get3A_515 = tpu.vector_load %arg9[%get3A_513, %get3A_514] {strides = array<i32>} : memref<2x9088xi32, #tpu.memory_space<vmem>>, vector<1x16xi32>,
      %get3A_516 = vector.shape_cast %get3A_515 : vector<1x16xi32> to vector<16xi32>
      %swap3A_517 = arith.index_cast %multiple_of3A_511 : i32 to index
      %swap3A_518 = tpu.vector_load %arg11[%swap3A_517] {strides = array<i32>} : memref<9088xi32, #tpu.memory_space<vmem>>, vector<16xi32>,
      %swap3A_519 = vector.shape_cast %swap3A_518 : vector<16xi32> to vector<16xi32>
      %swap3A_520 = vector.shape_cast %get3A_516 : vector<16xi32> to vector<16xi32>
      tpu.vector_store %arg11[%swap3A_517], %swap3A_520 {strides = array<i32>} : memref<9088xi32, #tpu.memory_space<vmem>>, vector<16xi32>,
      %get3A_521 = arith.constant 1 : i32
      %get3A_522 = arith.index_cast %get3A_521 : i32 to index
      %get3A_523 = arith.index_cast %multiple_of3A_511 : i32 to index
      %get3A_524 = tpu.vector_load %arg9[%get3A_522, %get3A_523] {strides = array<i32>} : memref<2x9088xi32, #tpu.memory_space<vmem>>, vector<1x16xi32>,
      %get3A_525 = vector.shape_cast %get3A_524 : vector<1x16xi32> to vector<16xi32>
      %swap3A_526 = arith.index_cast %multiple_of3A_511 : i32 to index
      %swap3A_527 = tpu.vector_load %arg13[%swap3A_526] {strides = array<i32>} : memref<9088xi32, #tpu.memory_space<vmem>>, vector<16xi32>,
      %swap3A_528 = vector.shape_cast %swap3A_527 : vector<16xi32> to vector<16xi32>
      %swap3A_529 = vector.shape_cast %get3A_525 : vector<16xi32> to vector<16xi32>
      tpu.vector_store %arg13[%swap3A_526], %swap3A_529 {strides = array<i32>} : memref<9088xi32, #tpu.memory_space<vmem>>, vector<16xi32>,
      %scan3A_530 = arith.constant 0 : i32
      scf.yield %scan3A_530 : i32
    }
    %scan3A_115 = arith.constant 71 : i32
    %dma_start3A_116 = arith.constant 0 : i32
    %dma_start3A_117 = tpu.memref_slice %arg21[%dma_start3A_116] : memref<100352xf32, #tpu.memory_space<vmem_shared>> -> memref<100352xf32, #tpu.memory_space<vmem_shared>>
    tpu.enqueue_indirect_dma source(%dma_start3A_117 : memref<100352xf32, #tpu.memory_space<vmem_shared>>) target(%arg15 : memref<9088xf32, #tpu.memory_space<vmem>>) offsets(%arg11 : memref<9088xi32, #tpu.memory_space<vmem>>) semaphore(%arg26 : memref<!tpu.dma_semaphore, #tpu.memory_space<semaphore_mem>>)
    %dma_wait3A_118 = arith.constant 0 : i32
    %dma_wait3A_119 = tpu.memref_slice %arg21[%dma_wait3A_118] : memref<100352xf32, #tpu.memory_space<vmem_shared>> -> memref<100352xf32, #tpu.memory_space<vmem_shared>>
    tpu.wait_indirect_dma semaphore(%arg26 : memref<!tpu.dma_semaphore, #tpu.memory_space<semaphore_mem>>) src(%dma_wait3A_119 : memref<100352xf32, #tpu.memory_space<vmem_shared>>) dst(%arg15 : memref<9088xf32, #tpu.memory_space<vmem>>)
    %dma_start3A_120 = arith.constant 0 : i32
    %dma_start3A_121 = tpu.memref_slice %arg22[%dma_start3A_120] : memref<100352xf32, #tpu.memory_space<vmem_shared>> -> memref<100352xf32, #tpu.memory_space<vmem_shared>>
    tpu.enqueue_indirect_dma source(%arg15 : memref<9088xf32, #tpu.memory_space<vmem>>) target(%dma_start3A_121 : memref<100352xf32, #tpu.memory_space<vmem_shared>>) offsets(%arg13 : memref<9088xi32, #tpu.memory_space<vmem>>) semaphore(%arg27 : memref<!tpu.dma_semaphore, #tpu.memory_space<semaphore_mem>>) {add = true}
    %dma_start3A_122 = arith.constant 0 : i32
    %dma_start3A_123 = tpu.memref_slice %arg23[%dma_start3A_122] : memref<100352xf32, #tpu.memory_space<vmem_shared>> -> memref<100352xf32, #tpu.memory_space<vmem_shared>>
    tpu.enqueue_indirect_dma source(%arg16 : memref<9088xf32, #tpu.memory_space<vmem>>) target(%dma_start3A_123 : memref<100352xf32, #tpu.memory_space<vmem_shared>>) offsets(%arg13 : memref<9088xi32, #tpu.memory_space<vmem>>) semaphore(%arg28 : memref<!tpu.dma_semaphore, #tpu.memory_space<semaphore_mem>>) {add = true}
    %dma_wait3A_124 = arith.constant 0 : i32
    %dma_wait3A_125 = tpu.memref_slice %arg2[%dma_wait3A_124, %add3A_100] : memref<2x3200000xi32, #tpu.memory_space<hbm>> -> memref<2x9088xi32, #tpu.memory_space<hbm>>
    %dma_wait3A_126 = arith.constant 0 : i32
    %dma_wait3A_127 = tpu.memref_slice %arg2[%dma_wait3A_126, %add3A_100] : memref<2x3200000xi32, #tpu.memory_space<hbm>> -> memref<2x9088xi32, #tpu.memory_space<hbm>>
    tpu.wait_dma2 semaphore(%arg24 : memref<!tpu.dma_semaphore, #tpu.memory_space<semaphore_mem>>) src(%dma_wait3A_127 : memref<2x9088xi32, #tpu.memory_space<hbm>>) dst(%arg8 : memref<2x9088xi32, #tpu.memory_space<vmem>>)
    %mul3A_128 = arith.constant 99968 : i32
    %mul3A_129 = arith.muli %add3A, %mul3A_128 : i32
    %add3A_130 = arith.constant 45440 : i32
    %add3A_131 = arith.addi %mul3A_129, %add3A_130 : i32
    %dma_start3A_132 = arith.constant 0 : i32
    %dma_start3A_133 = tpu.memref_slice %arg2[%dma_start3A_132, %add3A_131] : memref<2x3200000xi32, #tpu.memory_space<hbm>> -> memref<2x9088xi32, #tpu.memory_space<hbm>>
    %dma_start3A_134 = arith.constant 0 : i32
    %dma_start3A_135 = tpu.memref_slice %arg2[%dma_start3A_134, %add3A_131] : memref<2x3200000xi32, #tpu.memory_space<hbm>> -> memref<2x9088xi32, #tpu.memory_space<hbm>>
    tpu.enqueue_dma source(%dma_start3A_135 : memref<2x9088xi32, #tpu.memory_space<hbm>>) target(%arg9 : memref<2x9088xi32, #tpu.memory_space<vmem>>) target_semaphore(%arg25 : memref<!tpu.dma_semaphore, #tpu.memory_space<semaphore_mem>>)
    %dma_wait3A_136 = arith.constant 0 : i32
    %dma_wait3A_137 = tpu.memref_slice %arg22[%dma_wait3A_136] : memref<100352xf32, #tpu.memory_space<vmem_shared>> -> memref<100352xf32, #tpu.memory_space<vmem_shared>>
    tpu.wait_indirect_dma semaphore(%arg27 : memref<!tpu.dma_semaphore, #tpu.memory_space<semaphore_mem>>) src(%arg14 : memref<9088xf32, #tpu.memory_space<vmem>>) dst(%dma_wait3A_137 : memref<100352xf32, #tpu.memory_space<vmem_shared>>)
    %dma_wait3A_138 = arith.constant 0 : i32
    %dma_wait3A_139 = tpu.memref_slice %arg23[%dma_wait3A_138] : memref<100352xf32, #tpu.memory_space<vmem_shared>> -> memref<100352xf32, #tpu.memory_space<vmem_shared>>
    tpu.wait_indirect_dma semaphore(%arg28 : memref<!tpu.dma_semaphore, #tpu.memory_space<semaphore_mem>>) src(%arg16 : memref<9088xf32, #tpu.memory_space<vmem>>) dst(%dma_wait3A_139 : memref<100352xf32, #tpu.memory_space<vmem_shared>>)
    %scan3A_140 = arith.constant 0 : i32
    %scan3A_141 = arith.constant 0 : i32
    %scan3A_142 = arith.constant 71 : i32
    %scan3A_143 = arith.addi %scan3A_141, %scan3A_142 : i32
    %scan3A_144 = arith.constant 1 : i32
    %scan3A_145 = scf.for %scan3A_347 = %scan3A_141 to %scan3A_143 step %scan3A_144 iter_args(%scan3A_348 = %scan3A_140) -> (i32)  : i32 {
      %mul3A_349 = arith.constant 128 : i32
      %mul3A_350 = arith.muli %scan3A_347, %mul3A_349 : i32
      %add3A_351 = arith.constant 0 : i32
      %add3A_352 = arith.addi %mul3A_350, %add3A_351 : i32
      %multiple_of3A = tpu.assume_multiple %add3A_352, 16 : i32
      %get3A = arith.constant 0 : i32
      %get3A_353 = arith.index_cast %get3A : i32 to index
      %get3A_354 = arith.index_cast %multiple_of3A : i32 to index
      %get3A_355 = tpu.vector_load %arg8[%get3A_353, %get3A_354] {strides = array<i32>} : memref<2x9088xi32, #tpu.memory_space<vmem>>, vector<1x16xi32>,
      %get3A_356 = vector.shape_cast %get3A_355 : vector<1x16xi32> to vector<16xi32>
      %swap3A = arith.index_cast %multiple_of3A : i32 to index
      %swap3A_357 = tpu.vector_load %arg10[%swap3A] {strides = array<i32>} : memref<9088xi32, #tpu.memory_space<vmem>>, vector<16xi32>,
      %swap3A_358 = vector.shape_cast %swap3A_357 : vector<16xi32> to vector<16xi32>
      %swap3A_359 = vector.shape_cast %get3A_356 : vector<16xi32> to vector<16xi32>
      tpu.vector_store %arg10[%swap3A], %swap3A_359 {strides = array<i32>} : memref<9088xi32, #tpu.memory_space<vmem>>, vector<16xi32>,
      %get3A_360 = arith.constant 1 : i32
      %get3A_361 = arith.index_cast %get3A_360 : i32 to index
      %get3A_362 = arith.index_cast %multiple_of3A : i32 to index
      %get3A_363 = tpu.vector_load %arg8[%get3A_361, %get3A_362] {strides = array<i32>} : memref<2x9088xi32, #tpu.memory_space<vmem>>, vector<1x16xi32>,
      %get3A_364 = vector.shape_cast %get3A_363 : vector<1x16xi32> to vector<16xi32>
      %swap3A_365 = arith.index_cast %multiple_of3A : i32 to index
      %swap3A_366 = tpu.vector_load %arg12[%swap3A_365] {strides = array<i32>} : memref<9088xi32, #tpu.memory_space<vmem>>, vector<16xi32>,
      %swap3A_367 = vector.shape_cast %swap3A_366 : vector<16xi32> to vector<16xi32>
      %swap3A_368 = vector.shape_cast %get3A_364 : vector<16xi32> to vector<16xi32>
      tpu.vector_store %arg12[%swap3A_365], %swap3A_368 {strides = array<i32>} : memref<9088xi32, #tpu.memory_space<vmem>>, vector<16xi32>,
      %mul3A_369 = arith.constant 128 : i32
      %mul3A_370 = arith.muli %scan3A_347, %mul3A_369 : i32
      %add3A_371 = arith.constant 16 : i32
      %add3A_372 = arith.addi %mul3A_370, %add3A_371 : i32
      %multiple_of3A_373 = tpu.assume_multiple %add3A_372, 16 : i32
      %get3A_374 = arith.constant 0 : i32
      %get3A_375 = arith.index_cast %get3A_374 : i32 to index
      %get3A_376 = arith.index_cast %multiple_of3A_373 : i32 to index
      %get3A_377 = tpu.vector_load %arg8[%get3A_375, %get3A_376] {strides = array<i32>} : memref<2x9088xi32, #tpu.memory_space<vmem>>, vector<1x16xi32>,
      %get3A_378 = vector.shape_cast %get3A_377 : vector<1x16xi32> to vector<16xi32>
      %swap3A_379 = arith.index_cast %multiple_of3A_373 : i32 to index
      %swap3A_380 = tpu.vector_load %arg10[%swap3A_379] {strides = array<i32>} : memref<9088xi32, #tpu.memory_space<vmem>>, vector<16xi32>,
      %swap3A_381 = vector.shape_cast %swap3A_380 : vector<16xi32> to vector<16xi32>
      %swap3A_382 = vector.shape_cast %get3A_378 : vector<16xi32> to vector<16xi32>
      tpu.vector_store %arg10[%swap3A_379], %swap3A_382 {strides = array<i32>} : memref<9088xi32, #tpu.memory_space<vmem>>, vector<16xi32>,
      %get3A_383 = arith.constant 1 : i32
      %get3A_384 = arith.index_cast %get3A_383 : i32 to index
      %get3A_385 = arith.index_cast %multiple_of3A_373 : i32 to index
      %get3A_386 = tpu.vector_load %arg8[%get3A_384, %get3A_385] {strides = array<i32>} : memref<2x9088xi32, #tpu.memory_space<vmem>>, vector<1x16xi32>,
      %get3A_387 = vector.shape_cast %get3A_386 : vector<1x16xi32> to vector<16xi32>
      %swap3A_388 = arith.index_cast %multiple_of3A_373 : i32 to index
      %swap3A_389 = tpu.vector_load %arg12[%swap3A_388] {strides = array<i32>} : memref<9088xi32, #tpu.memory_space<vmem>>, vector<16xi32>,
      %swap3A_390 = vector.shape_cast %swap3A_389 : vector<16xi32> to vector<16xi32>
      %swap3A_391 = vector.shape_cast %get3A_387 : vector<16xi32> to vector<16xi32>
      tpu.vector_store %arg12[%swap3A_388], %swap3A_391 {strides = array<i32>} : memref<9088xi32, #tpu.memory_space<vmem>>, vector<16xi32>,
      %mul3A_392 = arith.constant 128 : i32
      %mul3A_393 = arith.muli %scan3A_347, %mul3A_392 : i32
      %add3A_394 = arith.constant 32 : i32
      %add3A_395 = arith.addi %mul3A_393, %add3A_394 : i32
      %multiple_of3A_396 = tpu.assume_multiple %add3A_395, 16 : i32
      %get3A_397 = arith.constant 0 : i32
      %get3A_398 = arith.index_cast %get3A_397 : i32 to index
      %get3A_399 = arith.index_cast %multiple_of3A_396 : i32 to index
      %get3A_400 = tpu.vector_load %arg8[%get3A_398, %get3A_399] {strides = array<i32>} : memref<2x9088xi32, #tpu.memory_space<vmem>>, vector<1x16xi32>,
      %get3A_401 = vector.shape_cast %get3A_400 : vector<1x16xi32> to vector<16xi32>
      %swap3A_402 = arith.index_cast %multiple_of3A_396 : i32 to index
      %swap3A_403 = tpu.vector_load %arg10[%swap3A_402] {strides = array<i32>} : memref<9088xi32, #tpu.memory_space<vmem>>, vector<16xi32>,
      %swap3A_404 = vector.shape_cast %swap3A_403 : vector<16xi32> to vector<16xi32>
      %swap3A_405 = vector.shape_cast %get3A_401 : vector<16xi32> to vector<16xi32>
      tpu.vector_store %arg10[%swap3A_402], %swap3A_405 {strides = array<i32>} : memref<9088xi32, #tpu.memory_space<vmem>>, vector<16xi32>,
      %get3A_406 = arith.constant 1 : i32
      %get3A_407 = arith.index_cast %get3A_406 : i32 to index
      %get3A_408 = arith.index_cast %multiple_of3A_396 : i32 to index
      %get3A_409 = tpu.vector_load %arg8[%get3A_407, %get3A_408] {strides = array<i32>} : memref<2x9088xi32, #tpu.memory_space<vmem>>, vector<1x16xi32>,
      %get3A_410 = vector.shape_cast %get3A_409 : vector<1x16xi32> to vector<16xi32>
      %swap3A_411 = arith.index_cast %multiple_of3A_396 : i32 to index
      %swap3A_412 = tpu.vector_load %arg12[%swap3A_411] {strides = array<i32>} : memref<9088xi32, #tpu.memory_space<vmem>>, vector<16xi32>,
      %swap3A_413 = vector.shape_cast %swap3A_412 : vector<16xi32> to vector<16xi32>
      %swap3A_414 = vector.shape_cast %get3A_410 : vector<16xi32> to vector<16xi32>
      tpu.vector_store %arg12[%swap3A_411], %swap3A_414 {strides = array<i32>} : memref<9088xi32, #tpu.memory_space<vmem>>, vector<16xi32>,
      %mul3A_415 = arith.constant 128 : i32
      %mul3A_416 = arith.muli %scan3A_347, %mul3A_415 : i32
      %add3A_417 = arith.constant 48 : i32
      %add3A_418 = arith.addi %mul3A_416, %add3A_417 : i32
      %multiple_of3A_419 = tpu.assume_multiple %add3A_418, 16 : i32
      %get3A_420 = arith.constant 0 : i32
      %get3A_421 = arith.index_cast %get3A_420 : i32 to index
      %get3A_422 = arith.index_cast %multiple_of3A_419 : i32 to index
      %get3A_423 = tpu.vector_load %arg8[%get3A_421, %get3A_422] {strides = array<i32>} : memref<2x9088xi32, #tpu.memory_space<vmem>>, vector<1x16xi32>,
      %get3A_424 = vector.shape_cast %get3A_423 : vector<1x16xi32> to vector<16xi32>
      %swap3A_425 = arith.index_cast %multiple_of3A_419 : i32 to index
      %swap3A_426 = tpu.vector_load %arg10[%swap3A_425] {strides = array<i32>} : memref<9088xi32, #tpu.memory_space<vmem>>, vector<16xi32>,
      %swap3A_427 = vector.shape_cast %swap3A_426 : vector<16xi32> to vector<16xi32>
      %swap3A_428 = vector.shape_cast %get3A_424 : vector<16xi32> to vector<16xi32>
      tpu.vector_store %arg10[%swap3A_425], %swap3A_428 {strides = array<i32>} : memref<9088xi32, #tpu.memory_space<vmem>>, vector<16xi32>,
      %get3A_429 = arith.constant 1 : i32
      %get3A_430 = arith.index_cast %get3A_429 : i32 to index
      %get3A_431 = arith.index_cast %multiple_of3A_419 : i32 to index
      %get3A_432 = tpu.vector_load %arg8[%get3A_430, %get3A_431] {strides = array<i32>} : memref<2x9088xi32, #tpu.memory_space<vmem>>, vector<1x16xi32>,
      %get3A_433 = vector.shape_cast %get3A_432 : vector<1x16xi32> to vector<16xi32>
      %swap3A_434 = arith.index_cast %multiple_of3A_419 : i32 to index
      %swap3A_435 = tpu.vector_load %arg12[%swap3A_434] {strides = array<i32>} : memref<9088xi32, #tpu.memory_space<vmem>>, vector<16xi32>,
      %swap3A_436 = vector.shape_cast %swap3A_435 : vector<16xi32> to vector<16xi32>
      %swap3A_437 = vector.shape_cast %get3A_433 : vector<16xi32> to vector<16xi32>
      tpu.vector_store %arg12[%swap3A_434], %swap3A_437 {strides = array<i32>} : memref<9088xi32, #tpu.memory_space<vmem>>, vector<16xi32>,
      %mul3A_438 = arith.constant 128 : i32
      %mul3A_439 = arith.muli %scan3A_347, %mul3A_438 : i32
      %add3A_440 = arith.constant 64 : i32
      %add3A_441 = arith.addi %mul3A_439, %add3A_440 : i32
      %multiple_of3A_442 = tpu.assume_multiple %add3A_441, 16 : i32
      %get3A_443 = arith.constant 0 : i32
      %get3A_444 = arith.index_cast %get3A_443 : i32 to index
      %get3A_445 = arith.index_cast %multiple_of3A_442 : i32 to index
      %get3A_446 = tpu.vector_load %arg8[%get3A_444, %get3A_445] {strides = array<i32>} : memref<2x9088xi32, #tpu.memory_space<vmem>>, vector<1x16xi32>,
      %get3A_447 = vector.shape_cast %get3A_446 : vector<1x16xi32> to vector<16xi32>
      %swap3A_448 = arith.index_cast %multiple_of3A_442 : i32 to index
      %swap3A_449 = tpu.vector_load %arg10[%swap3A_448] {strides = array<i32>} : memref<9088xi32, #tpu.memory_space<vmem>>, vector<16xi32>,
      %swap3A_450 = vector.shape_cast %swap3A_449 : vector<16xi32> to vector<16xi32>
      %swap3A_451 = vector.shape_cast %get3A_447 : vector<16xi32> to vector<16xi32>
      tpu.vector_store %arg10[%swap3A_448], %swap3A_451 {strides = array<i32>} : memref<9088xi32, #tpu.memory_space<vmem>>, vector<16xi32>,
      %get3A_452 = arith.constant 1 : i32
      %get3A_453 = arith.index_cast %get3A_452 : i32 to index
      %get3A_454 = arith.index_cast %multiple_of3A_442 : i32 to index
      %get3A_455 = tpu.vector_load %arg8[%get3A_453, %get3A_454] {strides = array<i32>} : memref<2x9088xi32, #tpu.memory_space<vmem>>, vector<1x16xi32>,
      %get3A_456 = vector.shape_cast %get3A_455 : vector<1x16xi32> to vector<16xi32>
      %swap3A_457 = arith.index_cast %multiple_of3A_442 : i32 to index
      %swap3A_458 = tpu.vector_load %arg12[%swap3A_457] {strides = array<i32>} : memref<9088xi32, #tpu.memory_space<vmem>>, vector<16xi32>,
      %swap3A_459 = vector.shape_cast %swap3A_458 : vector<16xi32> to vector<16xi32>
      %swap3A_460 = vector.shape_cast %get3A_456 : vector<16xi32> to vector<16xi32>
      tpu.vector_store %arg12[%swap3A_457], %swap3A_460 {strides = array<i32>} : memref<9088xi32, #tpu.memory_space<vmem>>, vector<16xi32>,
      %mul3A_461 = arith.constant 128 : i32
      %mul3A_462 = arith.muli %scan3A_347, %mul3A_461 : i32
      %add3A_463 = arith.constant 80 : i32
      %add3A_464 = arith.addi %mul3A_462, %add3A_463 : i32
      %multiple_of3A_465 = tpu.assume_multiple %add3A_464, 16 : i32
      %get3A_466 = arith.constant 0 : i32
      %get3A_467 = arith.index_cast %get3A_466 : i32 to index
      %get3A_468 = arith.index_cast %multiple_of3A_465 : i32 to index
      %get3A_469 = tpu.vector_load %arg8[%get3A_467, %get3A_468] {strides = array<i32>} : memref<2x9088xi32, #tpu.memory_space<vmem>>, vector<1x16xi32>,
      %get3A_470 = vector.shape_cast %get3A_469 : vector<1x16xi32> to vector<16xi32>
      %swap3A_471 = arith.index_cast %multiple_of3A_465 : i32 to index
      %swap3A_472 = tpu.vector_load %arg10[%swap3A_471] {strides = array<i32>} : memref<9088xi32, #tpu.memory_space<vmem>>, vector<16xi32>,
      %swap3A_473 = vector.shape_cast %swap3A_472 : vector<16xi32> to vector<16xi32>
      %swap3A_474 = vector.shape_cast %get3A_470 : vector<16xi32> to vector<16xi32>
      tpu.vector_store %arg10[%swap3A_471], %swap3A_474 {strides = array<i32>} : memref<9088xi32, #tpu.memory_space<vmem>>, vector<16xi32>,
      %get3A_475 = arith.constant 1 : i32
      %get3A_476 = arith.index_cast %get3A_475 : i32 to index
      %get3A_477 = arith.index_cast %multiple_of3A_465 : i32 to index
      %get3A_478 = tpu.vector_load %arg8[%get3A_476, %get3A_477] {strides = array<i32>} : memref<2x9088xi32, #tpu.memory_space<vmem>>, vector<1x16xi32>,
      %get3A_479 = vector.shape_cast %get3A_478 : vector<1x16xi32> to vector<16xi32>
      %swap3A_480 = arith.index_cast %multiple_of3A_465 : i32 to index
      %swap3A_481 = tpu.vector_load %arg12[%swap3A_480] {strides = array<i32>} : memref<9088xi32, #tpu.memory_space<vmem>>, vector<16xi32>,
      %swap3A_482 = vector.shape_cast %swap3A_481 : vector<16xi32> to vector<16xi32>
      %swap3A_483 = vector.shape_cast %get3A_479 : vector<16xi32> to vector<16xi32>
      tpu.vector_store %arg12[%swap3A_480], %swap3A_483 {strides = array<i32>} : memref<9088xi32, #tpu.memory_space<vmem>>, vector<16xi32>,
      %mul3A_484 = arith.constant 128 : i32
      %mul3A_485 = arith.muli %scan3A_347, %mul3A_484 : i32
      %add3A_486 = arith.constant 96 : i32
      %add3A_487 = arith.addi %mul3A_485, %add3A_486 : i32
      %multiple_of3A_488 = tpu.assume_multiple %add3A_487, 16 : i32
      %get3A_489 = arith.constant 0 : i32
      %get3A_490 = arith.index_cast %get3A_489 : i32 to index
      %get3A_491 = arith.index_cast %multiple_of3A_488 : i32 to index
      %get3A_492 = tpu.vector_load %arg8[%get3A_490, %get3A_491] {strides = array<i32>} : memref<2x9088xi32, #tpu.memory_space<vmem>>, vector<1x16xi32>,
      %get3A_493 = vector.shape_cast %get3A_492 : vector<1x16xi32> to vector<16xi32>
      %swap3A_494 = arith.index_cast %multiple_of3A_488 : i32 to index
      %swap3A_495 = tpu.vector_load %arg10[%swap3A_494] {strides = array<i32>} : memref<9088xi32, #tpu.memory_space<vmem>>, vector<16xi32>,
      %swap3A_496 = vector.shape_cast %swap3A_495 : vector<16xi32> to vector<16xi32>
      %swap3A_497 = vector.shape_cast %get3A_493 : vector<16xi32> to vector<16xi32>
      tpu.vector_store %arg10[%swap3A_494], %swap3A_497 {strides = array<i32>} : memref<9088xi32, #tpu.memory_space<vmem>>, vector<16xi32>,
      %get3A_498 = arith.constant 1 : i32
      %get3A_499 = arith.index_cast %get3A_498 : i32 to index
      %get3A_500 = arith.index_cast %multiple_of3A_488 : i32 to index
      %get3A_501 = tpu.vector_load %arg8[%get3A_499, %get3A_500] {strides = array<i32>} : memref<2x9088xi32, #tpu.memory_space<vmem>>, vector<1x16xi32>,
      %get3A_502 = vector.shape_cast %get3A_501 : vector<1x16xi32> to vector<16xi32>
      %swap3A_503 = arith.index_cast %multiple_of3A_488 : i32 to index
      %swap3A_504 = tpu.vector_load %arg12[%swap3A_503] {strides = array<i32>} : memref<9088xi32, #tpu.memory_space<vmem>>, vector<16xi32>,
      %swap3A_505 = vector.shape_cast %swap3A_504 : vector<16xi32> to vector<16xi32>
      %swap3A_506 = vector.shape_cast %get3A_502 : vector<16xi32> to vector<16xi32>
      tpu.vector_store %arg12[%swap3A_503], %swap3A_506 {strides = array<i32>} : memref<9088xi32, #tpu.memory_space<vmem>>, vector<16xi32>,
      %mul3A_507 = arith.constant 128 : i32
      %mul3A_508 = arith.muli %scan3A_347, %mul3A_507 : i32
      %add3A_509 = arith.constant 112 : i32
      %add3A_510 = arith.addi %mul3A_508, %add3A_509 : i32
      %multiple_of3A_511 = tpu.assume_multiple %add3A_510, 16 : i32
      %get3A_512 = arith.constant 0 : i32
      %get3A_513 = arith.index_cast %get3A_512 : i32 to index
      %get3A_514 = arith.index_cast %multiple_of3A_511 : i32 to index
      %get3A_515 = tpu.vector_load %arg8[%get3A_513, %get3A_514] {strides = array<i32>} : memref<2x9088xi32, #tpu.memory_space<vmem>>, vector<1x16xi32>,
      %get3A_516 = vector.shape_cast %get3A_515 : vector<1x16xi32> to vector<16xi32>
      %swap3A_517 = arith.index_cast %multiple_of3A_511 : i32 to index
      %swap3A_518 = tpu.vector_load %arg10[%swap3A_517] {strides = array<i32>} : memref<9088xi32, #tpu.memory_space<vmem>>, vector<16xi32>,
      %swap3A_519 = vector.shape_cast %swap3A_518 : vector<16xi32> to vector<16xi32>
      %swap3A_520 = vector.shape_cast %get3A_516 : vector<16xi32> to vector<16xi32>
      tpu.vector_store %arg10[%swap3A_517], %swap3A_520 {strides = array<i32>} : memref<9088xi32, #tpu.memory_space<vmem>>, vector<16xi32>,
      %get3A_521 = arith.constant 1 : i32
      %get3A_522 = arith.index_cast %get3A_521 : i32 to index
      %get3A_523 = arith.index_cast %multiple_of3A_511 : i32 to index
      %get3A_524 = tpu.vector_load %arg8[%get3A_522, %get3A_523] {strides = array<i32>} : memref<2x9088xi32, #tpu.memory_space<vmem>>, vector<1x16xi32>,
      %get3A_525 = vector.shape_cast %get3A_524 : vector<1x16xi32> to vector<16xi32>
      %swap3A_526 = arith.index_cast %multiple_of3A_511 : i32 to index
      %swap3A_527 = tpu.vector_load %arg12[%swap3A_526] {strides = array<i32>} : memref<9088xi32, #tpu.memory_space<vmem>>, vector<16xi32>,
      %swap3A_528 = vector.shape_cast %swap3A_527 : vector<16xi32> to vector<16xi32>
      %swap3A_529 = vector.shape_cast %get3A_525 : vector<16xi32> to vector<16xi32>
      tpu.vector_store %arg12[%swap3A_526], %swap3A_529 {strides = array<i32>} : memref<9088xi32, #tpu.memory_space<vmem>>, vector<16xi32>,
      %scan3A_530 = arith.constant 0 : i32
      scf.yield %scan3A_530 : i32
    }
    %scan3A_146 = arith.constant 71 : i32
    %dma_start3A_147 = arith.constant 0 : i32
    %dma_start3A_148 = tpu.memref_slice %arg21[%dma_start3A_147] : memref<100352xf32, #tpu.memory_space<vmem_shared>> -> memref<100352xf32, #tpu.memory_space<vmem_shared>>
    tpu.enqueue_indirect_dma source(%dma_start3A_148 : memref<100352xf32, #tpu.memory_space<vmem_shared>>) target(%arg14 : memref<9088xf32, #tpu.memory_space<vmem>>) offsets(%arg10 : memref<9088xi32, #tpu.memory_space<vmem>>) semaphore(%arg26 : memref<!tpu.dma_semaphore, #tpu.memory_space<semaphore_mem>>)
    %dma_wait3A_149 = arith.constant 0 : i32
    %dma_wait3A_150 = tpu.memref_slice %arg21[%dma_wait3A_149] : memref<100352xf32, #tpu.memory_space<vmem_shared>> -> memref<100352xf32, #tpu.memory_space<vmem_shared>>
    tpu.wait_indirect_dma semaphore(%arg26 : memref<!tpu.dma_semaphore, #tpu.memory_space<semaphore_mem>>) src(%dma_wait3A_150 : memref<100352xf32, #tpu.memory_space<vmem_shared>>) dst(%arg14 : memref<9088xf32, #tpu.memory_space<vmem>>)
    %dma_start3A_151 = arith.constant 0 : i32
    %dma_start3A_152 = tpu.memref_slice %arg22[%dma_start3A_151] : memref<100352xf32, #tpu.memory_space<vmem_shared>> -> memref<100352xf32, #tpu.memory_space<vmem_shared>>
    tpu.enqueue_indirect_dma source(%arg14 : memref<9088xf32, #tpu.memory_space<vmem>>) target(%dma_start3A_152 : memref<100352xf32, #tpu.memory_space<vmem_shared>>) offsets(%arg12 : memref<9088xi32, #tpu.memory_space<vmem>>) semaphore(%arg27 : memref<!tpu.dma_semaphore, #tpu.memory_space<semaphore_mem>>) {add = true}
    %dma_start3A_153 = arith.constant 0 : i32
    %dma_start3A_154 = tpu.memref_slice %arg23[%dma_start3A_153] : memref<100352xf32, #tpu.memory_space<vmem_shared>> -> memref<100352xf32, #tpu.memory_space<vmem_shared>>
    tpu.enqueue_indirect_dma source(%arg16 : memref<9088xf32, #tpu.memory_space<vmem>>) target(%dma_start3A_154 : memref<100352xf32, #tpu.memory_space<vmem_shared>>) offsets(%arg12 : memref<9088xi32, #tpu.memory_space<vmem>>) semaphore(%arg28 : memref<!tpu.dma_semaphore, #tpu.memory_space<semaphore_mem>>) {add = true}
    %dma_wait3A_155 = arith.constant 0 : i32
    %dma_wait3A_156 = tpu.memref_slice %arg2[%dma_wait3A_155, %add3A_131] : memref<2x3200000xi32, #tpu.memory_space<hbm>> -> memref<2x9088xi32, #tpu.memory_space<hbm>>
    %dma_wait3A_157 = arith.constant 0 : i32
    %dma_wait3A_158 = tpu.memref_slice %arg2[%dma_wait3A_157, %add3A_131] : memref<2x3200000xi32, #tpu.memory_space<hbm>> -> memref<2x9088xi32, #tpu.memory_space<hbm>>
    tpu.wait_dma2 semaphore(%arg25 : memref<!tpu.dma_semaphore, #tpu.memory_space<semaphore_mem>>) src(%dma_wait3A_158 : memref<2x9088xi32, #tpu.memory_space<hbm>>) dst(%arg9 : memref<2x9088xi32, #tpu.memory_space<vmem>>)
    %mul3A_159 = arith.constant 99968 : i32
    %mul3A_160 = arith.muli %add3A, %mul3A_159 : i32
    %add3A_161 = arith.constant 54528 : i32
    %add3A_162 = arith.addi %mul3A_160, %add3A_161 : i32
    %dma_start3A_163 = arith.constant 0 : i32
    %dma_start3A_164 = tpu.memref_slice %arg2[%dma_start3A_163, %add3A_162] : memref<2x3200000xi32, #tpu.memory_space<hbm>> -> memref<2x9088xi32, #tpu.memory_space<hbm>>
    %dma_start3A_165 = arith.constant 0 : i32
    %dma_start3A_166 = tpu.memref_slice %arg2[%dma_start3A_165, %add3A_162] : memref<2x3200000xi32, #tpu.memory_space<hbm>> -> memref<2x9088xi32, #tpu.memory_space<hbm>>
    tpu.enqueue_dma source(%dma_start3A_166 : memref<2x9088xi32, #tpu.memory_space<hbm>>) target(%arg8 : memref<2x9088xi32, #tpu.memory_space<vmem>>) target_semaphore(%arg24 : memref<!tpu.dma_semaphore, #tpu.memory_space<semaphore_mem>>)
    %dma_wait3A_167 = arith.constant 0 : i32
    %dma_wait3A_168 = tpu.memref_slice %arg22[%dma_wait3A_167] : memref<100352xf32, #tpu.memory_space<vmem_shared>> -> memref<100352xf32, #tpu.memory_space<vmem_shared>>
    tpu.wait_indirect_dma semaphore(%arg27 : memref<!tpu.dma_semaphore, #tpu.memory_space<semaphore_mem>>) src(%arg15 : memref<9088xf32, #tpu.memory_space<vmem>>) dst(%dma_wait3A_168 : memref<100352xf32, #tpu.memory_space<vmem_shared>>)
    %dma_wait3A_169 = arith.constant 0 : i32
    %dma_wait3A_170 = tpu.memref_slice %arg23[%dma_wait3A_169] : memref<100352xf32, #tpu.memory_space<vmem_shared>> -> memref<100352xf32, #tpu.memory_space<vmem_shared>>
    tpu.wait_indirect_dma semaphore(%arg28 : memref<!tpu.dma_semaphore, #tpu.memory_space<semaphore_mem>>) src(%arg16 : memref<9088xf32, #tpu.memory_space<vmem>>) dst(%dma_wait3A_170 : memref<100352xf32, #tpu.memory_space<vmem_shared>>)
    %scan3A_171 = arith.constant 0 : i32
    %scan3A_172 = arith.constant 0 : i32
    %scan3A_173 = arith.constant 71 : i32
    %scan3A_174 = arith.addi %scan3A_172, %scan3A_173 : i32
    %scan3A_175 = arith.constant 1 : i32
    %scan3A_176 = scf.for %scan3A_347 = %scan3A_172 to %scan3A_174 step %scan3A_175 iter_args(%scan3A_348 = %scan3A_171) -> (i32)  : i32 {
      %mul3A_349 = arith.constant 128 : i32
      %mul3A_350 = arith.muli %scan3A_347, %mul3A_349 : i32
      %add3A_351 = arith.constant 0 : i32
      %add3A_352 = arith.addi %mul3A_350, %add3A_351 : i32
      %multiple_of3A = tpu.assume_multiple %add3A_352, 16 : i32
      %get3A = arith.constant 0 : i32
      %get3A_353 = arith.index_cast %get3A : i32 to index
      %get3A_354 = arith.index_cast %multiple_of3A : i32 to index
      %get3A_355 = tpu.vector_load %arg9[%get3A_353, %get3A_354] {strides = array<i32>} : memref<2x9088xi32, #tpu.memory_space<vmem>>, vector<1x16xi32>,
      %get3A_356 = vector.shape_cast %get3A_355 : vector<1x16xi32> to vector<16xi32>
      %swap3A = arith.index_cast %multiple_of3A : i32 to index
      %swap3A_357 = tpu.vector_load %arg11[%swap3A] {strides = array<i32>} : memref<9088xi32, #tpu.memory_space<vmem>>, vector<16xi32>,
      %swap3A_358 = vector.shape_cast %swap3A_357 : vector<16xi32> to vector<16xi32>
      %swap3A_359 = vector.shape_cast %get3A_356 : vector<16xi32> to vector<16xi32>
      tpu.vector_store %arg11[%swap3A], %swap3A_359 {strides = array<i32>} : memref<9088xi32, #tpu.memory_space<vmem>>, vector<16xi32>,
      %get3A_360 = arith.constant 1 : i32
      %get3A_361 = arith.index_cast %get3A_360 : i32 to index
      %get3A_362 = arith.index_cast %multiple_of3A : i32 to index
      %get3A_363 = tpu.vector_load %arg9[%get3A_361, %get3A_362] {strides = array<i32>} : memref<2x9088xi32, #tpu.memory_space<vmem>>, vector<1x16xi32>,
      %get3A_364 = vector.shape_cast %get3A_363 : vector<1x16xi32> to vector<16xi32>
      %swap3A_365 = arith.index_cast %multiple_of3A : i32 to index
      %swap3A_366 = tpu.vector_load %arg13[%swap3A_365] {strides = array<i32>} : memref<9088xi32, #tpu.memory_space<vmem>>, vector<16xi32>,
      %swap3A_367 = vector.shape_cast %swap3A_366 : vector<16xi32> to vector<16xi32>
      %swap3A_368 = vector.shape_cast %get3A_364 : vector<16xi32> to vector<16xi32>
      tpu.vector_store %arg13[%swap3A_365], %swap3A_368 {strides = array<i32>} : memref<9088xi32, #tpu.memory_space<vmem>>, vector<16xi32>,
      %mul3A_369 = arith.constant 128 : i32
      %mul3A_370 = arith.muli %scan3A_347, %mul3A_369 : i32
      %add3A_371 = arith.constant 16 : i32
      %add3A_372 = arith.addi %mul3A_370, %add3A_371 : i32
      %multiple_of3A_373 = tpu.assume_multiple %add3A_372, 16 : i32
      %get3A_374 = arith.constant 0 : i32
      %get3A_375 = arith.index_cast %get3A_374 : i32 to index
      %get3A_376 = arith.index_cast %multiple_of3A_373 : i32 to index
      %get3A_377 = tpu.vector_load %arg9[%get3A_375, %get3A_376] {strides = array<i32>} : memref<2x9088xi32, #tpu.memory_space<vmem>>, vector<1x16xi32>,
      %get3A_378 = vector.shape_cast %get3A_377 : vector<1x16xi32> to vector<16xi32>
      %swap3A_379 = arith.index_cast %multiple_of3A_373 : i32 to index
      %swap3A_380 = tpu.vector_load %arg11[%swap3A_379] {strides = array<i32>} : memref<9088xi32, #tpu.memory_space<vmem>>, vector<16xi32>,
      %swap3A_381 = vector.shape_cast %swap3A_380 : vector<16xi32> to vector<16xi32>
      %swap3A_382 = vector.shape_cast %get3A_378 : vector<16xi32> to vector<16xi32>
      tpu.vector_store %arg11[%swap3A_379], %swap3A_382 {strides = array<i32>} : memref<9088xi32, #tpu.memory_space<vmem>>, vector<16xi32>,
      %get3A_383 = arith.constant 1 : i32
      %get3A_384 = arith.index_cast %get3A_383 : i32 to index
      %get3A_385 = arith.index_cast %multiple_of3A_373 : i32 to index
      %get3A_386 = tpu.vector_load %arg9[%get3A_384, %get3A_385] {strides = array<i32>} : memref<2x9088xi32, #tpu.memory_space<vmem>>, vector<1x16xi32>,
      %get3A_387 = vector.shape_cast %get3A_386 : vector<1x16xi32> to vector<16xi32>
      %swap3A_388 = arith.index_cast %multiple_of3A_373 : i32 to index
      %swap3A_389 = tpu.vector_load %arg13[%swap3A_388] {strides = array<i32>} : memref<9088xi32, #tpu.memory_space<vmem>>, vector<16xi32>,
      %swap3A_390 = vector.shape_cast %swap3A_389 : vector<16xi32> to vector<16xi32>
      %swap3A_391 = vector.shape_cast %get3A_387 : vector<16xi32> to vector<16xi32>
      tpu.vector_store %arg13[%swap3A_388], %swap3A_391 {strides = array<i32>} : memref<9088xi32, #tpu.memory_space<vmem>>, vector<16xi32>,
      %mul3A_392 = arith.constant 128 : i32
      %mul3A_393 = arith.muli %scan3A_347, %mul3A_392 : i32
      %add3A_394 = arith.constant 32 : i32
      %add3A_395 = arith.addi %mul3A_393, %add3A_394 : i32
      %multiple_of3A_396 = tpu.assume_multiple %add3A_395, 16 : i32
      %get3A_397 = arith.constant 0 : i32
      %get3A_398 = arith.index_cast %get3A_397 : i32 to index
      %get3A_399 = arith.index_cast %multiple_of3A_396 : i32 to index
      %get3A_400 = tpu.vector_load %arg9[%get3A_398, %get3A_399] {strides = array<i32>} : memref<2x9088xi32, #tpu.memory_space<vmem>>, vector<1x16xi32>,
      %get3A_401 = vector.shape_cast %get3A_400 : vector<1x16xi32> to vector<16xi32>
      %swap3A_402 = arith.index_cast %multiple_of3A_396 : i32 to index
      %swap3A_403 = tpu.vector_load %arg11[%swap3A_402] {strides = array<i32>} : memref<9088xi32, #tpu.memory_space<vmem>>, vector<16xi32>,
      %swap3A_404 = vector.shape_cast %swap3A_403 : vector<16xi32> to vector<16xi32>
      %swap3A_405 = vector.shape_cast %get3A_401 : vector<16xi32> to vector<16xi32>
      tpu.vector_store %arg11[%swap3A_402], %swap3A_405 {strides = array<i32>} : memref<9088xi32, #tpu.memory_space<vmem>>, vector<16xi32>,
      %get3A_406 = arith.constant 1 : i32
      %get3A_407 = arith.index_cast %get3A_406 : i32 to index
      %get3A_408 = arith.index_cast %multiple_of3A_396 : i32 to index
      %get3A_409 = tpu.vector_load %arg9[%get3A_407, %get3A_408] {strides = array<i32>} : memref<2x9088xi32, #tpu.memory_space<vmem>>, vector<1x16xi32>,
      %get3A_410 = vector.shape_cast %get3A_409 : vector<1x16xi32> to vector<16xi32>
      %swap3A_411 = arith.index_cast %multiple_of3A_396 : i32 to index
      %swap3A_412 = tpu.vector_load %arg13[%swap3A_411] {strides = array<i32>} : memref<9088xi32, #tpu.memory_space<vmem>>, vector<16xi32>,
      %swap3A_413 = vector.shape_cast %swap3A_412 : vector<16xi32> to vector<16xi32>
      %swap3A_414 = vector.shape_cast %get3A_410 : vector<16xi32> to vector<16xi32>
      tpu.vector_store %arg13[%swap3A_411], %swap3A_414 {strides = array<i32>} : memref<9088xi32, #tpu.memory_space<vmem>>, vector<16xi32>,
      %mul3A_415 = arith.constant 128 : i32
      %mul3A_416 = arith.muli %scan3A_347, %mul3A_415 : i32
      %add3A_417 = arith.constant 48 : i32
      %add3A_418 = arith.addi %mul3A_416, %add3A_417 : i32
      %multiple_of3A_419 = tpu.assume_multiple %add3A_418, 16 : i32
      %get3A_420 = arith.constant 0 : i32
      %get3A_421 = arith.index_cast %get3A_420 : i32 to index
      %get3A_422 = arith.index_cast %multiple_of3A_419 : i32 to index
      %get3A_423 = tpu.vector_load %arg9[%get3A_421, %get3A_422] {strides = array<i32>} : memref<2x9088xi32, #tpu.memory_space<vmem>>, vector<1x16xi32>,
      %get3A_424 = vector.shape_cast %get3A_423 : vector<1x16xi32> to vector<16xi32>
      %swap3A_425 = arith.index_cast %multiple_of3A_419 : i32 to index
      %swap3A_426 = tpu.vector_load %arg11[%swap3A_425] {strides = array<i32>} : memref<9088xi32, #tpu.memory_space<vmem>>, vector<16xi32>,
      %swap3A_427 = vector.shape_cast %swap3A_426 : vector<16xi32> to vector<16xi32>
      %swap3A_428 = vector.shape_cast %get3A_424 : vector<16xi32> to vector<16xi32>
      tpu.vector_store %arg11[%swap3A_425], %swap3A_428 {strides = array<i32>} : memref<9088xi32, #tpu.memory_space<vmem>>, vector<16xi32>,
      %get3A_429 = arith.constant 1 : i32
      %get3A_430 = arith.index_cast %get3A_429 : i32 to index
      %get3A_431 = arith.index_cast %multiple_of3A_419 : i32 to index
      %get3A_432 = tpu.vector_load %arg9[%get3A_430, %get3A_431] {strides = array<i32>} : memref<2x9088xi32, #tpu.memory_space<vmem>>, vector<1x16xi32>,
      %get3A_433 = vector.shape_cast %get3A_432 : vector<1x16xi32> to vector<16xi32>
      %swap3A_434 = arith.index_cast %multiple_of3A_419 : i32 to index
      %swap3A_435 = tpu.vector_load %arg13[%swap3A_434] {strides = array<i32>} : memref<9088xi32, #tpu.memory_space<vmem>>, vector<16xi32>,
      %swap3A_436 = vector.shape_cast %swap3A_435 : vector<16xi32> to vector<16xi32>
      %swap3A_437 = vector.shape_cast %get3A_433 : vector<16xi32> to vector<16xi32>
      tpu.vector_store %arg13[%swap3A_434], %swap3A_437 {strides = array<i32>} : memref<9088xi32, #tpu.memory_space<vmem>>, vector<16xi32>,
      %mul3A_438 = arith.constant 128 : i32
      %mul3A_439 = arith.muli %scan3A_347, %mul3A_438 : i32
      %add3A_440 = arith.constant 64 : i32
      %add3A_441 = arith.addi %mul3A_439, %add3A_440 : i32
      %multiple_of3A_442 = tpu.assume_multiple %add3A_441, 16 : i32
      %get3A_443 = arith.constant 0 : i32
      %get3A_444 = arith.index_cast %get3A_443 : i32 to index
      %get3A_445 = arith.index_cast %multiple_of3A_442 : i32 to index
      %get3A_446 = tpu.vector_load %arg9[%get3A_444, %get3A_445] {strides = array<i32>} : memref<2x9088xi32, #tpu.memory_space<vmem>>, vector<1x16xi32>,
      %get3A_447 = vector.shape_cast %get3A_446 : vector<1x16xi32> to vector<16xi32>
      %swap3A_448 = arith.index_cast %multiple_of3A_442 : i32 to index
      %swap3A_449 = tpu.vector_load %arg11[%swap3A_448] {strides = array<i32>} : memref<9088xi32, #tpu.memory_space<vmem>>, vector<16xi32>,
      %swap3A_450 = vector.shape_cast %swap3A_449 : vector<16xi32> to vector<16xi32>
      %swap3A_451 = vector.shape_cast %get3A_447 : vector<16xi32> to vector<16xi32>
      tpu.vector_store %arg11[%swap3A_448], %swap3A_451 {strides = array<i32>} : memref<9088xi32, #tpu.memory_space<vmem>>, vector<16xi32>,
      %get3A_452 = arith.constant 1 : i32
      %get3A_453 = arith.index_cast %get3A_452 : i32 to index
      %get3A_454 = arith.index_cast %multiple_of3A_442 : i32 to index
      %get3A_455 = tpu.vector_load %arg9[%get3A_453, %get3A_454] {strides = array<i32>} : memref<2x9088xi32, #tpu.memory_space<vmem>>, vector<1x16xi32>,
      %get3A_456 = vector.shape_cast %get3A_455 : vector<1x16xi32> to vector<16xi32>
      %swap3A_457 = arith.index_cast %multiple_of3A_442 : i32 to index
      %swap3A_458 = tpu.vector_load %arg13[%swap3A_457] {strides = array<i32>} : memref<9088xi32, #tpu.memory_space<vmem>>, vector<16xi32>,
      %swap3A_459 = vector.shape_cast %swap3A_458 : vector<16xi32> to vector<16xi32>
      %swap3A_460 = vector.shape_cast %get3A_456 : vector<16xi32> to vector<16xi32>
      tpu.vector_store %arg13[%swap3A_457], %swap3A_460 {strides = array<i32>} : memref<9088xi32, #tpu.memory_space<vmem>>, vector<16xi32>,
      %mul3A_461 = arith.constant 128 : i32
      %mul3A_462 = arith.muli %scan3A_347, %mul3A_461 : i32
      %add3A_463 = arith.constant 80 : i32
      %add3A_464 = arith.addi %mul3A_462, %add3A_463 : i32
      %multiple_of3A_465 = tpu.assume_multiple %add3A_464, 16 : i32
      %get3A_466 = arith.constant 0 : i32
      %get3A_467 = arith.index_cast %get3A_466 : i32 to index
      %get3A_468 = arith.index_cast %multiple_of3A_465 : i32 to index
      %get3A_469 = tpu.vector_load %arg9[%get3A_467, %get3A_468] {strides = array<i32>} : memref<2x9088xi32, #tpu.memory_space<vmem>>, vector<1x16xi32>,
      %get3A_470 = vector.shape_cast %get3A_469 : vector<1x16xi32> to vector<16xi32>
      %swap3A_471 = arith.index_cast %multiple_of3A_465 : i32 to index
      %swap3A_472 = tpu.vector_load %arg11[%swap3A_471] {strides = array<i32>} : memref<9088xi32, #tpu.memory_space<vmem>>, vector<16xi32>,
      %swap3A_473 = vector.shape_cast %swap3A_472 : vector<16xi32> to vector<16xi32>
      %swap3A_474 = vector.shape_cast %get3A_470 : vector<16xi32> to vector<16xi32>
      tpu.vector_store %arg11[%swap3A_471], %swap3A_474 {strides = array<i32>} : memref<9088xi32, #tpu.memory_space<vmem>>, vector<16xi32>,
      %get3A_475 = arith.constant 1 : i32
      %get3A_476 = arith.index_cast %get3A_475 : i32 to index
      %get3A_477 = arith.index_cast %multiple_of3A_465 : i32 to index
      %get3A_478 = tpu.vector_load %arg9[%get3A_476, %get3A_477] {strides = array<i32>} : memref<2x9088xi32, #tpu.memory_space<vmem>>, vector<1x16xi32>,
      %get3A_479 = vector.shape_cast %get3A_478 : vector<1x16xi32> to vector<16xi32>
      %swap3A_480 = arith.index_cast %multiple_of3A_465 : i32 to index
      %swap3A_481 = tpu.vector_load %arg13[%swap3A_480] {strides = array<i32>} : memref<9088xi32, #tpu.memory_space<vmem>>, vector<16xi32>,
      %swap3A_482 = vector.shape_cast %swap3A_481 : vector<16xi32> to vector<16xi32>
      %swap3A_483 = vector.shape_cast %get3A_479 : vector<16xi32> to vector<16xi32>
      tpu.vector_store %arg13[%swap3A_480], %swap3A_483 {strides = array<i32>} : memref<9088xi32, #tpu.memory_space<vmem>>, vector<16xi32>,
      %mul3A_484 = arith.constant 128 : i32
      %mul3A_485 = arith.muli %scan3A_347, %mul3A_484 : i32
      %add3A_486 = arith.constant 96 : i32
      %add3A_487 = arith.addi %mul3A_485, %add3A_486 : i32
      %multiple_of3A_488 = tpu.assume_multiple %add3A_487, 16 : i32
      %get3A_489 = arith.constant 0 : i32
      %get3A_490 = arith.index_cast %get3A_489 : i32 to index
      %get3A_491 = arith.index_cast %multiple_of3A_488 : i32 to index
      %get3A_492 = tpu.vector_load %arg9[%get3A_490, %get3A_491] {strides = array<i32>} : memref<2x9088xi32, #tpu.memory_space<vmem>>, vector<1x16xi32>,
      %get3A_493 = vector.shape_cast %get3A_492 : vector<1x16xi32> to vector<16xi32>
      %swap3A_494 = arith.index_cast %multiple_of3A_488 : i32 to index
      %swap3A_495 = tpu.vector_load %arg11[%swap3A_494] {strides = array<i32>} : memref<9088xi32, #tpu.memory_space<vmem>>, vector<16xi32>,
      %swap3A_496 = vector.shape_cast %swap3A_495 : vector<16xi32> to vector<16xi32>
      %swap3A_497 = vector.shape_cast %get3A_493 : vector<16xi32> to vector<16xi32>
      tpu.vector_store %arg11[%swap3A_494], %swap3A_497 {strides = array<i32>} : memref<9088xi32, #tpu.memory_space<vmem>>, vector<16xi32>,
      %get3A_498 = arith.constant 1 : i32
      %get3A_499 = arith.index_cast %get3A_498 : i32 to index
      %get3A_500 = arith.index_cast %multiple_of3A_488 : i32 to index
      %get3A_501 = tpu.vector_load %arg9[%get3A_499, %get3A_500] {strides = array<i32>} : memref<2x9088xi32, #tpu.memory_space<vmem>>, vector<1x16xi32>,
      %get3A_502 = vector.shape_cast %get3A_501 : vector<1x16xi32> to vector<16xi32>
      %swap3A_503 = arith.index_cast %multiple_of3A_488 : i32 to index
      %swap3A_504 = tpu.vector_load %arg13[%swap3A_503] {strides = array<i32>} : memref<9088xi32, #tpu.memory_space<vmem>>, vector<16xi32>,
      %swap3A_505 = vector.shape_cast %swap3A_504 : vector<16xi32> to vector<16xi32>
      %swap3A_506 = vector.shape_cast %get3A_502 : vector<16xi32> to vector<16xi32>
      tpu.vector_store %arg13[%swap3A_503], %swap3A_506 {strides = array<i32>} : memref<9088xi32, #tpu.memory_space<vmem>>, vector<16xi32>,
      %mul3A_507 = arith.constant 128 : i32
      %mul3A_508 = arith.muli %scan3A_347, %mul3A_507 : i32
      %add3A_509 = arith.constant 112 : i32
      %add3A_510 = arith.addi %mul3A_508, %add3A_509 : i32
      %multiple_of3A_511 = tpu.assume_multiple %add3A_510, 16 : i32
      %get3A_512 = arith.constant 0 : i32
      %get3A_513 = arith.index_cast %get3A_512 : i32 to index
      %get3A_514 = arith.index_cast %multiple_of3A_511 : i32 to index
      %get3A_515 = tpu.vector_load %arg9[%get3A_513, %get3A_514] {strides = array<i32>} : memref<2x9088xi32, #tpu.memory_space<vmem>>, vector<1x16xi32>,
      %get3A_516 = vector.shape_cast %get3A_515 : vector<1x16xi32> to vector<16xi32>
      %swap3A_517 = arith.index_cast %multiple_of3A_511 : i32 to index
      %swap3A_518 = tpu.vector_load %arg11[%swap3A_517] {strides = array<i32>} : memref<9088xi32, #tpu.memory_space<vmem>>, vector<16xi32>,
      %swap3A_519 = vector.shape_cast %swap3A_518 : vector<16xi32> to vector<16xi32>
      %swap3A_520 = vector.shape_cast %get3A_516 : vector<16xi32> to vector<16xi32>
      tpu.vector_store %arg11[%swap3A_517], %swap3A_520 {strides = array<i32>} : memref<9088xi32, #tpu.memory_space<vmem>>, vector<16xi32>,
      %get3A_521 = arith.constant 1 : i32
      %get3A_522 = arith.index_cast %get3A_521 : i32 to index
      %get3A_523 = arith.index_cast %multiple_of3A_511 : i32 to index
      %get3A_524 = tpu.vector_load %arg9[%get3A_522, %get3A_523] {strides = array<i32>} : memref<2x9088xi32, #tpu.memory_space<vmem>>, vector<1x16xi32>,
      %get3A_525 = vector.shape_cast %get3A_524 : vector<1x16xi32> to vector<16xi32>
      %swap3A_526 = arith.index_cast %multiple_of3A_511 : i32 to index
      %swap3A_527 = tpu.vector_load %arg13[%swap3A_526] {strides = array<i32>} : memref<9088xi32, #tpu.memory_space<vmem>>, vector<16xi32>,
      %swap3A_528 = vector.shape_cast %swap3A_527 : vector<16xi32> to vector<16xi32>
      %swap3A_529 = vector.shape_cast %get3A_525 : vector<16xi32> to vector<16xi32>
      tpu.vector_store %arg13[%swap3A_526], %swap3A_529 {strides = array<i32>} : memref<9088xi32, #tpu.memory_space<vmem>>, vector<16xi32>,
      %scan3A_530 = arith.constant 0 : i32
      scf.yield %scan3A_530 : i32
    }
    %scan3A_177 = arith.constant 71 : i32
    %dma_start3A_178 = arith.constant 0 : i32
    %dma_start3A_179 = tpu.memref_slice %arg21[%dma_start3A_178] : memref<100352xf32, #tpu.memory_space<vmem_shared>> -> memref<100352xf32, #tpu.memory_space<vmem_shared>>
    tpu.enqueue_indirect_dma source(%dma_start3A_179 : memref<100352xf32, #tpu.memory_space<vmem_shared>>) target(%arg15 : memref<9088xf32, #tpu.memory_space<vmem>>) offsets(%arg11 : memref<9088xi32, #tpu.memory_space<vmem>>) semaphore(%arg26 : memref<!tpu.dma_semaphore, #tpu.memory_space<semaphore_mem>>)
    %dma_wait3A_180 = arith.constant 0 : i32
    %dma_wait3A_181 = tpu.memref_slice %arg21[%dma_wait3A_180] : memref<100352xf32, #tpu.memory_space<vmem_shared>> -> memref<100352xf32, #tpu.memory_space<vmem_shared>>
    tpu.wait_indirect_dma semaphore(%arg26 : memref<!tpu.dma_semaphore, #tpu.memory_space<semaphore_mem>>) src(%dma_wait3A_181 : memref<100352xf32, #tpu.memory_space<vmem_shared>>) dst(%arg15 : memref<9088xf32, #tpu.memory_space<vmem>>)
    %dma_start3A_182 = arith.constant 0 : i32
    %dma_start3A_183 = tpu.memref_slice %arg22[%dma_start3A_182] : memref<100352xf32, #tpu.memory_space<vmem_shared>> -> memref<100352xf32, #tpu.memory_space<vmem_shared>>
    tpu.enqueue_indirect_dma source(%arg15 : memref<9088xf32, #tpu.memory_space<vmem>>) target(%dma_start3A_183 : memref<100352xf32, #tpu.memory_space<vmem_shared>>) offsets(%arg13 : memref<9088xi32, #tpu.memory_space<vmem>>) semaphore(%arg27 : memref<!tpu.dma_semaphore, #tpu.memory_space<semaphore_mem>>) {add = true}
    %dma_start3A_184 = arith.constant 0 : i32
    %dma_start3A_185 = tpu.memref_slice %arg23[%dma_start3A_184] : memref<100352xf32, #tpu.memory_space<vmem_shared>> -> memref<100352xf32, #tpu.memory_space<vmem_shared>>
    tpu.enqueue_indirect_dma source(%arg16 : memref<9088xf32, #tpu.memory_space<vmem>>) target(%dma_start3A_185 : memref<100352xf32, #tpu.memory_space<vmem_shared>>) offsets(%arg13 : memref<9088xi32, #tpu.memory_space<vmem>>) semaphore(%arg28 : memref<!tpu.dma_semaphore, #tpu.memory_space<semaphore_mem>>) {add = true}
    %dma_wait3A_186 = arith.constant 0 : i32
    %dma_wait3A_187 = tpu.memref_slice %arg2[%dma_wait3A_186, %add3A_162] : memref<2x3200000xi32, #tpu.memory_space<hbm>> -> memref<2x9088xi32, #tpu.memory_space<hbm>>
    %dma_wait3A_188 = arith.constant 0 : i32
    %dma_wait3A_189 = tpu.memref_slice %arg2[%dma_wait3A_188, %add3A_162] : memref<2x3200000xi32, #tpu.memory_space<hbm>> -> memref<2x9088xi32, #tpu.memory_space<hbm>>
    tpu.wait_dma2 semaphore(%arg24 : memref<!tpu.dma_semaphore, #tpu.memory_space<semaphore_mem>>) src(%dma_wait3A_189 : memref<2x9088xi32, #tpu.memory_space<hbm>>) dst(%arg8 : memref<2x9088xi32, #tpu.memory_space<vmem>>)
    %mul3A_190 = arith.constant 99968 : i32
    %mul3A_191 = arith.muli %add3A, %mul3A_190 : i32
    %add3A_192 = arith.constant 63616 : i32
    %add3A_193 = arith.addi %mul3A_191, %add3A_192 : i32
    %dma_start3A_194 = arith.constant 0 : i32
    %dma_start3A_195 = tpu.memref_slice %arg2[%dma_start3A_194, %add3A_193] : memref<2x3200000xi32, #tpu.memory_space<hbm>> -> memref<2x9088xi32, #tpu.memory_space<hbm>>
    %dma_start3A_196 = arith.constant 0 : i32
    %dma_start3A_197 = tpu.memref_slice %arg2[%dma_start3A_196, %add3A_193] : memref<2x3200000xi32, #tpu.memory_space<hbm>> -> memref<2x9088xi32, #tpu.memory_space<hbm>>
    tpu.enqueue_dma source(%dma_start3A_197 : memref<2x9088xi32, #tpu.memory_space<hbm>>) target(%arg9 : memref<2x9088xi32, #tpu.memory_space<vmem>>) target_semaphore(%arg25 : memref<!tpu.dma_semaphore, #tpu.memory_space<semaphore_mem>>)
    %dma_wait3A_198 = arith.constant 0 : i32
    %dma_wait3A_199 = tpu.memref_slice %arg22[%dma_wait3A_198] : memref<100352xf32, #tpu.memory_space<vmem_shared>> -> memref<100352xf32, #tpu.memory_space<vmem_shared>>
    tpu.wait_indirect_dma semaphore(%arg27 : memref<!tpu.dma_semaphore, #tpu.memory_space<semaphore_mem>>) src(%arg14 : memref<9088xf32, #tpu.memory_space<vmem>>) dst(%dma_wait3A_199 : memref<100352xf32, #tpu.memory_space<vmem_shared>>)
    %dma_wait3A_200 = arith.constant 0 : i32
    %dma_wait3A_201 = tpu.memref_slice %arg23[%dma_wait3A_200] : memref<100352xf32, #tpu.memory_space<vmem_shared>> -> memref<100352xf32, #tpu.memory_space<vmem_shared>>
    tpu.wait_indirect_dma semaphore(%arg28 : memref<!tpu.dma_semaphore, #tpu.memory_space<semaphore_mem>>) src(%arg16 : memref<9088xf32, #tpu.memory_space<vmem>>) dst(%dma_wait3A_201 : memref<100352xf32, #tpu.memory_space<vmem_shared>>)
    %scan3A_202 = arith.constant 0 : i32
    %scan3A_203 = arith.constant 0 : i32
    %scan3A_204 = arith.constant 71 : i32
    %scan3A_205 = arith.addi %scan3A_203, %scan3A_204 : i32
    %scan3A_206 = arith.constant 1 : i32
    %scan3A_207 = scf.for %scan3A_347 = %scan3A_203 to %scan3A_205 step %scan3A_206 iter_args(%scan3A_348 = %scan3A_202) -> (i32)  : i32 {
      %mul3A_349 = arith.constant 128 : i32
      %mul3A_350 = arith.muli %scan3A_347, %mul3A_349 : i32
      %add3A_351 = arith.constant 0 : i32
      %add3A_352 = arith.addi %mul3A_350, %add3A_351 : i32
      %multiple_of3A = tpu.assume_multiple %add3A_352, 16 : i32
      %get3A = arith.constant 0 : i32
      %get3A_353 = arith.index_cast %get3A : i32 to index
      %get3A_354 = arith.index_cast %multiple_of3A : i32 to index
      %get3A_355 = tpu.vector_load %arg8[%get3A_353, %get3A_354] {strides = array<i32>} : memref<2x9088xi32, #tpu.memory_space<vmem>>, vector<1x16xi32>,
      %get3A_356 = vector.shape_cast %get3A_355 : vector<1x16xi32> to vector<16xi32>
      %swap3A = arith.index_cast %multiple_of3A : i32 to index
      %swap3A_357 = tpu.vector_load %arg10[%swap3A] {strides = array<i32>} : memref<9088xi32, #tpu.memory_space<vmem>>, vector<16xi32>,
      %swap3A_358 = vector.shape_cast %swap3A_357 : vector<16xi32> to vector<16xi32>
      %swap3A_359 = vector.shape_cast %get3A_356 : vector<16xi32> to vector<16xi32>
      tpu.vector_store %arg10[%swap3A], %swap3A_359 {strides = array<i32>} : memref<9088xi32, #tpu.memory_space<vmem>>, vector<16xi32>,
      %get3A_360 = arith.constant 1 : i32
      %get3A_361 = arith.index_cast %get3A_360 : i32 to index
      %get3A_362 = arith.index_cast %multiple_of3A : i32 to index
      %get3A_363 = tpu.vector_load %arg8[%get3A_361, %get3A_362] {strides = array<i32>} : memref<2x9088xi32, #tpu.memory_space<vmem>>, vector<1x16xi32>,
      %get3A_364 = vector.shape_cast %get3A_363 : vector<1x16xi32> to vector<16xi32>
      %swap3A_365 = arith.index_cast %multiple_of3A : i32 to index
      %swap3A_366 = tpu.vector_load %arg12[%swap3A_365] {strides = array<i32>} : memref<9088xi32, #tpu.memory_space<vmem>>, vector<16xi32>,
      %swap3A_367 = vector.shape_cast %swap3A_366 : vector<16xi32> to vector<16xi32>
      %swap3A_368 = vector.shape_cast %get3A_364 : vector<16xi32> to vector<16xi32>
      tpu.vector_store %arg12[%swap3A_365], %swap3A_368 {strides = array<i32>} : memref<9088xi32, #tpu.memory_space<vmem>>, vector<16xi32>,
      %mul3A_369 = arith.constant 128 : i32
      %mul3A_370 = arith.muli %scan3A_347, %mul3A_369 : i32
      %add3A_371 = arith.constant 16 : i32
      %add3A_372 = arith.addi %mul3A_370, %add3A_371 : i32
      %multiple_of3A_373 = tpu.assume_multiple %add3A_372, 16 : i32
      %get3A_374 = arith.constant 0 : i32
      %get3A_375 = arith.index_cast %get3A_374 : i32 to index
      %get3A_376 = arith.index_cast %multiple_of3A_373 : i32 to index
      %get3A_377 = tpu.vector_load %arg8[%get3A_375, %get3A_376] {strides = array<i32>} : memref<2x9088xi32, #tpu.memory_space<vmem>>, vector<1x16xi32>,
      %get3A_378 = vector.shape_cast %get3A_377 : vector<1x16xi32> to vector<16xi32>
      %swap3A_379 = arith.index_cast %multiple_of3A_373 : i32 to index
      %swap3A_380 = tpu.vector_load %arg10[%swap3A_379] {strides = array<i32>} : memref<9088xi32, #tpu.memory_space<vmem>>, vector<16xi32>,
      %swap3A_381 = vector.shape_cast %swap3A_380 : vector<16xi32> to vector<16xi32>
      %swap3A_382 = vector.shape_cast %get3A_378 : vector<16xi32> to vector<16xi32>
      tpu.vector_store %arg10[%swap3A_379], %swap3A_382 {strides = array<i32>} : memref<9088xi32, #tpu.memory_space<vmem>>, vector<16xi32>,
      %get3A_383 = arith.constant 1 : i32
      %get3A_384 = arith.index_cast %get3A_383 : i32 to index
      %get3A_385 = arith.index_cast %multiple_of3A_373 : i32 to index
      %get3A_386 = tpu.vector_load %arg8[%get3A_384, %get3A_385] {strides = array<i32>} : memref<2x9088xi32, #tpu.memory_space<vmem>>, vector<1x16xi32>,
      %get3A_387 = vector.shape_cast %get3A_386 : vector<1x16xi32> to vector<16xi32>
      %swap3A_388 = arith.index_cast %multiple_of3A_373 : i32 to index
      %swap3A_389 = tpu.vector_load %arg12[%swap3A_388] {strides = array<i32>} : memref<9088xi32, #tpu.memory_space<vmem>>, vector<16xi32>,
      %swap3A_390 = vector.shape_cast %swap3A_389 : vector<16xi32> to vector<16xi32>
      %swap3A_391 = vector.shape_cast %get3A_387 : vector<16xi32> to vector<16xi32>
      tpu.vector_store %arg12[%swap3A_388], %swap3A_391 {strides = array<i32>} : memref<9088xi32, #tpu.memory_space<vmem>>, vector<16xi32>,
      %mul3A_392 = arith.constant 128 : i32
      %mul3A_393 = arith.muli %scan3A_347, %mul3A_392 : i32
      %add3A_394 = arith.constant 32 : i32
      %add3A_395 = arith.addi %mul3A_393, %add3A_394 : i32
      %multiple_of3A_396 = tpu.assume_multiple %add3A_395, 16 : i32
      %get3A_397 = arith.constant 0 : i32
      %get3A_398 = arith.index_cast %get3A_397 : i32 to index
      %get3A_399 = arith.index_cast %multiple_of3A_396 : i32 to index
      %get3A_400 = tpu.vector_load %arg8[%get3A_398, %get3A_399] {strides = array<i32>} : memref<2x9088xi32, #tpu.memory_space<vmem>>, vector<1x16xi32>,
      %get3A_401 = vector.shape_cast %get3A_400 : vector<1x16xi32> to vector<16xi32>
      %swap3A_402 = arith.index_cast %multiple_of3A_396 : i32 to index
      %swap3A_403 = tpu.vector_load %arg10[%swap3A_402] {strides = array<i32>} : memref<9088xi32, #tpu.memory_space<vmem>>, vector<16xi32>,
      %swap3A_404 = vector.shape_cast %swap3A_403 : vector<16xi32> to vector<16xi32>
      %swap3A_405 = vector.shape_cast %get3A_401 : vector<16xi32> to vector<16xi32>
      tpu.vector_store %arg10[%swap3A_402], %swap3A_405 {strides = array<i32>} : memref<9088xi32, #tpu.memory_space<vmem>>, vector<16xi32>,
      %get3A_406 = arith.constant 1 : i32
      %get3A_407 = arith.index_cast %get3A_406 : i32 to index
      %get3A_408 = arith.index_cast %multiple_of3A_396 : i32 to index
      %get3A_409 = tpu.vector_load %arg8[%get3A_407, %get3A_408] {strides = array<i32>} : memref<2x9088xi32, #tpu.memory_space<vmem>>, vector<1x16xi32>,
      %get3A_410 = vector.shape_cast %get3A_409 : vector<1x16xi32> to vector<16xi32>
      %swap3A_411 = arith.index_cast %multiple_of3A_396 : i32 to index
      %swap3A_412 = tpu.vector_load %arg12[%swap3A_411] {strides = array<i32>} : memref<9088xi32, #tpu.memory_space<vmem>>, vector<16xi32>,
      %swap3A_413 = vector.shape_cast %swap3A_412 : vector<16xi32> to vector<16xi32>
      %swap3A_414 = vector.shape_cast %get3A_410 : vector<16xi32> to vector<16xi32>
      tpu.vector_store %arg12[%swap3A_411], %swap3A_414 {strides = array<i32>} : memref<9088xi32, #tpu.memory_space<vmem>>, vector<16xi32>,
      %mul3A_415 = arith.constant 128 : i32
      %mul3A_416 = arith.muli %scan3A_347, %mul3A_415 : i32
      %add3A_417 = arith.constant 48 : i32
      %add3A_418 = arith.addi %mul3A_416, %add3A_417 : i32
      %multiple_of3A_419 = tpu.assume_multiple %add3A_418, 16 : i32
      %get3A_420 = arith.constant 0 : i32
      %get3A_421 = arith.index_cast %get3A_420 : i32 to index
      %get3A_422 = arith.index_cast %multiple_of3A_419 : i32 to index
      %get3A_423 = tpu.vector_load %arg8[%get3A_421, %get3A_422] {strides = array<i32>} : memref<2x9088xi32, #tpu.memory_space<vmem>>, vector<1x16xi32>,
      %get3A_424 = vector.shape_cast %get3A_423 : vector<1x16xi32> to vector<16xi32>
      %swap3A_425 = arith.index_cast %multiple_of3A_419 : i32 to index
      %swap3A_426 = tpu.vector_load %arg10[%swap3A_425] {strides = array<i32>} : memref<9088xi32, #tpu.memory_space<vmem>>, vector<16xi32>,
      %swap3A_427 = vector.shape_cast %swap3A_426 : vector<16xi32> to vector<16xi32>
      %swap3A_428 = vector.shape_cast %get3A_424 : vector<16xi32> to vector<16xi32>
      tpu.vector_store %arg10[%swap3A_425], %swap3A_428 {strides = array<i32>} : memref<9088xi32, #tpu.memory_space<vmem>>, vector<16xi32>,
      %get3A_429 = arith.constant 1 : i32
      %get3A_430 = arith.index_cast %get3A_429 : i32 to index
      %get3A_431 = arith.index_cast %multiple_of3A_419 : i32 to index
      %get3A_432 = tpu.vector_load %arg8[%get3A_430, %get3A_431] {strides = array<i32>} : memref<2x9088xi32, #tpu.memory_space<vmem>>, vector<1x16xi32>,
      %get3A_433 = vector.shape_cast %get3A_432 : vector<1x16xi32> to vector<16xi32>
      %swap3A_434 = arith.index_cast %multiple_of3A_419 : i32 to index
      %swap3A_435 = tpu.vector_load %arg12[%swap3A_434] {strides = array<i32>} : memref<9088xi32, #tpu.memory_space<vmem>>, vector<16xi32>,
      %swap3A_436 = vector.shape_cast %swap3A_435 : vector<16xi32> to vector<16xi32>
      %swap3A_437 = vector.shape_cast %get3A_433 : vector<16xi32> to vector<16xi32>
      tpu.vector_store %arg12[%swap3A_434], %swap3A_437 {strides = array<i32>} : memref<9088xi32, #tpu.memory_space<vmem>>, vector<16xi32>,
      %mul3A_438 = arith.constant 128 : i32
      %mul3A_439 = arith.muli %scan3A_347, %mul3A_438 : i32
      %add3A_440 = arith.constant 64 : i32
      %add3A_441 = arith.addi %mul3A_439, %add3A_440 : i32
      %multiple_of3A_442 = tpu.assume_multiple %add3A_441, 16 : i32
      %get3A_443 = arith.constant 0 : i32
      %get3A_444 = arith.index_cast %get3A_443 : i32 to index
      %get3A_445 = arith.index_cast %multiple_of3A_442 : i32 to index
      %get3A_446 = tpu.vector_load %arg8[%get3A_444, %get3A_445] {strides = array<i32>} : memref<2x9088xi32, #tpu.memory_space<vmem>>, vector<1x16xi32>,
      %get3A_447 = vector.shape_cast %get3A_446 : vector<1x16xi32> to vector<16xi32>
      %swap3A_448 = arith.index_cast %multiple_of3A_442 : i32 to index
      %swap3A_449 = tpu.vector_load %arg10[%swap3A_448] {strides = array<i32>} : memref<9088xi32, #tpu.memory_space<vmem>>, vector<16xi32>,
      %swap3A_450 = vector.shape_cast %swap3A_449 : vector<16xi32> to vector<16xi32>
      %swap3A_451 = vector.shape_cast %get3A_447 : vector<16xi32> to vector<16xi32>
      tpu.vector_store %arg10[%swap3A_448], %swap3A_451 {strides = array<i32>} : memref<9088xi32, #tpu.memory_space<vmem>>, vector<16xi32>,
      %get3A_452 = arith.constant 1 : i32
      %get3A_453 = arith.index_cast %get3A_452 : i32 to index
      %get3A_454 = arith.index_cast %multiple_of3A_442 : i32 to index
      %get3A_455 = tpu.vector_load %arg8[%get3A_453, %get3A_454] {strides = array<i32>} : memref<2x9088xi32, #tpu.memory_space<vmem>>, vector<1x16xi32>,
      %get3A_456 = vector.shape_cast %get3A_455 : vector<1x16xi32> to vector<16xi32>
      %swap3A_457 = arith.index_cast %multiple_of3A_442 : i32 to index
      %swap3A_458 = tpu.vector_load %arg12[%swap3A_457] {strides = array<i32>} : memref<9088xi32, #tpu.memory_space<vmem>>, vector<16xi32>,
      %swap3A_459 = vector.shape_cast %swap3A_458 : vector<16xi32> to vector<16xi32>
      %swap3A_460 = vector.shape_cast %get3A_456 : vector<16xi32> to vector<16xi32>
      tpu.vector_store %arg12[%swap3A_457], %swap3A_460 {strides = array<i32>} : memref<9088xi32, #tpu.memory_space<vmem>>, vector<16xi32>,
      %mul3A_461 = arith.constant 128 : i32
      %mul3A_462 = arith.muli %scan3A_347, %mul3A_461 : i32
      %add3A_463 = arith.constant 80 : i32
      %add3A_464 = arith.addi %mul3A_462, %add3A_463 : i32
      %multiple_of3A_465 = tpu.assume_multiple %add3A_464, 16 : i32
      %get3A_466 = arith.constant 0 : i32
      %get3A_467 = arith.index_cast %get3A_466 : i32 to index
      %get3A_468 = arith.index_cast %multiple_of3A_465 : i32 to index
      %get3A_469 = tpu.vector_load %arg8[%get3A_467, %get3A_468] {strides = array<i32>} : memref<2x9088xi32, #tpu.memory_space<vmem>>, vector<1x16xi32>,
      %get3A_470 = vector.shape_cast %get3A_469 : vector<1x16xi32> to vector<16xi32>
      %swap3A_471 = arith.index_cast %multiple_of3A_465 : i32 to index
      %swap3A_472 = tpu.vector_load %arg10[%swap3A_471] {strides = array<i32>} : memref<9088xi32, #tpu.memory_space<vmem>>, vector<16xi32>,
      %swap3A_473 = vector.shape_cast %swap3A_472 : vector<16xi32> to vector<16xi32>
      %swap3A_474 = vector.shape_cast %get3A_470 : vector<16xi32> to vector<16xi32>
      tpu.vector_store %arg10[%swap3A_471], %swap3A_474 {strides = array<i32>} : memref<9088xi32, #tpu.memory_space<vmem>>, vector<16xi32>,
      %get3A_475 = arith.constant 1 : i32
      %get3A_476 = arith.index_cast %get3A_475 : i32 to index
      %get3A_477 = arith.index_cast %multiple_of3A_465 : i32 to index
      %get3A_478 = tpu.vector_load %arg8[%get3A_476, %get3A_477] {strides = array<i32>} : memref<2x9088xi32, #tpu.memory_space<vmem>>, vector<1x16xi32>,
      %get3A_479 = vector.shape_cast %get3A_478 : vector<1x16xi32> to vector<16xi32>
      %swap3A_480 = arith.index_cast %multiple_of3A_465 : i32 to index
      %swap3A_481 = tpu.vector_load %arg12[%swap3A_480] {strides = array<i32>} : memref<9088xi32, #tpu.memory_space<vmem>>, vector<16xi32>,
      %swap3A_482 = vector.shape_cast %swap3A_481 : vector<16xi32> to vector<16xi32>
      %swap3A_483 = vector.shape_cast %get3A_479 : vector<16xi32> to vector<16xi32>
      tpu.vector_store %arg12[%swap3A_480], %swap3A_483 {strides = array<i32>} : memref<9088xi32, #tpu.memory_space<vmem>>, vector<16xi32>,
      %mul3A_484 = arith.constant 128 : i32
      %mul3A_485 = arith.muli %scan3A_347, %mul3A_484 : i32
      %add3A_486 = arith.constant 96 : i32
      %add3A_487 = arith.addi %mul3A_485, %add3A_486 : i32
      %multiple_of3A_488 = tpu.assume_multiple %add3A_487, 16 : i32
      %get3A_489 = arith.constant 0 : i32
      %get3A_490 = arith.index_cast %get3A_489 : i32 to index
      %get3A_491 = arith.index_cast %multiple_of3A_488 : i32 to index
      %get3A_492 = tpu.vector_load %arg8[%get3A_490, %get3A_491] {strides = array<i32>} : memref<2x9088xi32, #tpu.memory_space<vmem>>, vector<1x16xi32>,
      %get3A_493 = vector.shape_cast %get3A_492 : vector<1x16xi32> to vector<16xi32>
      %swap3A_494 = arith.index_cast %multiple_of3A_488 : i32 to index
      %swap3A_495 = tpu.vector_load %arg10[%swap3A_494] {strides = array<i32>} : memref<9088xi32, #tpu.memory_space<vmem>>, vector<16xi32>,
      %swap3A_496 = vector.shape_cast %swap3A_495 : vector<16xi32> to vector<16xi32>
      %swap3A_497 = vector.shape_cast %get3A_493 : vector<16xi32> to vector<16xi32>
      tpu.vector_store %arg10[%swap3A_494], %swap3A_497 {strides = array<i32>} : memref<9088xi32, #tpu.memory_space<vmem>>, vector<16xi32>,
      %get3A_498 = arith.constant 1 : i32
      %get3A_499 = arith.index_cast %get3A_498 : i32 to index
      %get3A_500 = arith.index_cast %multiple_of3A_488 : i32 to index
      %get3A_501 = tpu.vector_load %arg8[%get3A_499, %get3A_500] {strides = array<i32>} : memref<2x9088xi32, #tpu.memory_space<vmem>>, vector<1x16xi32>,
      %get3A_502 = vector.shape_cast %get3A_501 : vector<1x16xi32> to vector<16xi32>
      %swap3A_503 = arith.index_cast %multiple_of3A_488 : i32 to index
      %swap3A_504 = tpu.vector_load %arg12[%swap3A_503] {strides = array<i32>} : memref<9088xi32, #tpu.memory_space<vmem>>, vector<16xi32>,
      %swap3A_505 = vector.shape_cast %swap3A_504 : vector<16xi32> to vector<16xi32>
      %swap3A_506 = vector.shape_cast %get3A_502 : vector<16xi32> to vector<16xi32>
      tpu.vector_store %arg12[%swap3A_503], %swap3A_506 {strides = array<i32>} : memref<9088xi32, #tpu.memory_space<vmem>>, vector<16xi32>,
      %mul3A_507 = arith.constant 128 : i32
      %mul3A_508 = arith.muli %scan3A_347, %mul3A_507 : i32
      %add3A_509 = arith.constant 112 : i32
      %add3A_510 = arith.addi %mul3A_508, %add3A_509 : i32
      %multiple_of3A_511 = tpu.assume_multiple %add3A_510, 16 : i32
      %get3A_512 = arith.constant 0 : i32
      %get3A_513 = arith.index_cast %get3A_512 : i32 to index
      %get3A_514 = arith.index_cast %multiple_of3A_511 : i32 to index
      %get3A_515 = tpu.vector_load %arg8[%get3A_513, %get3A_514] {strides = array<i32>} : memref<2x9088xi32, #tpu.memory_space<vmem>>, vector<1x16xi32>,
      %get3A_516 = vector.shape_cast %get3A_515 : vector<1x16xi32> to vector<16xi32>
      %swap3A_517 = arith.index_cast %multiple_of3A_511 : i32 to index
      %swap3A_518 = tpu.vector_load %arg10[%swap3A_517] {strides = array<i32>} : memref<9088xi32, #tpu.memory_space<vmem>>, vector<16xi32>,
      %swap3A_519 = vector.shape_cast %swap3A_518 : vector<16xi32> to vector<16xi32>
      %swap3A_520 = vector.shape_cast %get3A_516 : vector<16xi32> to vector<16xi32>
      tpu.vector_store %arg10[%swap3A_517], %swap3A_520 {strides = array<i32>} : memref<9088xi32, #tpu.memory_space<vmem>>, vector<16xi32>,
      %get3A_521 = arith.constant 1 : i32
      %get3A_522 = arith.index_cast %get3A_521 : i32 to index
      %get3A_523 = arith.index_cast %multiple_of3A_511 : i32 to index
      %get3A_524 = tpu.vector_load %arg8[%get3A_522, %get3A_523] {strides = array<i32>} : memref<2x9088xi32, #tpu.memory_space<vmem>>, vector<1x16xi32>,
      %get3A_525 = vector.shape_cast %get3A_524 : vector<1x16xi32> to vector<16xi32>
      %swap3A_526 = arith.index_cast %multiple_of3A_511 : i32 to index
      %swap3A_527 = tpu.vector_load %arg12[%swap3A_526] {strides = array<i32>} : memref<9088xi32, #tpu.memory_space<vmem>>, vector<16xi32>,
      %swap3A_528 = vector.shape_cast %swap3A_527 : vector<16xi32> to vector<16xi32>
      %swap3A_529 = vector.shape_cast %get3A_525 : vector<16xi32> to vector<16xi32>
      tpu.vector_store %arg12[%swap3A_526], %swap3A_529 {strides = array<i32>} : memref<9088xi32, #tpu.memory_space<vmem>>, vector<16xi32>,
      %scan3A_530 = arith.constant 0 : i32
      scf.yield %scan3A_530 : i32
    }
    %scan3A_208 = arith.constant 71 : i32
    %dma_start3A_209 = arith.constant 0 : i32
    %dma_start3A_210 = tpu.memref_slice %arg21[%dma_start3A_209] : memref<100352xf32, #tpu.memory_space<vmem_shared>> -> memref<100352xf32, #tpu.memory_space<vmem_shared>>
    tpu.enqueue_indirect_dma source(%dma_start3A_210 : memref<100352xf32, #tpu.memory_space<vmem_shared>>) target(%arg14 : memref<9088xf32, #tpu.memory_space<vmem>>) offsets(%arg10 : memref<9088xi32, #tpu.memory_space<vmem>>) semaphore(%arg26 : memref<!tpu.dma_semaphore, #tpu.memory_space<semaphore_mem>>)
    %dma_wait3A_211 = arith.constant 0 : i32
    %dma_wait3A_212 = tpu.memref_slice %arg21[%dma_wait3A_211] : memref<100352xf32, #tpu.memory_space<vmem_shared>> -> memref<100352xf32, #tpu.memory_space<vmem_shared>>
    tpu.wait_indirect_dma semaphore(%arg26 : memref<!tpu.dma_semaphore, #tpu.memory_space<semaphore_mem>>) src(%dma_wait3A_212 : memref<100352xf32, #tpu.memory_space<vmem_shared>>) dst(%arg14 : memref<9088xf32, #tpu.memory_space<vmem>>)
    %dma_start3A_213 = arith.constant 0 : i32
    %dma_start3A_214 = tpu.memref_slice %arg22[%dma_start3A_213] : memref<100352xf32, #tpu.memory_space<vmem_shared>> -> memref<100352xf32, #tpu.memory_space<vmem_shared>>
    tpu.enqueue_indirect_dma source(%arg14 : memref<9088xf32, #tpu.memory_space<vmem>>) target(%dma_start3A_214 : memref<100352xf32, #tpu.memory_space<vmem_shared>>) offsets(%arg12 : memref<9088xi32, #tpu.memory_space<vmem>>) semaphore(%arg27 : memref<!tpu.dma_semaphore, #tpu.memory_space<semaphore_mem>>) {add = true}
    %dma_start3A_215 = arith.constant 0 : i32
    %dma_start3A_216 = tpu.memref_slice %arg23[%dma_start3A_215] : memref<100352xf32, #tpu.memory_space<vmem_shared>> -> memref<100352xf32, #tpu.memory_space<vmem_shared>>
    tpu.enqueue_indirect_dma source(%arg16 : memref<9088xf32, #tpu.memory_space<vmem>>) target(%dma_start3A_216 : memref<100352xf32, #tpu.memory_space<vmem_shared>>) offsets(%arg12 : memref<9088xi32, #tpu.memory_space<vmem>>) semaphore(%arg28 : memref<!tpu.dma_semaphore, #tpu.memory_space<semaphore_mem>>) {add = true}
    %dma_wait3A_217 = arith.constant 0 : i32
    %dma_wait3A_218 = tpu.memref_slice %arg2[%dma_wait3A_217, %add3A_193] : memref<2x3200000xi32, #tpu.memory_space<hbm>> -> memref<2x9088xi32, #tpu.memory_space<hbm>>
    %dma_wait3A_219 = arith.constant 0 : i32
    %dma_wait3A_220 = tpu.memref_slice %arg2[%dma_wait3A_219, %add3A_193] : memref<2x3200000xi32, #tpu.memory_space<hbm>> -> memref<2x9088xi32, #tpu.memory_space<hbm>>
    tpu.wait_dma2 semaphore(%arg25 : memref<!tpu.dma_semaphore, #tpu.memory_space<semaphore_mem>>) src(%dma_wait3A_220 : memref<2x9088xi32, #tpu.memory_space<hbm>>) dst(%arg9 : memref<2x9088xi32, #tpu.memory_space<vmem>>)
    %mul3A_221 = arith.constant 99968 : i32
    %mul3A_222 = arith.muli %add3A, %mul3A_221 : i32
    %add3A_223 = arith.constant 72704 : i32
    %add3A_224 = arith.addi %mul3A_222, %add3A_223 : i32
    %dma_start3A_225 = arith.constant 0 : i32
    %dma_start3A_226 = tpu.memref_slice %arg2[%dma_start3A_225, %add3A_224] : memref<2x3200000xi32, #tpu.memory_space<hbm>> -> memref<2x9088xi32, #tpu.memory_space<hbm>>
    %dma_start3A_227 = arith.constant 0 : i32
    %dma_start3A_228 = tpu.memref_slice %arg2[%dma_start3A_227, %add3A_224] : memref<2x3200000xi32, #tpu.memory_space<hbm>> -> memref<2x9088xi32, #tpu.memory_space<hbm>>
    tpu.enqueue_dma source(%dma_start3A_228 : memref<2x9088xi32, #tpu.memory_space<hbm>>) target(%arg8 : memref<2x9088xi32, #tpu.memory_space<vmem>>) target_semaphore(%arg24 : memref<!tpu.dma_semaphore, #tpu.memory_space<semaphore_mem>>)
    %dma_wait3A_229 = arith.constant 0 : i32
    %dma_wait3A_230 = tpu.memref_slice %arg22[%dma_wait3A_229] : memref<100352xf32, #tpu.memory_space<vmem_shared>> -> memref<100352xf32, #tpu.memory_space<vmem_shared>>
    tpu.wait_indirect_dma semaphore(%arg27 : memref<!tpu.dma_semaphore, #tpu.memory_space<semaphore_mem>>) src(%arg15 : memref<9088xf32, #tpu.memory_space<vmem>>) dst(%dma_wait3A_230 : memref<100352xf32, #tpu.memory_space<vmem_shared>>)
    %dma_wait3A_231 = arith.constant 0 : i32
    %dma_wait3A_232 = tpu.memref_slice %arg23[%dma_wait3A_231] : memref<100352xf32, #tpu.memory_space<vmem_shared>> -> memref<100352xf32, #tpu.memory_space<vmem_shared>>
    tpu.wait_indirect_dma semaphore(%arg28 : memref<!tpu.dma_semaphore, #tpu.memory_space<semaphore_mem>>) src(%arg16 : memref<9088xf32, #tpu.memory_space<vmem>>) dst(%dma_wait3A_232 : memref<100352xf32, #tpu.memory_space<vmem_shared>>)
    %scan3A_233 = arith.constant 0 : i32
    %scan3A_234 = arith.constant 0 : i32
    %scan3A_235 = arith.constant 71 : i32
    %scan3A_236 = arith.addi %scan3A_234, %scan3A_235 : i32
    %scan3A_237 = arith.constant 1 : i32
    %scan3A_238 = scf.for %scan3A_347 = %scan3A_234 to %scan3A_236 step %scan3A_237 iter_args(%scan3A_348 = %scan3A_233) -> (i32)  : i32 {
      %mul3A_349 = arith.constant 128 : i32
      %mul3A_350 = arith.muli %scan3A_347, %mul3A_349 : i32
      %add3A_351 = arith.constant 0 : i32
      %add3A_352 = arith.addi %mul3A_350, %add3A_351 : i32
      %multiple_of3A = tpu.assume_multiple %add3A_352, 16 : i32
      %get3A = arith.constant 0 : i32
      %get3A_353 = arith.index_cast %get3A : i32 to index
      %get3A_354 = arith.index_cast %multiple_of3A : i32 to index
      %get3A_355 = tpu.vector_load %arg9[%get3A_353, %get3A_354] {strides = array<i32>} : memref<2x9088xi32, #tpu.memory_space<vmem>>, vector<1x16xi32>,
      %get3A_356 = vector.shape_cast %get3A_355 : vector<1x16xi32> to vector<16xi32>
      %swap3A = arith.index_cast %multiple_of3A : i32 to index
      %swap3A_357 = tpu.vector_load %arg11[%swap3A] {strides = array<i32>} : memref<9088xi32, #tpu.memory_space<vmem>>, vector<16xi32>,
      %swap3A_358 = vector.shape_cast %swap3A_357 : vector<16xi32> to vector<16xi32>
      %swap3A_359 = vector.shape_cast %get3A_356 : vector<16xi32> to vector<16xi32>
      tpu.vector_store %arg11[%swap3A], %swap3A_359 {strides = array<i32>} : memref<9088xi32, #tpu.memory_space<vmem>>, vector<16xi32>,
      %get3A_360 = arith.constant 1 : i32
      %get3A_361 = arith.index_cast %get3A_360 : i32 to index
      %get3A_362 = arith.index_cast %multiple_of3A : i32 to index
      %get3A_363 = tpu.vector_load %arg9[%get3A_361, %get3A_362] {strides = array<i32>} : memref<2x9088xi32, #tpu.memory_space<vmem>>, vector<1x16xi32>,
      %get3A_364 = vector.shape_cast %get3A_363 : vector<1x16xi32> to vector<16xi32>
      %swap3A_365 = arith.index_cast %multiple_of3A : i32 to index
      %swap3A_366 = tpu.vector_load %arg13[%swap3A_365] {strides = array<i32>} : memref<9088xi32, #tpu.memory_space<vmem>>, vector<16xi32>,
      %swap3A_367 = vector.shape_cast %swap3A_366 : vector<16xi32> to vector<16xi32>
      %swap3A_368 = vector.shape_cast %get3A_364 : vector<16xi32> to vector<16xi32>
      tpu.vector_store %arg13[%swap3A_365], %swap3A_368 {strides = array<i32>} : memref<9088xi32, #tpu.memory_space<vmem>>, vector<16xi32>,
      %mul3A_369 = arith.constant 128 : i32
      %mul3A_370 = arith.muli %scan3A_347, %mul3A_369 : i32
      %add3A_371 = arith.constant 16 : i32
      %add3A_372 = arith.addi %mul3A_370, %add3A_371 : i32
      %multiple_of3A_373 = tpu.assume_multiple %add3A_372, 16 : i32
      %get3A_374 = arith.constant 0 : i32
      %get3A_375 = arith.index_cast %get3A_374 : i32 to index
      %get3A_376 = arith.index_cast %multiple_of3A_373 : i32 to index
      %get3A_377 = tpu.vector_load %arg9[%get3A_375, %get3A_376] {strides = array<i32>} : memref<2x9088xi32, #tpu.memory_space<vmem>>, vector<1x16xi32>,
      %get3A_378 = vector.shape_cast %get3A_377 : vector<1x16xi32> to vector<16xi32>
      %swap3A_379 = arith.index_cast %multiple_of3A_373 : i32 to index
      %swap3A_380 = tpu.vector_load %arg11[%swap3A_379] {strides = array<i32>} : memref<9088xi32, #tpu.memory_space<vmem>>, vector<16xi32>,
      %swap3A_381 = vector.shape_cast %swap3A_380 : vector<16xi32> to vector<16xi32>
      %swap3A_382 = vector.shape_cast %get3A_378 : vector<16xi32> to vector<16xi32>
      tpu.vector_store %arg11[%swap3A_379], %swap3A_382 {strides = array<i32>} : memref<9088xi32, #tpu.memory_space<vmem>>, vector<16xi32>,
      %get3A_383 = arith.constant 1 : i32
      %get3A_384 = arith.index_cast %get3A_383 : i32 to index
      %get3A_385 = arith.index_cast %multiple_of3A_373 : i32 to index
      %get3A_386 = tpu.vector_load %arg9[%get3A_384, %get3A_385] {strides = array<i32>} : memref<2x9088xi32, #tpu.memory_space<vmem>>, vector<1x16xi32>,
      %get3A_387 = vector.shape_cast %get3A_386 : vector<1x16xi32> to vector<16xi32>
      %swap3A_388 = arith.index_cast %multiple_of3A_373 : i32 to index
      %swap3A_389 = tpu.vector_load %arg13[%swap3A_388] {strides = array<i32>} : memref<9088xi32, #tpu.memory_space<vmem>>, vector<16xi32>,
      %swap3A_390 = vector.shape_cast %swap3A_389 : vector<16xi32> to vector<16xi32>
      %swap3A_391 = vector.shape_cast %get3A_387 : vector<16xi32> to vector<16xi32>
      tpu.vector_store %arg13[%swap3A_388], %swap3A_391 {strides = array<i32>} : memref<9088xi32, #tpu.memory_space<vmem>>, vector<16xi32>,
      %mul3A_392 = arith.constant 128 : i32
      %mul3A_393 = arith.muli %scan3A_347, %mul3A_392 : i32
      %add3A_394 = arith.constant 32 : i32
      %add3A_395 = arith.addi %mul3A_393, %add3A_394 : i32
      %multiple_of3A_396 = tpu.assume_multiple %add3A_395, 16 : i32
      %get3A_397 = arith.constant 0 : i32
      %get3A_398 = arith.index_cast %get3A_397 : i32 to index
      %get3A_399 = arith.index_cast %multiple_of3A_396 : i32 to index
      %get3A_400 = tpu.vector_load %arg9[%get3A_398, %get3A_399] {strides = array<i32>} : memref<2x9088xi32, #tpu.memory_space<vmem>>, vector<1x16xi32>,
      %get3A_401 = vector.shape_cast %get3A_400 : vector<1x16xi32> to vector<16xi32>
      %swap3A_402 = arith.index_cast %multiple_of3A_396 : i32 to index
      %swap3A_403 = tpu.vector_load %arg11[%swap3A_402] {strides = array<i32>} : memref<9088xi32, #tpu.memory_space<vmem>>, vector<16xi32>,
      %swap3A_404 = vector.shape_cast %swap3A_403 : vector<16xi32> to vector<16xi32>
      %swap3A_405 = vector.shape_cast %get3A_401 : vector<16xi32> to vector<16xi32>
      tpu.vector_store %arg11[%swap3A_402], %swap3A_405 {strides = array<i32>} : memref<9088xi32, #tpu.memory_space<vmem>>, vector<16xi32>,
      %get3A_406 = arith.constant 1 : i32
      %get3A_407 = arith.index_cast %get3A_406 : i32 to index
      %get3A_408 = arith.index_cast %multiple_of3A_396 : i32 to index
      %get3A_409 = tpu.vector_load %arg9[%get3A_407, %get3A_408] {strides = array<i32>} : memref<2x9088xi32, #tpu.memory_space<vmem>>, vector<1x16xi32>,
      %get3A_410 = vector.shape_cast %get3A_409 : vector<1x16xi32> to vector<16xi32>
      %swap3A_411 = arith.index_cast %multiple_of3A_396 : i32 to index
      %swap3A_412 = tpu.vector_load %arg13[%swap3A_411] {strides = array<i32>} : memref<9088xi32, #tpu.memory_space<vmem>>, vector<16xi32>,
      %swap3A_413 = vector.shape_cast %swap3A_412 : vector<16xi32> to vector<16xi32>
      %swap3A_414 = vector.shape_cast %get3A_410 : vector<16xi32> to vector<16xi32>
      tpu.vector_store %arg13[%swap3A_411], %swap3A_414 {strides = array<i32>} : memref<9088xi32, #tpu.memory_space<vmem>>, vector<16xi32>,
      %mul3A_415 = arith.constant 128 : i32
      %mul3A_416 = arith.muli %scan3A_347, %mul3A_415 : i32
      %add3A_417 = arith.constant 48 : i32
      %add3A_418 = arith.addi %mul3A_416, %add3A_417 : i32
      %multiple_of3A_419 = tpu.assume_multiple %add3A_418, 16 : i32
      %get3A_420 = arith.constant 0 : i32
      %get3A_421 = arith.index_cast %get3A_420 : i32 to index
      %get3A_422 = arith.index_cast %multiple_of3A_419 : i32 to index
      %get3A_423 = tpu.vector_load %arg9[%get3A_421, %get3A_422] {strides = array<i32>} : memref<2x9088xi32, #tpu.memory_space<vmem>>, vector<1x16xi32>,
      %get3A_424 = vector.shape_cast %get3A_423 : vector<1x16xi32> to vector<16xi32>
      %swap3A_425 = arith.index_cast %multiple_of3A_419 : i32 to index
      %swap3A_426 = tpu.vector_load %arg11[%swap3A_425] {strides = array<i32>} : memref<9088xi32, #tpu.memory_space<vmem>>, vector<16xi32>,
      %swap3A_427 = vector.shape_cast %swap3A_426 : vector<16xi32> to vector<16xi32>
      %swap3A_428 = vector.shape_cast %get3A_424 : vector<16xi32> to vector<16xi32>
      tpu.vector_store %arg11[%swap3A_425], %swap3A_428 {strides = array<i32>} : memref<9088xi32, #tpu.memory_space<vmem>>, vector<16xi32>,
      %get3A_429 = arith.constant 1 : i32
      %get3A_430 = arith.index_cast %get3A_429 : i32 to index
      %get3A_431 = arith.index_cast %multiple_of3A_419 : i32 to index
      %get3A_432 = tpu.vector_load %arg9[%get3A_430, %get3A_431] {strides = array<i32>} : memref<2x9088xi32, #tpu.memory_space<vmem>>, vector<1x16xi32>,
      %get3A_433 = vector.shape_cast %get3A_432 : vector<1x16xi32> to vector<16xi32>
      %swap3A_434 = arith.index_cast %multiple_of3A_419 : i32 to index
      %swap3A_435 = tpu.vector_load %arg13[%swap3A_434] {strides = array<i32>} : memref<9088xi32, #tpu.memory_space<vmem>>, vector<16xi32>,
      %swap3A_436 = vector.shape_cast %swap3A_435 : vector<16xi32> to vector<16xi32>
      %swap3A_437 = vector.shape_cast %get3A_433 : vector<16xi32> to vector<16xi32>
      tpu.vector_store %arg13[%swap3A_434], %swap3A_437 {strides = array<i32>} : memref<9088xi32, #tpu.memory_space<vmem>>, vector<16xi32>,
      %mul3A_438 = arith.constant 128 : i32
      %mul3A_439 = arith.muli %scan3A_347, %mul3A_438 : i32
      %add3A_440 = arith.constant 64 : i32
      %add3A_441 = arith.addi %mul3A_439, %add3A_440 : i32
      %multiple_of3A_442 = tpu.assume_multiple %add3A_441, 16 : i32
      %get3A_443 = arith.constant 0 : i32
      %get3A_444 = arith.index_cast %get3A_443 : i32 to index
      %get3A_445 = arith.index_cast %multiple_of3A_442 : i32 to index
      %get3A_446 = tpu.vector_load %arg9[%get3A_444, %get3A_445] {strides = array<i32>} : memref<2x9088xi32, #tpu.memory_space<vmem>>, vector<1x16xi32>,
      %get3A_447 = vector.shape_cast %get3A_446 : vector<1x16xi32> to vector<16xi32>
      %swap3A_448 = arith.index_cast %multiple_of3A_442 : i32 to index
      %swap3A_449 = tpu.vector_load %arg11[%swap3A_448] {strides = array<i32>} : memref<9088xi32, #tpu.memory_space<vmem>>, vector<16xi32>,
      %swap3A_450 = vector.shape_cast %swap3A_449 : vector<16xi32> to vector<16xi32>
      %swap3A_451 = vector.shape_cast %get3A_447 : vector<16xi32> to vector<16xi32>
      tpu.vector_store %arg11[%swap3A_448], %swap3A_451 {strides = array<i32>} : memref<9088xi32, #tpu.memory_space<vmem>>, vector<16xi32>,
      %get3A_452 = arith.constant 1 : i32
      %get3A_453 = arith.index_cast %get3A_452 : i32 to index
      %get3A_454 = arith.index_cast %multiple_of3A_442 : i32 to index
      %get3A_455 = tpu.vector_load %arg9[%get3A_453, %get3A_454] {strides = array<i32>} : memref<2x9088xi32, #tpu.memory_space<vmem>>, vector<1x16xi32>,
      %get3A_456 = vector.shape_cast %get3A_455 : vector<1x16xi32> to vector<16xi32>
      %swap3A_457 = arith.index_cast %multiple_of3A_442 : i32 to index
      %swap3A_458 = tpu.vector_load %arg13[%swap3A_457] {strides = array<i32>} : memref<9088xi32, #tpu.memory_space<vmem>>, vector<16xi32>,
      %swap3A_459 = vector.shape_cast %swap3A_458 : vector<16xi32> to vector<16xi32>
      %swap3A_460 = vector.shape_cast %get3A_456 : vector<16xi32> to vector<16xi32>
      tpu.vector_store %arg13[%swap3A_457], %swap3A_460 {strides = array<i32>} : memref<9088xi32, #tpu.memory_space<vmem>>, vector<16xi32>,
      %mul3A_461 = arith.constant 128 : i32
      %mul3A_462 = arith.muli %scan3A_347, %mul3A_461 : i32
      %add3A_463 = arith.constant 80 : i32
      %add3A_464 = arith.addi %mul3A_462, %add3A_463 : i32
      %multiple_of3A_465 = tpu.assume_multiple %add3A_464, 16 : i32
      %get3A_466 = arith.constant 0 : i32
      %get3A_467 = arith.index_cast %get3A_466 : i32 to index
      %get3A_468 = arith.index_cast %multiple_of3A_465 : i32 to index
      %get3A_469 = tpu.vector_load %arg9[%get3A_467, %get3A_468] {strides = array<i32>} : memref<2x9088xi32, #tpu.memory_space<vmem>>, vector<1x16xi32>,
      %get3A_470 = vector.shape_cast %get3A_469 : vector<1x16xi32> to vector<16xi32>
      %swap3A_471 = arith.index_cast %multiple_of3A_465 : i32 to index
      %swap3A_472 = tpu.vector_load %arg11[%swap3A_471] {strides = array<i32>} : memref<9088xi32, #tpu.memory_space<vmem>>, vector<16xi32>,
      %swap3A_473 = vector.shape_cast %swap3A_472 : vector<16xi32> to vector<16xi32>
      %swap3A_474 = vector.shape_cast %get3A_470 : vector<16xi32> to vector<16xi32>
      tpu.vector_store %arg11[%swap3A_471], %swap3A_474 {strides = array<i32>} : memref<9088xi32, #tpu.memory_space<vmem>>, vector<16xi32>,
      %get3A_475 = arith.constant 1 : i32
      %get3A_476 = arith.index_cast %get3A_475 : i32 to index
      %get3A_477 = arith.index_cast %multiple_of3A_465 : i32 to index
      %get3A_478 = tpu.vector_load %arg9[%get3A_476, %get3A_477] {strides = array<i32>} : memref<2x9088xi32, #tpu.memory_space<vmem>>, vector<1x16xi32>,
      %get3A_479 = vector.shape_cast %get3A_478 : vector<1x16xi32> to vector<16xi32>
      %swap3A_480 = arith.index_cast %multiple_of3A_465 : i32 to index
      %swap3A_481 = tpu.vector_load %arg13[%swap3A_480] {strides = array<i32>} : memref<9088xi32, #tpu.memory_space<vmem>>, vector<16xi32>,
      %swap3A_482 = vector.shape_cast %swap3A_481 : vector<16xi32> to vector<16xi32>
      %swap3A_483 = vector.shape_cast %get3A_479 : vector<16xi32> to vector<16xi32>
      tpu.vector_store %arg13[%swap3A_480], %swap3A_483 {strides = array<i32>} : memref<9088xi32, #tpu.memory_space<vmem>>, vector<16xi32>,
      %mul3A_484 = arith.constant 128 : i32
      %mul3A_485 = arith.muli %scan3A_347, %mul3A_484 : i32
      %add3A_486 = arith.constant 96 : i32
      %add3A_487 = arith.addi %mul3A_485, %add3A_486 : i32
      %multiple_of3A_488 = tpu.assume_multiple %add3A_487, 16 : i32
      %get3A_489 = arith.constant 0 : i32
      %get3A_490 = arith.index_cast %get3A_489 : i32 to index
      %get3A_491 = arith.index_cast %multiple_of3A_488 : i32 to index
      %get3A_492 = tpu.vector_load %arg9[%get3A_490, %get3A_491] {strides = array<i32>} : memref<2x9088xi32, #tpu.memory_space<vmem>>, vector<1x16xi32>,
      %get3A_493 = vector.shape_cast %get3A_492 : vector<1x16xi32> to vector<16xi32>
      %swap3A_494 = arith.index_cast %multiple_of3A_488 : i32 to index
      %swap3A_495 = tpu.vector_load %arg11[%swap3A_494] {strides = array<i32>} : memref<9088xi32, #tpu.memory_space<vmem>>, vector<16xi32>,
      %swap3A_496 = vector.shape_cast %swap3A_495 : vector<16xi32> to vector<16xi32>
      %swap3A_497 = vector.shape_cast %get3A_493 : vector<16xi32> to vector<16xi32>
      tpu.vector_store %arg11[%swap3A_494], %swap3A_497 {strides = array<i32>} : memref<9088xi32, #tpu.memory_space<vmem>>, vector<16xi32>,
      %get3A_498 = arith.constant 1 : i32
      %get3A_499 = arith.index_cast %get3A_498 : i32 to index
      %get3A_500 = arith.index_cast %multiple_of3A_488 : i32 to index
      %get3A_501 = tpu.vector_load %arg9[%get3A_499, %get3A_500] {strides = array<i32>} : memref<2x9088xi32, #tpu.memory_space<vmem>>, vector<1x16xi32>,
      %get3A_502 = vector.shape_cast %get3A_501 : vector<1x16xi32> to vector<16xi32>
      %swap3A_503 = arith.index_cast %multiple_of3A_488 : i32 to index
      %swap3A_504 = tpu.vector_load %arg13[%swap3A_503] {strides = array<i32>} : memref<9088xi32, #tpu.memory_space<vmem>>, vector<16xi32>,
      %swap3A_505 = vector.shape_cast %swap3A_504 : vector<16xi32> to vector<16xi32>
      %swap3A_506 = vector.shape_cast %get3A_502 : vector<16xi32> to vector<16xi32>
      tpu.vector_store %arg13[%swap3A_503], %swap3A_506 {strides = array<i32>} : memref<9088xi32, #tpu.memory_space<vmem>>, vector<16xi32>,
      %mul3A_507 = arith.constant 128 : i32
      %mul3A_508 = arith.muli %scan3A_347, %mul3A_507 : i32
      %add3A_509 = arith.constant 112 : i32
      %add3A_510 = arith.addi %mul3A_508, %add3A_509 : i32
      %multiple_of3A_511 = tpu.assume_multiple %add3A_510, 16 : i32
      %get3A_512 = arith.constant 0 : i32
      %get3A_513 = arith.index_cast %get3A_512 : i32 to index
      %get3A_514 = arith.index_cast %multiple_of3A_511 : i32 to index
      %get3A_515 = tpu.vector_load %arg9[%get3A_513, %get3A_514] {strides = array<i32>} : memref<2x9088xi32, #tpu.memory_space<vmem>>, vector<1x16xi32>,
      %get3A_516 = vector.shape_cast %get3A_515 : vector<1x16xi32> to vector<16xi32>
      %swap3A_517 = arith.index_cast %multiple_of3A_511 : i32 to index
      %swap3A_518 = tpu.vector_load %arg11[%swap3A_517] {strides = array<i32>} : memref<9088xi32, #tpu.memory_space<vmem>>, vector<16xi32>,
      %swap3A_519 = vector.shape_cast %swap3A_518 : vector<16xi32> to vector<16xi32>
      %swap3A_520 = vector.shape_cast %get3A_516 : vector<16xi32> to vector<16xi32>
      tpu.vector_store %arg11[%swap3A_517], %swap3A_520 {strides = array<i32>} : memref<9088xi32, #tpu.memory_space<vmem>>, vector<16xi32>,
      %get3A_521 = arith.constant 1 : i32
      %get3A_522 = arith.index_cast %get3A_521 : i32 to index
      %get3A_523 = arith.index_cast %multiple_of3A_511 : i32 to index
      %get3A_524 = tpu.vector_load %arg9[%get3A_522, %get3A_523] {strides = array<i32>} : memref<2x9088xi32, #tpu.memory_space<vmem>>, vector<1x16xi32>,
      %get3A_525 = vector.shape_cast %get3A_524 : vector<1x16xi32> to vector<16xi32>
      %swap3A_526 = arith.index_cast %multiple_of3A_511 : i32 to index
      %swap3A_527 = tpu.vector_load %arg13[%swap3A_526] {strides = array<i32>} : memref<9088xi32, #tpu.memory_space<vmem>>, vector<16xi32>,
      %swap3A_528 = vector.shape_cast %swap3A_527 : vector<16xi32> to vector<16xi32>
      %swap3A_529 = vector.shape_cast %get3A_525 : vector<16xi32> to vector<16xi32>
      tpu.vector_store %arg13[%swap3A_526], %swap3A_529 {strides = array<i32>} : memref<9088xi32, #tpu.memory_space<vmem>>, vector<16xi32>,
      %scan3A_530 = arith.constant 0 : i32
      scf.yield %scan3A_530 : i32
    }
    %scan3A_239 = arith.constant 71 : i32
    %dma_start3A_240 = arith.constant 0 : i32
    %dma_start3A_241 = tpu.memref_slice %arg21[%dma_start3A_240] : memref<100352xf32, #tpu.memory_space<vmem_shared>> -> memref<100352xf32, #tpu.memory_space<vmem_shared>>
    tpu.enqueue_indirect_dma source(%dma_start3A_241 : memref<100352xf32, #tpu.memory_space<vmem_shared>>) target(%arg15 : memref<9088xf32, #tpu.memory_space<vmem>>) offsets(%arg11 : memref<9088xi32, #tpu.memory_space<vmem>>) semaphore(%arg26 : memref<!tpu.dma_semaphore, #tpu.memory_space<semaphore_mem>>)
    %dma_wait3A_242 = arith.constant 0 : i32
    %dma_wait3A_243 = tpu.memref_slice %arg21[%dma_wait3A_242] : memref<100352xf32, #tpu.memory_space<vmem_shared>> -> memref<100352xf32, #tpu.memory_space<vmem_shared>>
    tpu.wait_indirect_dma semaphore(%arg26 : memref<!tpu.dma_semaphore, #tpu.memory_space<semaphore_mem>>) src(%dma_wait3A_243 : memref<100352xf32, #tpu.memory_space<vmem_shared>>) dst(%arg15 : memref<9088xf32, #tpu.memory_space<vmem>>)
    %dma_start3A_244 = arith.constant 0 : i32
    %dma_start3A_245 = tpu.memref_slice %arg22[%dma_start3A_244] : memref<100352xf32, #tpu.memory_space<vmem_shared>> -> memref<100352xf32, #tpu.memory_space<vmem_shared>>
    tpu.enqueue_indirect_dma source(%arg15 : memref<9088xf32, #tpu.memory_space<vmem>>) target(%dma_start3A_245 : memref<100352xf32, #tpu.memory_space<vmem_shared>>) offsets(%arg13 : memref<9088xi32, #tpu.memory_space<vmem>>) semaphore(%arg27 : memref<!tpu.dma_semaphore, #tpu.memory_space<semaphore_mem>>) {add = true}
    %dma_start3A_246 = arith.constant 0 : i32
    %dma_start3A_247 = tpu.memref_slice %arg23[%dma_start3A_246] : memref<100352xf32, #tpu.memory_space<vmem_shared>> -> memref<100352xf32, #tpu.memory_space<vmem_shared>>
    tpu.enqueue_indirect_dma source(%arg16 : memref<9088xf32, #tpu.memory_space<vmem>>) target(%dma_start3A_247 : memref<100352xf32, #tpu.memory_space<vmem_shared>>) offsets(%arg13 : memref<9088xi32, #tpu.memory_space<vmem>>) semaphore(%arg28 : memref<!tpu.dma_semaphore, #tpu.memory_space<semaphore_mem>>) {add = true}
    %dma_wait3A_248 = arith.constant 0 : i32
    %dma_wait3A_249 = tpu.memref_slice %arg2[%dma_wait3A_248, %add3A_224] : memref<2x3200000xi32, #tpu.memory_space<hbm>> -> memref<2x9088xi32, #tpu.memory_space<hbm>>
    %dma_wait3A_250 = arith.constant 0 : i32
    %dma_wait3A_251 = tpu.memref_slice %arg2[%dma_wait3A_250, %add3A_224] : memref<2x3200000xi32, #tpu.memory_space<hbm>> -> memref<2x9088xi32, #tpu.memory_space<hbm>>
    tpu.wait_dma2 semaphore(%arg24 : memref<!tpu.dma_semaphore, #tpu.memory_space<semaphore_mem>>) src(%dma_wait3A_251 : memref<2x9088xi32, #tpu.memory_space<hbm>>) dst(%arg8 : memref<2x9088xi32, #tpu.memory_space<vmem>>)
    %mul3A_252 = arith.constant 99968 : i32
    %mul3A_253 = arith.muli %add3A, %mul3A_252 : i32
    %add3A_254 = arith.constant 81792 : i32
    %add3A_255 = arith.addi %mul3A_253, %add3A_254 : i32
    %dma_start3A_256 = arith.constant 0 : i32
    %dma_start3A_257 = tpu.memref_slice %arg2[%dma_start3A_256, %add3A_255] : memref<2x3200000xi32, #tpu.memory_space<hbm>> -> memref<2x9088xi32, #tpu.memory_space<hbm>>
    %dma_start3A_258 = arith.constant 0 : i32
    %dma_start3A_259 = tpu.memref_slice %arg2[%dma_start3A_258, %add3A_255] : memref<2x3200000xi32, #tpu.memory_space<hbm>> -> memref<2x9088xi32, #tpu.memory_space<hbm>>
    tpu.enqueue_dma source(%dma_start3A_259 : memref<2x9088xi32, #tpu.memory_space<hbm>>) target(%arg9 : memref<2x9088xi32, #tpu.memory_space<vmem>>) target_semaphore(%arg25 : memref<!tpu.dma_semaphore, #tpu.memory_space<semaphore_mem>>)
    %dma_wait3A_260 = arith.constant 0 : i32
    %dma_wait3A_261 = tpu.memref_slice %arg22[%dma_wait3A_260] : memref<100352xf32, #tpu.memory_space<vmem_shared>> -> memref<100352xf32, #tpu.memory_space<vmem_shared>>
    tpu.wait_indirect_dma semaphore(%arg27 : memref<!tpu.dma_semaphore, #tpu.memory_space<semaphore_mem>>) src(%arg14 : memref<9088xf32, #tpu.memory_space<vmem>>) dst(%dma_wait3A_261 : memref<100352xf32, #tpu.memory_space<vmem_shared>>)
    %dma_wait3A_262 = arith.constant 0 : i32
    %dma_wait3A_263 = tpu.memref_slice %arg23[%dma_wait3A_262] : memref<100352xf32, #tpu.memory_space<vmem_shared>> -> memref<100352xf32, #tpu.memory_space<vmem_shared>>
    tpu.wait_indirect_dma semaphore(%arg28 : memref<!tpu.dma_semaphore, #tpu.memory_space<semaphore_mem>>) src(%arg16 : memref<9088xf32, #tpu.memory_space<vmem>>) dst(%dma_wait3A_263 : memref<100352xf32, #tpu.memory_space<vmem_shared>>)
    %scan3A_264 = arith.constant 0 : i32
    %scan3A_265 = arith.constant 0 : i32
    %scan3A_266 = arith.constant 71 : i32
    %scan3A_267 = arith.addi %scan3A_265, %scan3A_266 : i32
    %scan3A_268 = arith.constant 1 : i32
    %scan3A_269 = scf.for %scan3A_347 = %scan3A_265 to %scan3A_267 step %scan3A_268 iter_args(%scan3A_348 = %scan3A_264) -> (i32)  : i32 {
      %mul3A_349 = arith.constant 128 : i32
      %mul3A_350 = arith.muli %scan3A_347, %mul3A_349 : i32
      %add3A_351 = arith.constant 0 : i32
      %add3A_352 = arith.addi %mul3A_350, %add3A_351 : i32
      %multiple_of3A = tpu.assume_multiple %add3A_352, 16 : i32
      %get3A = arith.constant 0 : i32
      %get3A_353 = arith.index_cast %get3A : i32 to index
      %get3A_354 = arith.index_cast %multiple_of3A : i32 to index
      %get3A_355 = tpu.vector_load %arg8[%get3A_353, %get3A_354] {strides = array<i32>} : memref<2x9088xi32, #tpu.memory_space<vmem>>, vector<1x16xi32>,
      %get3A_356 = vector.shape_cast %get3A_355 : vector<1x16xi32> to vector<16xi32>
      %swap3A = arith.index_cast %multiple_of3A : i32 to index
      %swap3A_357 = tpu.vector_load %arg10[%swap3A] {strides = array<i32>} : memref<9088xi32, #tpu.memory_space<vmem>>, vector<16xi32>,
      %swap3A_358 = vector.shape_cast %swap3A_357 : vector<16xi32> to vector<16xi32>
      %swap3A_359 = vector.shape_cast %get3A_356 : vector<16xi32> to vector<16xi32>
      tpu.vector_store %arg10[%swap3A], %swap3A_359 {strides = array<i32>} : memref<9088xi32, #tpu.memory_space<vmem>>, vector<16xi32>,
      %get3A_360 = arith.constant 1 : i32
      %get3A_361 = arith.index_cast %get3A_360 : i32 to index
      %get3A_362 = arith.index_cast %multiple_of3A : i32 to index
      %get3A_363 = tpu.vector_load %arg8[%get3A_361, %get3A_362] {strides = array<i32>} : memref<2x9088xi32, #tpu.memory_space<vmem>>, vector<1x16xi32>,
      %get3A_364 = vector.shape_cast %get3A_363 : vector<1x16xi32> to vector<16xi32>
      %swap3A_365 = arith.index_cast %multiple_of3A : i32 to index
      %swap3A_366 = tpu.vector_load %arg12[%swap3A_365] {strides = array<i32>} : memref<9088xi32, #tpu.memory_space<vmem>>, vector<16xi32>,
      %swap3A_367 = vector.shape_cast %swap3A_366 : vector<16xi32> to vector<16xi32>
      %swap3A_368 = vector.shape_cast %get3A_364 : vector<16xi32> to vector<16xi32>
      tpu.vector_store %arg12[%swap3A_365], %swap3A_368 {strides = array<i32>} : memref<9088xi32, #tpu.memory_space<vmem>>, vector<16xi32>,
      %mul3A_369 = arith.constant 128 : i32
      %mul3A_370 = arith.muli %scan3A_347, %mul3A_369 : i32
      %add3A_371 = arith.constant 16 : i32
      %add3A_372 = arith.addi %mul3A_370, %add3A_371 : i32
      %multiple_of3A_373 = tpu.assume_multiple %add3A_372, 16 : i32
      %get3A_374 = arith.constant 0 : i32
      %get3A_375 = arith.index_cast %get3A_374 : i32 to index
      %get3A_376 = arith.index_cast %multiple_of3A_373 : i32 to index
      %get3A_377 = tpu.vector_load %arg8[%get3A_375, %get3A_376] {strides = array<i32>} : memref<2x9088xi32, #tpu.memory_space<vmem>>, vector<1x16xi32>,
      %get3A_378 = vector.shape_cast %get3A_377 : vector<1x16xi32> to vector<16xi32>
      %swap3A_379 = arith.index_cast %multiple_of3A_373 : i32 to index
      %swap3A_380 = tpu.vector_load %arg10[%swap3A_379] {strides = array<i32>} : memref<9088xi32, #tpu.memory_space<vmem>>, vector<16xi32>,
      %swap3A_381 = vector.shape_cast %swap3A_380 : vector<16xi32> to vector<16xi32>
      %swap3A_382 = vector.shape_cast %get3A_378 : vector<16xi32> to vector<16xi32>
      tpu.vector_store %arg10[%swap3A_379], %swap3A_382 {strides = array<i32>} : memref<9088xi32, #tpu.memory_space<vmem>>, vector<16xi32>,
      %get3A_383 = arith.constant 1 : i32
      %get3A_384 = arith.index_cast %get3A_383 : i32 to index
      %get3A_385 = arith.index_cast %multiple_of3A_373 : i32 to index
      %get3A_386 = tpu.vector_load %arg8[%get3A_384, %get3A_385] {strides = array<i32>} : memref<2x9088xi32, #tpu.memory_space<vmem>>, vector<1x16xi32>,
      %get3A_387 = vector.shape_cast %get3A_386 : vector<1x16xi32> to vector<16xi32>
      %swap3A_388 = arith.index_cast %multiple_of3A_373 : i32 to index
      %swap3A_389 = tpu.vector_load %arg12[%swap3A_388] {strides = array<i32>} : memref<9088xi32, #tpu.memory_space<vmem>>, vector<16xi32>,
      %swap3A_390 = vector.shape_cast %swap3A_389 : vector<16xi32> to vector<16xi32>
      %swap3A_391 = vector.shape_cast %get3A_387 : vector<16xi32> to vector<16xi32>
      tpu.vector_store %arg12[%swap3A_388], %swap3A_391 {strides = array<i32>} : memref<9088xi32, #tpu.memory_space<vmem>>, vector<16xi32>,
      %mul3A_392 = arith.constant 128 : i32
      %mul3A_393 = arith.muli %scan3A_347, %mul3A_392 : i32
      %add3A_394 = arith.constant 32 : i32
      %add3A_395 = arith.addi %mul3A_393, %add3A_394 : i32
      %multiple_of3A_396 = tpu.assume_multiple %add3A_395, 16 : i32
      %get3A_397 = arith.constant 0 : i32
      %get3A_398 = arith.index_cast %get3A_397 : i32 to index
      %get3A_399 = arith.index_cast %multiple_of3A_396 : i32 to index
      %get3A_400 = tpu.vector_load %arg8[%get3A_398, %get3A_399] {strides = array<i32>} : memref<2x9088xi32, #tpu.memory_space<vmem>>, vector<1x16xi32>,
      %get3A_401 = vector.shape_cast %get3A_400 : vector<1x16xi32> to vector<16xi32>
      %swap3A_402 = arith.index_cast %multiple_of3A_396 : i32 to index
      %swap3A_403 = tpu.vector_load %arg10[%swap3A_402] {strides = array<i32>} : memref<9088xi32, #tpu.memory_space<vmem>>, vector<16xi32>,
      %swap3A_404 = vector.shape_cast %swap3A_403 : vector<16xi32> to vector<16xi32>
      %swap3A_405 = vector.shape_cast %get3A_401 : vector<16xi32> to vector<16xi32>
      tpu.vector_store %arg10[%swap3A_402], %swap3A_405 {strides = array<i32>} : memref<9088xi32, #tpu.memory_space<vmem>>, vector<16xi32>,
      %get3A_406 = arith.constant 1 : i32
      %get3A_407 = arith.index_cast %get3A_406 : i32 to index
      %get3A_408 = arith.index_cast %multiple_of3A_396 : i32 to index
      %get3A_409 = tpu.vector_load %arg8[%get3A_407, %get3A_408] {strides = array<i32>} : memref<2x9088xi32, #tpu.memory_space<vmem>>, vector<1x16xi32>,
      %get3A_410 = vector.shape_cast %get3A_409 : vector<1x16xi32> to vector<16xi32>
      %swap3A_411 = arith.index_cast %multiple_of3A_396 : i32 to index
      %swap3A_412 = tpu.vector_load %arg12[%swap3A_411] {strides = array<i32>} : memref<9088xi32, #tpu.memory_space<vmem>>, vector<16xi32>,
      %swap3A_413 = vector.shape_cast %swap3A_412 : vector<16xi32> to vector<16xi32>
      %swap3A_414 = vector.shape_cast %get3A_410 : vector<16xi32> to vector<16xi32>
      tpu.vector_store %arg12[%swap3A_411], %swap3A_414 {strides = array<i32>} : memref<9088xi32, #tpu.memory_space<vmem>>, vector<16xi32>,
      %mul3A_415 = arith.constant 128 : i32
      %mul3A_416 = arith.muli %scan3A_347, %mul3A_415 : i32
      %add3A_417 = arith.constant 48 : i32
      %add3A_418 = arith.addi %mul3A_416, %add3A_417 : i32
      %multiple_of3A_419 = tpu.assume_multiple %add3A_418, 16 : i32
      %get3A_420 = arith.constant 0 : i32
      %get3A_421 = arith.index_cast %get3A_420 : i32 to index
      %get3A_422 = arith.index_cast %multiple_of3A_419 : i32 to index
      %get3A_423 = tpu.vector_load %arg8[%get3A_421, %get3A_422] {strides = array<i32>} : memref<2x9088xi32, #tpu.memory_space<vmem>>, vector<1x16xi32>,
      %get3A_424 = vector.shape_cast %get3A_423 : vector<1x16xi32> to vector<16xi32>
      %swap3A_425 = arith.index_cast %multiple_of3A_419 : i32 to index
      %swap3A_426 = tpu.vector_load %arg10[%swap3A_425] {strides = array<i32>} : memref<9088xi32, #tpu.memory_space<vmem>>, vector<16xi32>,
      %swap3A_427 = vector.shape_cast %swap3A_426 : vector<16xi32> to vector<16xi32>
      %swap3A_428 = vector.shape_cast %get3A_424 : vector<16xi32> to vector<16xi32>
      tpu.vector_store %arg10[%swap3A_425], %swap3A_428 {strides = array<i32>} : memref<9088xi32, #tpu.memory_space<vmem>>, vector<16xi32>,
      %get3A_429 = arith.constant 1 : i32
      %get3A_430 = arith.index_cast %get3A_429 : i32 to index
      %get3A_431 = arith.index_cast %multiple_of3A_419 : i32 to index
      %get3A_432 = tpu.vector_load %arg8[%get3A_430, %get3A_431] {strides = array<i32>} : memref<2x9088xi32, #tpu.memory_space<vmem>>, vector<1x16xi32>,
      %get3A_433 = vector.shape_cast %get3A_432 : vector<1x16xi32> to vector<16xi32>
      %swap3A_434 = arith.index_cast %multiple_of3A_419 : i32 to index
      %swap3A_435 = tpu.vector_load %arg12[%swap3A_434] {strides = array<i32>} : memref<9088xi32, #tpu.memory_space<vmem>>, vector<16xi32>,
      %swap3A_436 = vector.shape_cast %swap3A_435 : vector<16xi32> to vector<16xi32>
      %swap3A_437 = vector.shape_cast %get3A_433 : vector<16xi32> to vector<16xi32>
      tpu.vector_store %arg12[%swap3A_434], %swap3A_437 {strides = array<i32>} : memref<9088xi32, #tpu.memory_space<vmem>>, vector<16xi32>,
      %mul3A_438 = arith.constant 128 : i32
      %mul3A_439 = arith.muli %scan3A_347, %mul3A_438 : i32
      %add3A_440 = arith.constant 64 : i32
      %add3A_441 = arith.addi %mul3A_439, %add3A_440 : i32
      %multiple_of3A_442 = tpu.assume_multiple %add3A_441, 16 : i32
      %get3A_443 = arith.constant 0 : i32
      %get3A_444 = arith.index_cast %get3A_443 : i32 to index
      %get3A_445 = arith.index_cast %multiple_of3A_442 : i32 to index
      %get3A_446 = tpu.vector_load %arg8[%get3A_444, %get3A_445] {strides = array<i32>} : memref<2x9088xi32, #tpu.memory_space<vmem>>, vector<1x16xi32>,
      %get3A_447 = vector.shape_cast %get3A_446 : vector<1x16xi32> to vector<16xi32>
      %swap3A_448 = arith.index_cast %multiple_of3A_442 : i32 to index
      %swap3A_449 = tpu.vector_load %arg10[%swap3A_448] {strides = array<i32>} : memref<9088xi32, #tpu.memory_space<vmem>>, vector<16xi32>,
      %swap3A_450 = vector.shape_cast %swap3A_449 : vector<16xi32> to vector<16xi32>
      %swap3A_451 = vector.shape_cast %get3A_447 : vector<16xi32> to vector<16xi32>
      tpu.vector_store %arg10[%swap3A_448], %swap3A_451 {strides = array<i32>} : memref<9088xi32, #tpu.memory_space<vmem>>, vector<16xi32>,
      %get3A_452 = arith.constant 1 : i32
      %get3A_453 = arith.index_cast %get3A_452 : i32 to index
      %get3A_454 = arith.index_cast %multiple_of3A_442 : i32 to index
      %get3A_455 = tpu.vector_load %arg8[%get3A_453, %get3A_454] {strides = array<i32>} : memref<2x9088xi32, #tpu.memory_space<vmem>>, vector<1x16xi32>,
      %get3A_456 = vector.shape_cast %get3A_455 : vector<1x16xi32> to vector<16xi32>
      %swap3A_457 = arith.index_cast %multiple_of3A_442 : i32 to index
      %swap3A_458 = tpu.vector_load %arg12[%swap3A_457] {strides = array<i32>} : memref<9088xi32, #tpu.memory_space<vmem>>, vector<16xi32>,
      %swap3A_459 = vector.shape_cast %swap3A_458 : vector<16xi32> to vector<16xi32>
      %swap3A_460 = vector.shape_cast %get3A_456 : vector<16xi32> to vector<16xi32>
      tpu.vector_store %arg12[%swap3A_457], %swap3A_460 {strides = array<i32>} : memref<9088xi32, #tpu.memory_space<vmem>>, vector<16xi32>,
      %mul3A_461 = arith.constant 128 : i32
      %mul3A_462 = arith.muli %scan3A_347, %mul3A_461 : i32
      %add3A_463 = arith.constant 80 : i32
      %add3A_464 = arith.addi %mul3A_462, %add3A_463 : i32
      %multiple_of3A_465 = tpu.assume_multiple %add3A_464, 16 : i32
      %get3A_466 = arith.constant 0 : i32
      %get3A_467 = arith.index_cast %get3A_466 : i32 to index
      %get3A_468 = arith.index_cast %multiple_of3A_465 : i32 to index
      %get3A_469 = tpu.vector_load %arg8[%get3A_467, %get3A_468] {strides = array<i32>} : memref<2x9088xi32, #tpu.memory_space<vmem>>, vector<1x16xi32>,
      %get3A_470 = vector.shape_cast %get3A_469 : vector<1x16xi32> to vector<16xi32>
      %swap3A_471 = arith.index_cast %multiple_of3A_465 : i32 to index
      %swap3A_472 = tpu.vector_load %arg10[%swap3A_471] {strides = array<i32>} : memref<9088xi32, #tpu.memory_space<vmem>>, vector<16xi32>,
      %swap3A_473 = vector.shape_cast %swap3A_472 : vector<16xi32> to vector<16xi32>
      %swap3A_474 = vector.shape_cast %get3A_470 : vector<16xi32> to vector<16xi32>
      tpu.vector_store %arg10[%swap3A_471], %swap3A_474 {strides = array<i32>} : memref<9088xi32, #tpu.memory_space<vmem>>, vector<16xi32>,
      %get3A_475 = arith.constant 1 : i32
      %get3A_476 = arith.index_cast %get3A_475 : i32 to index
      %get3A_477 = arith.index_cast %multiple_of3A_465 : i32 to index
      %get3A_478 = tpu.vector_load %arg8[%get3A_476, %get3A_477] {strides = array<i32>} : memref<2x9088xi32, #tpu.memory_space<vmem>>, vector<1x16xi32>,
      %get3A_479 = vector.shape_cast %get3A_478 : vector<1x16xi32> to vector<16xi32>
      %swap3A_480 = arith.index_cast %multiple_of3A_465 : i32 to index
      %swap3A_481 = tpu.vector_load %arg12[%swap3A_480] {strides = array<i32>} : memref<9088xi32, #tpu.memory_space<vmem>>, vector<16xi32>,
      %swap3A_482 = vector.shape_cast %swap3A_481 : vector<16xi32> to vector<16xi32>
      %swap3A_483 = vector.shape_cast %get3A_479 : vector<16xi32> to vector<16xi32>
      tpu.vector_store %arg12[%swap3A_480], %swap3A_483 {strides = array<i32>} : memref<9088xi32, #tpu.memory_space<vmem>>, vector<16xi32>,
      %mul3A_484 = arith.constant 128 : i32
      %mul3A_485 = arith.muli %scan3A_347, %mul3A_484 : i32
      %add3A_486 = arith.constant 96 : i32
      %add3A_487 = arith.addi %mul3A_485, %add3A_486 : i32
      %multiple_of3A_488 = tpu.assume_multiple %add3A_487, 16 : i32
      %get3A_489 = arith.constant 0 : i32
      %get3A_490 = arith.index_cast %get3A_489 : i32 to index
      %get3A_491 = arith.index_cast %multiple_of3A_488 : i32 to index
      %get3A_492 = tpu.vector_load %arg8[%get3A_490, %get3A_491] {strides = array<i32>} : memref<2x9088xi32, #tpu.memory_space<vmem>>, vector<1x16xi32>,
      %get3A_493 = vector.shape_cast %get3A_492 : vector<1x16xi32> to vector<16xi32>
      %swap3A_494 = arith.index_cast %multiple_of3A_488 : i32 to index
      %swap3A_495 = tpu.vector_load %arg10[%swap3A_494] {strides = array<i32>} : memref<9088xi32, #tpu.memory_space<vmem>>, vector<16xi32>,
      %swap3A_496 = vector.shape_cast %swap3A_495 : vector<16xi32> to vector<16xi32>
      %swap3A_497 = vector.shape_cast %get3A_493 : vector<16xi32> to vector<16xi32>
      tpu.vector_store %arg10[%swap3A_494], %swap3A_497 {strides = array<i32>} : memref<9088xi32, #tpu.memory_space<vmem>>, vector<16xi32>,
      %get3A_498 = arith.constant 1 : i32
      %get3A_499 = arith.index_cast %get3A_498 : i32 to index
      %get3A_500 = arith.index_cast %multiple_of3A_488 : i32 to index
      %get3A_501 = tpu.vector_load %arg8[%get3A_499, %get3A_500] {strides = array<i32>} : memref<2x9088xi32, #tpu.memory_space<vmem>>, vector<1x16xi32>,
      %get3A_502 = vector.shape_cast %get3A_501 : vector<1x16xi32> to vector<16xi32>
      %swap3A_503 = arith.index_cast %multiple_of3A_488 : i32 to index
      %swap3A_504 = tpu.vector_load %arg12[%swap3A_503] {strides = array<i32>} : memref<9088xi32, #tpu.memory_space<vmem>>, vector<16xi32>,
      %swap3A_505 = vector.shape_cast %swap3A_504 : vector<16xi32> to vector<16xi32>
      %swap3A_506 = vector.shape_cast %get3A_502 : vector<16xi32> to vector<16xi32>
      tpu.vector_store %arg12[%swap3A_503], %swap3A_506 {strides = array<i32>} : memref<9088xi32, #tpu.memory_space<vmem>>, vector<16xi32>,
      %mul3A_507 = arith.constant 128 : i32
      %mul3A_508 = arith.muli %scan3A_347, %mul3A_507 : i32
      %add3A_509 = arith.constant 112 : i32
      %add3A_510 = arith.addi %mul3A_508, %add3A_509 : i32
      %multiple_of3A_511 = tpu.assume_multiple %add3A_510, 16 : i32
      %get3A_512 = arith.constant 0 : i32
      %get3A_513 = arith.index_cast %get3A_512 : i32 to index
      %get3A_514 = arith.index_cast %multiple_of3A_511 : i32 to index
      %get3A_515 = tpu.vector_load %arg8[%get3A_513, %get3A_514] {strides = array<i32>} : memref<2x9088xi32, #tpu.memory_space<vmem>>, vector<1x16xi32>,
      %get3A_516 = vector.shape_cast %get3A_515 : vector<1x16xi32> to vector<16xi32>
      %swap3A_517 = arith.index_cast %multiple_of3A_511 : i32 to index
      %swap3A_518 = tpu.vector_load %arg10[%swap3A_517] {strides = array<i32>} : memref<9088xi32, #tpu.memory_space<vmem>>, vector<16xi32>,
      %swap3A_519 = vector.shape_cast %swap3A_518 : vector<16xi32> to vector<16xi32>
      %swap3A_520 = vector.shape_cast %get3A_516 : vector<16xi32> to vector<16xi32>
      tpu.vector_store %arg10[%swap3A_517], %swap3A_520 {strides = array<i32>} : memref<9088xi32, #tpu.memory_space<vmem>>, vector<16xi32>,
      %get3A_521 = arith.constant 1 : i32
      %get3A_522 = arith.index_cast %get3A_521 : i32 to index
      %get3A_523 = arith.index_cast %multiple_of3A_511 : i32 to index
      %get3A_524 = tpu.vector_load %arg8[%get3A_522, %get3A_523] {strides = array<i32>} : memref<2x9088xi32, #tpu.memory_space<vmem>>, vector<1x16xi32>,
      %get3A_525 = vector.shape_cast %get3A_524 : vector<1x16xi32> to vector<16xi32>
      %swap3A_526 = arith.index_cast %multiple_of3A_511 : i32 to index
      %swap3A_527 = tpu.vector_load %arg12[%swap3A_526] {strides = array<i32>} : memref<9088xi32, #tpu.memory_space<vmem>>, vector<16xi32>,
      %swap3A_528 = vector.shape_cast %swap3A_527 : vector<16xi32> to vector<16xi32>
      %swap3A_529 = vector.shape_cast %get3A_525 : vector<16xi32> to vector<16xi32>
      tpu.vector_store %arg12[%swap3A_526], %swap3A_529 {strides = array<i32>} : memref<9088xi32, #tpu.memory_space<vmem>>, vector<16xi32>,
      %scan3A_530 = arith.constant 0 : i32
      scf.yield %scan3A_530 : i32
    }
    %scan3A_270 = arith.constant 71 : i32
    %dma_start3A_271 = arith.constant 0 : i32
    %dma_start3A_272 = tpu.memref_slice %arg21[%dma_start3A_271] : memref<100352xf32, #tpu.memory_space<vmem_shared>> -> memref<100352xf32, #tpu.memory_space<vmem_shared>>
    tpu.enqueue_indirect_dma source(%dma_start3A_272 : memref<100352xf32, #tpu.memory_space<vmem_shared>>) target(%arg14 : memref<9088xf32, #tpu.memory_space<vmem>>) offsets(%arg10 : memref<9088xi32, #tpu.memory_space<vmem>>) semaphore(%arg26 : memref<!tpu.dma_semaphore, #tpu.memory_space<semaphore_mem>>)
    %dma_wait3A_273 = arith.constant 0 : i32
    %dma_wait3A_274 = tpu.memref_slice %arg21[%dma_wait3A_273] : memref<100352xf32, #tpu.memory_space<vmem_shared>> -> memref<100352xf32, #tpu.memory_space<vmem_shared>>
    tpu.wait_indirect_dma semaphore(%arg26 : memref<!tpu.dma_semaphore, #tpu.memory_space<semaphore_mem>>) src(%dma_wait3A_274 : memref<100352xf32, #tpu.memory_space<vmem_shared>>) dst(%arg14 : memref<9088xf32, #tpu.memory_space<vmem>>)
    %dma_start3A_275 = arith.constant 0 : i32
    %dma_start3A_276 = tpu.memref_slice %arg22[%dma_start3A_275] : memref<100352xf32, #tpu.memory_space<vmem_shared>> -> memref<100352xf32, #tpu.memory_space<vmem_shared>>
    tpu.enqueue_indirect_dma source(%arg14 : memref<9088xf32, #tpu.memory_space<vmem>>) target(%dma_start3A_276 : memref<100352xf32, #tpu.memory_space<vmem_shared>>) offsets(%arg12 : memref<9088xi32, #tpu.memory_space<vmem>>) semaphore(%arg27 : memref<!tpu.dma_semaphore, #tpu.memory_space<semaphore_mem>>) {add = true}
    %dma_start3A_277 = arith.constant 0 : i32
    %dma_start3A_278 = tpu.memref_slice %arg23[%dma_start3A_277] : memref<100352xf32, #tpu.memory_space<vmem_shared>> -> memref<100352xf32, #tpu.memory_space<vmem_shared>>
    tpu.enqueue_indirect_dma source(%arg16 : memref<9088xf32, #tpu.memory_space<vmem>>) target(%dma_start3A_278 : memref<100352xf32, #tpu.memory_space<vmem_shared>>) offsets(%arg12 : memref<9088xi32, #tpu.memory_space<vmem>>) semaphore(%arg28 : memref<!tpu.dma_semaphore, #tpu.memory_space<semaphore_mem>>) {add = true}
    %dma_wait3A_279 = arith.constant 0 : i32
    %dma_wait3A_280 = tpu.memref_slice %arg2[%dma_wait3A_279, %add3A_255] : memref<2x3200000xi32, #tpu.memory_space<hbm>> -> memref<2x9088xi32, #tpu.memory_space<hbm>>
    %dma_wait3A_281 = arith.constant 0 : i32
    %dma_wait3A_282 = tpu.memref_slice %arg2[%dma_wait3A_281, %add3A_255] : memref<2x3200000xi32, #tpu.memory_space<hbm>> -> memref<2x9088xi32, #tpu.memory_space<hbm>>
    tpu.wait_dma2 semaphore(%arg25 : memref<!tpu.dma_semaphore, #tpu.memory_space<semaphore_mem>>) src(%dma_wait3A_282 : memref<2x9088xi32, #tpu.memory_space<hbm>>) dst(%arg9 : memref<2x9088xi32, #tpu.memory_space<vmem>>)
    %mul3A_283 = arith.constant 99968 : i32
    %mul3A_284 = arith.muli %add3A, %mul3A_283 : i32
    %add3A_285 = arith.constant 90880 : i32
    %add3A_286 = arith.addi %mul3A_284, %add3A_285 : i32
    %dma_start3A_287 = arith.constant 0 : i32
    %dma_start3A_288 = tpu.memref_slice %arg2[%dma_start3A_287, %add3A_286] : memref<2x3200000xi32, #tpu.memory_space<hbm>> -> memref<2x9088xi32, #tpu.memory_space<hbm>>
    %dma_start3A_289 = arith.constant 0 : i32
    %dma_start3A_290 = tpu.memref_slice %arg2[%dma_start3A_289, %add3A_286] : memref<2x3200000xi32, #tpu.memory_space<hbm>> -> memref<2x9088xi32, #tpu.memory_space<hbm>>
    tpu.enqueue_dma source(%dma_start3A_290 : memref<2x9088xi32, #tpu.memory_space<hbm>>) target(%arg8 : memref<2x9088xi32, #tpu.memory_space<vmem>>) target_semaphore(%arg24 : memref<!tpu.dma_semaphore, #tpu.memory_space<semaphore_mem>>)
    %dma_wait3A_291 = arith.constant 0 : i32
    %dma_wait3A_292 = tpu.memref_slice %arg22[%dma_wait3A_291] : memref<100352xf32, #tpu.memory_space<vmem_shared>> -> memref<100352xf32, #tpu.memory_space<vmem_shared>>
    tpu.wait_indirect_dma semaphore(%arg27 : memref<!tpu.dma_semaphore, #tpu.memory_space<semaphore_mem>>) src(%arg15 : memref<9088xf32, #tpu.memory_space<vmem>>) dst(%dma_wait3A_292 : memref<100352xf32, #tpu.memory_space<vmem_shared>>)
    %dma_wait3A_293 = arith.constant 0 : i32
    %dma_wait3A_294 = tpu.memref_slice %arg23[%dma_wait3A_293] : memref<100352xf32, #tpu.memory_space<vmem_shared>> -> memref<100352xf32, #tpu.memory_space<vmem_shared>>
    tpu.wait_indirect_dma semaphore(%arg28 : memref<!tpu.dma_semaphore, #tpu.memory_space<semaphore_mem>>) src(%arg16 : memref<9088xf32, #tpu.memory_space<vmem>>) dst(%dma_wait3A_294 : memref<100352xf32, #tpu.memory_space<vmem_shared>>)
    %scan3A_295 = arith.constant 0 : i32
    %scan3A_296 = arith.constant 0 : i32
    %scan3A_297 = arith.constant 71 : i32
    %scan3A_298 = arith.addi %scan3A_296, %scan3A_297 : i32
    %scan3A_299 = arith.constant 1 : i32
    %scan3A_300 = scf.for %scan3A_347 = %scan3A_296 to %scan3A_298 step %scan3A_299 iter_args(%scan3A_348 = %scan3A_295) -> (i32)  : i32 {
      %mul3A_349 = arith.constant 128 : i32
      %mul3A_350 = arith.muli %scan3A_347, %mul3A_349 : i32
      %add3A_351 = arith.constant 0 : i32
      %add3A_352 = arith.addi %mul3A_350, %add3A_351 : i32
      %multiple_of3A = tpu.assume_multiple %add3A_352, 16 : i32
      %get3A = arith.constant 0 : i32
      %get3A_353 = arith.index_cast %get3A : i32 to index
      %get3A_354 = arith.index_cast %multiple_of3A : i32 to index
      %get3A_355 = tpu.vector_load %arg9[%get3A_353, %get3A_354] {strides = array<i32>} : memref<2x9088xi32, #tpu.memory_space<vmem>>, vector<1x16xi32>,
      %get3A_356 = vector.shape_cast %get3A_355 : vector<1x16xi32> to vector<16xi32>
      %swap3A = arith.index_cast %multiple_of3A : i32 to index
      %swap3A_357 = tpu.vector_load %arg11[%swap3A] {strides = array<i32>} : memref<9088xi32, #tpu.memory_space<vmem>>, vector<16xi32>,
      %swap3A_358 = vector.shape_cast %swap3A_357 : vector<16xi32> to vector<16xi32>
      %swap3A_359 = vector.shape_cast %get3A_356 : vector<16xi32> to vector<16xi32>
      tpu.vector_store %arg11[%swap3A], %swap3A_359 {strides = array<i32>} : memref<9088xi32, #tpu.memory_space<vmem>>, vector<16xi32>,
      %get3A_360 = arith.constant 1 : i32
      %get3A_361 = arith.index_cast %get3A_360 : i32 to index
      %get3A_362 = arith.index_cast %multiple_of3A : i32 to index
      %get3A_363 = tpu.vector_load %arg9[%get3A_361, %get3A_362] {strides = array<i32>} : memref<2x9088xi32, #tpu.memory_space<vmem>>, vector<1x16xi32>,
      %get3A_364 = vector.shape_cast %get3A_363 : vector<1x16xi32> to vector<16xi32>
      %swap3A_365 = arith.index_cast %multiple_of3A : i32 to index
      %swap3A_366 = tpu.vector_load %arg13[%swap3A_365] {strides = array<i32>} : memref<9088xi32, #tpu.memory_space<vmem>>, vector<16xi32>,
      %swap3A_367 = vector.shape_cast %swap3A_366 : vector<16xi32> to vector<16xi32>
      %swap3A_368 = vector.shape_cast %get3A_364 : vector<16xi32> to vector<16xi32>
      tpu.vector_store %arg13[%swap3A_365], %swap3A_368 {strides = array<i32>} : memref<9088xi32, #tpu.memory_space<vmem>>, vector<16xi32>,
      %mul3A_369 = arith.constant 128 : i32
      %mul3A_370 = arith.muli %scan3A_347, %mul3A_369 : i32
      %add3A_371 = arith.constant 16 : i32
      %add3A_372 = arith.addi %mul3A_370, %add3A_371 : i32
      %multiple_of3A_373 = tpu.assume_multiple %add3A_372, 16 : i32
      %get3A_374 = arith.constant 0 : i32
      %get3A_375 = arith.index_cast %get3A_374 : i32 to index
      %get3A_376 = arith.index_cast %multiple_of3A_373 : i32 to index
      %get3A_377 = tpu.vector_load %arg9[%get3A_375, %get3A_376] {strides = array<i32>} : memref<2x9088xi32, #tpu.memory_space<vmem>>, vector<1x16xi32>,
      %get3A_378 = vector.shape_cast %get3A_377 : vector<1x16xi32> to vector<16xi32>
      %swap3A_379 = arith.index_cast %multiple_of3A_373 : i32 to index
      %swap3A_380 = tpu.vector_load %arg11[%swap3A_379] {strides = array<i32>} : memref<9088xi32, #tpu.memory_space<vmem>>, vector<16xi32>,
      %swap3A_381 = vector.shape_cast %swap3A_380 : vector<16xi32> to vector<16xi32>
      %swap3A_382 = vector.shape_cast %get3A_378 : vector<16xi32> to vector<16xi32>
      tpu.vector_store %arg11[%swap3A_379], %swap3A_382 {strides = array<i32>} : memref<9088xi32, #tpu.memory_space<vmem>>, vector<16xi32>,
      %get3A_383 = arith.constant 1 : i32
      %get3A_384 = arith.index_cast %get3A_383 : i32 to index
      %get3A_385 = arith.index_cast %multiple_of3A_373 : i32 to index
      %get3A_386 = tpu.vector_load %arg9[%get3A_384, %get3A_385] {strides = array<i32>} : memref<2x9088xi32, #tpu.memory_space<vmem>>, vector<1x16xi32>,
      %get3A_387 = vector.shape_cast %get3A_386 : vector<1x16xi32> to vector<16xi32>
      %swap3A_388 = arith.index_cast %multiple_of3A_373 : i32 to index
      %swap3A_389 = tpu.vector_load %arg13[%swap3A_388] {strides = array<i32>} : memref<9088xi32, #tpu.memory_space<vmem>>, vector<16xi32>,
      %swap3A_390 = vector.shape_cast %swap3A_389 : vector<16xi32> to vector<16xi32>
      %swap3A_391 = vector.shape_cast %get3A_387 : vector<16xi32> to vector<16xi32>
      tpu.vector_store %arg13[%swap3A_388], %swap3A_391 {strides = array<i32>} : memref<9088xi32, #tpu.memory_space<vmem>>, vector<16xi32>,
      %mul3A_392 = arith.constant 128 : i32
      %mul3A_393 = arith.muli %scan3A_347, %mul3A_392 : i32
      %add3A_394 = arith.constant 32 : i32
      %add3A_395 = arith.addi %mul3A_393, %add3A_394 : i32
      %multiple_of3A_396 = tpu.assume_multiple %add3A_395, 16 : i32
      %get3A_397 = arith.constant 0 : i32
      %get3A_398 = arith.index_cast %get3A_397 : i32 to index
      %get3A_399 = arith.index_cast %multiple_of3A_396 : i32 to index
      %get3A_400 = tpu.vector_load %arg9[%get3A_398, %get3A_399] {strides = array<i32>} : memref<2x9088xi32, #tpu.memory_space<vmem>>, vector<1x16xi32>,
      %get3A_401 = vector.shape_cast %get3A_400 : vector<1x16xi32> to vector<16xi32>
      %swap3A_402 = arith.index_cast %multiple_of3A_396 : i32 to index
      %swap3A_403 = tpu.vector_load %arg11[%swap3A_402] {strides = array<i32>} : memref<9088xi32, #tpu.memory_space<vmem>>, vector<16xi32>,
      %swap3A_404 = vector.shape_cast %swap3A_403 : vector<16xi32> to vector<16xi32>
      %swap3A_405 = vector.shape_cast %get3A_401 : vector<16xi32> to vector<16xi32>
      tpu.vector_store %arg11[%swap3A_402], %swap3A_405 {strides = array<i32>} : memref<9088xi32, #tpu.memory_space<vmem>>, vector<16xi32>,
      %get3A_406 = arith.constant 1 : i32
      %get3A_407 = arith.index_cast %get3A_406 : i32 to index
      %get3A_408 = arith.index_cast %multiple_of3A_396 : i32 to index
      %get3A_409 = tpu.vector_load %arg9[%get3A_407, %get3A_408] {strides = array<i32>} : memref<2x9088xi32, #tpu.memory_space<vmem>>, vector<1x16xi32>,
      %get3A_410 = vector.shape_cast %get3A_409 : vector<1x16xi32> to vector<16xi32>
      %swap3A_411 = arith.index_cast %multiple_of3A_396 : i32 to index
      %swap3A_412 = tpu.vector_load %arg13[%swap3A_411] {strides = array<i32>} : memref<9088xi32, #tpu.memory_space<vmem>>, vector<16xi32>,
      %swap3A_413 = vector.shape_cast %swap3A_412 : vector<16xi32> to vector<16xi32>
      %swap3A_414 = vector.shape_cast %get3A_410 : vector<16xi32> to vector<16xi32>
      tpu.vector_store %arg13[%swap3A_411], %swap3A_414 {strides = array<i32>} : memref<9088xi32, #tpu.memory_space<vmem>>, vector<16xi32>,
      %mul3A_415 = arith.constant 128 : i32
      %mul3A_416 = arith.muli %scan3A_347, %mul3A_415 : i32
      %add3A_417 = arith.constant 48 : i32
      %add3A_418 = arith.addi %mul3A_416, %add3A_417 : i32
      %multiple_of3A_419 = tpu.assume_multiple %add3A_418, 16 : i32
      %get3A_420 = arith.constant 0 : i32
      %get3A_421 = arith.index_cast %get3A_420 : i32 to index
      %get3A_422 = arith.index_cast %multiple_of3A_419 : i32 to index
      %get3A_423 = tpu.vector_load %arg9[%get3A_421, %get3A_422] {strides = array<i32>} : memref<2x9088xi32, #tpu.memory_space<vmem>>, vector<1x16xi32>,
      %get3A_424 = vector.shape_cast %get3A_423 : vector<1x16xi32> to vector<16xi32>
      %swap3A_425 = arith.index_cast %multiple_of3A_419 : i32 to index
      %swap3A_426 = tpu.vector_load %arg11[%swap3A_425] {strides = array<i32>} : memref<9088xi32, #tpu.memory_space<vmem>>, vector<16xi32>,
      %swap3A_427 = vector.shape_cast %swap3A_426 : vector<16xi32> to vector<16xi32>
      %swap3A_428 = vector.shape_cast %get3A_424 : vector<16xi32> to vector<16xi32>
      tpu.vector_store %arg11[%swap3A_425], %swap3A_428 {strides = array<i32>} : memref<9088xi32, #tpu.memory_space<vmem>>, vector<16xi32>,
      %get3A_429 = arith.constant 1 : i32
      %get3A_430 = arith.index_cast %get3A_429 : i32 to index
      %get3A_431 = arith.index_cast %multiple_of3A_419 : i32 to index
      %get3A_432 = tpu.vector_load %arg9[%get3A_430, %get3A_431] {strides = array<i32>} : memref<2x9088xi32, #tpu.memory_space<vmem>>, vector<1x16xi32>,
      %get3A_433 = vector.shape_cast %get3A_432 : vector<1x16xi32> to vector<16xi32>
      %swap3A_434 = arith.index_cast %multiple_of3A_419 : i32 to index
      %swap3A_435 = tpu.vector_load %arg13[%swap3A_434] {strides = array<i32>} : memref<9088xi32, #tpu.memory_space<vmem>>, vector<16xi32>,
      %swap3A_436 = vector.shape_cast %swap3A_435 : vector<16xi32> to vector<16xi32>
      %swap3A_437 = vector.shape_cast %get3A_433 : vector<16xi32> to vector<16xi32>
      tpu.vector_store %arg13[%swap3A_434], %swap3A_437 {strides = array<i32>} : memref<9088xi32, #tpu.memory_space<vmem>>, vector<16xi32>,
      %mul3A_438 = arith.constant 128 : i32
      %mul3A_439 = arith.muli %scan3A_347, %mul3A_438 : i32
      %add3A_440 = arith.constant 64 : i32
      %add3A_441 = arith.addi %mul3A_439, %add3A_440 : i32
      %multiple_of3A_442 = tpu.assume_multiple %add3A_441, 16 : i32
      %get3A_443 = arith.constant 0 : i32
      %get3A_444 = arith.index_cast %get3A_443 : i32 to index
      %get3A_445 = arith.index_cast %multiple_of3A_442 : i32 to index
      %get3A_446 = tpu.vector_load %arg9[%get3A_444, %get3A_445] {strides = array<i32>} : memref<2x9088xi32, #tpu.memory_space<vmem>>, vector<1x16xi32>,
      %get3A_447 = vector.shape_cast %get3A_446 : vector<1x16xi32> to vector<16xi32>
      %swap3A_448 = arith.index_cast %multiple_of3A_442 : i32 to index
      %swap3A_449 = tpu.vector_load %arg11[%swap3A_448] {strides = array<i32>} : memref<9088xi32, #tpu.memory_space<vmem>>, vector<16xi32>,
      %swap3A_450 = vector.shape_cast %swap3A_449 : vector<16xi32> to vector<16xi32>
      %swap3A_451 = vector.shape_cast %get3A_447 : vector<16xi32> to vector<16xi32>
      tpu.vector_store %arg11[%swap3A_448], %swap3A_451 {strides = array<i32>} : memref<9088xi32, #tpu.memory_space<vmem>>, vector<16xi32>,
      %get3A_452 = arith.constant 1 : i32
      %get3A_453 = arith.index_cast %get3A_452 : i32 to index
      %get3A_454 = arith.index_cast %multiple_of3A_442 : i32 to index
      %get3A_455 = tpu.vector_load %arg9[%get3A_453, %get3A_454] {strides = array<i32>} : memref<2x9088xi32, #tpu.memory_space<vmem>>, vector<1x16xi32>,
      %get3A_456 = vector.shape_cast %get3A_455 : vector<1x16xi32> to vector<16xi32>
      %swap3A_457 = arith.index_cast %multiple_of3A_442 : i32 to index
      %swap3A_458 = tpu.vector_load %arg13[%swap3A_457] {strides = array<i32>} : memref<9088xi32, #tpu.memory_space<vmem>>, vector<16xi32>,
      %swap3A_459 = vector.shape_cast %swap3A_458 : vector<16xi32> to vector<16xi32>
      %swap3A_460 = vector.shape_cast %get3A_456 : vector<16xi32> to vector<16xi32>
      tpu.vector_store %arg13[%swap3A_457], %swap3A_460 {strides = array<i32>} : memref<9088xi32, #tpu.memory_space<vmem>>, vector<16xi32>,
      %mul3A_461 = arith.constant 128 : i32
      %mul3A_462 = arith.muli %scan3A_347, %mul3A_461 : i32
      %add3A_463 = arith.constant 80 : i32
      %add3A_464 = arith.addi %mul3A_462, %add3A_463 : i32
      %multiple_of3A_465 = tpu.assume_multiple %add3A_464, 16 : i32
      %get3A_466 = arith.constant 0 : i32
      %get3A_467 = arith.index_cast %get3A_466 : i32 to index
      %get3A_468 = arith.index_cast %multiple_of3A_465 : i32 to index
      %get3A_469 = tpu.vector_load %arg9[%get3A_467, %get3A_468] {strides = array<i32>} : memref<2x9088xi32, #tpu.memory_space<vmem>>, vector<1x16xi32>,
      %get3A_470 = vector.shape_cast %get3A_469 : vector<1x16xi32> to vector<16xi32>
      %swap3A_471 = arith.index_cast %multiple_of3A_465 : i32 to index
      %swap3A_472 = tpu.vector_load %arg11[%swap3A_471] {strides = array<i32>} : memref<9088xi32, #tpu.memory_space<vmem>>, vector<16xi32>,
      %swap3A_473 = vector.shape_cast %swap3A_472 : vector<16xi32> to vector<16xi32>
      %swap3A_474 = vector.shape_cast %get3A_470 : vector<16xi32> to vector<16xi32>
      tpu.vector_store %arg11[%swap3A_471], %swap3A_474 {strides = array<i32>} : memref<9088xi32, #tpu.memory_space<vmem>>, vector<16xi32>,
      %get3A_475 = arith.constant 1 : i32
      %get3A_476 = arith.index_cast %get3A_475 : i32 to index
      %get3A_477 = arith.index_cast %multiple_of3A_465 : i32 to index
      %get3A_478 = tpu.vector_load %arg9[%get3A_476, %get3A_477] {strides = array<i32>} : memref<2x9088xi32, #tpu.memory_space<vmem>>, vector<1x16xi32>,
      %get3A_479 = vector.shape_cast %get3A_478 : vector<1x16xi32> to vector<16xi32>
      %swap3A_480 = arith.index_cast %multiple_of3A_465 : i32 to index
      %swap3A_481 = tpu.vector_load %arg13[%swap3A_480] {strides = array<i32>} : memref<9088xi32, #tpu.memory_space<vmem>>, vector<16xi32>,
      %swap3A_482 = vector.shape_cast %swap3A_481 : vector<16xi32> to vector<16xi32>
      %swap3A_483 = vector.shape_cast %get3A_479 : vector<16xi32> to vector<16xi32>
      tpu.vector_store %arg13[%swap3A_480], %swap3A_483 {strides = array<i32>} : memref<9088xi32, #tpu.memory_space<vmem>>, vector<16xi32>,
      %mul3A_484 = arith.constant 128 : i32
      %mul3A_485 = arith.muli %scan3A_347, %mul3A_484 : i32
      %add3A_486 = arith.constant 96 : i32
      %add3A_487 = arith.addi %mul3A_485, %add3A_486 : i32
      %multiple_of3A_488 = tpu.assume_multiple %add3A_487, 16 : i32
      %get3A_489 = arith.constant 0 : i32
      %get3A_490 = arith.index_cast %get3A_489 : i32 to index
      %get3A_491 = arith.index_cast %multiple_of3A_488 : i32 to index
      %get3A_492 = tpu.vector_load %arg9[%get3A_490, %get3A_491] {strides = array<i32>} : memref<2x9088xi32, #tpu.memory_space<vmem>>, vector<1x16xi32>,
      %get3A_493 = vector.shape_cast %get3A_492 : vector<1x16xi32> to vector<16xi32>
      %swap3A_494 = arith.index_cast %multiple_of3A_488 : i32 to index
      %swap3A_495 = tpu.vector_load %arg11[%swap3A_494] {strides = array<i32>} : memref<9088xi32, #tpu.memory_space<vmem>>, vector<16xi32>,
      %swap3A_496 = vector.shape_cast %swap3A_495 : vector<16xi32> to vector<16xi32>
      %swap3A_497 = vector.shape_cast %get3A_493 : vector<16xi32> to vector<16xi32>
      tpu.vector_store %arg11[%swap3A_494], %swap3A_497 {strides = array<i32>} : memref<9088xi32, #tpu.memory_space<vmem>>, vector<16xi32>,
      %get3A_498 = arith.constant 1 : i32
      %get3A_499 = arith.index_cast %get3A_498 : i32 to index
      %get3A_500 = arith.index_cast %multiple_of3A_488 : i32 to index
      %get3A_501 = tpu.vector_load %arg9[%get3A_499, %get3A_500] {strides = array<i32>} : memref<2x9088xi32, #tpu.memory_space<vmem>>, vector<1x16xi32>,
      %get3A_502 = vector.shape_cast %get3A_501 : vector<1x16xi32> to vector<16xi32>
      %swap3A_503 = arith.index_cast %multiple_of3A_488 : i32 to index
      %swap3A_504 = tpu.vector_load %arg13[%swap3A_503] {strides = array<i32>} : memref<9088xi32, #tpu.memory_space<vmem>>, vector<16xi32>,
      %swap3A_505 = vector.shape_cast %swap3A_504 : vector<16xi32> to vector<16xi32>
      %swap3A_506 = vector.shape_cast %get3A_502 : vector<16xi32> to vector<16xi32>
      tpu.vector_store %arg13[%swap3A_503], %swap3A_506 {strides = array<i32>} : memref<9088xi32, #tpu.memory_space<vmem>>, vector<16xi32>,
      %mul3A_507 = arith.constant 128 : i32
      %mul3A_508 = arith.muli %scan3A_347, %mul3A_507 : i32
      %add3A_509 = arith.constant 112 : i32
      %add3A_510 = arith.addi %mul3A_508, %add3A_509 : i32
      %multiple_of3A_511 = tpu.assume_multiple %add3A_510, 16 : i32
      %get3A_512 = arith.constant 0 : i32
      %get3A_513 = arith.index_cast %get3A_512 : i32 to index
      %get3A_514 = arith.index_cast %multiple_of3A_511 : i32 to index
      %get3A_515 = tpu.vector_load %arg9[%get3A_513, %get3A_514] {strides = array<i32>} : memref<2x9088xi32, #tpu.memory_space<vmem>>, vector<1x16xi32>,
      %get3A_516 = vector.shape_cast %get3A_515 : vector<1x16xi32> to vector<16xi32>
      %swap3A_517 = arith.index_cast %multiple_of3A_511 : i32 to index
      %swap3A_518 = tpu.vector_load %arg11[%swap3A_517] {strides = array<i32>} : memref<9088xi32, #tpu.memory_space<vmem>>, vector<16xi32>,
      %swap3A_519 = vector.shape_cast %swap3A_518 : vector<16xi32> to vector<16xi32>
      %swap3A_520 = vector.shape_cast %get3A_516 : vector<16xi32> to vector<16xi32>
      tpu.vector_store %arg11[%swap3A_517], %swap3A_520 {strides = array<i32>} : memref<9088xi32, #tpu.memory_space<vmem>>, vector<16xi32>,
      %get3A_521 = arith.constant 1 : i32
      %get3A_522 = arith.index_cast %get3A_521 : i32 to index
      %get3A_523 = arith.index_cast %multiple_of3A_511 : i32 to index
      %get3A_524 = tpu.vector_load %arg9[%get3A_522, %get3A_523] {strides = array<i32>} : memref<2x9088xi32, #tpu.memory_space<vmem>>, vector<1x16xi32>,
      %get3A_525 = vector.shape_cast %get3A_524 : vector<1x16xi32> to vector<16xi32>
      %swap3A_526 = arith.index_cast %multiple_of3A_511 : i32 to index
      %swap3A_527 = tpu.vector_load %arg13[%swap3A_526] {strides = array<i32>} : memref<9088xi32, #tpu.memory_space<vmem>>, vector<16xi32>,
      %swap3A_528 = vector.shape_cast %swap3A_527 : vector<16xi32> to vector<16xi32>
      %swap3A_529 = vector.shape_cast %get3A_525 : vector<16xi32> to vector<16xi32>
      tpu.vector_store %arg13[%swap3A_526], %swap3A_529 {strides = array<i32>} : memref<9088xi32, #tpu.memory_space<vmem>>, vector<16xi32>,
      %scan3A_530 = arith.constant 0 : i32
      scf.yield %scan3A_530 : i32
    }
    %scan3A_301 = arith.constant 71 : i32
    %dma_start3A_302 = arith.constant 0 : i32
    %dma_start3A_303 = tpu.memref_slice %arg21[%dma_start3A_302] : memref<100352xf32, #tpu.memory_space<vmem_shared>> -> memref<100352xf32, #tpu.memory_space<vmem_shared>>
    tpu.enqueue_indirect_dma source(%dma_start3A_303 : memref<100352xf32, #tpu.memory_space<vmem_shared>>) target(%arg15 : memref<9088xf32, #tpu.memory_space<vmem>>) offsets(%arg11 : memref<9088xi32, #tpu.memory_space<vmem>>) semaphore(%arg26 : memref<!tpu.dma_semaphore, #tpu.memory_space<semaphore_mem>>)
    %dma_wait3A_304 = arith.constant 0 : i32
    %dma_wait3A_305 = tpu.memref_slice %arg21[%dma_wait3A_304] : memref<100352xf32, #tpu.memory_space<vmem_shared>> -> memref<100352xf32, #tpu.memory_space<vmem_shared>>
    tpu.wait_indirect_dma semaphore(%arg26 : memref<!tpu.dma_semaphore, #tpu.memory_space<semaphore_mem>>) src(%dma_wait3A_305 : memref<100352xf32, #tpu.memory_space<vmem_shared>>) dst(%arg15 : memref<9088xf32, #tpu.memory_space<vmem>>)
    %dma_start3A_306 = arith.constant 0 : i32
    %dma_start3A_307 = tpu.memref_slice %arg22[%dma_start3A_306] : memref<100352xf32, #tpu.memory_space<vmem_shared>> -> memref<100352xf32, #tpu.memory_space<vmem_shared>>
    tpu.enqueue_indirect_dma source(%arg15 : memref<9088xf32, #tpu.memory_space<vmem>>) target(%dma_start3A_307 : memref<100352xf32, #tpu.memory_space<vmem_shared>>) offsets(%arg13 : memref<9088xi32, #tpu.memory_space<vmem>>) semaphore(%arg27 : memref<!tpu.dma_semaphore, #tpu.memory_space<semaphore_mem>>) {add = true}
    %dma_start3A_308 = arith.constant 0 : i32
    %dma_start3A_309 = tpu.memref_slice %arg23[%dma_start3A_308] : memref<100352xf32, #tpu.memory_space<vmem_shared>> -> memref<100352xf32, #tpu.memory_space<vmem_shared>>
    tpu.enqueue_indirect_dma source(%arg16 : memref<9088xf32, #tpu.memory_space<vmem>>) target(%dma_start3A_309 : memref<100352xf32, #tpu.memory_space<vmem_shared>>) offsets(%arg13 : memref<9088xi32, #tpu.memory_space<vmem>>) semaphore(%arg28 : memref<!tpu.dma_semaphore, #tpu.memory_space<semaphore_mem>>) {add = true}
    %dma_wait3A_310 = arith.constant 0 : i32
    %dma_wait3A_311 = tpu.memref_slice %arg2[%dma_wait3A_310, %add3A_286] : memref<2x3200000xi32, #tpu.memory_space<hbm>> -> memref<2x9088xi32, #tpu.memory_space<hbm>>
    %dma_wait3A_312 = arith.constant 0 : i32
    %dma_wait3A_313 = tpu.memref_slice %arg2[%dma_wait3A_312, %add3A_286] : memref<2x3200000xi32, #tpu.memory_space<hbm>> -> memref<2x9088xi32, #tpu.memory_space<hbm>>
    tpu.wait_dma2 semaphore(%arg24 : memref<!tpu.dma_semaphore, #tpu.memory_space<semaphore_mem>>) src(%dma_wait3A_313 : memref<2x9088xi32, #tpu.memory_space<hbm>>) dst(%arg8 : memref<2x9088xi32, #tpu.memory_space<vmem>>)
    %dma_wait3A_314 = arith.constant 0 : i32
    %dma_wait3A_315 = tpu.memref_slice %arg22[%dma_wait3A_314] : memref<100352xf32, #tpu.memory_space<vmem_shared>> -> memref<100352xf32, #tpu.memory_space<vmem_shared>>
    tpu.wait_indirect_dma semaphore(%arg27 : memref<!tpu.dma_semaphore, #tpu.memory_space<semaphore_mem>>) src(%arg14 : memref<9088xf32, #tpu.memory_space<vmem>>) dst(%dma_wait3A_315 : memref<100352xf32, #tpu.memory_space<vmem_shared>>)
    %dma_wait3A_316 = arith.constant 0 : i32
    %dma_wait3A_317 = tpu.memref_slice %arg23[%dma_wait3A_316] : memref<100352xf32, #tpu.memory_space<vmem_shared>> -> memref<100352xf32, #tpu.memory_space<vmem_shared>>
    tpu.wait_indirect_dma semaphore(%arg28 : memref<!tpu.dma_semaphore, #tpu.memory_space<semaphore_mem>>) src(%arg16 : memref<9088xf32, #tpu.memory_space<vmem>>) dst(%dma_wait3A_317 : memref<100352xf32, #tpu.memory_space<vmem_shared>>)
    %scan3A_318 = arith.constant 0 : i32
    %scan3A_319 = arith.constant 0 : i32
    %scan3A_320 = arith.constant 71 : i32
    %scan3A_321 = arith.addi %scan3A_319, %scan3A_320 : i32
    %scan3A_322 = arith.constant 1 : i32
    %scan3A_323 = scf.for %scan3A_347 = %scan3A_319 to %scan3A_321 step %scan3A_322 iter_args(%scan3A_348 = %scan3A_318) -> (i32)  : i32 {
      %mul3A_349 = arith.constant 128 : i32
      %mul3A_350 = arith.muli %scan3A_347, %mul3A_349 : i32
      %add3A_351 = arith.constant 0 : i32
      %add3A_352 = arith.addi %mul3A_350, %add3A_351 : i32
      %multiple_of3A = tpu.assume_multiple %add3A_352, 16 : i32
      %get3A = arith.constant 0 : i32
      %get3A_353 = arith.index_cast %get3A : i32 to index
      %get3A_354 = arith.index_cast %multiple_of3A : i32 to index
      %get3A_355 = tpu.vector_load %arg8[%get3A_353, %get3A_354] {strides = array<i32>} : memref<2x9088xi32, #tpu.memory_space<vmem>>, vector<1x16xi32>,
      %get3A_356 = vector.shape_cast %get3A_355 : vector<1x16xi32> to vector<16xi32>
      %swap3A = arith.index_cast %multiple_of3A : i32 to index
      %swap3A_357 = tpu.vector_load %arg10[%swap3A] {strides = array<i32>} : memref<9088xi32, #tpu.memory_space<vmem>>, vector<16xi32>,
      %swap3A_358 = vector.shape_cast %swap3A_357 : vector<16xi32> to vector<16xi32>
      %swap3A_359 = vector.shape_cast %get3A_356 : vector<16xi32> to vector<16xi32>
      tpu.vector_store %arg10[%swap3A], %swap3A_359 {strides = array<i32>} : memref<9088xi32, #tpu.memory_space<vmem>>, vector<16xi32>,
      %get3A_360 = arith.constant 1 : i32
      %get3A_361 = arith.index_cast %get3A_360 : i32 to index
      %get3A_362 = arith.index_cast %multiple_of3A : i32 to index
      %get3A_363 = tpu.vector_load %arg8[%get3A_361, %get3A_362] {strides = array<i32>} : memref<2x9088xi32, #tpu.memory_space<vmem>>, vector<1x16xi32>,
      %get3A_364 = vector.shape_cast %get3A_363 : vector<1x16xi32> to vector<16xi32>
      %swap3A_365 = arith.index_cast %multiple_of3A : i32 to index
      %swap3A_366 = tpu.vector_load %arg12[%swap3A_365] {strides = array<i32>} : memref<9088xi32, #tpu.memory_space<vmem>>, vector<16xi32>,
      %swap3A_367 = vector.shape_cast %swap3A_366 : vector<16xi32> to vector<16xi32>
      %swap3A_368 = vector.shape_cast %get3A_364 : vector<16xi32> to vector<16xi32>
      tpu.vector_store %arg12[%swap3A_365], %swap3A_368 {strides = array<i32>} : memref<9088xi32, #tpu.memory_space<vmem>>, vector<16xi32>,
      %mul3A_369 = arith.constant 128 : i32
      %mul3A_370 = arith.muli %scan3A_347, %mul3A_369 : i32
      %add3A_371 = arith.constant 16 : i32
      %add3A_372 = arith.addi %mul3A_370, %add3A_371 : i32
      %multiple_of3A_373 = tpu.assume_multiple %add3A_372, 16 : i32
      %get3A_374 = arith.constant 0 : i32
      %get3A_375 = arith.index_cast %get3A_374 : i32 to index
      %get3A_376 = arith.index_cast %multiple_of3A_373 : i32 to index
      %get3A_377 = tpu.vector_load %arg8[%get3A_375, %get3A_376] {strides = array<i32>} : memref<2x9088xi32, #tpu.memory_space<vmem>>, vector<1x16xi32>,
      %get3A_378 = vector.shape_cast %get3A_377 : vector<1x16xi32> to vector<16xi32>
      %swap3A_379 = arith.index_cast %multiple_of3A_373 : i32 to index
      %swap3A_380 = tpu.vector_load %arg10[%swap3A_379] {strides = array<i32>} : memref<9088xi32, #tpu.memory_space<vmem>>, vector<16xi32>,
      %swap3A_381 = vector.shape_cast %swap3A_380 : vector<16xi32> to vector<16xi32>
      %swap3A_382 = vector.shape_cast %get3A_378 : vector<16xi32> to vector<16xi32>
      tpu.vector_store %arg10[%swap3A_379], %swap3A_382 {strides = array<i32>} : memref<9088xi32, #tpu.memory_space<vmem>>, vector<16xi32>,
      %get3A_383 = arith.constant 1 : i32
      %get3A_384 = arith.index_cast %get3A_383 : i32 to index
      %get3A_385 = arith.index_cast %multiple_of3A_373 : i32 to index
      %get3A_386 = tpu.vector_load %arg8[%get3A_384, %get3A_385] {strides = array<i32>} : memref<2x9088xi32, #tpu.memory_space<vmem>>, vector<1x16xi32>,
      %get3A_387 = vector.shape_cast %get3A_386 : vector<1x16xi32> to vector<16xi32>
      %swap3A_388 = arith.index_cast %multiple_of3A_373 : i32 to index
      %swap3A_389 = tpu.vector_load %arg12[%swap3A_388] {strides = array<i32>} : memref<9088xi32, #tpu.memory_space<vmem>>, vector<16xi32>,
      %swap3A_390 = vector.shape_cast %swap3A_389 : vector<16xi32> to vector<16xi32>
      %swap3A_391 = vector.shape_cast %get3A_387 : vector<16xi32> to vector<16xi32>
      tpu.vector_store %arg12[%swap3A_388], %swap3A_391 {strides = array<i32>} : memref<9088xi32, #tpu.memory_space<vmem>>, vector<16xi32>,
      %mul3A_392 = arith.constant 128 : i32
      %mul3A_393 = arith.muli %scan3A_347, %mul3A_392 : i32
      %add3A_394 = arith.constant 32 : i32
      %add3A_395 = arith.addi %mul3A_393, %add3A_394 : i32
      %multiple_of3A_396 = tpu.assume_multiple %add3A_395, 16 : i32
      %get3A_397 = arith.constant 0 : i32
      %get3A_398 = arith.index_cast %get3A_397 : i32 to index
      %get3A_399 = arith.index_cast %multiple_of3A_396 : i32 to index
      %get3A_400 = tpu.vector_load %arg8[%get3A_398, %get3A_399] {strides = array<i32>} : memref<2x9088xi32, #tpu.memory_space<vmem>>, vector<1x16xi32>,
      %get3A_401 = vector.shape_cast %get3A_400 : vector<1x16xi32> to vector<16xi32>
      %swap3A_402 = arith.index_cast %multiple_of3A_396 : i32 to index
      %swap3A_403 = tpu.vector_load %arg10[%swap3A_402] {strides = array<i32>} : memref<9088xi32, #tpu.memory_space<vmem>>, vector<16xi32>,
      %swap3A_404 = vector.shape_cast %swap3A_403 : vector<16xi32> to vector<16xi32>
      %swap3A_405 = vector.shape_cast %get3A_401 : vector<16xi32> to vector<16xi32>
      tpu.vector_store %arg10[%swap3A_402], %swap3A_405 {strides = array<i32>} : memref<9088xi32, #tpu.memory_space<vmem>>, vector<16xi32>,
      %get3A_406 = arith.constant 1 : i32
      %get3A_407 = arith.index_cast %get3A_406 : i32 to index
      %get3A_408 = arith.index_cast %multiple_of3A_396 : i32 to index
      %get3A_409 = tpu.vector_load %arg8[%get3A_407, %get3A_408] {strides = array<i32>} : memref<2x9088xi32, #tpu.memory_space<vmem>>, vector<1x16xi32>,
      %get3A_410 = vector.shape_cast %get3A_409 : vector<1x16xi32> to vector<16xi32>
      %swap3A_411 = arith.index_cast %multiple_of3A_396 : i32 to index
      %swap3A_412 = tpu.vector_load %arg12[%swap3A_411] {strides = array<i32>} : memref<9088xi32, #tpu.memory_space<vmem>>, vector<16xi32>,
      %swap3A_413 = vector.shape_cast %swap3A_412 : vector<16xi32> to vector<16xi32>
      %swap3A_414 = vector.shape_cast %get3A_410 : vector<16xi32> to vector<16xi32>
      tpu.vector_store %arg12[%swap3A_411], %swap3A_414 {strides = array<i32>} : memref<9088xi32, #tpu.memory_space<vmem>>, vector<16xi32>,
      %mul3A_415 = arith.constant 128 : i32
      %mul3A_416 = arith.muli %scan3A_347, %mul3A_415 : i32
      %add3A_417 = arith.constant 48 : i32
      %add3A_418 = arith.addi %mul3A_416, %add3A_417 : i32
      %multiple_of3A_419 = tpu.assume_multiple %add3A_418, 16 : i32
      %get3A_420 = arith.constant 0 : i32
      %get3A_421 = arith.index_cast %get3A_420 : i32 to index
      %get3A_422 = arith.index_cast %multiple_of3A_419 : i32 to index
      %get3A_423 = tpu.vector_load %arg8[%get3A_421, %get3A_422] {strides = array<i32>} : memref<2x9088xi32, #tpu.memory_space<vmem>>, vector<1x16xi32>,
      %get3A_424 = vector.shape_cast %get3A_423 : vector<1x16xi32> to vector<16xi32>
      %swap3A_425 = arith.index_cast %multiple_of3A_419 : i32 to index
      %swap3A_426 = tpu.vector_load %arg10[%swap3A_425] {strides = array<i32>} : memref<9088xi32, #tpu.memory_space<vmem>>, vector<16xi32>,
      %swap3A_427 = vector.shape_cast %swap3A_426 : vector<16xi32> to vector<16xi32>
      %swap3A_428 = vector.shape_cast %get3A_424 : vector<16xi32> to vector<16xi32>
      tpu.vector_store %arg10[%swap3A_425], %swap3A_428 {strides = array<i32>} : memref<9088xi32, #tpu.memory_space<vmem>>, vector<16xi32>,
      %get3A_429 = arith.constant 1 : i32
      %get3A_430 = arith.index_cast %get3A_429 : i32 to index
      %get3A_431 = arith.index_cast %multiple_of3A_419 : i32 to index
      %get3A_432 = tpu.vector_load %arg8[%get3A_430, %get3A_431] {strides = array<i32>} : memref<2x9088xi32, #tpu.memory_space<vmem>>, vector<1x16xi32>,
      %get3A_433 = vector.shape_cast %get3A_432 : vector<1x16xi32> to vector<16xi32>
      %swap3A_434 = arith.index_cast %multiple_of3A_419 : i32 to index
      %swap3A_435 = tpu.vector_load %arg12[%swap3A_434] {strides = array<i32>} : memref<9088xi32, #tpu.memory_space<vmem>>, vector<16xi32>,
      %swap3A_436 = vector.shape_cast %swap3A_435 : vector<16xi32> to vector<16xi32>
      %swap3A_437 = vector.shape_cast %get3A_433 : vector<16xi32> to vector<16xi32>
      tpu.vector_store %arg12[%swap3A_434], %swap3A_437 {strides = array<i32>} : memref<9088xi32, #tpu.memory_space<vmem>>, vector<16xi32>,
      %mul3A_438 = arith.constant 128 : i32
      %mul3A_439 = arith.muli %scan3A_347, %mul3A_438 : i32
      %add3A_440 = arith.constant 64 : i32
      %add3A_441 = arith.addi %mul3A_439, %add3A_440 : i32
      %multiple_of3A_442 = tpu.assume_multiple %add3A_441, 16 : i32
      %get3A_443 = arith.constant 0 : i32
      %get3A_444 = arith.index_cast %get3A_443 : i32 to index
      %get3A_445 = arith.index_cast %multiple_of3A_442 : i32 to index
      %get3A_446 = tpu.vector_load %arg8[%get3A_444, %get3A_445] {strides = array<i32>} : memref<2x9088xi32, #tpu.memory_space<vmem>>, vector<1x16xi32>,
      %get3A_447 = vector.shape_cast %get3A_446 : vector<1x16xi32> to vector<16xi32>
      %swap3A_448 = arith.index_cast %multiple_of3A_442 : i32 to index
      %swap3A_449 = tpu.vector_load %arg10[%swap3A_448] {strides = array<i32>} : memref<9088xi32, #tpu.memory_space<vmem>>, vector<16xi32>,
      %swap3A_450 = vector.shape_cast %swap3A_449 : vector<16xi32> to vector<16xi32>
      %swap3A_451 = vector.shape_cast %get3A_447 : vector<16xi32> to vector<16xi32>
      tpu.vector_store %arg10[%swap3A_448], %swap3A_451 {strides = array<i32>} : memref<9088xi32, #tpu.memory_space<vmem>>, vector<16xi32>,
      %get3A_452 = arith.constant 1 : i32
      %get3A_453 = arith.index_cast %get3A_452 : i32 to index
      %get3A_454 = arith.index_cast %multiple_of3A_442 : i32 to index
      %get3A_455 = tpu.vector_load %arg8[%get3A_453, %get3A_454] {strides = array<i32>} : memref<2x9088xi32, #tpu.memory_space<vmem>>, vector<1x16xi32>,
      %get3A_456 = vector.shape_cast %get3A_455 : vector<1x16xi32> to vector<16xi32>
      %swap3A_457 = arith.index_cast %multiple_of3A_442 : i32 to index
      %swap3A_458 = tpu.vector_load %arg12[%swap3A_457] {strides = array<i32>} : memref<9088xi32, #tpu.memory_space<vmem>>, vector<16xi32>,
      %swap3A_459 = vector.shape_cast %swap3A_458 : vector<16xi32> to vector<16xi32>
      %swap3A_460 = vector.shape_cast %get3A_456 : vector<16xi32> to vector<16xi32>
      tpu.vector_store %arg12[%swap3A_457], %swap3A_460 {strides = array<i32>} : memref<9088xi32, #tpu.memory_space<vmem>>, vector<16xi32>,
      %mul3A_461 = arith.constant 128 : i32
      %mul3A_462 = arith.muli %scan3A_347, %mul3A_461 : i32
      %add3A_463 = arith.constant 80 : i32
      %add3A_464 = arith.addi %mul3A_462, %add3A_463 : i32
      %multiple_of3A_465 = tpu.assume_multiple %add3A_464, 16 : i32
      %get3A_466 = arith.constant 0 : i32
      %get3A_467 = arith.index_cast %get3A_466 : i32 to index
      %get3A_468 = arith.index_cast %multiple_of3A_465 : i32 to index
      %get3A_469 = tpu.vector_load %arg8[%get3A_467, %get3A_468] {strides = array<i32>} : memref<2x9088xi32, #tpu.memory_space<vmem>>, vector<1x16xi32>,
      %get3A_470 = vector.shape_cast %get3A_469 : vector<1x16xi32> to vector<16xi32>
      %swap3A_471 = arith.index_cast %multiple_of3A_465 : i32 to index
      %swap3A_472 = tpu.vector_load %arg10[%swap3A_471] {strides = array<i32>} : memref<9088xi32, #tpu.memory_space<vmem>>, vector<16xi32>,
      %swap3A_473 = vector.shape_cast %swap3A_472 : vector<16xi32> to vector<16xi32>
      %swap3A_474 = vector.shape_cast %get3A_470 : vector<16xi32> to vector<16xi32>
      tpu.vector_store %arg10[%swap3A_471], %swap3A_474 {strides = array<i32>} : memref<9088xi32, #tpu.memory_space<vmem>>, vector<16xi32>,
      %get3A_475 = arith.constant 1 : i32
      %get3A_476 = arith.index_cast %get3A_475 : i32 to index
      %get3A_477 = arith.index_cast %multiple_of3A_465 : i32 to index
      %get3A_478 = tpu.vector_load %arg8[%get3A_476, %get3A_477] {strides = array<i32>} : memref<2x9088xi32, #tpu.memory_space<vmem>>, vector<1x16xi32>,
      %get3A_479 = vector.shape_cast %get3A_478 : vector<1x16xi32> to vector<16xi32>
      %swap3A_480 = arith.index_cast %multiple_of3A_465 : i32 to index
      %swap3A_481 = tpu.vector_load %arg12[%swap3A_480] {strides = array<i32>} : memref<9088xi32, #tpu.memory_space<vmem>>, vector<16xi32>,
      %swap3A_482 = vector.shape_cast %swap3A_481 : vector<16xi32> to vector<16xi32>
      %swap3A_483 = vector.shape_cast %get3A_479 : vector<16xi32> to vector<16xi32>
      tpu.vector_store %arg12[%swap3A_480], %swap3A_483 {strides = array<i32>} : memref<9088xi32, #tpu.memory_space<vmem>>, vector<16xi32>,
      %mul3A_484 = arith.constant 128 : i32
      %mul3A_485 = arith.muli %scan3A_347, %mul3A_484 : i32
      %add3A_486 = arith.constant 96 : i32
      %add3A_487 = arith.addi %mul3A_485, %add3A_486 : i32
      %multiple_of3A_488 = tpu.assume_multiple %add3A_487, 16 : i32
      %get3A_489 = arith.constant 0 : i32
      %get3A_490 = arith.index_cast %get3A_489 : i32 to index
      %get3A_491 = arith.index_cast %multiple_of3A_488 : i32 to index
      %get3A_492 = tpu.vector_load %arg8[%get3A_490, %get3A_491] {strides = array<i32>} : memref<2x9088xi32, #tpu.memory_space<vmem>>, vector<1x16xi32>,
      %get3A_493 = vector.shape_cast %get3A_492 : vector<1x16xi32> to vector<16xi32>
      %swap3A_494 = arith.index_cast %multiple_of3A_488 : i32 to index
      %swap3A_495 = tpu.vector_load %arg10[%swap3A_494] {strides = array<i32>} : memref<9088xi32, #tpu.memory_space<vmem>>, vector<16xi32>,
      %swap3A_496 = vector.shape_cast %swap3A_495 : vector<16xi32> to vector<16xi32>
      %swap3A_497 = vector.shape_cast %get3A_493 : vector<16xi32> to vector<16xi32>
      tpu.vector_store %arg10[%swap3A_494], %swap3A_497 {strides = array<i32>} : memref<9088xi32, #tpu.memory_space<vmem>>, vector<16xi32>,
      %get3A_498 = arith.constant 1 : i32
      %get3A_499 = arith.index_cast %get3A_498 : i32 to index
      %get3A_500 = arith.index_cast %multiple_of3A_488 : i32 to index
      %get3A_501 = tpu.vector_load %arg8[%get3A_499, %get3A_500] {strides = array<i32>} : memref<2x9088xi32, #tpu.memory_space<vmem>>, vector<1x16xi32>,
      %get3A_502 = vector.shape_cast %get3A_501 : vector<1x16xi32> to vector<16xi32>
      %swap3A_503 = arith.index_cast %multiple_of3A_488 : i32 to index
      %swap3A_504 = tpu.vector_load %arg12[%swap3A_503] {strides = array<i32>} : memref<9088xi32, #tpu.memory_space<vmem>>, vector<16xi32>,
      %swap3A_505 = vector.shape_cast %swap3A_504 : vector<16xi32> to vector<16xi32>
      %swap3A_506 = vector.shape_cast %get3A_502 : vector<16xi32> to vector<16xi32>
      tpu.vector_store %arg12[%swap3A_503], %swap3A_506 {strides = array<i32>} : memref<9088xi32, #tpu.memory_space<vmem>>, vector<16xi32>,
      %mul3A_507 = arith.constant 128 : i32
      %mul3A_508 = arith.muli %scan3A_347, %mul3A_507 : i32
      %add3A_509 = arith.constant 112 : i32
      %add3A_510 = arith.addi %mul3A_508, %add3A_509 : i32
      %multiple_of3A_511 = tpu.assume_multiple %add3A_510, 16 : i32
      %get3A_512 = arith.constant 0 : i32
      %get3A_513 = arith.index_cast %get3A_512 : i32 to index
      %get3A_514 = arith.index_cast %multiple_of3A_511 : i32 to index
      %get3A_515 = tpu.vector_load %arg8[%get3A_513, %get3A_514] {strides = array<i32>} : memref<2x9088xi32, #tpu.memory_space<vmem>>, vector<1x16xi32>,
      %get3A_516 = vector.shape_cast %get3A_515 : vector<1x16xi32> to vector<16xi32>
      %swap3A_517 = arith.index_cast %multiple_of3A_511 : i32 to index
      %swap3A_518 = tpu.vector_load %arg10[%swap3A_517] {strides = array<i32>} : memref<9088xi32, #tpu.memory_space<vmem>>, vector<16xi32>,
      %swap3A_519 = vector.shape_cast %swap3A_518 : vector<16xi32> to vector<16xi32>
      %swap3A_520 = vector.shape_cast %get3A_516 : vector<16xi32> to vector<16xi32>
      tpu.vector_store %arg10[%swap3A_517], %swap3A_520 {strides = array<i32>} : memref<9088xi32, #tpu.memory_space<vmem>>, vector<16xi32>,
      %get3A_521 = arith.constant 1 : i32
      %get3A_522 = arith.index_cast %get3A_521 : i32 to index
      %get3A_523 = arith.index_cast %multiple_of3A_511 : i32 to index
      %get3A_524 = tpu.vector_load %arg8[%get3A_522, %get3A_523] {strides = array<i32>} : memref<2x9088xi32, #tpu.memory_space<vmem>>, vector<1x16xi32>,
      %get3A_525 = vector.shape_cast %get3A_524 : vector<1x16xi32> to vector<16xi32>
      %swap3A_526 = arith.index_cast %multiple_of3A_511 : i32 to index
      %swap3A_527 = tpu.vector_load %arg12[%swap3A_526] {strides = array<i32>} : memref<9088xi32, #tpu.memory_space<vmem>>, vector<16xi32>,
      %swap3A_528 = vector.shape_cast %swap3A_527 : vector<16xi32> to vector<16xi32>
      %swap3A_529 = vector.shape_cast %get3A_525 : vector<16xi32> to vector<16xi32>
      tpu.vector_store %arg12[%swap3A_526], %swap3A_529 {strides = array<i32>} : memref<9088xi32, #tpu.memory_space<vmem>>, vector<16xi32>,
      %scan3A_530 = arith.constant 0 : i32
      scf.yield %scan3A_530 : i32
    }
    %scan3A_324 = arith.constant 71 : i32
    %dma_start3A_325 = arith.constant 0 : i32
    %dma_start3A_326 = tpu.memref_slice %arg21[%dma_start3A_325] : memref<100352xf32, #tpu.memory_space<vmem_shared>> -> memref<100352xf32, #tpu.memory_space<vmem_shared>>
    tpu.enqueue_indirect_dma source(%dma_start3A_326 : memref<100352xf32, #tpu.memory_space<vmem_shared>>) target(%arg14 : memref<9088xf32, #tpu.memory_space<vmem>>) offsets(%arg10 : memref<9088xi32, #tpu.memory_space<vmem>>) semaphore(%arg26 : memref<!tpu.dma_semaphore, #tpu.memory_space<semaphore_mem>>)
    %dma_wait3A_327 = arith.constant 0 : i32
    %dma_wait3A_328 = tpu.memref_slice %arg21[%dma_wait3A_327] : memref<100352xf32, #tpu.memory_space<vmem_shared>> -> memref<100352xf32, #tpu.memory_space<vmem_shared>>
    tpu.wait_indirect_dma semaphore(%arg26 : memref<!tpu.dma_semaphore, #tpu.memory_space<semaphore_mem>>) src(%dma_wait3A_328 : memref<100352xf32, #tpu.memory_space<vmem_shared>>) dst(%arg14 : memref<9088xf32, #tpu.memory_space<vmem>>)
    %dma_start3A_329 = arith.constant 0 : i32
    %dma_start3A_330 = tpu.memref_slice %arg22[%dma_start3A_329] : memref<100352xf32, #tpu.memory_space<vmem_shared>> -> memref<100352xf32, #tpu.memory_space<vmem_shared>>
    tpu.enqueue_indirect_dma source(%arg14 : memref<9088xf32, #tpu.memory_space<vmem>>) target(%dma_start3A_330 : memref<100352xf32, #tpu.memory_space<vmem_shared>>) offsets(%arg12 : memref<9088xi32, #tpu.memory_space<vmem>>) semaphore(%arg27 : memref<!tpu.dma_semaphore, #tpu.memory_space<semaphore_mem>>) {add = true}
    %dma_start3A_331 = arith.constant 0 : i32
    %dma_start3A_332 = tpu.memref_slice %arg23[%dma_start3A_331] : memref<100352xf32, #tpu.memory_space<vmem_shared>> -> memref<100352xf32, #tpu.memory_space<vmem_shared>>
    tpu.enqueue_indirect_dma source(%arg16 : memref<9088xf32, #tpu.memory_space<vmem>>) target(%dma_start3A_332 : memref<100352xf32, #tpu.memory_space<vmem_shared>>) offsets(%arg12 : memref<9088xi32, #tpu.memory_space<vmem>>) semaphore(%arg28 : memref<!tpu.dma_semaphore, #tpu.memory_space<semaphore_mem>>) {add = true}
    %dma_wait3A_333 = arith.constant 0 : i32
    %dma_wait3A_334 = tpu.memref_slice %arg22[%dma_wait3A_333] : memref<100352xf32, #tpu.memory_space<vmem_shared>> -> memref<100352xf32, #tpu.memory_space<vmem_shared>>
    tpu.wait_indirect_dma semaphore(%arg27 : memref<!tpu.dma_semaphore, #tpu.memory_space<semaphore_mem>>) src(%arg15 : memref<9088xf32, #tpu.memory_space<vmem>>) dst(%dma_wait3A_334 : memref<100352xf32, #tpu.memory_space<vmem_shared>>)
    %dma_wait3A_335 = arith.constant 0 : i32
    %dma_wait3A_336 = tpu.memref_slice %arg23[%dma_wait3A_335] : memref<100352xf32, #tpu.memory_space<vmem_shared>> -> memref<100352xf32, #tpu.memory_space<vmem_shared>>
    tpu.wait_indirect_dma semaphore(%arg28 : memref<!tpu.dma_semaphore, #tpu.memory_space<semaphore_mem>>) src(%arg16 : memref<9088xf32, #tpu.memory_space<vmem>>) dst(%dma_wait3A_336 : memref<100352xf32, #tpu.memory_space<vmem_shared>>)
    %dma_wait3A_337 = arith.constant 0 : i32
    %dma_wait3A_338 = tpu.memref_slice %arg22[%dma_wait3A_337] : memref<100352xf32, #tpu.memory_space<vmem_shared>> -> memref<100352xf32, #tpu.memory_space<vmem_shared>>
    tpu.wait_indirect_dma semaphore(%arg27 : memref<!tpu.dma_semaphore, #tpu.memory_space<semaphore_mem>>) src(%arg14 : memref<9088xf32, #tpu.memory_space<vmem>>) dst(%dma_wait3A_338 : memref<100352xf32, #tpu.memory_space<vmem_shared>>)
    %dma_wait3A_339 = arith.constant 0 : i32
    %dma_wait3A_340 = tpu.memref_slice %arg23[%dma_wait3A_339] : memref<100352xf32, #tpu.memory_space<vmem_shared>> -> memref<100352xf32, #tpu.memory_space<vmem_shared>>
    tpu.wait_indirect_dma semaphore(%arg28 : memref<!tpu.dma_semaphore, #tpu.memory_space<semaphore_mem>>) src(%arg16 : memref<9088xf32, #tpu.memory_space<vmem>>) dst(%dma_wait3A_340 : memref<100352xf32, #tpu.memory_space<vmem_shared>>)
    %eq3A = arith.constant 31 : i32
    %eq3A_341 = arith.cmpi eq, %add3A, %eq3A : i32
    %convert_element_type3A = arith.extui %eq3A_341 : i1 to i32
    %cond3A = arith.constant 0 : i32
    %cond3A_342 = arith.cmpi ne, %convert_element_type3A, %cond3A : i32
    scf.if %cond3A_342 {
      "tpu.region"() ({
        %run_scoped3A = tpu.sem_alloc : memref<!tpu.dma_semaphore, #tpu.memory_space<semaphore_mem>>
        %dma_start3A_358 = arith.constant 0 : i32
        %dma_start3A_359 = arith.constant 0 : i32
        %dma_start3A_360 = tpu.memref_slice %arg8[%dma_start3A_358, %dma_start3A_359] : memref<2x9088xi32, #tpu.memory_space<vmem>> -> memref<2x1024xi32, #tpu.memory_space<vmem>>
        %dma_start3A_361 = arith.constant 0 : i32
        %dma_start3A_362 = arith.constant 3198976 : i32
        %dma_start3A_363 = tpu.memref_slice %arg2[%dma_start3A_361, %dma_start3A_362] : memref<2x3200000xi32, #tpu.memory_space<hbm>> -> memref<2x1024xi32, #tpu.memory_space<hbm>>
        %dma_start3A_364 = arith.constant 0 : i32
        %dma_start3A_365 = arith.constant 0 : i32
        %dma_start3A_366 = tpu.memref_slice %arg8[%dma_start3A_364, %dma_start3A_365] : memref<2x9088xi32, #tpu.memory_space<vmem>> -> memref<2x1024xi32, #tpu.memory_space<vmem>>
        %dma_start3A_367 = arith.constant 0 : i32
        %dma_start3A_368 = arith.constant 3198976 : i32
        %dma_start3A_369 = tpu.memref_slice %arg2[%dma_start3A_367, %dma_start3A_368] : memref<2x3200000xi32, #tpu.memory_space<hbm>> -> memref<2x1024xi32, #tpu.memory_space<hbm>>
        tpu.enqueue_dma source(%dma_start3A_369 : memref<2x1024xi32, #tpu.memory_space<hbm>>) target(%dma_start3A_366 : memref<2x1024xi32, #tpu.memory_space<vmem>>) target_semaphore(%run_scoped3A : memref<!tpu.dma_semaphore, #tpu.memory_space<semaphore_mem>>)
        %dma_wait3A_370 = arith.constant 0 : i32
        %dma_wait3A_371 = arith.constant 0 : i32
        %dma_wait3A_372 = tpu.memref_slice %arg8[%dma_wait3A_370, %dma_wait3A_371] : memref<2x9088xi32, #tpu.memory_space<vmem>> -> memref<2x1024xi32, #tpu.memory_space<vmem>>
        %dma_wait3A_373 = arith.constant 0 : i32
        %dma_wait3A_374 = arith.constant 3198976 : i32
        %dma_wait3A_375 = tpu.memref_slice %arg2[%dma_wait3A_373, %dma_wait3A_374] : memref<2x3200000xi32, #tpu.memory_space<hbm>> -> memref<2x1024xi32, #tpu.memory_space<hbm>>
        %dma_wait3A_376 = arith.constant 0 : i32
        %dma_wait3A_377 = arith.constant 0 : i32
        %dma_wait3A_378 = tpu.memref_slice %arg8[%dma_wait3A_376, %dma_wait3A_377] : memref<2x9088xi32, #tpu.memory_space<vmem>> -> memref<2x1024xi32, #tpu.memory_space<vmem>>
        %dma_wait3A_379 = arith.constant 0 : i32
        %dma_wait3A_380 = arith.constant 3198976 : i32
        %dma_wait3A_381 = tpu.memref_slice %arg2[%dma_wait3A_379, %dma_wait3A_380] : memref<2x3200000xi32, #tpu.memory_space<hbm>> -> memref<2x1024xi32, #tpu.memory_space<hbm>>
        tpu.wait_dma2 semaphore(%run_scoped3A : memref<!tpu.dma_semaphore, #tpu.memory_space<semaphore_mem>>) src(%dma_wait3A_381 : memref<2x1024xi32, #tpu.memory_space<hbm>>) dst(%dma_wait3A_378 : memref<2x1024xi32, #tpu.memory_space<vmem>>)
        tpu.yield
      }) : () -> ()
      %scan3A_347 = arith.constant 0 : i32
      %scan3A_348 = arith.constant 0 : i32
      %scan3A_349 = arith.constant 8 : i32
      %scan3A_350 = arith.addi %scan3A_348, %scan3A_349 : i32
      %scan3A_351 = arith.constant 1 : i32
      %scan3A_352 = scf.for %scan3A_358 = %scan3A_348 to %scan3A_350 step %scan3A_351 iter_args(%scan3A_359 = %scan3A_347) -> (i32)  : i32 {
        %mul3A_360 = arith.constant 128 : i32
        %mul3A_361 = arith.muli %scan3A_358, %mul3A_360 : i32
        %add3A_362 = arith.constant 0 : i32
        %add3A_363 = arith.addi %mul3A_361, %add3A_362 : i32
        %multiple_of3A = tpu.assume_multiple %add3A_363, 16 : i32
        %get3A = arith.constant 0 : i32
        %get3A_364 = arith.index_cast %get3A : i32 to index
        %get3A_365 = arith.index_cast %multiple_of3A : i32 to index
        %get3A_366 = tpu.vector_load %arg8[%get3A_364, %get3A_365] {strides = array<i32>} : memref<2x9088xi32, #tpu.memory_space<vmem>>, vector<1x16xi32>,
        %get3A_367 = vector.shape_cast %get3A_366 : vector<1x16xi32> to vector<16xi32>
        %swap3A = arith.index_cast %multiple_of3A : i32 to index
        %swap3A_368 = tpu.vector_load %arg18[%swap3A] {strides = array<i32>} : memref<1024xi32, #tpu.memory_space<vmem>>, vector<16xi32>,
        %swap3A_369 = vector.shape_cast %swap3A_368 : vector<16xi32> to vector<16xi32>
        %swap3A_370 = vector.shape_cast %get3A_367 : vector<16xi32> to vector<16xi32>
        tpu.vector_store %arg18[%swap3A], %swap3A_370 {strides = array<i32>} : memref<1024xi32, #tpu.memory_space<vmem>>, vector<16xi32>,
        %get3A_371 = arith.constant 1 : i32
        %get3A_372 = arith.index_cast %get3A_371 : i32 to index
        %get3A_373 = arith.index_cast %multiple_of3A : i32 to index
        %get3A_374 = tpu.vector_load %arg8[%get3A_372, %get3A_373] {strides = array<i32>} : memref<2x9088xi32, #tpu.memory_space<vmem>>, vector<1x16xi32>,
        %get3A_375 = vector.shape_cast %get3A_374 : vector<1x16xi32> to vector<16xi32>
        %swap3A_376 = arith.index_cast %multiple_of3A : i32 to index
        %swap3A_377 = tpu.vector_load %arg19[%swap3A_376] {strides = array<i32>} : memref<1024xi32, #tpu.memory_space<vmem>>, vector<16xi32>,
        %swap3A_378 = vector.shape_cast %swap3A_377 : vector<16xi32> to vector<16xi32>
        %swap3A_379 = vector.shape_cast %get3A_375 : vector<16xi32> to vector<16xi32>
        tpu.vector_store %arg19[%swap3A_376], %swap3A_379 {strides = array<i32>} : memref<1024xi32, #tpu.memory_space<vmem>>, vector<16xi32>,
        %mul3A_380 = arith.constant 128 : i32
        %mul3A_381 = arith.muli %scan3A_358, %mul3A_380 : i32
        %add3A_382 = arith.constant 16 : i32
        %add3A_383 = arith.addi %mul3A_381, %add3A_382 : i32
        %multiple_of3A_384 = tpu.assume_multiple %add3A_383, 16 : i32
        %get3A_385 = arith.constant 0 : i32
        %get3A_386 = arith.index_cast %get3A_385 : i32 to index
        %get3A_387 = arith.index_cast %multiple_of3A_384 : i32 to index
        %get3A_388 = tpu.vector_load %arg8[%get3A_386, %get3A_387] {strides = array<i32>} : memref<2x9088xi32, #tpu.memory_space<vmem>>, vector<1x16xi32>,
        %get3A_389 = vector.shape_cast %get3A_388 : vector<1x16xi32> to vector<16xi32>
        %swap3A_390 = arith.index_cast %multiple_of3A_384 : i32 to index
        %swap3A_391 = tpu.vector_load %arg18[%swap3A_390] {strides = array<i32>} : memref<1024xi32, #tpu.memory_space<vmem>>, vector<16xi32>,
        %swap3A_392 = vector.shape_cast %swap3A_391 : vector<16xi32> to vector<16xi32>
        %swap3A_393 = vector.shape_cast %get3A_389 : vector<16xi32> to vector<16xi32>
        tpu.vector_store %arg18[%swap3A_390], %swap3A_393 {strides = array<i32>} : memref<1024xi32, #tpu.memory_space<vmem>>, vector<16xi32>,
        %get3A_394 = arith.constant 1 : i32
        %get3A_395 = arith.index_cast %get3A_394 : i32 to index
        %get3A_396 = arith.index_cast %multiple_of3A_384 : i32 to index
        %get3A_397 = tpu.vector_load %arg8[%get3A_395, %get3A_396] {strides = array<i32>} : memref<2x9088xi32, #tpu.memory_space<vmem>>, vector<1x16xi32>,
        %get3A_398 = vector.shape_cast %get3A_397 : vector<1x16xi32> to vector<16xi32>
        %swap3A_399 = arith.index_cast %multiple_of3A_384 : i32 to index
        %swap3A_400 = tpu.vector_load %arg19[%swap3A_399] {strides = array<i32>} : memref<1024xi32, #tpu.memory_space<vmem>>, vector<16xi32>,
        %swap3A_401 = vector.shape_cast %swap3A_400 : vector<16xi32> to vector<16xi32>
        %swap3A_402 = vector.shape_cast %get3A_398 : vector<16xi32> to vector<16xi32>
        tpu.vector_store %arg19[%swap3A_399], %swap3A_402 {strides = array<i32>} : memref<1024xi32, #tpu.memory_space<vmem>>, vector<16xi32>,
        %mul3A_403 = arith.constant 128 : i32
        %mul3A_404 = arith.muli %scan3A_358, %mul3A_403 : i32
        %add3A_405 = arith.constant 32 : i32
        %add3A_406 = arith.addi %mul3A_404, %add3A_405 : i32
        %multiple_of3A_407 = tpu.assume_multiple %add3A_406, 16 : i32
        %get3A_408 = arith.constant 0 : i32
        %get3A_409 = arith.index_cast %get3A_408 : i32 to index
        %get3A_410 = arith.index_cast %multiple_of3A_407 : i32 to index
        %get3A_411 = tpu.vector_load %arg8[%get3A_409, %get3A_410] {strides = array<i32>} : memref<2x9088xi32, #tpu.memory_space<vmem>>, vector<1x16xi32>,
        %get3A_412 = vector.shape_cast %get3A_411 : vector<1x16xi32> to vector<16xi32>
        %swap3A_413 = arith.index_cast %multiple_of3A_407 : i32 to index
        %swap3A_414 = tpu.vector_load %arg18[%swap3A_413] {strides = array<i32>} : memref<1024xi32, #tpu.memory_space<vmem>>, vector<16xi32>,
        %swap3A_415 = vector.shape_cast %swap3A_414 : vector<16xi32> to vector<16xi32>
        %swap3A_416 = vector.shape_cast %get3A_412 : vector<16xi32> to vector<16xi32>
        tpu.vector_store %arg18[%swap3A_413], %swap3A_416 {strides = array<i32>} : memref<1024xi32, #tpu.memory_space<vmem>>, vector<16xi32>,
        %get3A_417 = arith.constant 1 : i32
        %get3A_418 = arith.index_cast %get3A_417 : i32 to index
        %get3A_419 = arith.index_cast %multiple_of3A_407 : i32 to index
        %get3A_420 = tpu.vector_load %arg8[%get3A_418, %get3A_419] {strides = array<i32>} : memref<2x9088xi32, #tpu.memory_space<vmem>>, vector<1x16xi32>,
        %get3A_421 = vector.shape_cast %get3A_420 : vector<1x16xi32> to vector<16xi32>
        %swap3A_422 = arith.index_cast %multiple_of3A_407 : i32 to index
        %swap3A_423 = tpu.vector_load %arg19[%swap3A_422] {strides = array<i32>} : memref<1024xi32, #tpu.memory_space<vmem>>, vector<16xi32>,
        %swap3A_424 = vector.shape_cast %swap3A_423 : vector<16xi32> to vector<16xi32>
        %swap3A_425 = vector.shape_cast %get3A_421 : vector<16xi32> to vector<16xi32>
        tpu.vector_store %arg19[%swap3A_422], %swap3A_425 {strides = array<i32>} : memref<1024xi32, #tpu.memory_space<vmem>>, vector<16xi32>,
        %mul3A_426 = arith.constant 128 : i32
        %mul3A_427 = arith.muli %scan3A_358, %mul3A_426 : i32
        %add3A_428 = arith.constant 48 : i32
        %add3A_429 = arith.addi %mul3A_427, %add3A_428 : i32
        %multiple_of3A_430 = tpu.assume_multiple %add3A_429, 16 : i32
        %get3A_431 = arith.constant 0 : i32
        %get3A_432 = arith.index_cast %get3A_431 : i32 to index
        %get3A_433 = arith.index_cast %multiple_of3A_430 : i32 to index
        %get3A_434 = tpu.vector_load %arg8[%get3A_432, %get3A_433] {strides = array<i32>} : memref<2x9088xi32, #tpu.memory_space<vmem>>, vector<1x16xi32>,
        %get3A_435 = vector.shape_cast %get3A_434 : vector<1x16xi32> to vector<16xi32>
        %swap3A_436 = arith.index_cast %multiple_of3A_430 : i32 to index
        %swap3A_437 = tpu.vector_load %arg18[%swap3A_436] {strides = array<i32>} : memref<1024xi32, #tpu.memory_space<vmem>>, vector<16xi32>,
        %swap3A_438 = vector.shape_cast %swap3A_437 : vector<16xi32> to vector<16xi32>
        %swap3A_439 = vector.shape_cast %get3A_435 : vector<16xi32> to vector<16xi32>
        tpu.vector_store %arg18[%swap3A_436], %swap3A_439 {strides = array<i32>} : memref<1024xi32, #tpu.memory_space<vmem>>, vector<16xi32>,
        %get3A_440 = arith.constant 1 : i32
        %get3A_441 = arith.index_cast %get3A_440 : i32 to index
        %get3A_442 = arith.index_cast %multiple_of3A_430 : i32 to index
        %get3A_443 = tpu.vector_load %arg8[%get3A_441, %get3A_442] {strides = array<i32>} : memref<2x9088xi32, #tpu.memory_space<vmem>>, vector<1x16xi32>,
        %get3A_444 = vector.shape_cast %get3A_443 : vector<1x16xi32> to vector<16xi32>
        %swap3A_445 = arith.index_cast %multiple_of3A_430 : i32 to index
        %swap3A_446 = tpu.vector_load %arg19[%swap3A_445] {strides = array<i32>} : memref<1024xi32, #tpu.memory_space<vmem>>, vector<16xi32>,
        %swap3A_447 = vector.shape_cast %swap3A_446 : vector<16xi32> to vector<16xi32>
        %swap3A_448 = vector.shape_cast %get3A_444 : vector<16xi32> to vector<16xi32>
        tpu.vector_store %arg19[%swap3A_445], %swap3A_448 {strides = array<i32>} : memref<1024xi32, #tpu.memory_space<vmem>>, vector<16xi32>,
        %mul3A_449 = arith.constant 128 : i32
        %mul3A_450 = arith.muli %scan3A_358, %mul3A_449 : i32
        %add3A_451 = arith.constant 64 : i32
        %add3A_452 = arith.addi %mul3A_450, %add3A_451 : i32
        %multiple_of3A_453 = tpu.assume_multiple %add3A_452, 16 : i32
        %get3A_454 = arith.constant 0 : i32
        %get3A_455 = arith.index_cast %get3A_454 : i32 to index
        %get3A_456 = arith.index_cast %multiple_of3A_453 : i32 to index
        %get3A_457 = tpu.vector_load %arg8[%get3A_455, %get3A_456] {strides = array<i32>} : memref<2x9088xi32, #tpu.memory_space<vmem>>, vector<1x16xi32>,
        %get3A_458 = vector.shape_cast %get3A_457 : vector<1x16xi32> to vector<16xi32>
        %swap3A_459 = arith.index_cast %multiple_of3A_453 : i32 to index
        %swap3A_460 = tpu.vector_load %arg18[%swap3A_459] {strides = array<i32>} : memref<1024xi32, #tpu.memory_space<vmem>>, vector<16xi32>,
        %swap3A_461 = vector.shape_cast %swap3A_460 : vector<16xi32> to vector<16xi32>
        %swap3A_462 = vector.shape_cast %get3A_458 : vector<16xi32> to vector<16xi32>
        tpu.vector_store %arg18[%swap3A_459], %swap3A_462 {strides = array<i32>} : memref<1024xi32, #tpu.memory_space<vmem>>, vector<16xi32>,
        %get3A_463 = arith.constant 1 : i32
        %get3A_464 = arith.index_cast %get3A_463 : i32 to index
        %get3A_465 = arith.index_cast %multiple_of3A_453 : i32 to index
        %get3A_466 = tpu.vector_load %arg8[%get3A_464, %get3A_465] {strides = array<i32>} : memref<2x9088xi32, #tpu.memory_space<vmem>>, vector<1x16xi32>,
        %get3A_467 = vector.shape_cast %get3A_466 : vector<1x16xi32> to vector<16xi32>
        %swap3A_468 = arith.index_cast %multiple_of3A_453 : i32 to index
        %swap3A_469 = tpu.vector_load %arg19[%swap3A_468] {strides = array<i32>} : memref<1024xi32, #tpu.memory_space<vmem>>, vector<16xi32>,
        %swap3A_470 = vector.shape_cast %swap3A_469 : vector<16xi32> to vector<16xi32>
        %swap3A_471 = vector.shape_cast %get3A_467 : vector<16xi32> to vector<16xi32>
        tpu.vector_store %arg19[%swap3A_468], %swap3A_471 {strides = array<i32>} : memref<1024xi32, #tpu.memory_space<vmem>>, vector<16xi32>,
        %mul3A_472 = arith.constant 128 : i32
        %mul3A_473 = arith.muli %scan3A_358, %mul3A_472 : i32
        %add3A_474 = arith.constant 80 : i32
        %add3A_475 = arith.addi %mul3A_473, %add3A_474 : i32
        %multiple_of3A_476 = tpu.assume_multiple %add3A_475, 16 : i32
        %get3A_477 = arith.constant 0 : i32
        %get3A_478 = arith.index_cast %get3A_477 : i32 to index
        %get3A_479 = arith.index_cast %multiple_of3A_476 : i32 to index
        %get3A_480 = tpu.vector_load %arg8[%get3A_478, %get3A_479] {strides = array<i32>} : memref<2x9088xi32, #tpu.memory_space<vmem>>, vector<1x16xi32>,
        %get3A_481 = vector.shape_cast %get3A_480 : vector<1x16xi32> to vector<16xi32>
        %swap3A_482 = arith.index_cast %multiple_of3A_476 : i32 to index
        %swap3A_483 = tpu.vector_load %arg18[%swap3A_482] {strides = array<i32>} : memref<1024xi32, #tpu.memory_space<vmem>>, vector<16xi32>,
        %swap3A_484 = vector.shape_cast %swap3A_483 : vector<16xi32> to vector<16xi32>
        %swap3A_485 = vector.shape_cast %get3A_481 : vector<16xi32> to vector<16xi32>
        tpu.vector_store %arg18[%swap3A_482], %swap3A_485 {strides = array<i32>} : memref<1024xi32, #tpu.memory_space<vmem>>, vector<16xi32>,
        %get3A_486 = arith.constant 1 : i32
        %get3A_487 = arith.index_cast %get3A_486 : i32 to index
        %get3A_488 = arith.index_cast %multiple_of3A_476 : i32 to index
        %get3A_489 = tpu.vector_load %arg8[%get3A_487, %get3A_488] {strides = array<i32>} : memref<2x9088xi32, #tpu.memory_space<vmem>>, vector<1x16xi32>,
        %get3A_490 = vector.shape_cast %get3A_489 : vector<1x16xi32> to vector<16xi32>
        %swap3A_491 = arith.index_cast %multiple_of3A_476 : i32 to index
        %swap3A_492 = tpu.vector_load %arg19[%swap3A_491] {strides = array<i32>} : memref<1024xi32, #tpu.memory_space<vmem>>, vector<16xi32>,
        %swap3A_493 = vector.shape_cast %swap3A_492 : vector<16xi32> to vector<16xi32>
        %swap3A_494 = vector.shape_cast %get3A_490 : vector<16xi32> to vector<16xi32>
        tpu.vector_store %arg19[%swap3A_491], %swap3A_494 {strides = array<i32>} : memref<1024xi32, #tpu.memory_space<vmem>>, vector<16xi32>,
        %mul3A_495 = arith.constant 128 : i32
        %mul3A_496 = arith.muli %scan3A_358, %mul3A_495 : i32
        %add3A_497 = arith.constant 96 : i32
        %add3A_498 = arith.addi %mul3A_496, %add3A_497 : i32
        %multiple_of3A_499 = tpu.assume_multiple %add3A_498, 16 : i32
        %get3A_500 = arith.constant 0 : i32
        %get3A_501 = arith.index_cast %get3A_500 : i32 to index
        %get3A_502 = arith.index_cast %multiple_of3A_499 : i32 to index
        %get3A_503 = tpu.vector_load %arg8[%get3A_501, %get3A_502] {strides = array<i32>} : memref<2x9088xi32, #tpu.memory_space<vmem>>, vector<1x16xi32>,
        %get3A_504 = vector.shape_cast %get3A_503 : vector<1x16xi32> to vector<16xi32>
        %swap3A_505 = arith.index_cast %multiple_of3A_499 : i32 to index
        %swap3A_506 = tpu.vector_load %arg18[%swap3A_505] {strides = array<i32>} : memref<1024xi32, #tpu.memory_space<vmem>>, vector<16xi32>,
        %swap3A_507 = vector.shape_cast %swap3A_506 : vector<16xi32> to vector<16xi32>
        %swap3A_508 = vector.shape_cast %get3A_504 : vector<16xi32> to vector<16xi32>
        tpu.vector_store %arg18[%swap3A_505], %swap3A_508 {strides = array<i32>} : memref<1024xi32, #tpu.memory_space<vmem>>, vector<16xi32>,
        %get3A_509 = arith.constant 1 : i32
        %get3A_510 = arith.index_cast %get3A_509 : i32 to index
        %get3A_511 = arith.index_cast %multiple_of3A_499 : i32 to index
        %get3A_512 = tpu.vector_load %arg8[%get3A_510, %get3A_511] {strides = array<i32>} : memref<2x9088xi32, #tpu.memory_space<vmem>>, vector<1x16xi32>,
        %get3A_513 = vector.shape_cast %get3A_512 : vector<1x16xi32> to vector<16xi32>
        %swap3A_514 = arith.index_cast %multiple_of3A_499 : i32 to index
        %swap3A_515 = tpu.vector_load %arg19[%swap3A_514] {strides = array<i32>} : memref<1024xi32, #tpu.memory_space<vmem>>, vector<16xi32>,
        %swap3A_516 = vector.shape_cast %swap3A_515 : vector<16xi32> to vector<16xi32>
        %swap3A_517 = vector.shape_cast %get3A_513 : vector<16xi32> to vector<16xi32>
        tpu.vector_store %arg19[%swap3A_514], %swap3A_517 {strides = array<i32>} : memref<1024xi32, #tpu.memory_space<vmem>>, vector<16xi32>,
        %mul3A_518 = arith.constant 128 : i32
        %mul3A_519 = arith.muli %scan3A_358, %mul3A_518 : i32
        %add3A_520 = arith.constant 112 : i32
        %add3A_521 = arith.addi %mul3A_519, %add3A_520 : i32
        %multiple_of3A_522 = tpu.assume_multiple %add3A_521, 16 : i32
        %get3A_523 = arith.constant 0 : i32
        %get3A_524 = arith.index_cast %get3A_523 : i32 to index
        %get3A_525 = arith.index_cast %multiple_of3A_522 : i32 to index
        %get3A_526 = tpu.vector_load %arg8[%get3A_524, %get3A_525] {strides = array<i32>} : memref<2x9088xi32, #tpu.memory_space<vmem>>, vector<1x16xi32>,
        %get3A_527 = vector.shape_cast %get3A_526 : vector<1x16xi32> to vector<16xi32>
        %swap3A_528 = arith.index_cast %multiple_of3A_522 : i32 to index
        %swap3A_529 = tpu.vector_load %arg18[%swap3A_528] {strides = array<i32>} : memref<1024xi32, #tpu.memory_space<vmem>>, vector<16xi32>,
        %swap3A_530 = vector.shape_cast %swap3A_529 : vector<16xi32> to vector<16xi32>
        %swap3A_531 = vector.shape_cast %get3A_527 : vector<16xi32> to vector<16xi32>
        tpu.vector_store %arg18[%swap3A_528], %swap3A_531 {strides = array<i32>} : memref<1024xi32, #tpu.memory_space<vmem>>, vector<16xi32>,
        %get3A_532 = arith.constant 1 : i32
        %get3A_533 = arith.index_cast %get3A_532 : i32 to index
        %get3A_534 = arith.index_cast %multiple_of3A_522 : i32 to index
        %get3A_535 = tpu.vector_load %arg8[%get3A_533, %get3A_534] {strides = array<i32>} : memref<2x9088xi32, #tpu.memory_space<vmem>>, vector<1x16xi32>,
        %get3A_536 = vector.shape_cast %get3A_535 : vector<1x16xi32> to vector<16xi32>
        %swap3A_537 = arith.index_cast %multiple_of3A_522 : i32 to index
        %swap3A_538 = tpu.vector_load %arg19[%swap3A_537] {strides = array<i32>} : memref<1024xi32, #tpu.memory_space<vmem>>, vector<16xi32>,
        %swap3A_539 = vector.shape_cast %swap3A_538 : vector<16xi32> to vector<16xi32>
        %swap3A_540 = vector.shape_cast %get3A_536 : vector<16xi32> to vector<16xi32>
        tpu.vector_store %arg19[%swap3A_537], %swap3A_540 {strides = array<i32>} : memref<1024xi32, #tpu.memory_space<vmem>>, vector<16xi32>,
        %scan3A_541 = arith.constant 0 : i32
        scf.yield %scan3A_541 : i32
      }
      %scan3A_353 = arith.constant 8 : i32
      %dma_start3A_354 = arith.constant 0 : i32
      %dma_start3A_355 = tpu.memref_slice %arg21[%dma_start3A_354] : memref<100352xf32, #tpu.memory_space<vmem_shared>> -> memref<100352xf32, #tpu.memory_space<vmem_shared>>
      tpu.enqueue_indirect_dma source(%dma_start3A_355 : memref<100352xf32, #tpu.memory_space<vmem_shared>>) target(%arg20 : memref<1024xf32, #tpu.memory_space<vmem>>) offsets(%arg18 : memref<1024xi32, #tpu.memory_space<vmem>>) semaphore(%arg26 : memref<!tpu.dma_semaphore, #tpu.memory_space<semaphore_mem>>)
      %dma_wait3A_356 = arith.constant 0 : i32
      %dma_wait3A_357 = tpu.memref_slice %arg21[%dma_wait3A_356] : memref<100352xf32, #tpu.memory_space<vmem_shared>> -> memref<100352xf32, #tpu.memory_space<vmem_shared>>
      tpu.wait_indirect_dma semaphore(%arg26 : memref<!tpu.dma_semaphore, #tpu.memory_space<semaphore_mem>>) src(%dma_wait3A_357 : memref<100352xf32, #tpu.memory_space<vmem_shared>>) dst(%arg20 : memref<1024xf32, #tpu.memory_space<vmem>>)
      "tpu.region"() ({
        %run_scoped3A = tpu.sem_alloc : memref<!tpu.dma_semaphore, #tpu.memory_space<semaphore_mem>>
        %dma_start3A_358 = arith.constant 0 : i32
        %dma_start3A_359 = tpu.memref_slice %arg22[%dma_start3A_358] : memref<100352xf32, #tpu.memory_space<vmem_shared>> -> memref<100352xf32, #tpu.memory_space<vmem_shared>>
        tpu.enqueue_indirect_dma source(%arg20 : memref<1024xf32, #tpu.memory_space<vmem>>) target(%dma_start3A_359 : memref<100352xf32, #tpu.memory_space<vmem_shared>>) offsets(%arg19 : memref<1024xi32, #tpu.memory_space<vmem>>) semaphore(%run_scoped3A : memref<!tpu.dma_semaphore, #tpu.memory_space<semaphore_mem>>) {add = true}
        %dma_wait3A_360 = arith.constant 0 : i32
        %dma_wait3A_361 = tpu.memref_slice %arg22[%dma_wait3A_360] : memref<100352xf32, #tpu.memory_space<vmem_shared>> -> memref<100352xf32, #tpu.memory_space<vmem_shared>>
        tpu.wait_indirect_dma semaphore(%run_scoped3A : memref<!tpu.dma_semaphore, #tpu.memory_space<semaphore_mem>>) src(%arg20 : memref<1024xf32, #tpu.memory_space<vmem>>) dst(%dma_wait3A_361 : memref<100352xf32, #tpu.memory_space<vmem_shared>>)
        tpu.yield
      }) : () -> ()
      "tpu.region"() ({
        %run_scoped3A = tpu.sem_alloc : memref<!tpu.dma_semaphore, #tpu.memory_space<semaphore_mem>>
        %dma_start3A_358 = arith.constant 0 : i32
        %dma_start3A_359 = tpu.memref_slice %arg16[%dma_start3A_358] : memref<9088xf32, #tpu.memory_space<vmem>> -> memref<1024xf32, #tpu.memory_space<vmem>>
        %dma_start3A_360 = arith.constant 0 : i32
        %dma_start3A_361 = tpu.memref_slice %arg23[%dma_start3A_360] : memref<100352xf32, #tpu.memory_space<vmem_shared>> -> memref<100352xf32, #tpu.memory_space<vmem_shared>>
        tpu.enqueue_indirect_dma source(%dma_start3A_359 : memref<1024xf32, #tpu.memory_space<vmem>>) target(%dma_start3A_361 : memref<100352xf32, #tpu.memory_space<vmem_shared>>) offsets(%arg19 : memref<1024xi32, #tpu.memory_space<vmem>>) semaphore(%run_scoped3A : memref<!tpu.dma_semaphore, #tpu.memory_space<semaphore_mem>>) {add = true}
        %dma_wait3A_362 = arith.constant 0 : i32
        %dma_wait3A_363 = tpu.memref_slice %arg16[%dma_wait3A_362] : memref<9088xf32, #tpu.memory_space<vmem>> -> memref<1024xf32, #tpu.memory_space<vmem>>
        %dma_wait3A_364 = arith.constant 0 : i32
        %dma_wait3A_365 = tpu.memref_slice %arg23[%dma_wait3A_364] : memref<100352xf32, #tpu.memory_space<vmem_shared>> -> memref<100352xf32, #tpu.memory_space<vmem_shared>>
        tpu.wait_indirect_dma semaphore(%run_scoped3A : memref<!tpu.dma_semaphore, #tpu.memory_space<semaphore_mem>>) src(%dma_wait3A_363 : memref<1024xf32, #tpu.memory_space<vmem>>) dst(%dma_wait3A_365 : memref<100352xf32, #tpu.memory_space<vmem_shared>>)
        tpu.yield
      }) : () -> ()
    } else {
    }
    %barrier3A_343 = arith.constant 0 : index
    tpu.barrier barrier_id(%barrier3A_343)
    %mul3A_344 = arith.constant 100352 : i32
    %mul3A_345 = arith.muli %arg0, %mul3A_344 : i32
    %add3A_346 = arith.addi %mul3A_345, %mul3A_2 : i32
    "tpu.region"() ({
      %run_scoped3A = tpu.sem_alloc : memref<!tpu.dma_semaphore, #tpu.memory_space<semaphore_mem>>
      %dma_start3A_347 = tpu.memref_slice %arg22[%mul3A_2] : memref<100352xf32, #tpu.memory_space<vmem_shared>> -> memref<6272xf32, #tpu.memory_space<vmem_shared>>
      %dma_start3A_348 = tpu.memref_slice %arg22[%mul3A_2] : memref<100352xf32, #tpu.memory_space<vmem_shared>> -> memref<6272xf32, #tpu.memory_space<vmem_shared>>
      tpu.enqueue_dma source(%dma_start3A_348 : memref<6272xf32, #tpu.memory_space<vmem_shared>>) target(%arg17 : memref<6272xf32, #tpu.memory_space<vmem>>) target_semaphore(%run_scoped3A : memref<!tpu.dma_semaphore, #tpu.memory_space<semaphore_mem>>)
      %dma_wait3A_349 = tpu.memref_slice %arg22[%mul3A_2] : memref<100352xf32, #tpu.memory_space<vmem_shared>> -> memref<6272xf32, #tpu.memory_space<vmem_shared>>
      %dma_wait3A_350 = tpu.memref_slice %arg22[%mul3A_2] : memref<100352xf32, #tpu.memory_space<vmem_shared>> -> memref<6272xf32, #tpu.memory_space<vmem_shared>>
      tpu.wait_dma2 semaphore(%run_scoped3A : memref<!tpu.dma_semaphore, #tpu.memory_space<semaphore_mem>>) src(%dma_wait3A_350 : memref<6272xf32, #tpu.memory_space<vmem_shared>>) dst(%arg17 : memref<6272xf32, #tpu.memory_space<vmem>>)
      tpu.yield
    }) : () -> ()
    "tpu.region"() ({
      %run_scoped3A = tpu.sem_alloc : memref<!tpu.dma_semaphore, #tpu.memory_space<semaphore_mem>>
      %dma_start3A_347 = tpu.memref_slice %arg6[%add3A_346] : memref<200704xf32, #tpu.memory_space<hbm>> -> memref<6272xf32, #tpu.memory_space<hbm>>
      %dma_start3A_348 = tpu.memref_slice %arg6[%add3A_346] : memref<200704xf32, #tpu.memory_space<hbm>> -> memref<6272xf32, #tpu.memory_space<hbm>>
      tpu.enqueue_dma source(%arg17 : memref<6272xf32, #tpu.memory_space<vmem>>) target(%dma_start3A_348 : memref<6272xf32, #tpu.memory_space<hbm>>) target_semaphore(%run_scoped3A : memref<!tpu.dma_semaphore, #tpu.memory_space<semaphore_mem>>)
      %dma_wait3A_349 = tpu.memref_slice %arg6[%add3A_346] : memref<200704xf32, #tpu.memory_space<hbm>> -> memref<6272xf32, #tpu.memory_space<hbm>>
      %dma_wait3A_350 = tpu.memref_slice %arg6[%add3A_346] : memref<200704xf32, #tpu.memory_space<hbm>> -> memref<6272xf32, #tpu.memory_space<hbm>>
      tpu.wait_dma2 semaphore(%run_scoped3A : memref<!tpu.dma_semaphore, #tpu.memory_space<semaphore_mem>>) src(%arg17 : memref<6272xf32, #tpu.memory_space<vmem>>) dst(%dma_wait3A_350 : memref<6272xf32, #tpu.memory_space<hbm>>)
      tpu.yield
    }) : () -> ()
    "tpu.region"() ({
      %run_scoped3A = tpu.sem_alloc : memref<!tpu.dma_semaphore, #tpu.memory_space<semaphore_mem>>
      %dma_start3A_347 = tpu.memref_slice %arg23[%mul3A_2] : memref<100352xf32, #tpu.memory_space<vmem_shared>> -> memref<6272xf32, #tpu.memory_space<vmem_shared>>
      %dma_start3A_348 = tpu.memref_slice %arg23[%mul3A_2] : memref<100352xf32, #tpu.memory_space<vmem_shared>> -> memref<6272xf32, #tpu.memory_space<vmem_shared>>
      tpu.enqueue_dma source(%dma_start3A_348 : memref<6272xf32, #tpu.memory_space<vmem_shared>>) target(%arg17 : memref<6272xf32, #tpu.memory_space<vmem>>) target_semaphore(%run_scoped3A : memref<!tpu.dma_semaphore, #tpu.memory_space<semaphore_mem>>)
      %dma_wait3A_349 = tpu.memref_slice %arg23[%mul3A_2] : memref<100352xf32, #tpu.memory_space<vmem_shared>> -> memref<6272xf32, #tpu.memory_space<vmem_shared>>
      %dma_wait3A_350 = tpu.memref_slice %arg23[%mul3A_2] : memref<100352xf32, #tpu.memory_space<vmem_shared>> -> memref<6272xf32, #tpu.memory_space<vmem_shared>>
      tpu.wait_dma2 semaphore(%run_scoped3A : memref<!tpu.dma_semaphore, #tpu.memory_space<semaphore_mem>>) src(%dma_wait3A_350 : memref<6272xf32, #tpu.memory_space<vmem_shared>>) dst(%arg17 : memref<6272xf32, #tpu.memory_space<vmem>>)
      tpu.yield
    }) : () -> ()
    "tpu.region"() ({
      %run_scoped3A = tpu.sem_alloc : memref<!tpu.dma_semaphore, #tpu.memory_space<semaphore_mem>>
      %dma_start3A_347 = tpu.memref_slice %arg7[%add3A_346] : memref<200704xf32, #tpu.memory_space<hbm>> -> memref<6272xf32, #tpu.memory_space<hbm>>
      %dma_start3A_348 = tpu.memref_slice %arg7[%add3A_346] : memref<200704xf32, #tpu.memory_space<hbm>> -> memref<6272xf32, #tpu.memory_space<hbm>>
      tpu.enqueue_dma source(%arg17 : memref<6272xf32, #tpu.memory_space<vmem>>) target(%dma_start3A_348 : memref<6272xf32, #tpu.memory_space<hbm>>) target_semaphore(%run_scoped3A : memref<!tpu.dma_semaphore, #tpu.memory_space<semaphore_mem>>)
      %dma_wait3A_349 = tpu.memref_slice %arg7[%add3A_346] : memref<200704xf32, #tpu.memory_space<hbm>> -> memref<6272xf32, #tpu.memory_space<hbm>>
      %dma_wait3A_350 = tpu.memref_slice %arg7[%add3A_346] : memref<200704xf32, #tpu.memory_space<hbm>> -> memref<6272xf32, #tpu.memory_space<hbm>>
      tpu.wait_dma2 semaphore(%run_scoped3A : memref<!tpu.dma_semaphore, #tpu.memory_space<semaphore_mem>>) src(%arg17 : memref<6272xf32, #tpu.memory_space<vmem>>) dst(%dma_wait3A_350 : memref<6272xf32, #tpu.memory_space<hbm>>)
      tpu.yield
    }) : () -> ()
    return
  }
}

module attributes {stable_mosaic.version = 14 : i64} {
  func.func @_combine_body(%arg0: i32, %arg1: memref<112x128xf32, #tpu.memory_space<vmem>>, %arg2: memref<112x128xf32, #tpu.memory_space<vmem>>, %arg3: memref<112x128xf32, #tpu.memory_space<vmem>>, %arg4: memref<112x128xf32, #tpu.memory_space<vmem>>, %arg5: memref<112x128xf32, #tpu.memory_space<vmem>>, %arg6: memref<1x3xf32, #tpu.memory_space<smem>>, %arg7: memref<112x128xf32, #tpu.memory_space<vmem>>) attributes {dimension_semantics = [#tpu.dimension_semantics<arbitrary>], iteration_bounds = array<i64: 7>, scalar_prefetch = 0 : i64, scratch_operands = 0 : i64, tpu.core_type = #tpu.core_type<tc>, window_params = [{transform_indices = @transform_0, window_bounds = array<i64: 112, 128>}, {transform_indices = @transform_1, window_bounds = array<i64: 112, 128>}, {transform_indices = @transform_2, window_bounds = array<i64: 112, 128>}, {transform_indices = @transform_3, window_bounds = array<i64: 112, 128>}, {transform_indices = @transform_4, window_bounds = array<i64: 112, 128>}, {transform_indices = @transform_5, window_bounds = array<i64: 1, 3>}, {transform_indices = @transform_6, window_bounds = array<i64: 112, 128>}]} {
    %get3A = arith.constant 0 : index
    %get3A_0 = arith.constant 0 : index
    %get3A_1 = vector.load %arg1[%get3A, %get3A_0] : memref<112x128xf32, #tpu.memory_space<vmem>>, vector<112x128xf32>
    %get3A_2 = arith.constant 0 : index
    %get3A_3 = arith.constant 0 : index
    %get3A_4 = vector.load %arg2[%get3A_2, %get3A_3] : memref<112x128xf32, #tpu.memory_space<vmem>>, vector<112x128xf32>
    %add3A = arith.addf %get3A_1, %get3A_4 : vector<112x128xf32>
    %get3A_5 = arith.constant 0 : index
    %get3A_6 = arith.constant 0 : index
    %get3A_7 = vector.load %arg3[%get3A_5, %get3A_6] : memref<112x128xf32, #tpu.memory_space<vmem>>, vector<112x128xf32>
    %get3A_8 = arith.constant 0 : index
    %get3A_9 = arith.constant 0 : index
    %get3A_10 = vector.load %arg4[%get3A_8, %get3A_9] : memref<112x128xf32, #tpu.memory_space<vmem>>, vector<112x128xf32>
    %add3A_11 = arith.addf %get3A_7, %get3A_10 : vector<112x128xf32>
    %max3A = arith.constant 1.000000e+00 : f32
    %max3A_12 = vector.broadcast %max3A : f32 to vector<112x128xf32>
    %max3A_13 = arith.maximumf %add3A_11, %max3A_12 : vector<112x128xf32>
    %div3A = arith.divf %add3A, %max3A_13 : vector<112x128xf32>
    %get3A_14 = arith.constant 0 : index
    %get3A_15 = arith.constant 0 : index
    %get3A_16 = memref.load %arg6[%get3A_14, %get3A_15] : memref<1x3xf32, #tpu.memory_space<smem>>
    %add3A_17 = vector.broadcast %get3A_16 : f32 to vector<112x128xf32>
    %add3A_18 = arith.addf %div3A, %add3A_17 : vector<112x128xf32>
    %get3A_19 = arith.constant 0 : index
    %get3A_20 = arith.constant 0 : index
    %get3A_21 = vector.load %arg5[%get3A_19, %get3A_20] : memref<112x128xf32, #tpu.memory_space<vmem>>, vector<112x128xf32>
    %add3A_22 = arith.addf %add3A_18, %get3A_21 : vector<112x128xf32>
    %gt3A = arith.constant 0.000000e+00 : f32
    %gt3A_23 = vector.broadcast %gt3A : f32 to vector<112x128xf32>
    %gt3A_24 = arith.cmpf ogt, %add3A_22, %gt3A_23 : vector<112x128xf32>
    %exp3A = math.exp %add3A_22 : vector<112x128xf32>
    %sub3A = arith.constant 1.000000e+00 : f32
    %sub3A_25 = vector.broadcast %sub3A : f32 to vector<112x128xf32>
    %sub3A_26 = arith.subf %exp3A, %sub3A_25 : vector<112x128xf32>
    %select_n3A = arith.select %gt3A_24, %add3A_22, %sub3A_26 : vector<112x128xi1>, vector<112x128xf32>
    %get3A_27 = arith.constant 0 : index
    %get3A_28 = arith.constant 1 : index
    %get3A_29 = memref.load %arg6[%get3A_27, %get3A_28] : memref<1x3xf32, #tpu.memory_space<smem>>
    %mul3A = vector.broadcast %get3A_29 : f32 to vector<112x128xf32>
    %mul3A_30 = arith.mulf %select_n3A, %mul3A : vector<112x128xf32>
    %get3A_31 = arith.constant 0 : index
    %get3A_32 = arith.constant 2 : index
    %get3A_33 = memref.load %arg6[%get3A_31, %get3A_32] : memref<1x3xf32, #tpu.memory_space<smem>>
    %add3A_34 = vector.broadcast %get3A_33 : f32 to vector<112x128xf32>
    %add3A_35 = arith.addf %mul3A_30, %add3A_34 : vector<112x128xf32>
    %swap3A = arith.constant 0 : index
    %swap3A_36 = arith.constant 0 : index
    %swap3A_37 = vector.load %arg7[%swap3A, %swap3A_36] : memref<112x128xf32, #tpu.memory_space<vmem>>, vector<112x128xf32>
    tpu.vector_store %arg7[%swap3A, %swap3A_36], %add3A_35 {strides = array<i32>} : memref<112x128xf32, #tpu.memory_space<vmem>>, vector<112x128xf32>,
    return
  }
  func.func @transform_0(%arg0: i32) -> (i32, i32) {
    %c0_i32 = arith.constant 0 : i32
    %c0_i32_0 = arith.constant 0 : i32
    return %arg0, %c0_i32 : i32, i32
  }
  func.func @transform_1(%arg0: i32) -> (i32, i32) {
    %add3A = arith.constant 7 : i32
    %add3A_0 = arith.addi %arg0, %add3A : i32
    %c0_i32 = arith.constant 0 : i32
    %c0_i32_1 = arith.constant 0 : i32
    return %add3A_0, %c0_i32 : i32, i32
  }
  func.func @transform_2(%arg0: i32) -> (i32, i32) {
    %c0_i32 = arith.constant 0 : i32
    %c0_i32_0 = arith.constant 0 : i32
    return %arg0, %c0_i32 : i32, i32
  }
  func.func @transform_3(%arg0: i32) -> (i32, i32) {
    %add3A = arith.constant 7 : i32
    %add3A_0 = arith.addi %arg0, %add3A : i32
    %c0_i32 = arith.constant 0 : i32
    %c0_i32_1 = arith.constant 0 : i32
    return %add3A_0, %c0_i32 : i32, i32
  }
  func.func @transform_4(%arg0: i32) -> (i32, i32) {
    %c0_i32 = arith.constant 0 : i32
    %c0_i32_0 = arith.constant 0 : i32
    return %arg0, %c0_i32 : i32, i32
  }
  func.func @transform_5(%arg0: i32) -> (i32, i32) {
    %c0_i32 = arith.constant 0 : i32
    %c0_i32_0 = arith.constant 0 : i32
    %c0_i32_1 = arith.constant 0 : i32
    return %c0_i32, %c0_i32_0 : i32, i32
  }
  func.func @transform_6(%arg0: i32) -> (i32, i32) {
    %c0_i32 = arith.constant 0 : i32
    %c0_i32_0 = arith.constant 0 : i32
    return %arg0, %c0_i32 : i32, i32
  }
}

module attributes {stable_mosaic.version = 14 : i64} {
  func.func @_proj_body(%arg0: i32, %arg1: memref<17x14336xf32, #tpu.memory_space<vmem>>, %arg2: memref<17x2xf32, #tpu.memory_space<vmem>>, %arg3: memref<112x128xf32, #tpu.memory_space<vmem>>, %arg4: memref<112x128xf32, #tpu.memory_space<vmem>>) attributes {dimension_semantics = [#tpu.dimension_semantics<arbitrary>], iteration_bounds = array<i64: 7>, scalar_prefetch = 0 : i64, scratch_operands = 0 : i64, tpu.core_type = #tpu.core_type<tc>, window_params = [{transform_indices = @transform_0, window_bounds = array<i64: 17, 14336>}, {pipeline_mode = #tpu.pipeline_mode<synchronous>, transform_indices = @transform_1, window_bounds = array<i64: 17, 2>}, {transform_indices = @transform_2, window_bounds = array<i64: 112, 128>}, {transform_indices = @transform_3, window_bounds = array<i64: 112, 128>}]} {
    %get3A = arith.constant 0 : index
    %get3A_0 = arith.constant 0 : index
    %get3A_1 = vector.load %arg2[%get3A, %get3A_0] : memref<17x2xf32, #tpu.memory_space<vmem>>, vector<17x2xf32>
    %get3A_2 = arith.constant 0 : index
    %get3A_3 = arith.constant 0 : index
    %get3A_4 = vector.load %arg1[%get3A_2, %get3A_3] : memref<17x14336xf32, #tpu.memory_space<vmem>>, vector<17x14336xf32>
    %dot_general3A = arith.constant dense<0.000000e+00> : vector<2x14336xf32>
    %dot_general3A_5 = tpu.matmul %get3A_1, %get3A_4, %dot_general3A {dimension_numbers = #tpu.dot_dimension_numbers<[0], [0], [1], [1], [0, 1, 1, 1], [], []>, transpose_lhs_hint = false} : vector<17x2xf32>, vector<17x14336xf32>, vector<2x14336xf32> -> vector<2x14336xf32>
    %slice3A = vector.extract_strided_slice %dot_general3A_5 {offsets = [0, 0], sizes = [1, 14336], strides = [1, 1]} : vector<2x14336xf32> to vector<1x14336xf32>
    %squeeze3A = vector.shape_cast %slice3A : vector<1x14336xf32> to vector<14336xf32>
    %reshape3A = vector.shape_cast %squeeze3A : vector<14336xf32> to vector<112x128xf32>
    %swap3A = arith.constant 0 : index
    %swap3A_6 = arith.constant 0 : index
    %swap3A_7 = vector.load %arg3[%swap3A, %swap3A_6] : memref<112x128xf32, #tpu.memory_space<vmem>>, vector<112x128xf32>
    tpu.vector_store %arg3[%swap3A, %swap3A_6], %reshape3A {strides = array<i32>} : memref<112x128xf32, #tpu.memory_space<vmem>>, vector<112x128xf32>,
    %slice3A_8 = vector.extract_strided_slice %dot_general3A_5 {offsets = [1, 0], sizes = [1, 14336], strides = [1, 1]} : vector<2x14336xf32> to vector<1x14336xf32>
    %squeeze3A_9 = vector.shape_cast %slice3A_8 : vector<1x14336xf32> to vector<14336xf32>
    %reshape3A_10 = vector.shape_cast %squeeze3A_9 : vector<14336xf32> to vector<112x128xf32>
    %swap3A_11 = arith.constant 0 : index
    %swap3A_12 = arith.constant 0 : index
    %swap3A_13 = vector.load %arg4[%swap3A_11, %swap3A_12] : memref<112x128xf32, #tpu.memory_space<vmem>>, vector<112x128xf32>
    tpu.vector_store %arg4[%swap3A_11, %swap3A_12], %reshape3A_10 {strides = array<i32>} : memref<112x128xf32, #tpu.memory_space<vmem>>, vector<112x128xf32>,
    return
  }
  func.func @transform_0(%arg0: i32) -> (i32, i32) {
    %c0_i32 = arith.constant 0 : i32
    %c0_i32_0 = arith.constant 0 : i32
    return %c0_i32, %arg0 : i32, i32
  }
  func.func @transform_1(%arg0: i32) -> (i32, i32) {
    %c0_i32 = arith.constant 0 : i32
    %c0_i32_0 = arith.constant 0 : i32
    %c0_i32_1 = arith.constant 0 : i32
    return %c0_i32, %c0_i32_0 : i32, i32
  }
  func.func @transform_2(%arg0: i32) -> (i32, i32) {
    %c0_i32 = arith.constant 0 : i32
    %c0_i32_0 = arith.constant 0 : i32
    return %arg0, %c0_i32 : i32, i32
  }
  func.func @transform_3(%arg0: i32) -> (i32, i32) {
    %c0_i32 = arith.constant 0 : i32
    %c0_i32_0 = arith.constant 0 : i32
    return %arg0, %c0_i32 : i32, i32
  }
}

</mosaic_0001>

<sc_bundles>
// kernel: kernel.5.cloned.1.call-start
scs
__scs_entry_jumppad:
0x0: {  	(pc) =	sbr.rel $0x88, $3  }
0x1: {  	(tag) =	ssettag $0x0;
	lr =	simm.s32 $0x1  }
0x2: {  	[smem:$0x3F9A] =	sst lr;
	_ =	strace $0xD0000000  }
0x3: {  	_ = 	snop  }
0x4: {  	_ = 	snop  }
0x5: {  	_ = 	snop  }
0x6: {  	_ = 	snop  }
0x7: {  	_ = 	snop  }
__scs_overlays_trampoline_lowered:
0x8: {  	[smem:$0x3FA9] =	sst s0  }
0x9: {  	[smem:$0x3FAA] =	sst s1  }
0xa: {  	[smem:$0x3FAB] =	sst s2  }
0xb: {  	[smem:$0x3FAC] =	sst s3  }
0xc: {  	[smem:$0x3FAD] =	sst s4  }
0xd: {  	[smem:$0x3FAE] =	sst s5  }
0xe: {  	[smem:$0x3FAF] =	sst s6  }
0xf: {  	[smem:$0x3FB0] =	sst s7  }
0x10: {  	[smem:$0x3FB1] =	sst s8  }
0x11: {  	[smem:$0x3FB2] =	sst s9;
	s0 =	simm.s32 @!p0 $0x0  }
0x12: {  	s1 =	sld [smem:$0x3F98];
	s0 =	simm.s32 @p0 $0x1  }
0x13: {  	[smem:$0x3FB3] =	sst s0;
	s0 =	simm.s32 @!p1 $0x0  }
0x14: {  	s2 =	sld [smem:$0x3F97];
	s0 =	simm.s32 @p1 $0x1  }
0x15: {  	[smem:$0x3FB4] =	sst s0;
	s0 =	simm.s32 @!p2 $0x0  }
0x16: {  	s3 =	sld [smem:$0x3FDB];
	s0 =	simm.s32 @p2 $0x1  }
0x17: {  	s4 =	simm.s32 $0x1BF5;
	[smem:$0x3FB6] =	sst s0  }
0x18: {  	s0 =	sld [smem:$0x3F99];
	_ =	swait.ge [sflag:s4], $0x0  }
0x19: {  	s7 =	sld [smem:$0x3F9A]  }
0x1a: {  	s8 =	sadd.s32 $0xFFFFE003, lr  }
0x1b: {  	s9 =	sadd.s32 $0xFFFFFEF7, lr;
	s5 =	simm.s32 $0xFFFFFFFF;
	p2 =	slt.u32 s8, $0xFFFFF086  }
0x1c: {  	p1 =	slt.u32 s9, $0xF7A;
	s5 =	simm.s32 @!p2 $0x0  }
0x1d: {  	s5 =	simm.s32 @p1 $0x1;
	p0 =	seq.s32 s7, s2  }
0x1e: {  	s7 =	smul.u32 @!p0 $0xF7A, s2;
	p2 =	seq.s32 @!p0 s5, $0x0  }
0x1f: {  	s9 =	smul.u32 $0xF7A, s1;
	s8 =	simm.s32 @!p0 $0x1BF5;
	p2 =	por !p2, p0  }
0x20: {  	[sflag:s8] =	ssyncset.s32 @!p0 $0xFFFFF086;
	s6 =	sadd.s32 @!p0 s3, s7;
	s7 =	simm.s32 @!p0 $0x108  }
0x21: {  	s3 =	sadd.s32 s3, s9;
	s6 =	sadd.s32 @!p0 $0x88, s6;
	s7 =	simm.s32 @p2 $0x1082  }
0x22: {  	[simem:s7], [sflag:s8] =	dma.local @!p0 [hbm:s6], $0xF7A  }
0x23: {  	s9 =	sor.u32 $0xD0000000, s2;
	s6 =	simm.s32 $0x108;
	_ =	swait.ge @!p0 [sflag:s8], $0x0  }
0x24: {  	s3 =	sadd.s32 $0x88, s3;
	s6 =	simm.s32 @!p1 $0x1082;
	[sflag:s4] =	ssyncset.s32 $0xFFFFF086  }
0x25: {  	[simem:s6], [sflag:s4] =	dma.local [hbm:s3], $0xF7A  }
0x26: {  	[smem:$0x3F9A] =	sst s1;
	(tag) =	ssettag s2;
	_ =	strace s9  }
0x27: {  	s1 =	sld [smem:$0x3FAA]  }
0x28: {  	s2 =	sld [smem:$0x3FAB]  }
0x29: {  	s4 =	sld [smem:$0x3FAD]  }
0x2a: {  	p0 =	seq.s32 s5, $0x0;
	s5 =	sld [smem:$0x3FAE]  }
0x2b: {  	s6 =	sld [smem:$0x3FAF]  }
0x2c: {  	s7 =	sld [smem:$0x3FB0]  }
0x2d: {  	s3 =	simm.s32 $0x108;
	s8 =	sld [smem:$0x3FB1]  }
0x2e: {  	s3 =	simm.s32 @!p0 $0x1082;
	s9 =	sld [smem:$0x3FB2]  }
0x2f: {  	lr =	sadd.s32 s0, s3;
	s0 =	sld [smem:$0x3FA9]  }
0x30: {  	s3 =	sld [smem:$0x3FAC]  }
0x31: {  	[smem:$0x3FB5] =	sst s10  }
0x32: {  	s10 =	sld [smem:$0x3FB3];
	_ =	sdelay $0x3  }
0x33: {  	p0 =	seq.s32 s10, $0x1;
	s10 =	sld [smem:$0x3FB5];
	_ =	sdelay $0x3  }
0x34: {  	[smem:$0x3FB5] =	sst s10  }
0x35: {  	s10 =	sld [smem:$0x3FB4];
	_ =	sdelay $0x3  }
0x36: {  	p1 =	seq.s32 s10, $0x1;
	s10 =	sld [smem:$0x3FB5];
	_ =	sdelay $0x3  }
0x37: {  	[smem:$0x3FB5] =	sst s10  }
0x38: {  	s10 =	sld [smem:$0x3FB6]  }
0x39: {  	_ = 	snop;
	(pc) =	sbr.ind lr, $3  }
0x3a: {  	_ = 	snop  }
0x3b: {  	_ = 	snop  }
0x3c: {  	p2 =	seq.s32 s10, $0x1;
	s10 =	sld [smem:$0x3FB5]  }
0x3d: {  	_ =	shalt  }
0x3e: {  	_ =	shalt  }
0x3f: {  	_ =	shalt  }
0x40: {  	_ =	shalt  }
0x41: {  	_ =	shalt  }
0x42: {  	_ =	shalt  }
0x43: {  	_ =	shalt  }
0x44: {  	_ =	shalt  }
0x45: {  	_ =	shalt  }
0x46: {  	_ =	shalt  }
0x47: {  	_ =	shalt  }
0x48: {  	_ =	shalt  }
0x49: {  	_ =	shalt  }
0x4a: {  	_ =	shalt  }
0x4b: {  	_ =	shalt  }
0x4c: {  	_ =	shalt  }
0x4d: {  	_ =	shalt  }
0x4e: {  	_ =	shalt  }
0x4f: {  	_ =	shalt  }
0x50: {  	_ =	shalt  }
0x51: {  	_ =	shalt  }
0x52: {  	_ =	shalt  }
0x53: {  	_ =	shalt  }
0x54: {  	_ =	shalt  }
0x55: {  	_ =	shalt  }
0x56: {  	_ =	shalt  }
0x57: {  	_ =	shalt  }
0x58: {  	_ =	shalt  }
0x59: {  	_ =	shalt  }
0x5a: {  	_ =	shalt  }
0x5b: {  	_ =	shalt  }
0x5c: {  	_ =	shalt  }
0x5d: {  	_ =	shalt  }
0x5e: {  	_ =	shalt  }
0x5f: {  	_ =	shalt  }
0x60: {  	_ =	shalt  }
0x61: {  	_ =	shalt  }
0x62: {  	_ =	shalt  }
0x63: {  	_ =	shalt  }
0x64: {  	_ =	shalt  }
0x65: {  	_ =	shalt  }
0x66: {  	_ =	shalt  }
0x67: {  	_ =	shalt  }
0x68: {  	_ =	shalt  }
0x69: {  	_ =	shalt  }
0x6a: {  	_ =	shalt  }
0x6b: {  	_ =	shalt  }
0x6c: {  	_ =	shalt  }
0x6d: {  	_ =	shalt  }
0x6e: {  	_ =	shalt  }
0x6f: {  	_ =	shalt  }
0x70: {  	_ =	shalt  }
0x71: {  	_ =	shalt  }
0x72: {  	_ =	shalt  }
0x73: {  	_ =	shalt  }
0x74: {  	_ =	shalt  }
0x75: {  	_ =	shalt  }
0x76: {  	_ =	shalt  }
0x77: {  	_ =	shalt  }
0x78: {  	_ =	shalt  }
0x79: {  	_ =	shalt  }
0x7a: {  	_ =	shalt  }
0x7b: {  	_ =	shalt  }
0x7c: {  	_ =	shalt  }
0x7d: {  	_ =	shalt  }
0x7e: {  	_ =	shalt  }
0x7f: {  	_ =	shalt  }
0x80: {  	_ =	shalt  }
0x81: {  	_ =	shalt  }
0x82: {  	_ =	shalt  }
0x83: {  	_ =	shalt  }
0x84: {  	_ =	shalt  }
0x85: {  	_ =	shalt  }
0x86: {  	_ =	shalt  }
0x87: {  	_ =	shalt  }
.Lfunc_end0:
.L_simem_size_0:
called_computation_lowered:
.L_overlay_start_0:
0x88: {  	s2 =	sld [smem:$0x3FD9]  }
0x89: {  	s3 =	sld [smem:$0x3FFE];
	_ =	sdelay $0x1  }
0x8a: {  	s1 =	srdreg.scid  }
0x8b: {  	s0 =	sand.u32 $0x1, s1  }
0x8c: {  	s17 =	sshll.u32 s0, $0xA;
	s2 =	sadd.s32 s3, s2  }
0x8d: {  	s2 =	sadd.s32 s2, s17  }
0x8e: {  	[smem:$0x3FC1] =	sst s2  }
0x8f: {  	_ = 	snop  }
0x90: {  	s2 =	sld [smem:$0x3FC8]  }
0x91: {  	s18 =	sld [smem:$0x3FD0];
	(tm) =	ssettm $0x1  }
0x92: {  	s4 =	sld [smem:$0x3FFB];
	_ =	sdelay $0x3  }
0x93: {  	_ =	strace s4  }
0x94: {  	s4 =	sld [smem:$0x3FFC];
	_ =	sdelay $0x3  }
0x95: {  	_ =	strace s4  }
0x96: {  	s4 =	sld [smem:$0x3FFD];
	_ =	sdelay $0x3  }
0x97: {  	_ =	strace s4  }
0x98: {  	_ =	strace $0x8FFFFFFF  }
0x99: {  	s19 =	sld [smem:$0x3FDB];
	_ =	sdelay $0x1  }
0x9a: {  	s5 =	simm.s32 $_scs_section_size  }
0x9b: {  	s6 =	simm.s32 $_size__tile_overlayer_lowered;
	s7 =	simm.s32 $_tile_overlayer_lowered  }
0x9c: {  	s22 =	simm.s32 $0x1BFF;
	s21 =	sshll.u32 s7, $0x1;
	s4 =	sadd.s32 s5, s19  }
0x9d: {  	s8 =	simm.s32 $0x0;
	s20 =	sshll.u32 s6, $0x1;
	s6 =	sadd.s32 s21, s4  }
0x9e: {  	[timem:s8], [sflag:s22] =	dma.local [hbm:s6], s20  }
0x9f: {  	_ =	swait.ge [sflag:s22], s20  }
0xa0: {  	s5 =	ssub.s32 $0x0, s20;
	[sflag:s22] =	ssyncset.done $0x0  }
0xa1: {  	[sflag:s22] =	ssyncadd.s32 s5;
	_ =	sdelay $0x1  }
0xa2: {  	s23 =	simm.s32 $0x1B8B  }
0xa3: {  	_ =	swait.ge [sflag:s23], $0x1  }
0xa4: {  	[sflag:s23] =	ssyncset.done $0x0  }
0xa5: {  	s25 =	simm.s32 $0x1B8E;
	s24 =	sld [smem:$0x3FFE];
	[sflag:s23] =	ssyncadd.s32 $0xFFFFFFFF  }
0xa6: {  	s26 =	simm.s32 $execute0_lowered;
	[smem:$0x3FD2] =	sst s25  }
0xa7: {  	s6 =	sshll.u32 s26, $0x1;
	_ =	strace $0x80000046;
	[dreg:$0x1] =	wrdreg $0xFFFFFFFF  }
0xa8: {  	s28 =	simm.s32 $_size_execute0_lowered;
	s4 =	sadd.s32 s4, s6;
	[dreg:$0x0] =	wrdreg $0x0  }
0xa9: {  	s6 =	sshll.u32 s28, $0x1;
	[dreg:$0x2] =	wrdreg s4  }
0xaa: {  	[dreg:$0x3] =	wrdreg s6  }
0xab: {  	[dreg:$0x4] =	wrdreg $0xC0  }
0xac: {  	_ =	task [dreg:s8], $0x5FFFF  }
0xad: {  	[dreg:$0x1] =	wrdreg $0xFFFFFFFF  }
0xae: {  	[dreg:$0x0] =	wrdreg $0x60  }
0xaf: {  	[dreg:$0x2] =	wrdreg s2  }
0xb0: {  	[dreg:$0x3] =	wrdreg s24  }
0xb1: {  	[dreg:$0x4] =	wrdreg s18  }
0xb2: {  	[dreg:$0x5] =	wrdreg $0x1C3800  }
0xb3: {  	[dreg:$0x6] =	wrdreg $0x1DC000  }
0xb4: {  	[dreg:$0x7] =	wrdreg $0x1AB000  }
0xb5: {  	[dreg:$0x8] =	wrdreg $0x9  }
0xb6: {  	_ =	task.clear_ibuf [dreg:s8], $0x9FFFF;
	_ =	strace $0x90000046  }
0xb7: {  	s29 =	simm.s32 $0x9;
	_ =	strace $0x80000048  }
0xb8: {  	_ =	swait.ge [sflag:s29], $0x1  }
0xb9: {  	[sflag:s29] =	ssyncadd.s32 $0xFFFFFFFF  }
0xba: {  	_ =	strace $0x90000048  }
0xbb: {  	_ =	sfence  }
0xbc: {  	s30 =	sld [smem:$0x0];
	_ =	sdelay $0x2  }
0xbd: {  	s31 =	sshll.u32 s1, $0xD;
	s1 =	sshrl.u32 s1, $0x2  }
0xbe: {  	s3 =	sand.u32 $0x4000, s31;
	s1 =	sadd.s32 s1, s30  }
0xbf: {  	s0 =	sor.u32 s3, s0;
	s1 =	sshll.u32 s1, $0x11  }
0xc0: {  	s0 =	sor.u32 s1, s0  }
0xc1: {  	s0 =	sadd.s32 $0x8F2B, s0  }
0xc2: {  	[sflag:s0] =	ssyncadd.remote.s32 $0x1  }
0xc3: {  	_ =	sfence.sel $0xFFFF  }
0xc4: {  	[dreg:$0x0] =	wrdreg $0xFFFFFFFF;
	(pc) =	sbr.abs _section_cstart, $3  }
0xc5: {  	[dreg:$0x1] =	wrdreg $0xFFFFFFFF  }
0xc6: {  	_ =	task.clear_ibuf [dreg:s8], $0x2FFFF;
	_ =	strace $0x9FFFFFFF  }
0xc7: {  	(tm) =	ssettm $0x7FFFFFFF  }
tec
execute0_lowered:
.L_overlay_start_1:
0x0: {  	(tag) =	ssettag $0x1  }
0x1: {  	s0 =	rddreg [dreg:$0x0]  }
0x2: {  	s1 =	rddreg [dreg:$0x1]  }
0x3: {  	s2 =	rddreg [dreg:$0x3]  }
0x4: {  	s3 =	rddreg [dreg:$0x4]  }
0x5: {  	s5 =	rddreg [dreg:$0x5]  }
0x6: {  	s6 =	simm.s32 $0x0;
	s11 =	stileid.u32;
	s7 =	srdreg.scid  }
0x7: {  	s28 =	simm.s32 $0x18680;
	s29 =	simm.s32 $0x6;
	s30 =	simm.s32 $0x16300  }
0x8: {  	s31 =	simm.s32 $0x1;
	[smem:$0x7FF] =	sst s6;
	s4 =	smul.u32 $0x1880, s11  }
0x9: {  	s7 =	sand.u32 $0x1, s7;
	s12 =	sadd.s32 $0x4400, s1;
	_ =	strace $0x80000047  }
0xa: {  	s9 =	smul.u32 $0x18800, s7;
	s10 =	sshll.u32 s7, $0x4;
	[dreg:$0x7] =	wrdreg s12  }
0xb: {  	s7 =	ssub.s32 $0x2, s7;
	s12 =	simm.s32 $0xB180;
	s11 =	sor.u32 s11, s10  }
0xc: {  	s8 =	sshrl.u32 s4, $0x3;
	s14 =	sshrl.u32 s7, $0x1;
	s10 =	smul.u32 $0x61A0, s11  }
0xd: {  	s8 =	sadd.s32 s8, s1;
	s9 =	sadd.s32 s4, s9;
	s13 =	smul.u32 $0x30D00, s11  }
0xe: {  	s7 =	ssub.s32 s7, s14;
	p0 =	sne.s32 s11, $0x1F;
	s9 =	sshrl.u32 s9, $0x3  }
0xf: {  	s8 =	sadd.s32 $0x1200, s8;
	s1 =	sadd.s32 s9, s1;
	s15 =	sadd.s32 s0, s10  }
0x10: {  	s9 =	sadd.s32 s4, s2;
	s10 =	sadd.s32 s4, s3;
	[dreg:$0x9] =	wrdreg s8  }
0x11: {  	s16 =	sshrl.u32 s13, $0x3;
	s4 =	sadd.s32 s4, s5;
	[dreg:$0x8] =	wrdreg s15  }
0x12: {  	[dreg:$0xa] =	wrdreg s4;
	s17 =	sadd.s32 s0, s16;
	s0 =	sadd.s32 $0xC3400, s0  }
0x13: {  	s11 =	simm.s32 $0x2;
	s18 =	sadd.s32 $0x8E0, s17;
	[dreg:$0x14] =	wrdreg s0  }
0x14: {  	s14 =	simm.s32 $0xF880;
	s19 =	sadd.s32 $0x11C0, s17;
	[dreg:$0xb] =	wrdreg s18  }
0x15: {  	s8 =	simm.s32 $0xD500;
	s20 =	sadd.s32 $0x1AA0, s17;
	[dreg:$0xc] =	wrdreg s19  }
0x16: {  	s13 =	simm.s32 $0x13F80;
	s21 =	sadd.s32 $0x2380, s17;
	[dreg:$0xd] =	wrdreg s20  }
0x17: {  	s4 =	simm.s32 $0x2380;
	s22 =	sadd.s32 $0x2C60, s17;
	[dreg:$0xe] =	wrdreg s21  }
0x18: {  	s15 =	simm.s32 $0x4;
	s23 =	sadd.s32 $0x3540, s17;
	[dreg:$0xf] =	wrdreg s22  }
0x19: {  	s16 =	simm.s32 $0x5;
	s24 =	sadd.s32 $0x3E20, s17;
	[dreg:$0x10] =	wrdreg s23  }
.Ltmp0:
0x1a: {  	s25 =	sadd.s32 $0x4700, s17;
	[dreg:$0x11] =	wrdreg s24;
	(pc) =	sbr.rel .LBB2_1-.Ltmp0, $4  }
0x1b: {  	s26 =	sadd.s32 $0x4FE0, s17;
	s0 =	simm.s32 $0x4700;
	[dreg:$0x12] =	wrdreg s25  }
0x1c: {  	[dreg:$0x13] =	wrdreg s26;
	s22 =	sadd.s32 $0x58C0, s17;
	s24 =	sadd.s32 $0x4800, s1  }
0x1d: {  	s25 =	sadd.s32 $0xAA00, s1;
	s26 =	smax.u32 s7, $0x1;
	s1 =	simm.s32 $0x8E00  }
0x1e: {  	s23 =	simm.s32 $0x11C00;
	s7 =	simm.s32 $0x3;
	s17 =	simm.s32 $0x0  }
.LBB2_25:
0x1f: {  	[bflag:$0x0] =	sbarrier.arrive $0xFFFF  }
0x20: {  	[tilespmem:s28], [sflag:$0x6] =	stream.linear.gather [spmem:s9], $0x1880, $0x38;
	[tilespmem:$0x1F480] =	vst v63  }
0x21: {  	_ =	swait.ge [sflag:s29], $0x1880  }
0x22: {  	[sflag:s29] =	ssyncset.done $0x0  }
0x23: {  	[sflag:s29] =	ssyncadd.s32 $0xFFFFE780  }
0x24: {  	[hbm4b:s24+s6] =	stream.linear.scatter [tilespmem:s28], [sflag:$0x6], $0x1880, $0x38;
	[tilespmem:$0x1F480] =	vst v63  }
0x25: {  	_ =	swait.ge [sflag:s29], $0x1880  }
0x26: {  	[sflag:s29] =	ssyncset.done $0x0  }
0x27: {  	[sflag:s29] =	ssyncadd.s32 $0xFFFFE780  }
0x28: {  	[tilespmem:s28], [sflag:$0x6] =	stream.linear.gather [spmem:s10], $0x1880, $0x38;
	[tilespmem:$0x1F480] =	vst v63  }
0x29: {  	s17 =	sadd.s32 $0x1, s17;
	_ =	swait.ge [sflag:s29], $0x1880  }
0x2a: {  	p1 =	sne.s32 s17, s26;
	[sflag:s29] =	ssyncset.done $0x0  }
.Ltmp1:
0x2b: {  	[sflag:s29] =	ssyncadd.s32 $0xFFFFE780;
	(pc) =	sbr.rel @!p1 .LBB2_26-.Ltmp1, $4  }
0x2c: {  	[hbm4b:s25+s6] =	stream.linear.scatter [tilespmem:s28], [sflag:$0x6], $0x1880, $0x38;
	[tilespmem:$0x1F480] =	vst v63  }
0x2d: {  	_ =	swait.ge [sflag:s29], $0x1880  }
0x2e: {  	[sflag:s29] =	ssyncset.done $0x0  }
0x2f: {  	[sflag:s29] =	ssyncadd.s32 $0xFFFFE780  }
.LBB2_1:
0x30: {  	s18 =	rddreg [dreg:$0x8]  }
0x31: {  	[tilespmem:s6], [sflag:$0x1] =	stream.linear.gather [hbm4b:s18+s6], $0x4700, $0x38;
	[tilespmem:$0x1F480] =	vst v63  }
0x32: {  	s20 =	rddreg [dreg:$0x7]  }
0x33: {  	[tilespmem:s28], [sflag:$0x6] =	stream.linear.gather [hbm4b:s20+s6], $0x1880, $0x38;
	[tilespmem:$0x1F480] =	vst v63  }
0x34: {  	_ =	swait.ge [sflag:s29], $0x1880  }
0x35: {  	[sflag:s29] =	ssyncset.done $0x0  }
0x36: {  	[sflag:s29] =	ssyncadd.s32 $0xFFFFE780  }
0x37: {  	[spmem:s9] =	stream.linear.scatter [tilespmem:s28], [sflag:$0x6], $0x1880, $0x38;
	[tilespmem:$0x1F480] =	vst v63  }
0x38: {  	_ =	swait.ge [sflag:s29], $0x1880  }
0x39: {  	[sflag:s29] =	ssyncset.done $0x0  }
0x3a: {  	[sflag:s29] =	ssyncadd.s32 $0xFFFFE780  }
0x3b: {  	[spmem:s10] =	stream.linear.scatter [tilespmem:s28], [sflag:$0x6], $0x1880, $0x38;
	[tilespmem:$0x1F480] =	vst v63  }
0x3c: {  	_ =	swait.ge [sflag:s29], $0x1880  }
0x3d: {  	[sflag:s29] =	ssyncset.done $0x0  }
0x3e: {  	s21 =	rddreg [dreg:$0x9];
	[sflag:s29] =	ssyncadd.s32 $0xFFFFE780  }
0x3f: {  	[tilespmem:s28], [sflag:$0x6] =	stream.linear.gather [hbm4b:s21+s6], $0x1880, $0x38;
	[tilespmem:$0x1F480] =	vst v63  }
0x40: {  	_ =	swait.ge [sflag:s29], $0x1880  }
0x41: {  	[sflag:s29] =	ssyncset.done $0x0  }
0x42: {  	s19 =	rddreg [dreg:$0xa];
	[sflag:s29] =	ssyncadd.s32 $0xFFFFE780  }
0x43: {  	[spmem:s19] =	stream.linear.scatter [tilespmem:s28], [sflag:$0x6], $0x1880, $0x38;
	[tilespmem:$0x1F480] =	vst v63  }
0x44: {  	_ =	swait.ge [sflag:s29], $0x1880  }
0x45: {  	[sflag:s29] =	ssyncset.done $0x0  }
0x46: {  	[sflag:s29] =	ssyncadd.s32 $0xFFFFE780  }
0x47: {  	s20 =	rddreg [dreg:$0x2]  }
0x48: {  	[tilespmem:s30], [sflag:$0x6] =	stream.linear.gather [hbm4b:s20+s6], $0x2380, $0x38;
	[tilespmem:$0x1F480] =	vst v63  }
0x49: {  	_ =	swait.ge [sflag:s29], $0x2380  }
0x4a: {  	[sflag:s29] =	ssyncset.done $0x0  }
0x4b: {  	[sflag:s29] =	ssyncadd.s32 $0xFFFFDC80  }
0x4c: {  	[bflag:$0x0] =	sbarrier.arrive $0xFFFF  }
0x4d: {  	_ =	swait.ge [sflag:s31], $0x4700  }
0x4e: {  	[sflag:s31] =	ssyncset.done $0x0  }
0x4f: {  	s18 =	simm.s32 $0x80;
	s21 =	rddreg [dreg:$0xb];
	[sflag:s31] =	ssyncadd.s32 $0xFFFFB900  }
0x50: {  	[tilespmem:s0], [sflag:$0x2] =	stream.linear.gather [hbm4b:s21+s6], $0x4700, $0x38;
	[tilespmem:$0x1F480] =	vst v63  }
0x51: {  	s19 =	simm.s32 $0x200;
	s20 =	simm.s32 $0x0;
	v0 =	vld [tilespmem:s18+$0xFFFFFF80]  }
.LBB2_2:
0x52: {  	p1 =	sne.s32 s19, $0x8C00;
	_ =	sdelay $0x2  }
0x53: {  	s21 =	sshra.s32 s20, $0x2;
	s20 =	smov.u32 s19  }
0x54: {  	[tilespmem:s21+$0x8E00] =	vst v0  }
0x55: {  	v0 =	vld [tilespmem:s18+$0x0];
	_ =	sdelay $0x4  }
0x56: {  	[tilespmem:s21+$0xD500] =	vst v0  }
0x57: {  	v0 =	vld [tilespmem:s18+$0xFFFFFF90];
	_ =	sdelay $0x4  }
0x58: {  	[tilespmem:s21+$0x8E10] =	vst v0  }
0x59: {  	v0 =	vld [tilespmem:s18+$0x10];
	_ =	sdelay $0x4  }
0x5a: {  	[tilespmem:s21+$0xD510] =	vst v0  }
0x5b: {  	v0 =	vld [tilespmem:s18+$0xFFFFFFA0];
	_ =	sdelay $0x4  }
0x5c: {  	[tilespmem:s21+$0x8E20] =	vst v0  }
0x5d: {  	v0 =	vld [tilespmem:s18+$0x20];
	_ =	sdelay $0x4  }
0x5e: {  	[tilespmem:s21+$0xD520] =	vst v0  }
0x5f: {  	v0 =	vld [tilespmem:s18+$0xFFFFFFB0];
	_ =	sdelay $0x4  }
0x60: {  	[tilespmem:s21+$0x8E30] =	vst v0  }
0x61: {  	v0 =	vld [tilespmem:s18+$0x30];
	_ =	sdelay $0x4  }
0x62: {  	[tilespmem:s21+$0xD530] =	vst v0  }
0x63: {  	v0 =	vld [tilespmem:s18+$0xFFFFFFC0];
	_ =	sdelay $0x4  }
0x64: {  	[tilespmem:s21+$0x8E40] =	vst v0  }
0x65: {  	v0 =	vld [tilespmem:s18+$0x40];
	_ =	sdelay $0x4  }
0x66: {  	[tilespmem:s21+$0xD540] =	vst v0  }
0x67: {  	v0 =	vld [tilespmem:s18+$0xFFFFFFD0];
	_ =	sdelay $0x4  }
0x68: {  	[tilespmem:s21+$0x8E50] =	vst v0  }
0x69: {  	v0 =	vld [tilespmem:s18+$0x50];
	_ =	sdelay $0x4  }
0x6a: {  	[tilespmem:s21+$0xD550] =	vst v0  }
0x6b: {  	v0 =	vld [tilespmem:s18+$0xFFFFFFE0];
	_ =	sdelay $0x4  }
0x6c: {  	[tilespmem:s21+$0x8E60] =	vst v0  }
0x6d: {  	v0 =	vld [tilespmem:s18+$0x60];
	_ =	sdelay $0x4  }
0x6e: {  	[tilespmem:s21+$0xD560] =	vst v0  }
0x6f: {  	v0 =	vld [tilespmem:s18+$0xFFFFFFF0];
	_ =	sdelay $0x4  }
0x70: {  	[tilespmem:s21+$0x8E70] =	vst v0  }
0x71: {  	v0 =	vld [tilespmem:s18+$0x70];
	_ =	sdelay $0x1  }
.Ltmp2:
0x72: {  	(pc) =	sbr.rel @p1 .LBB2_2-.Ltmp2, $3  }
0x73: {  	_ =	sdelay $0x1  }
0x74: {  	s18 =	sadd.s32 $0x100, s18;
	[tilespmem:s21+$0xD570] =	vst v0  }
0x75: {  	s19 =	sadd.s32 $0x200, s19;
	v0 =	vld [tilespmem:s18+$0xFFFFFF80]  }
0x76: {  	_ =	sdelay $0x2  }
0x77: {  	s19 =	sshra.s32 s20, $0x2  }
0x78: {  	[tilespmem:s19+$0x8E00] =	vst v0  }
0x79: {  	v0 =	vld [tilespmem:s18+$0x0];
	_ =	sdelay $0x4  }
0x7a: {  	[tilespmem:s19+$0xD500] =	vst v0  }
0x7b: {  	v0 =	vld [tilespmem:s18+$0xFFFFFF90];
	_ =	sdelay $0x4  }
0x7c: {  	[tilespmem:s19+$0x8E10] =	vst v0  }
0x7d: {  	v0 =	vld [tilespmem:s18+$0x10];
	_ =	sdelay $0x4  }
0x7e: {  	[tilespmem:s19+$0xD510] =	vst v0  }
0x7f: {  	v0 =	vld [tilespmem:s18+$0xFFFFFFA0];
	_ =	sdelay $0x4  }
0x80: {  	[tilespmem:s19+$0x8E20] =	vst v0  }
0x81: {  	v0 =	vld [tilespmem:s18+$0x20];
	_ =	sdelay $0x4  }
0x82: {  	[tilespmem:s19+$0xD520] =	vst v0  }
0x83: {  	v0 =	vld [tilespmem:s18+$0xFFFFFFB0];
	_ =	sdelay $0x4  }
0x84: {  	[tilespmem:s19+$0x8E30] =	vst v0  }
0x85: {  	v0 =	vld [tilespmem:s18+$0x30];
	_ =	sdelay $0x4  }
0x86: {  	[tilespmem:s19+$0xD530] =	vst v0  }
0x87: {  	v0 =	vld [tilespmem:s18+$0xFFFFFFC0];
	_ =	sdelay $0x4  }
0x88: {  	[tilespmem:s19+$0x8E40] =	vst v0  }
0x89: {  	v0 =	vld [tilespmem:s18+$0x40];
	_ =	sdelay $0x4  }
0x8a: {  	[tilespmem:s19+$0xD540] =	vst v0  }
0x8b: {  	v0 =	vld [tilespmem:s18+$0xFFFFFFD0];
	_ =	sdelay $0x4  }
0x8c: {  	[tilespmem:s19+$0x8E50] =	vst v0  }
0x8d: {  	v0 =	vld [tilespmem:s18+$0x50];
	_ =	sdelay $0x4  }
0x8e: {  	[tilespmem:s19+$0xD550] =	vst v0  }
0x8f: {  	v0 =	vld [tilespmem:s18+$0xFFFFFFE0];
	_ =	sdelay $0x4  }
0x90: {  	[tilespmem:s19+$0x8E60] =	vst v0  }
0x91: {  	v0 =	vld [tilespmem:s18+$0x60];
	_ =	sdelay $0x4  }
0x92: {  	[tilespmem:s19+$0xD560] =	vst v0  }
0x93: {  	v0 =	vld [tilespmem:s18+$0xFFFFFFF0];
	_ =	sdelay $0x4  }
0x94: {  	[tilespmem:s19+$0x8E70] =	vst v0  }
0x95: {  	v0 =	vld [tilespmem:s18+$0x70];
	_ =	sdelay $0x4  }
0x96: {  	[tilespmem:s19+$0xD570] =	vst v0  }
0x97: {  	[tilespmem:s23], [sflag:$0x3] =	stream.indirect.gather [spmem:s5], $0x1, s1, s4, $0xb8;
	[tilespmem:$0x1F480] =	vst v63  }
0x98: {  	_ =	swait.ge [sflag:s7], $0x2380  }
0x99: {  	[sflag:s7] =	ssyncset.done $0x0  }
0x9a: {  	[sflag:s7] =	ssyncadd.s32 $0xFFFFDC80  }
0x9b: {  	[spmem:s2] =	stream.indirect.scatter.add.f32 [tilespmem:s23], [sflag:$0x4], $0x1, s8, s4, $0xb8;
	[tilespmem:$0x1F480] =	vst v63  }
0x9c: {  	_ = 	snop  }
0x9d: {  	[spmem:s3] =	stream.indirect.scatter.add.f32 [tilespmem:s30], [sflag:$0x5], $0x1, s8, s4, $0xb8;
	[tilespmem:$0x1F480] =	vst v63  }
0x9e: {  	_ =	swait.ge [sflag:s11], $0x4700  }
0x9f: {  	s18 =	simm.s32 $0x4780;
	[sflag:s11] =	ssyncset.done $0x0  }
0xa0: {  	s19 =	simm.s32 $0x0;
	s21 =	rddreg [dreg:$0xc];
	[sflag:s11] =	ssyncadd.s32 $0xFFFFB900  }
0xa1: {  	[tilespmem:s19], [sflag:$0x1] =	stream.linear.gather [hbm4b:s21+s19], $0x4700, $0x38;
	[tilespmem:$0x1F480] =	vst v63  }
0xa2: {  	s20 =	simm.s32 $0x200;
	v0 =	vld [tilespmem:s18+$0xFFFFFF80]  }
.LBB2_4:
0xa3: {  	p1 =	sne.s32 s20, $0x8C00;
	_ =	sdelay $0x2  }
0xa4: {  	s21 =	sshra.s32 s19, $0x2;
	s19 =	smov.u32 s20  }
0xa5: {  	[tilespmem:s21+$0xB180] =	vst v0  }
0xa6: {  	v0 =	vld [tilespmem:s18+$0x0];
	_ =	sdelay $0x4  }
0xa7: {  	[tilespmem:s21+$0xF880] =	vst v0  }
0xa8: {  	v0 =	vld [tilespmem:s18+$0xFFFFFF90];
	_ =	sdelay $0x4  }
0xa9: {  	[tilespmem:s21+$0xB190] =	vst v0  }
0xaa: {  	v0 =	vld [tilespmem:s18+$0x10];
	_ =	sdelay $0x4  }
0xab: {  	[tilespmem:s21+$0xF890] =	vst v0  }
0xac: {  	v0 =	vld [tilespmem:s18+$0xFFFFFFA0];
	_ =	sdelay $0x4  }
0xad: {  	[tilespmem:s21+$0xB1A0] =	vst v0  }
0xae: {  	v0 =	vld [tilespmem:s18+$0x20];
	_ =	sdelay $0x4  }
0xaf: {  	[tilespmem:s21+$0xF8A0] =	vst v0  }
0xb0: {  	v0 =	vld [tilespmem:s18+$0xFFFFFFB0];
	_ =	sdelay $0x4  }
0xb1: {  	[tilespmem:s21+$0xB1B0] =	vst v0  }
0xb2: {  	v0 =	vld [tilespmem:s18+$0x30];
	_ =	sdelay $0x4  }
0xb3: {  	[tilespmem:s21+$0xF8B0] =	vst v0  }
0xb4: {  	v0 =	vld [tilespmem:s18+$0xFFFFFFC0];
	_ =	sdelay $0x4  }
0xb5: {  	[tilespmem:s21+$0xB1C0] =	vst v0  }
0xb6: {  	v0 =	vld [tilespmem:s18+$0x40];
	_ =	sdelay $0x4  }
0xb7: {  	[tilespmem:s21+$0xF8C0] =	vst v0  }
0xb8: {  	v0 =	vld [tilespmem:s18+$0xFFFFFFD0];
	_ =	sdelay $0x4  }
0xb9: {  	[tilespmem:s21+$0xB1D0] =	vst v0  }
0xba: {  	v0 =	vld [tilespmem:s18+$0x50];
	_ =	sdelay $0x4  }
0xbb: {  	[tilespmem:s21+$0xF8D0] =	vst v0  }
0xbc: {  	v0 =	vld [tilespmem:s18+$0xFFFFFFE0];
	_ =	sdelay $0x4  }
0xbd: {  	[tilespmem:s21+$0xB1E0] =	vst v0  }
0xbe: {  	v0 =	vld [tilespmem:s18+$0x60];
	_ =	sdelay $0x4  }
0xbf: {  	[tilespmem:s21+$0xF8E0] =	vst v0  }
0xc0: {  	v0 =	vld [tilespmem:s18+$0xFFFFFFF0];
	_ =	sdelay $0x4  }
0xc1: {  	[tilespmem:s21+$0xB1F0] =	vst v0  }
0xc2: {  	v0 =	vld [tilespmem:s18+$0x70];
	_ =	sdelay $0x1  }
.Ltmp3:
0xc3: {  	(pc) =	sbr.rel @p1 .LBB2_4-.Ltmp3, $3  }
0xc4: {  	_ =	sdelay $0x1  }
0xc5: {  	s18 =	sadd.s32 $0x100, s18;
	[tilespmem:s21+$0xF8F0] =	vst v0  }
0xc6: {  	s20 =	sadd.s32 $0x200, s20;
	v0 =	vld [tilespmem:s18+$0xFFFFFF80]  }
0xc7: {  	_ =	sdelay $0x2  }
0xc8: {  	s19 =	sshra.s32 s19, $0x2  }
0xc9: {  	[tilespmem:s19+$0xB180] =	vst v0  }
0xca: {  	v0 =	vld [tilespmem:s18+$0x0];
	_ =	sdelay $0x4  }
0xcb: {  	[tilespmem:s19+$0xF880] =	vst v0  }
0xcc: {  	v0 =	vld [tilespmem:s18+$0xFFFFFF90];
	_ =	sdelay $0x4  }
0xcd: {  	[tilespmem:s19+$0xB190] =	vst v0  }
0xce: {  	v0 =	vld [tilespmem:s18+$0x10];
	_ =	sdelay $0x4  }
0xcf: {  	[tilespmem:s19+$0xF890] =	vst v0  }
0xd0: {  	v0 =	vld [tilespmem:s18+$0xFFFFFFA0];
	_ =	sdelay $0x4  }
0xd1: {  	[tilespmem:s19+$0xB1A0] =	vst v0  }
0xd2: {  	v0 =	vld [tilespmem:s18+$0x20];
	_ =	sdelay $0x4  }
0xd3: {  	[tilespmem:s19+$0xF8A0] =	vst v0  }
0xd4: {  	v0 =	vld [tilespmem:s18+$0xFFFFFFB0];
	_ =	sdelay $0x4  }
0xd5: {  	[tilespmem:s19+$0xB1B0] =	vst v0  }
0xd6: {  	v0 =	vld [tilespmem:s18+$0x30];
	_ =	sdelay $0x4  }
0xd7: {  	[tilespmem:s19+$0xF8B0] =	vst v0  }
0xd8: {  	v0 =	vld [tilespmem:s18+$0xFFFFFFC0];
	_ =	sdelay $0x4  }
0xd9: {  	[tilespmem:s19+$0xB1C0] =	vst v0  }
0xda: {  	v0 =	vld [tilespmem:s18+$0x40];
	_ =	sdelay $0x4  }
0xdb: {  	[tilespmem:s19+$0xF8C0] =	vst v0  }
0xdc: {  	v0 =	vld [tilespmem:s18+$0xFFFFFFD0];
	_ =	sdelay $0x4  }
0xdd: {  	[tilespmem:s19+$0xB1D0] =	vst v0  }
0xde: {  	v0 =	vld [tilespmem:s18+$0x50];
	_ =	sdelay $0x4  }
0xdf: {  	[tilespmem:s19+$0xF8D0] =	vst v0  }
0xe0: {  	v0 =	vld [tilespmem:s18+$0xFFFFFFE0];
	_ =	sdelay $0x4  }
0xe1: {  	[tilespmem:s19+$0xB1E0] =	vst v0  }
0xe2: {  	v0 =	vld [tilespmem:s18+$0x60];
	_ =	sdelay $0x4  }
0xe3: {  	[tilespmem:s19+$0xF8E0] =	vst v0  }
0xe4: {  	v0 =	vld [tilespmem:s18+$0xFFFFFFF0];
	_ =	sdelay $0x4  }
0xe5: {  	[tilespmem:s19+$0xB1F0] =	vst v0  }
0xe6: {  	v0 =	vld [tilespmem:s18+$0x70];
	_ =	sdelay $0x4  }
0xe7: {  	[tilespmem:s19+$0xF8F0] =	vst v0  }
0xe8: {  	[tilespmem:s13], [sflag:$0x3] =	stream.indirect.gather [spmem:s5], $0x1, s12, s4, $0xb8;
	[tilespmem:$0x1F480] =	vst v63  }
0xe9: {  	_ =	swait.ge [sflag:s7], $0x2380  }
0xea: {  	[sflag:s7] =	ssyncset.done $0x0  }
0xeb: {  	[sflag:s7] =	ssyncadd.s32 $0xFFFFDC80  }
0xec: {  	[spmem:s2] =	stream.indirect.scatter.add.f32 [tilespmem:s13], [sflag:$0x4], $0x1, s14, s4, $0xb8;
	[tilespmem:$0x1F480] =	vst v63  }
0xed: {  	_ = 	snop  }
0xee: {  	[spmem:s3] =	stream.indirect.scatter.add.f32 [tilespmem:s30], [sflag:$0x5], $0x1, s14, s4, $0xb8;
	[tilespmem:$0x1F480] =	vst v63  }
0xef: {  	_ =	swait.ge [sflag:s31], $0x4700  }
0xf0: {  	[sflag:s31] =	ssyncset.done $0x0  }
0xf1: {  	s19 =	simm.s32 $0x0;
	s21 =	rddreg [dreg:$0xd];
	[sflag:s31] =	ssyncadd.s32 $0xFFFFB900  }
0xf2: {  	[tilespmem:s0], [sflag:$0x2] =	stream.linear.gather [hbm4b:s21+s19], $0x4700, $0x38;
	[tilespmem:$0x1F480] =	vst v63  }
0xf3: {  	_ =	swait.ge [sflag:s15], $0x2380  }
0xf4: {  	[sflag:s15] =	ssyncset.done $0x0  }
0xf5: {  	[sflag:s15] =	ssyncadd.s32 $0xFFFFDC80  }
0xf6: {  	_ =	swait.ge [sflag:s16], $0x2380  }
0xf7: {  	[sflag:s16] =	ssyncset.done $0x0  }
0xf8: {  	s18 =	simm.s32 $0x80;
	[sflag:s16] =	ssyncadd.s32 $0xFFFFDC80  }
0xf9: {  	s20 =	simm.s32 $0x200;
	v0 =	vld [tilespmem:s18+$0xFFFFFF80]  }
.LBB2_6:
0xfa: {  	p1 =	sne.s32 s20, $0x8C00;
	_ =	sdelay $0x2  }
0xfb: {  	s21 =	sshra.s32 s19, $0x2;
	s19 =	smov.u32 s20  }
0xfc: {  	[tilespmem:s21+$0x8E00] =	vst v0  }
0xfd: {  	v0 =	vld [tilespmem:s18+$0x0];
	_ =	sdelay $0x4  }
0xfe: {  	[tilespmem:s21+$0xD500] =	vst v0  }
0xff: {  	v0 =	vld [tilespmem:s18+$0xFFFFFF90];
	_ =	sdelay $0x4  }
0x100: {  	[tilespmem:s21+$0x8E10] =	vst v0  }
0x101: {  	v0 =	vld [tilespmem:s18+$0x10];
	_ =	sdelay $0x4  }
0x102: {  	[tilespmem:s21+$0xD510] =	vst v0  }
0x103: {  	v0 =	vld [tilespmem:s18+$0xFFFFFFA0];
	_ =	sdelay $0x4  }
0x104: {  	[tilespmem:s21+$0x8E20] =	vst v0  }
0x105: {  	v0 =	vld [tilespmem:s18+$0x20];
	_ =	sdelay $0x4  }
0x106: {  	[tilespmem:s21+$0xD520] =	vst v0  }
0x107: {  	v0 =	vld [tilespmem:s18+$0xFFFFFFB0];
	_ =	sdelay $0x4  }
0x108: {  	[tilespmem:s21+$0x8E30] =	vst v0  }
0x109: {  	v0 =	vld [tilespmem:s18+$0x30];
	_ =	sdelay $0x4  }
0x10a: {  	[tilespmem:s21+$0xD530] =	vst v0  }
0x10b: {  	v0 =	vld [tilespmem:s18+$0xFFFFFFC0];
	_ =	sdelay $0x4  }
0x10c: {  	[tilespmem:s21+$0x8E40] =	vst v0  }
0x10d: {  	v0 =	vld [tilespmem:s18+$0x40];
	_ =	sdelay $0x4  }
0x10e: {  	[tilespmem:s21+$0xD540] =	vst v0  }
0x10f: {  	v0 =	vld [tilespmem:s18+$0xFFFFFFD0];
	_ =	sdelay $0x4  }
0x110: {  	[tilespmem:s21+$0x8E50] =	vst v0  }
0x111: {  	v0 =	vld [tilespmem:s18+$0x50];
	_ =	sdelay $0x4  }
0x112: {  	[tilespmem:s21+$0xD550] =	vst v0  }
0x113: {  	v0 =	vld [tilespmem:s18+$0xFFFFFFE0];
	_ =	sdelay $0x4  }
0x114: {  	[tilespmem:s21+$0x8E60] =	vst v0  }
0x115: {  	v0 =	vld [tilespmem:s18+$0x60];
	_ =	sdelay $0x4  }
0x116: {  	[tilespmem:s21+$0xD560] =	vst v0  }
0x117: {  	v0 =	vld [tilespmem:s18+$0xFFFFFFF0];
	_ =	sdelay $0x4  }
0x118: {  	[tilespmem:s21+$0x8E70] =	vst v0  }
0x119: {  	v0 =	vld [tilespmem:s18+$0x70];
	_ =	sdelay $0x1  }
.Ltmp4:
0x11a: {  	(pc) =	sbr.rel @p1 .LBB2_6-.Ltmp4, $3  }
0x11b: {  	_ =	sdelay $0x1  }
0x11c: {  	s18 =	sadd.s32 $0x100, s18;
	[tilespmem:s21+$0xD570] =	vst v0  }
0x11d: {  	s20 =	sadd.s32 $0x200, s20;
	v0 =	vld [tilespmem:s18+$0xFFFFFF80]  }
0x11e: {  	_ =	sdelay $0x2  }
0x11f: {  	s19 =	sshra.s32 s19, $0x2  }
0x120: {  	[tilespmem:s19+$0x8E00] =	vst v0  }
0x121: {  	v0 =	vld [tilespmem:s18+$0x0];
	_ =	sdelay $0x4  }
0x122: {  	[tilespmem:s19+$0xD500] =	vst v0  }
0x123: {  	v0 =	vld [tilespmem:s18+$0xFFFFFF90];
	_ =	sdelay $0x4  }
0x124: {  	[tilespmem:s19+$0x8E10] =	vst v0  }
0x125: {  	v0 =	vld [tilespmem:s18+$0x10];
	_ =	sdelay $0x4  }
0x126: {  	[tilespmem:s19+$0xD510] =	vst v0  }
0x127: {  	v0 =	vld [tilespmem:s18+$0xFFFFFFA0];
	_ =	sdelay $0x4  }
0x128: {  	[tilespmem:s19+$0x8E20] =	vst v0  }
0x129: {  	v0 =	vld [tilespmem:s18+$0x20];
	_ =	sdelay $0x4  }
0x12a: {  	[tilespmem:s19+$0xD520] =	vst v0  }
0x12b: {  	v0 =	vld [tilespmem:s18+$0xFFFFFFB0];
	_ =	sdelay $0x4  }
0x12c: {  	[tilespmem:s19+$0x8E30] =	vst v0  }
0x12d: {  	v0 =	vld [tilespmem:s18+$0x30];
	_ =	sdelay $0x4  }
0x12e: {  	[tilespmem:s19+$0xD530] =	vst v0  }
0x12f: {  	v0 =	vld [tilespmem:s18+$0xFFFFFFC0];
	_ =	sdelay $0x4  }
0x130: {  	[tilespmem:s19+$0x8E40] =	vst v0  }
0x131: {  	v0 =	vld [tilespmem:s18+$0x40];
	_ =	sdelay $0x4  }
0x132: {  	[tilespmem:s19+$0xD540] =	vst v0  }
0x133: {  	v0 =	vld [tilespmem:s18+$0xFFFFFFD0];
	_ =	sdelay $0x4  }
0x134: {  	[tilespmem:s19+$0x8E50] =	vst v0  }
0x135: {  	v0 =	vld [tilespmem:s18+$0x50];
	_ =	sdelay $0x4  }
0x136: {  	[tilespmem:s19+$0xD550] =	vst v0  }
0x137: {  	v0 =	vld [tilespmem:s18+$0xFFFFFFE0];
	_ =	sdelay $0x4  }
0x138: {  	[tilespmem:s19+$0x8E60] =	vst v0  }
0x139: {  	v0 =	vld [tilespmem:s18+$0x60];
	_ =	sdelay $0x4  }
0x13a: {  	[tilespmem:s19+$0xD560] =	vst v0  }
0x13b: {  	v0 =	vld [tilespmem:s18+$0xFFFFFFF0];
	_ =	sdelay $0x4  }
0x13c: {  	[tilespmem:s19+$0x8E70] =	vst v0  }
0x13d: {  	v0 =	vld [tilespmem:s18+$0x70];
	_ =	sdelay $0x4  }
0x13e: {  	[tilespmem:s19+$0xD570] =	vst v0  }
0x13f: {  	[tilespmem:s23], [sflag:$0x3] =	stream.indirect.gather [spmem:s5], $0x1, s1, s4, $0xb8;
	[tilespmem:$0x1F480] =	vst v63  }
0x140: {  	_ =	swait.ge [sflag:s7], $0x2380  }
0x141: {  	[sflag:s7] =	ssyncset.done $0x0  }
0x142: {  	[sflag:s7] =	ssyncadd.s32 $0xFFFFDC80  }
0x143: {  	[spmem:s2] =	stream.indirect.scatter.add.f32 [tilespmem:s23], [sflag:$0x4], $0x1, s8, s4, $0xb8;
	[tilespmem:$0x1F480] =	vst v63  }
0x144: {  	_ = 	snop  }
0x145: {  	[spmem:s3] =	stream.indirect.scatter.add.f32 [tilespmem:s30], [sflag:$0x5], $0x1, s8, s4, $0xb8;
	[tilespmem:$0x1F480] =	vst v63  }
0x146: {  	_ =	swait.ge [sflag:s11], $0x4700  }
0x147: {  	[sflag:s11] =	ssyncset.done $0x0  }
0x148: {  	s19 =	simm.s32 $0x0;
	s21 =	rddreg [dreg:$0xe];
	[sflag:s11] =	ssyncadd.s32 $0xFFFFB900  }
0x149: {  	[tilespmem:s19], [sflag:$0x1] =	stream.linear.gather [hbm4b:s21+s19], $0x4700, $0x38;
	[tilespmem:$0x1F480] =	vst v63  }
0x14a: {  	_ =	swait.ge [sflag:s15], $0x2380  }
0x14b: {  	[sflag:s15] =	ssyncset.done $0x0  }
0x14c: {  	[sflag:s15] =	ssyncadd.s32 $0xFFFFDC80  }
0x14d: {  	_ =	swait.ge [sflag:s16], $0x2380  }
0x14e: {  	[sflag:s16] =	ssyncset.done $0x0  }
0x14f: {  	s18 =	simm.s32 $0x4780;
	[sflag:s16] =	ssyncadd.s32 $0xFFFFDC80  }
0x150: {  	s20 =	simm.s32 $0x200;
	v0 =	vld [tilespmem:s18+$0xFFFFFF80]  }
.LBB2_8:
0x151: {  	p1 =	sne.s32 s20, $0x8C00;
	_ =	sdelay $0x2  }
0x152: {  	s21 =	sshra.s32 s19, $0x2;
	s19 =	smov.u32 s20  }
0x153: {  	[tilespmem:s21+$0xB180] =	vst v0  }
0x154: {  	v0 =	vld [tilespmem:s18+$0x0];
	_ =	sdelay $0x4  }
0x155: {  	[tilespmem:s21+$0xF880] =	vst v0  }
0x156: {  	v0 =	vld [tilespmem:s18+$0xFFFFFF90];
	_ =	sdelay $0x4  }
0x157: {  	[tilespmem:s21+$0xB190] =	vst v0  }
0x158: {  	v0 =	vld [tilespmem:s18+$0x10];
	_ =	sdelay $0x4  }
0x159: {  	[tilespmem:s21+$0xF890] =	vst v0  }
0x15a: {  	v0 =	vld [tilespmem:s18+$0xFFFFFFA0];
	_ =	sdelay $0x4  }
0x15b: {  	[tilespmem:s21+$0xB1A0] =	vst v0  }
0x15c: {  	v0 =	vld [tilespmem:s18+$0x20];
	_ =	sdelay $0x4  }
0x15d: {  	[tilespmem:s21+$0xF8A0] =	vst v0  }
0x15e: {  	v0 =	vld [tilespmem:s18+$0xFFFFFFB0];
	_ =	sdelay $0x4  }
0x15f: {  	[tilespmem:s21+$0xB1B0] =	vst v0  }
0x160: {  	v0 =	vld [tilespmem:s18+$0x30];
	_ =	sdelay $0x4  }
0x161: {  	[tilespmem:s21+$0xF8B0] =	vst v0  }
0x162: {  	v0 =	vld [tilespmem:s18+$0xFFFFFFC0];
	_ =	sdelay $0x4  }
0x163: {  	[tilespmem:s21+$0xB1C0] =	vst v0  }
0x164: {  	v0 =	vld [tilespmem:s18+$0x40];
	_ =	sdelay $0x4  }
0x165: {  	[tilespmem:s21+$0xF8C0] =	vst v0  }
0x166: {  	v0 =	vld [tilespmem:s18+$0xFFFFFFD0];
	_ =	sdelay $0x4  }
0x167: {  	[tilespmem:s21+$0xB1D0] =	vst v0  }
0x168: {  	v0 =	vld [tilespmem:s18+$0x50];
	_ =	sdelay $0x4  }
0x169: {  	[tilespmem:s21+$0xF8D0] =	vst v0  }
0x16a: {  	v0 =	vld [tilespmem:s18+$0xFFFFFFE0];
	_ =	sdelay $0x4  }
0x16b: {  	[tilespmem:s21+$0xB1E0] =	vst v0  }
0x16c: {  	v0 =	vld [tilespmem:s18+$0x60];
	_ =	sdelay $0x4  }
0x16d: {  	[tilespmem:s21+$0xF8E0] =	vst v0  }
0x16e: {  	v0 =	vld [tilespmem:s18+$0xFFFFFFF0];
	_ =	sdelay $0x4  }
0x16f: {  	[tilespmem:s21+$0xB1F0] =	vst v0  }
0x170: {  	v0 =	vld [tilespmem:s18+$0x70];
	_ =	sdelay $0x1  }
.Ltmp5:
0x171: {  	(pc) =	sbr.rel @p1 .LBB2_8-.Ltmp5, $3  }
0x172: {  	_ =	sdelay $0x1  }
0x173: {  	s18 =	sadd.s32 $0x100, s18;
	[tilespmem:s21+$0xF8F0] =	vst v0  }
0x174: {  	s20 =	sadd.s32 $0x200, s20;
	v0 =	vld [tilespmem:s18+$0xFFFFFF80]  }
0x175: {  	_ =	sdelay $0x2  }
0x176: {  	s19 =	sshra.s32 s19, $0x2  }
0x177: {  	[tilespmem:s19+$0xB180] =	vst v0  }
0x178: {  	v0 =	vld [tilespmem:s18+$0x0];
	_ =	sdelay $0x4  }
0x179: {  	[tilespmem:s19+$0xF880] =	vst v0  }
0x17a: {  	v0 =	vld [tilespmem:s18+$0xFFFFFF90];
	_ =	sdelay $0x4  }
0x17b: {  	[tilespmem:s19+$0xB190] =	vst v0  }
0x17c: {  	v0 =	vld [tilespmem:s18+$0x10];
	_ =	sdelay $0x4  }
0x17d: {  	[tilespmem:s19+$0xF890] =	vst v0  }
0x17e: {  	v0 =	vld [tilespmem:s18+$0xFFFFFFA0];
	_ =	sdelay $0x4  }
0x17f: {  	[tilespmem:s19+$0xB1A0] =	vst v0  }
0x180: {  	v0 =	vld [tilespmem:s18+$0x20];
	_ =	sdelay $0x4  }
0x181: {  	[tilespmem:s19+$0xF8A0] =	vst v0  }
0x182: {  	v0 =	vld [tilespmem:s18+$0xFFFFFFB0];
	_ =	sdelay $0x4  }
0x183: {  	[tilespmem:s19+$0xB1B0] =	vst v0  }
0x184: {  	v0 =	vld [tilespmem:s18+$0x30];
	_ =	sdelay $0x4  }
0x185: {  	[tilespmem:s19+$0xF8B0] =	vst v0  }
0x186: {  	v0 =	vld [tilespmem:s18+$0xFFFFFFC0];
	_ =	sdelay $0x4  }
0x187: {  	[tilespmem:s19+$0xB1C0] =	vst v0  }
0x188: {  	v0 =	vld [tilespmem:s18+$0x40];
	_ =	sdelay $0x4  }
0x189: {  	[tilespmem:s19+$0xF8C0] =	vst v0  }
0x18a: {  	v0 =	vld [tilespmem:s18+$0xFFFFFFD0];
	_ =	sdelay $0x4  }
0x18b: {  	[tilespmem:s19+$0xB1D0] =	vst v0  }
0x18c: {  	v0 =	vld [tilespmem:s18+$0x50];
	_ =	sdelay $0x4  }
0x18d: {  	[tilespmem:s19+$0xF8D0] =	vst v0  }
0x18e: {  	v0 =	vld [tilespmem:s18+$0xFFFFFFE0];
	_ =	sdelay $0x4  }
0x18f: {  	[tilespmem:s19+$0xB1E0] =	vst v0  }
0x190: {  	v0 =	vld [tilespmem:s18+$0x60];
	_ =	sdelay $0x4  }
0x191: {  	[tilespmem:s19+$0xF8E0] =	vst v0  }
0x192: {  	v0 =	vld [tilespmem:s18+$0xFFFFFFF0];
	_ =	sdelay $0x4  }
0x193: {  	[tilespmem:s19+$0xB1F0] =	vst v0  }
0x194: {  	v0 =	vld [tilespmem:s18+$0x70];
	_ =	sdelay $0x4  }
0x195: {  	[tilespmem:s19+$0xF8F0] =	vst v0  }
0x196: {  	[tilespmem:s13], [sflag:$0x3] =	stream.indirect.gather [spmem:s5], $0x1, s12, s4, $0xb8;
	[tilespmem:$0x1F480] =	vst v63  }
0x197: {  	_ =	swait.ge [sflag:s7], $0x2380  }
0x198: {  	[sflag:s7] =	ssyncset.done $0x0  }
0x199: {  	[sflag:s7] =	ssyncadd.s32 $0xFFFFDC80  }
0x19a: {  	[spmem:s2] =	stream.indirect.scatter.add.f32 [tilespmem:s13], [sflag:$0x4], $0x1, s14, s4, $0xb8;
	[tilespmem:$0x1F480] =	vst v63  }
0x19b: {  	_ = 	snop  }
0x19c: {  	[spmem:s3] =	stream.indirect.scatter.add.f32 [tilespmem:s30], [sflag:$0x5], $0x1, s14, s4, $0xb8;
	[tilespmem:$0x1F480] =	vst v63  }
0x19d: {  	_ =	swait.ge [sflag:s31], $0x4700  }
0x19e: {  	[sflag:s31] =	ssyncset.done $0x0  }
0x19f: {  	s19 =	simm.s32 $0x0;
	s21 =	rddreg [dreg:$0xf];
	[sflag:s31] =	ssyncadd.s32 $0xFFFFB900  }
0x1a0: {  	[tilespmem:s0], [sflag:$0x2] =	stream.linear.gather [hbm4b:s21+s19], $0x4700, $0x38;
	[tilespmem:$0x1F480] =	vst v63  }
0x1a1: {  	_ =	swait.ge [sflag:s15], $0x2380  }
0x1a2: {  	[sflag:s15] =	ssyncset.done $0x0  }
0x1a3: {  	[sflag:s15] =	ssyncadd.s32 $0xFFFFDC80  }
0x1a4: {  	_ =	swait.ge [sflag:s16], $0x2380  }
0x1a5: {  	[sflag:s16] =	ssyncset.done $0x0  }
0x1a6: {  	s18 =	simm.s32 $0x80;
	[sflag:s16] =	ssyncadd.s32 $0xFFFFDC80  }
0x1a7: {  	s20 =	simm.s32 $0x200;
	v0 =	vld [tilespmem:s18+$0xFFFFFF80]  }
.LBB2_10:
0x1a8: {  	p1 =	sne.s32 s20, $0x8C00;
	_ =	sdelay $0x2  }
0x1a9: {  	s21 =	sshra.s32 s19, $0x2;
	s19 =	smov.u32 s20  }
0x1aa: {  	[tilespmem:s21+$0x8E00] =	vst v0  }
0x1ab: {  	v0 =	vld [tilespmem:s18+$0x0];
	_ =	sdelay $0x4  }
0x1ac: {  	[tilespmem:s21+$0xD500] =	vst v0  }
0x1ad: {  	v0 =	vld [tilespmem:s18+$0xFFFFFF90];
	_ =	sdelay $0x4  }
0x1ae: {  	[tilespmem:s21+$0x8E10] =	vst v0  }
0x1af: {  	v0 =	vld [tilespmem:s18+$0x10];
	_ =	sdelay $0x4  }
0x1b0: {  	[tilespmem:s21+$0xD510] =	vst v0  }
0x1b1: {  	v0 =	vld [tilespmem:s18+$0xFFFFFFA0];
	_ =	sdelay $0x4  }
0x1b2: {  	[tilespmem:s21+$0x8E20] =	vst v0  }
0x1b3: {  	v0 =	vld [tilespmem:s18+$0x20];
	_ =	sdelay $0x4  }
0x1b4: {  	[tilespmem:s21+$0xD520] =	vst v0  }
0x1b5: {  	v0 =	vld [tilespmem:s18+$0xFFFFFFB0];
	_ =	sdelay $0x4  }
0x1b6: {  	[tilespmem:s21+$0x8E30] =	vst v0  }
0x1b7: {  	v0 =	vld [tilespmem:s18+$0x30];
	_ =	sdelay $0x4  }
0x1b8: {  	[tilespmem:s21+$0xD530] =	vst v0  }
0x1b9: {  	v0 =	vld [tilespmem:s18+$0xFFFFFFC0];
	_ =	sdelay $0x4  }
0x1ba: {  	[tilespmem:s21+$0x8E40] =	vst v0  }
0x1bb: {  	v0 =	vld [tilespmem:s18+$0x40];
	_ =	sdelay $0x4  }
0x1bc: {  	[tilespmem:s21+$0xD540] =	vst v0  }
0x1bd: {  	v0 =	vld [tilespmem:s18+$0xFFFFFFD0];
	_ =	sdelay $0x4  }
0x1be: {  	[tilespmem:s21+$0x8E50] =	vst v0  }
0x1bf: {  	v0 =	vld [tilespmem:s18+$0x50];
	_ =	sdelay $0x4  }
0x1c0: {  	[tilespmem:s21+$0xD550] =	vst v0  }
0x1c1: {  	v0 =	vld [tilespmem:s18+$0xFFFFFFE0];
	_ =	sdelay $0x4  }
0x1c2: {  	[tilespmem:s21+$0x8E60] =	vst v0  }
0x1c3: {  	v0 =	vld [tilespmem:s18+$0x60];
	_ =	sdelay $0x4  }
0x1c4: {  	[tilespmem:s21+$0xD560] =	vst v0  }
0x1c5: {  	v0 =	vld [tilespmem:s18+$0xFFFFFFF0];
	_ =	sdelay $0x4  }
0x1c6: {  	[tilespmem:s21+$0x8E70] =	vst v0  }
0x1c7: {  	v0 =	vld [tilespmem:s18+$0x70];
	_ =	sdelay $0x1  }
.Ltmp6:
0x1c8: {  	(pc) =	sbr.rel @p1 .LBB2_10-.Ltmp6, $3  }
0x1c9: {  	_ =	sdelay $0x1  }
0x1ca: {  	s18 =	sadd.s32 $0x100, s18;
	[tilespmem:s21+$0xD570] =	vst v0  }
0x1cb: {  	s20 =	sadd.s32 $0x200, s20;
	v0 =	vld [tilespmem:s18+$0xFFFFFF80]  }
0x1cc: {  	_ =	sdelay $0x2  }
0x1cd: {  	s19 =	sshra.s32 s19, $0x2  }
0x1ce: {  	[tilespmem:s19+$0x8E00] =	vst v0  }
0x1cf: {  	v0 =	vld [tilespmem:s18+$0x0];
	_ =	sdelay $0x4  }
0x1d0: {  	[tilespmem:s19+$0xD500] =	vst v0  }
0x1d1: {  	v0 =	vld [tilespmem:s18+$0xFFFFFF90];
	_ =	sdelay $0x4  }
0x1d2: {  	[tilespmem:s19+$0x8E10] =	vst v0  }
0x1d3: {  	v0 =	vld [tilespmem:s18+$0x10];
	_ =	sdelay $0x4  }
0x1d4: {  	[tilespmem:s19+$0xD510] =	vst v0  }
0x1d5: {  	v0 =	vld [tilespmem:s18+$0xFFFFFFA0];
	_ =	sdelay $0x4  }
0x1d6: {  	[tilespmem:s19+$0x8E20] =	vst v0  }
0x1d7: {  	v0 =	vld [tilespmem:s18+$0x20];
	_ =	sdelay $0x4  }
0x1d8: {  	[tilespmem:s19+$0xD520] =	vst v0  }
0x1d9: {  	v0 =	vld [tilespmem:s18+$0xFFFFFFB0];
	_ =	sdelay $0x4  }
0x1da: {  	[tilespmem:s19+$0x8E30] =	vst v0  }
0x1db: {  	v0 =	vld [tilespmem:s18+$0x30];
	_ =	sdelay $0x4  }
0x1dc: {  	[tilespmem:s19+$0xD530] =	vst v0  }
0x1dd: {  	v0 =	vld [tilespmem:s18+$0xFFFFFFC0];
	_ =	sdelay $0x4  }
0x1de: {  	[tilespmem:s19+$0x8E40] =	vst v0  }
0x1df: {  	v0 =	vld [tilespmem:s18+$0x40];
	_ =	sdelay $0x4  }
0x1e0: {  	[tilespmem:s19+$0xD540] =	vst v0  }
0x1e1: {  	v0 =	vld [tilespmem:s18+$0xFFFFFFD0];
	_ =	sdelay $0x4  }
0x1e2: {  	[tilespmem:s19+$0x8E50] =	vst v0  }
0x1e3: {  	v0 =	vld [tilespmem:s18+$0x50];
	_ =	sdelay $0x4  }
0x1e4: {  	[tilespmem:s19+$0xD550] =	vst v0  }
0x1e5: {  	v0 =	vld [tilespmem:s18+$0xFFFFFFE0];
	_ =	sdelay $0x4  }
0x1e6: {  	[tilespmem:s19+$0x8E60] =	vst v0  }
0x1e7: {  	v0 =	vld [tilespmem:s18+$0x60];
	_ =	sdelay $0x4  }
0x1e8: {  	[tilespmem:s19+$0xD560] =	vst v0  }
0x1e9: {  	v0 =	vld [tilespmem:s18+$0xFFFFFFF0];
	_ =	sdelay $0x4  }
0x1ea: {  	[tilespmem:s19+$0x8E70] =	vst v0  }
0x1eb: {  	v0 =	vld [tilespmem:s18+$0x70];
	_ =	sdelay $0x4  }
0x1ec: {  	[tilespmem:s19+$0xD570] =	vst v0  }
0x1ed: {  	[tilespmem:s23], [sflag:$0x3] =	stream.indirect.gather [spmem:s5], $0x1, s1, s4, $0xb8;
	[tilespmem:$0x1F480] =	vst v63  }
0x1ee: {  	_ =	swait.ge [sflag:s7], $0x2380  }
0x1ef: {  	[sflag:s7] =	ssyncset.done $0x0  }
0x1f0: {  	[sflag:s7] =	ssyncadd.s32 $0xFFFFDC80  }
0x1f1: {  	[spmem:s2] =	stream.indirect.scatter.add.f32 [tilespmem:s23], [sflag:$0x4], $0x1, s8, s4, $0xb8;
	[tilespmem:$0x1F480] =	vst v63  }
0x1f2: {  	_ = 	snop  }
0x1f3: {  	[spmem:s3] =	stream.indirect.scatter.add.f32 [tilespmem:s30], [sflag:$0x5], $0x1, s8, s4, $0xb8;
	[tilespmem:$0x1F480] =	vst v63  }
0x1f4: {  	_ =	swait.ge [sflag:s11], $0x4700  }
0x1f5: {  	[sflag:s11] =	ssyncset.done $0x0  }
0x1f6: {  	s19 =	simm.s32 $0x0;
	s21 =	rddreg [dreg:$0x10];
	[sflag:s11] =	ssyncadd.s32 $0xFFFFB900  }
0x1f7: {  	[tilespmem:s19], [sflag:$0x1] =	stream.linear.gather [hbm4b:s21+s19], $0x4700, $0x38;
	[tilespmem:$0x1F480] =	vst v63  }
0x1f8: {  	_ =	swait.ge [sflag:s15], $0x2380  }
0x1f9: {  	[sflag:s15] =	ssyncset.done $0x0  }
0x1fa: {  	[sflag:s15] =	ssyncadd.s32 $0xFFFFDC80  }
0x1fb: {  	_ =	swait.ge [sflag:s16], $0x2380  }
0x1fc: {  	[sflag:s16] =	ssyncset.done $0x0  }
0x1fd: {  	s18 =	simm.s32 $0x4780;
	[sflag:s16] =	ssyncadd.s32 $0xFFFFDC80  }
0x1fe: {  	s20 =	simm.s32 $0x200;
	v0 =	vld [tilespmem:s18+$0xFFFFFF80]  }
.LBB2_12:
0x1ff: {  	p1 =	sne.s32 s20, $0x8C00;
	_ =	sdelay $0x2  }
0x200: {  	s21 =	sshra.s32 s19, $0x2;
	s19 =	smov.u32 s20  }
0x201: {  	[tilespmem:s21+$0xB180] =	vst v0  }
0x202: {  	v0 =	vld [tilespmem:s18+$0x0];
	_ =	sdelay $0x4  }
0x203: {  	[tilespmem:s21+$0xF880] =	vst v0  }
0x204: {  	v0 =	vld [tilespmem:s18+$0xFFFFFF90];
	_ =	sdelay $0x4  }
0x205: {  	[tilespmem:s21+$0xB190] =	vst v0  }
0x206: {  	v0 =	vld [tilespmem:s18+$0x10];
	_ =	sdelay $0x4  }
0x207: {  	[tilespmem:s21+$0xF890] =	vst v0  }
0x208: {  	v0 =	vld [tilespmem:s18+$0xFFFFFFA0];
	_ =	sdelay $0x4  }
0x209: {  	[tilespmem:s21+$0xB1A0] =	vst v0  }
0x20a: {  	v0 =	vld [tilespmem:s18+$0x20];
	_ =	sdelay $0x4  }
0x20b: {  	[tilespmem:s21+$0xF8A0] =	vst v0  }
0x20c: {  	v0 =	vld [tilespmem:s18+$0xFFFFFFB0];
	_ =	sdelay $0x4  }
0x20d: {  	[tilespmem:s21+$0xB1B0] =	vst v0  }
0x20e: {  	v0 =	vld [tilespmem:s18+$0x30];
	_ =	sdelay $0x4  }
0x20f: {  	[tilespmem:s21+$0xF8B0] =	vst v0  }
0x210: {  	v0 =	vld [tilespmem:s18+$0xFFFFFFC0];
	_ =	sdelay $0x4  }
0x211: {  	[tilespmem:s21+$0xB1C0] =	vst v0  }
0x212: {  	v0 =	vld [tilespmem:s18+$0x40];
	_ =	sdelay $0x4  }
0x213: {  	[tilespmem:s21+$0xF8C0] =	vst v0  }
0x214: {  	v0 =	vld [tilespmem:s18+$0xFFFFFFD0];
	_ =	sdelay $0x4  }
0x215: {  	[tilespmem:s21+$0xB1D0] =	vst v0  }
0x216: {  	v0 =	vld [tilespmem:s18+$0x50];
	_ =	sdelay $0x4  }
0x217: {  	[tilespmem:s21+$0xF8D0] =	vst v0  }
0x218: {  	v0 =	vld [tilespmem:s18+$0xFFFFFFE0];
	_ =	sdelay $0x4  }
0x219: {  	[tilespmem:s21+$0xB1E0] =	vst v0  }
0x21a: {  	v0 =	vld [tilespmem:s18+$0x60];
	_ =	sdelay $0x4  }
0x21b: {  	[tilespmem:s21+$0xF8E0] =	vst v0  }
0x21c: {  	v0 =	vld [tilespmem:s18+$0xFFFFFFF0];
	_ =	sdelay $0x4  }
0x21d: {  	[tilespmem:s21+$0xB1F0] =	vst v0  }
0x21e: {  	v0 =	vld [tilespmem:s18+$0x70];
	_ =	sdelay $0x1  }
.Ltmp7:
0x21f: {  	(pc) =	sbr.rel @p1 .LBB2_12-.Ltmp7, $3  }
0x220: {  	_ =	sdelay $0x1  }
0x221: {  	s18 =	sadd.s32 $0x100, s18;
	[tilespmem:s21+$0xF8F0] =	vst v0  }
0x222: {  	s20 =	sadd.s32 $0x200, s20;
	v0 =	vld [tilespmem:s18+$0xFFFFFF80]  }
0x223: {  	_ =	sdelay $0x2  }
0x224: {  	s19 =	sshra.s32 s19, $0x2  }
0x225: {  	[tilespmem:s19+$0xB180] =	vst v0  }
0x226: {  	v0 =	vld [tilespmem:s18+$0x0];
	_ =	sdelay $0x4  }
0x227: {  	[tilespmem:s19+$0xF880] =	vst v0  }
0x228: {  	v0 =	vld [tilespmem:s18+$0xFFFFFF90];
	_ =	sdelay $0x4  }
0x229: {  	[tilespmem:s19+$0xB190] =	vst v0  }
0x22a: {  	v0 =	vld [tilespmem:s18+$0x10];
	_ =	sdelay $0x4  }
0x22b: {  	[tilespmem:s19+$0xF890] =	vst v0  }
0x22c: {  	v0 =	vld [tilespmem:s18+$0xFFFFFFA0];
	_ =	sdelay $0x4  }
0x22d: {  	[tilespmem:s19+$0xB1A0] =	vst v0  }
0x22e: {  	v0 =	vld [tilespmem:s18+$0x20];
	_ =	sdelay $0x4  }
0x22f: {  	[tilespmem:s19+$0xF8A0] =	vst v0  }
0x230: {  	v0 =	vld [tilespmem:s18+$0xFFFFFFB0];
	_ =	sdelay $0x4  }
0x231: {  	[tilespmem:s19+$0xB1B0] =	vst v0  }
0x232: {  	v0 =	vld [tilespmem:s18+$0x30];
	_ =	sdelay $0x4  }
0x233: {  	[tilespmem:s19+$0xF8B0] =	vst v0  }
0x234: {  	v0 =	vld [tilespmem:s18+$0xFFFFFFC0];
	_ =	sdelay $0x4  }
0x235: {  	[tilespmem:s19+$0xB1C0] =	vst v0  }
0x236: {  	v0 =	vld [tilespmem:s18+$0x40];
	_ =	sdelay $0x4  }
0x237: {  	[tilespmem:s19+$0xF8C0] =	vst v0  }
0x238: {  	v0 =	vld [tilespmem:s18+$0xFFFFFFD0];
	_ =	sdelay $0x4  }
0x239: {  	[tilespmem:s19+$0xB1D0] =	vst v0  }
0x23a: {  	v0 =	vld [tilespmem:s18+$0x50];
	_ =	sdelay $0x4  }
0x23b: {  	[tilespmem:s19+$0xF8D0] =	vst v0  }
0x23c: {  	v0 =	vld [tilespmem:s18+$0xFFFFFFE0];
	_ =	sdelay $0x4  }
0x23d: {  	[tilespmem:s19+$0xB1E0] =	vst v0  }
0x23e: {  	v0 =	vld [tilespmem:s18+$0x60];
	_ =	sdelay $0x4  }
0x23f: {  	[tilespmem:s19+$0xF8E0] =	vst v0  }
0x240: {  	v0 =	vld [tilespmem:s18+$0xFFFFFFF0];
	_ =	sdelay $0x4  }
0x241: {  	[tilespmem:s19+$0xB1F0] =	vst v0  }
0x242: {  	v0 =	vld [tilespmem:s18+$0x70];
	_ =	sdelay $0x4  }
0x243: {  	[tilespmem:s19+$0xF8F0] =	vst v0  }
0x244: {  	[tilespmem:s13], [sflag:$0x3] =	stream.indirect.gather [spmem:s5], $0x1, s12, s4, $0xb8;
	[tilespmem:$0x1F480] =	vst v63  }
0x245: {  	_ =	swait.ge [sflag:s7], $0x2380  }
0x246: {  	[sflag:s7] =	ssyncset.done $0x0  }
0x247: {  	[sflag:s7] =	ssyncadd.s32 $0xFFFFDC80  }
0x248: {  	[spmem:s2] =	stream.indirect.scatter.add.f32 [tilespmem:s13], [sflag:$0x4], $0x1, s14, s4, $0xb8;
	[tilespmem:$0x1F480] =	vst v63  }
0x249: {  	_ = 	snop  }
0x24a: {  	[spmem:s3] =	stream.indirect.scatter.add.f32 [tilespmem:s30], [sflag:$0x5], $0x1, s14, s4, $0xb8;
	[tilespmem:$0x1F480] =	vst v63  }
0x24b: {  	_ =	swait.ge [sflag:s31], $0x4700  }
0x24c: {  	[sflag:s31] =	ssyncset.done $0x0  }
0x24d: {  	s19 =	simm.s32 $0x0;
	s21 =	rddreg [dreg:$0x11];
	[sflag:s31] =	ssyncadd.s32 $0xFFFFB900  }
0x24e: {  	[tilespmem:s0], [sflag:$0x2] =	stream.linear.gather [hbm4b:s21+s19], $0x4700, $0x38;
	[tilespmem:$0x1F480] =	vst v63  }
0x24f: {  	_ =	swait.ge [sflag:s15], $0x2380  }
0x250: {  	[sflag:s15] =	ssyncset.done $0x0  }
0x251: {  	[sflag:s15] =	ssyncadd.s32 $0xFFFFDC80  }
0x252: {  	_ =	swait.ge [sflag:s16], $0x2380  }
0x253: {  	[sflag:s16] =	ssyncset.done $0x0  }
0x254: {  	s18 =	simm.s32 $0x80;
	[sflag:s16] =	ssyncadd.s32 $0xFFFFDC80  }
0x255: {  	s20 =	simm.s32 $0x200;
	v0 =	vld [tilespmem:s18+$0xFFFFFF80]  }
.LBB2_14:
0x256: {  	p1 =	sne.s32 s20, $0x8C00;
	_ =	sdelay $0x2  }
0x257: {  	s21 =	sshra.s32 s19, $0x2;
	s19 =	smov.u32 s20  }
0x258: {  	[tilespmem:s21+$0x8E00] =	vst v0  }
0x259: {  	v0 =	vld [tilespmem:s18+$0x0];
	_ =	sdelay $0x4  }
0x25a: {  	[tilespmem:s21+$0xD500] =	vst v0  }
0x25b: {  	v0 =	vld [tilespmem:s18+$0xFFFFFF90];
	_ =	sdelay $0x4  }
0x25c: {  	[tilespmem:s21+$0x8E10] =	vst v0  }
0x25d: {  	v0 =	vld [tilespmem:s18+$0x10];
	_ =	sdelay $0x4  }
0x25e: {  	[tilespmem:s21+$0xD510] =	vst v0  }
0x25f: {  	v0 =	vld [tilespmem:s18+$0xFFFFFFA0];
	_ =	sdelay $0x4  }
0x260: {  	[tilespmem:s21+$0x8E20] =	vst v0  }
0x261: {  	v0 =	vld [tilespmem:s18+$0x20];
	_ =	sdelay $0x4  }
0x262: {  	[tilespmem:s21+$0xD520] =	vst v0  }
0x263: {  	v0 =	vld [tilespmem:s18+$0xFFFFFFB0];
	_ =	sdelay $0x4  }
0x264: {  	[tilespmem:s21+$0x8E30] =	vst v0  }
0x265: {  	v0 =	vld [tilespmem:s18+$0x30];
	_ =	sdelay $0x4  }
0x266: {  	[tilespmem:s21+$0xD530] =	vst v0  }
0x267: {  	v0 =	vld [tilespmem:s18+$0xFFFFFFC0];
	_ =	sdelay $0x4  }
0x268: {  	[tilespmem:s21+$0x8E40] =	vst v0  }
0x269: {  	v0 =	vld [tilespmem:s18+$0x40];
	_ =	sdelay $0x4  }
0x26a: {  	[tilespmem:s21+$0xD540] =	vst v0  }
0x26b: {  	v0 =	vld [tilespmem:s18+$0xFFFFFFD0];
	_ =	sdelay $0x4  }
0x26c: {  	[tilespmem:s21+$0x8E50] =	vst v0  }
0x26d: {  	v0 =	vld [tilespmem:s18+$0x50];
	_ =	sdelay $0x4  }
0x26e: {  	[tilespmem:s21+$0xD550] =	vst v0  }
0x26f: {  	v0 =	vld [tilespmem:s18+$0xFFFFFFE0];
	_ =	sdelay $0x4  }
0x270: {  	[tilespmem:s21+$0x8E60] =	vst v0  }
0x271: {  	v0 =	vld [tilespmem:s18+$0x60];
	_ =	sdelay $0x4  }
0x272: {  	[tilespmem:s21+$0xD560] =	vst v0  }
0x273: {  	v0 =	vld [tilespmem:s18+$0xFFFFFFF0];
	_ =	sdelay $0x4  }
0x274: {  	[tilespmem:s21+$0x8E70] =	vst v0  }
0x275: {  	v0 =	vld [tilespmem:s18+$0x70];
	_ =	sdelay $0x1  }
.Ltmp8:
0x276: {  	(pc) =	sbr.rel @p1 .LBB2_14-.Ltmp8, $3  }
0x277: {  	_ =	sdelay $0x1  }
0x278: {  	s18 =	sadd.s32 $0x100, s18;
	[tilespmem:s21+$0xD570] =	vst v0  }
0x279: {  	s20 =	sadd.s32 $0x200, s20;
	v0 =	vld [tilespmem:s18+$0xFFFFFF80]  }
0x27a: {  	_ =	sdelay $0x2  }
0x27b: {  	s19 =	sshra.s32 s19, $0x2  }
0x27c: {  	[tilespmem:s19+$0x8E00] =	vst v0  }
0x27d: {  	v0 =	vld [tilespmem:s18+$0x0];
	_ =	sdelay $0x4  }
0x27e: {  	[tilespmem:s19+$0xD500] =	vst v0  }
0x27f: {  	v0 =	vld [tilespmem:s18+$0xFFFFFF90];
	_ =	sdelay $0x4  }
0x280: {  	[tilespmem:s19+$0x8E10] =	vst v0  }
0x281: {  	v0 =	vld [tilespmem:s18+$0x10];
	_ =	sdelay $0x4  }
0x282: {  	[tilespmem:s19+$0xD510] =	vst v0  }
0x283: {  	v0 =	vld [tilespmem:s18+$0xFFFFFFA0];
	_ =	sdelay $0x4  }
0x284: {  	[tilespmem:s19+$0x8E20] =	vst v0  }
0x285: {  	v0 =	vld [tilespmem:s18+$0x20];
	_ =	sdelay $0x4  }
0x286: {  	[tilespmem:s19+$0xD520] =	vst v0  }
0x287: {  	v0 =	vld [tilespmem:s18+$0xFFFFFFB0];
	_ =	sdelay $0x4  }
0x288: {  	[tilespmem:s19+$0x8E30] =	vst v0  }
0x289: {  	v0 =	vld [tilespmem:s18+$0x30];
	_ =	sdelay $0x4  }
0x28a: {  	[tilespmem:s19+$0xD530] =	vst v0  }
0x28b: {  	v0 =	vld [tilespmem:s18+$0xFFFFFFC0];
	_ =	sdelay $0x4  }
0x28c: {  	[tilespmem:s19+$0x8E40] =	vst v0  }
0x28d: {  	v0 =	vld [tilespmem:s18+$0x40];
	_ =	sdelay $0x4  }
0x28e: {  	[tilespmem:s19+$0xD540] =	vst v0  }
0x28f: {  	v0 =	vld [tilespmem:s18+$0xFFFFFFD0];
	_ =	sdelay $0x4  }
0x290: {  	[tilespmem:s19+$0x8E50] =	vst v0  }
0x291: {  	v0 =	vld [tilespmem:s18+$0x50];
	_ =	sdelay $0x4  }
0x292: {  	[tilespmem:s19+$0xD550] =	vst v0  }
0x293: {  	v0 =	vld [tilespmem:s18+$0xFFFFFFE0];
	_ =	sdelay $0x4  }
0x294: {  	[tilespmem:s19+$0x8E60] =	vst v0  }
0x295: {  	v0 =	vld [tilespmem:s18+$0x60];
	_ =	sdelay $0x4  }
0x296: {  	[tilespmem:s19+$0xD560] =	vst v0  }
0x297: {  	v0 =	vld [tilespmem:s18+$0xFFFFFFF0];
	_ =	sdelay $0x4  }
0x298: {  	[tilespmem:s19+$0x8E70] =	vst v0  }
0x299: {  	v0 =	vld [tilespmem:s18+$0x70];
	_ =	sdelay $0x4  }
0x29a: {  	[tilespmem:s19+$0xD570] =	vst v0  }
0x29b: {  	[tilespmem:s23], [sflag:$0x3] =	stream.indirect.gather [spmem:s5], $0x1, s1, s4, $0xb8;
	[tilespmem:$0x1F480] =	vst v63  }
0x29c: {  	_ =	swait.ge [sflag:s7], $0x2380  }
0x29d: {  	[sflag:s7] =	ssyncset.done $0x0  }
0x29e: {  	[sflag:s7] =	ssyncadd.s32 $0xFFFFDC80  }
0x29f: {  	[spmem:s2] =	stream.indirect.scatter.add.f32 [tilespmem:s23], [sflag:$0x4], $0x1, s8, s4, $0xb8;
	[tilespmem:$0x1F480] =	vst v63  }
0x2a0: {  	_ = 	snop  }
0x2a1: {  	[spmem:s3] =	stream.indirect.scatter.add.f32 [tilespmem:s30], [sflag:$0x5], $0x1, s8, s4, $0xb8;
	[tilespmem:$0x1F480] =	vst v63  }
0x2a2: {  	_ =	swait.ge [sflag:s11], $0x4700  }
0x2a3: {  	[sflag:s11] =	ssyncset.done $0x0  }
0x2a4: {  	s19 =	simm.s32 $0x0;
	s21 =	rddreg [dreg:$0x12];
	[sflag:s11] =	ssyncadd.s32 $0xFFFFB900  }
0x2a5: {  	[tilespmem:s19], [sflag:$0x1] =	stream.linear.gather [hbm4b:s21+s19], $0x4700, $0x38;
	[tilespmem:$0x1F480] =	vst v63  }
0x2a6: {  	_ =	swait.ge [sflag:s15], $0x2380  }
0x2a7: {  	[sflag:s15] =	ssyncset.done $0x0  }
0x2a8: {  	[sflag:s15] =	ssyncadd.s32 $0xFFFFDC80  }
0x2a9: {  	_ =	swait.ge [sflag:s16], $0x2380  }
0x2aa: {  	[sflag:s16] =	ssyncset.done $0x0  }
0x2ab: {  	s18 =	simm.s32 $0x4780;
	[sflag:s16] =	ssyncadd.s32 $0xFFFFDC80  }
0x2ac: {  	s20 =	simm.s32 $0x200;
	v0 =	vld [tilespmem:s18+$0xFFFFFF80]  }
.LBB2_16:
0x2ad: {  	p1 =	sne.s32 s20, $0x8C00;
	_ =	sdelay $0x2  }
0x2ae: {  	s21 =	sshra.s32 s19, $0x2;
	s19 =	smov.u32 s20  }
0x2af: {  	[tilespmem:s21+$0xB180] =	vst v0  }
0x2b0: {  	v0 =	vld [tilespmem:s18+$0x0];
	_ =	sdelay $0x4  }
0x2b1: {  	[tilespmem:s21+$0xF880] =	vst v0  }
0x2b2: {  	v0 =	vld [tilespmem:s18+$0xFFFFFF90];
	_ =	sdelay $0x4  }
0x2b3: {  	[tilespmem:s21+$0xB190] =	vst v0  }
0x2b4: {  	v0 =	vld [tilespmem:s18+$0x10];
	_ =	sdelay $0x4  }
0x2b5: {  	[tilespmem:s21+$0xF890] =	vst v0  }
0x2b6: {  	v0 =	vld [tilespmem:s18+$0xFFFFFFA0];
	_ =	sdelay $0x4  }
0x2b7: {  	[tilespmem:s21+$0xB1A0] =	vst v0  }
0x2b8: {  	v0 =	vld [tilespmem:s18+$0x20];
	_ =	sdelay $0x4  }
0x2b9: {  	[tilespmem:s21+$0xF8A0] =	vst v0  }
0x2ba: {  	v0 =	vld [tilespmem:s18+$0xFFFFFFB0];
	_ =	sdelay $0x4  }
0x2bb: {  	[tilespmem:s21+$0xB1B0] =	vst v0  }
0x2bc: {  	v0 =	vld [tilespmem:s18+$0x30];
	_ =	sdelay $0x4  }
0x2bd: {  	[tilespmem:s21+$0xF8B0] =	vst v0  }
0x2be: {  	v0 =	vld [tilespmem:s18+$0xFFFFFFC0];
	_ =	sdelay $0x4  }
0x2bf: {  	[tilespmem:s21+$0xB1C0] =	vst v0  }
0x2c0: {  	v0 =	vld [tilespmem:s18+$0x40];
	_ =	sdelay $0x4  }
0x2c1: {  	[tilespmem:s21+$0xF8C0] =	vst v0  }
0x2c2: {  	v0 =	vld [tilespmem:s18+$0xFFFFFFD0];
	_ =	sdelay $0x4  }
0x2c3: {  	[tilespmem:s21+$0xB1D0] =	vst v0  }
0x2c4: {  	v0 =	vld [tilespmem:s18+$0x50];
	_ =	sdelay $0x4  }
0x2c5: {  	[tilespmem:s21+$0xF8D0] =	vst v0  }
0x2c6: {  	v0 =	vld [tilespmem:s18+$0xFFFFFFE0];
	_ =	sdelay $0x4  }
0x2c7: {  	[tilespmem:s21+$0xB1E0] =	vst v0  }
0x2c8: {  	v0 =	vld [tilespmem:s18+$0x60];
	_ =	sdelay $0x4  }
0x2c9: {  	[tilespmem:s21+$0xF8E0] =	vst v0  }
0x2ca: {  	v0 =	vld [tilespmem:s18+$0xFFFFFFF0];
	_ =	sdelay $0x4  }
0x2cb: {  	[tilespmem:s21+$0xB1F0] =	vst v0  }
0x2cc: {  	v0 =	vld [tilespmem:s18+$0x70];
	_ =	sdelay $0x1  }
.Ltmp9:
0x2cd: {  	(pc) =	sbr.rel @p1 .LBB2_16-.Ltmp9, $3  }
0x2ce: {  	_ =	sdelay $0x1  }
0x2cf: {  	s18 =	sadd.s32 $0x100, s18;
	[tilespmem:s21+$0xF8F0] =	vst v0  }
0x2d0: {  	s20 =	sadd.s32 $0x200, s20;
	v0 =	vld [tilespmem:s18+$0xFFFFFF80]  }
0x2d1: {  	_ =	sdelay $0x2  }
0x2d2: {  	s19 =	sshra.s32 s19, $0x2  }
0x2d3: {  	[tilespmem:s19+$0xB180] =	vst v0  }
0x2d4: {  	v0 =	vld [tilespmem:s18+$0x0];
	_ =	sdelay $0x4  }
0x2d5: {  	[tilespmem:s19+$0xF880] =	vst v0  }
0x2d6: {  	v0 =	vld [tilespmem:s18+$0xFFFFFF90];
	_ =	sdelay $0x4  }
0x2d7: {  	[tilespmem:s19+$0xB190] =	vst v0  }
0x2d8: {  	v0 =	vld [tilespmem:s18+$0x10];
	_ =	sdelay $0x4  }
0x2d9: {  	[tilespmem:s19+$0xF890] =	vst v0  }
0x2da: {  	v0 =	vld [tilespmem:s18+$0xFFFFFFA0];
	_ =	sdelay $0x4  }
0x2db: {  	[tilespmem:s19+$0xB1A0] =	vst v0  }
0x2dc: {  	v0 =	vld [tilespmem:s18+$0x20];
	_ =	sdelay $0x4  }
0x2dd: {  	[tilespmem:s19+$0xF8A0] =	vst v0  }
0x2de: {  	v0 =	vld [tilespmem:s18+$0xFFFFFFB0];
	_ =	sdelay $0x4  }
0x2df: {  	[tilespmem:s19+$0xB1B0] =	vst v0  }
0x2e0: {  	v0 =	vld [tilespmem:s18+$0x30];
	_ =	sdelay $0x4  }
0x2e1: {  	[tilespmem:s19+$0xF8B0] =	vst v0  }
0x2e2: {  	v0 =	vld [tilespmem:s18+$0xFFFFFFC0];
	_ =	sdelay $0x4  }
0x2e3: {  	[tilespmem:s19+$0xB1C0] =	vst v0  }
0x2e4: {  	v0 =	vld [tilespmem:s18+$0x40];
	_ =	sdelay $0x4  }
0x2e5: {  	[tilespmem:s19+$0xF8C0] =	vst v0  }
0x2e6: {  	v0 =	vld [tilespmem:s18+$0xFFFFFFD0];
	_ =	sdelay $0x4  }
0x2e7: {  	[tilespmem:s19+$0xB1D0] =	vst v0  }
0x2e8: {  	v0 =	vld [tilespmem:s18+$0x50];
	_ =	sdelay $0x4  }
0x2e9: {  	[tilespmem:s19+$0xF8D0] =	vst v0  }
0x2ea: {  	v0 =	vld [tilespmem:s18+$0xFFFFFFE0];
	_ =	sdelay $0x4  }
0x2eb: {  	[tilespmem:s19+$0xB1E0] =	vst v0  }
0x2ec: {  	v0 =	vld [tilespmem:s18+$0x60];
	_ =	sdelay $0x4  }
0x2ed: {  	[tilespmem:s19+$0xF8E0] =	vst v0  }
0x2ee: {  	v0 =	vld [tilespmem:s18+$0xFFFFFFF0];
	_ =	sdelay $0x4  }
0x2ef: {  	[tilespmem:s19+$0xB1F0] =	vst v0  }
0x2f0: {  	v0 =	vld [tilespmem:s18+$0x70];
	_ =	sdelay $0x4  }
0x2f1: {  	[tilespmem:s19+$0xF8F0] =	vst v0  }
0x2f2: {  	[tilespmem:s13], [sflag:$0x3] =	stream.indirect.gather [spmem:s5], $0x1, s12, s4, $0xb8;
	[tilespmem:$0x1F480] =	vst v63  }
0x2f3: {  	_ =	swait.ge [sflag:s7], $0x2380  }
0x2f4: {  	[sflag:s7] =	ssyncset.done $0x0  }
0x2f5: {  	[sflag:s7] =	ssyncadd.s32 $0xFFFFDC80  }
0x2f6: {  	[spmem:s2] =	stream.indirect.scatter.add.f32 [tilespmem:s13], [sflag:$0x4], $0x1, s14, s4, $0xb8;
	[tilespmem:$0x1F480] =	vst v63  }
0x2f7: {  	_ = 	snop  }
0x2f8: {  	[spmem:s3] =	stream.indirect.scatter.add.f32 [tilespmem:s30], [sflag:$0x5], $0x1, s14, s4, $0xb8;
	[tilespmem:$0x1F480] =	vst v63  }
0x2f9: {  	_ =	swait.ge [sflag:s31], $0x4700  }
0x2fa: {  	[sflag:s31] =	ssyncset.done $0x0  }
0x2fb: {  	s19 =	simm.s32 $0x0;
	s21 =	rddreg [dreg:$0x13];
	[sflag:s31] =	ssyncadd.s32 $0xFFFFB900  }
0x2fc: {  	[tilespmem:s0], [sflag:$0x2] =	stream.linear.gather [hbm4b:s21+s19], $0x4700, $0x38;
	[tilespmem:$0x1F480] =	vst v63  }
0x2fd: {  	_ =	swait.ge [sflag:s15], $0x2380  }
0x2fe: {  	[sflag:s15] =	ssyncset.done $0x0  }
0x2ff: {  	[sflag:s15] =	ssyncadd.s32 $0xFFFFDC80  }
0x300: {  	_ =	swait.ge [sflag:s16], $0x2380  }
0x301: {  	[sflag:s16] =	ssyncset.done $0x0  }
0x302: {  	s18 =	simm.s32 $0x80;
	[sflag:s16] =	ssyncadd.s32 $0xFFFFDC80  }
0x303: {  	s20 =	simm.s32 $0x200;
	v0 =	vld [tilespmem:s18+$0xFFFFFF80]  }
.LBB2_18:
0x304: {  	p1 =	sne.s32 s20, $0x8C00;
	_ =	sdelay $0x2  }
0x305: {  	s21 =	sshra.s32 s19, $0x2;
	s19 =	smov.u32 s20  }
0x306: {  	[tilespmem:s21+$0x8E00] =	vst v0  }
0x307: {  	v0 =	vld [tilespmem:s18+$0x0];
	_ =	sdelay $0x4  }
0x308: {  	[tilespmem:s21+$0xD500] =	vst v0  }
0x309: {  	v0 =	vld [tilespmem:s18+$0xFFFFFF90];
	_ =	sdelay $0x4  }
0x30a: {  	[tilespmem:s21+$0x8E10] =	vst v0  }
0x30b: {  	v0 =	vld [tilespmem:s18+$0x10];
	_ =	sdelay $0x4  }
0x30c: {  	[tilespmem:s21+$0xD510] =	vst v0  }
0x30d: {  	v0 =	vld [tilespmem:s18+$0xFFFFFFA0];
	_ =	sdelay $0x4  }
0x30e: {  	[tilespmem:s21+$0x8E20] =	vst v0  }
0x30f: {  	v0 =	vld [tilespmem:s18+$0x20];
	_ =	sdelay $0x4  }
0x310: {  	[tilespmem:s21+$0xD520] =	vst v0  }
0x311: {  	v0 =	vld [tilespmem:s18+$0xFFFFFFB0];
	_ =	sdelay $0x4  }
0x312: {  	[tilespmem:s21+$0x8E30] =	vst v0  }
0x313: {  	v0 =	vld [tilespmem:s18+$0x30];
	_ =	sdelay $0x4  }
0x314: {  	[tilespmem:s21+$0xD530] =	vst v0  }
0x315: {  	v0 =	vld [tilespmem:s18+$0xFFFFFFC0];
	_ =	sdelay $0x4  }
0x316: {  	[tilespmem:s21+$0x8E40] =	vst v0  }
0x317: {  	v0 =	vld [tilespmem:s18+$0x40];
	_ =	sdelay $0x4  }
0x318: {  	[tilespmem:s21+$0xD540] =	vst v0  }
0x319: {  	v0 =	vld [tilespmem:s18+$0xFFFFFFD0];
	_ =	sdelay $0x4  }
0x31a: {  	[tilespmem:s21+$0x8E50] =	vst v0  }
0x31b: {  	v0 =	vld [tilespmem:s18+$0x50];
	_ =	sdelay $0x4  }
0x31c: {  	[tilespmem:s21+$0xD550] =	vst v0  }
0x31d: {  	v0 =	vld [tilespmem:s18+$0xFFFFFFE0];
	_ =	sdelay $0x4  }
0x31e: {  	[tilespmem:s21+$0x8E60] =	vst v0  }
0x31f: {  	v0 =	vld [tilespmem:s18+$0x60];
	_ =	sdelay $0x4  }
0x320: {  	[tilespmem:s21+$0xD560] =	vst v0  }
0x321: {  	v0 =	vld [tilespmem:s18+$0xFFFFFFF0];
	_ =	sdelay $0x4  }
0x322: {  	[tilespmem:s21+$0x8E70] =	vst v0  }
0x323: {  	v0 =	vld [tilespmem:s18+$0x70];
	_ =	sdelay $0x1  }
.Ltmp10:
0x324: {  	(pc) =	sbr.rel @p1 .LBB2_18-.Ltmp10, $3  }
0x325: {  	_ =	sdelay $0x1  }
0x326: {  	s18 =	sadd.s32 $0x100, s18;
	[tilespmem:s21+$0xD570] =	vst v0  }
0x327: {  	s20 =	sadd.s32 $0x200, s20;
	v0 =	vld [tilespmem:s18+$0xFFFFFF80]  }
0x328: {  	_ =	sdelay $0x2  }
0x329: {  	s19 =	sshra.s32 s19, $0x2  }
0x32a: {  	[tilespmem:s19+$0x8E00] =	vst v0  }
0x32b: {  	v0 =	vld [tilespmem:s18+$0x0];
	_ =	sdelay $0x4  }
0x32c: {  	[tilespmem:s19+$0xD500] =	vst v0  }
0x32d: {  	v0 =	vld [tilespmem:s18+$0xFFFFFF90];
	_ =	sdelay $0x4  }
0x32e: {  	[tilespmem:s19+$0x8E10] =	vst v0  }
0x32f: {  	v0 =	vld [tilespmem:s18+$0x10];
	_ =	sdelay $0x4  }
0x330: {  	[tilespmem:s19+$0xD510] =	vst v0  }
0x331: {  	v0 =	vld [tilespmem:s18+$0xFFFFFFA0];
	_ =	sdelay $0x4  }
0x332: {  	[tilespmem:s19+$0x8E20] =	vst v0  }
0x333: {  	v0 =	vld [tilespmem:s18+$0x20];
	_ =	sdelay $0x4  }
0x334: {  	[tilespmem:s19+$0xD520] =	vst v0  }
0x335: {  	v0 =	vld [tilespmem:s18+$0xFFFFFFB0];
	_ =	sdelay $0x4  }
0x336: {  	[tilespmem:s19+$0x8E30] =	vst v0  }
0x337: {  	v0 =	vld [tilespmem:s18+$0x30];
	_ =	sdelay $0x4  }
0x338: {  	[tilespmem:s19+$0xD530] =	vst v0  }
0x339: {  	v0 =	vld [tilespmem:s18+$0xFFFFFFC0];
	_ =	sdelay $0x4  }
0x33a: {  	[tilespmem:s19+$0x8E40] =	vst v0  }
0x33b: {  	v0 =	vld [tilespmem:s18+$0x40];
	_ =	sdelay $0x4  }
0x33c: {  	[tilespmem:s19+$0xD540] =	vst v0  }
0x33d: {  	v0 =	vld [tilespmem:s18+$0xFFFFFFD0];
	_ =	sdelay $0x4  }
0x33e: {  	[tilespmem:s19+$0x8E50] =	vst v0  }
0x33f: {  	v0 =	vld [tilespmem:s18+$0x50];
	_ =	sdelay $0x4  }
0x340: {  	[tilespmem:s19+$0xD550] =	vst v0  }
0x341: {  	v0 =	vld [tilespmem:s18+$0xFFFFFFE0];
	_ =	sdelay $0x4  }
0x342: {  	[tilespmem:s19+$0x8E60] =	vst v0  }
0x343: {  	v0 =	vld [tilespmem:s18+$0x60];
	_ =	sdelay $0x4  }
0x344: {  	[tilespmem:s19+$0xD560] =	vst v0  }
0x345: {  	v0 =	vld [tilespmem:s18+$0xFFFFFFF0];
	_ =	sdelay $0x4  }
0x346: {  	[tilespmem:s19+$0x8E70] =	vst v0  }
0x347: {  	v0 =	vld [tilespmem:s18+$0x70];
	_ =	sdelay $0x4  }
0x348: {  	[tilespmem:s19+$0xD570] =	vst v0  }
0x349: {  	[tilespmem:s23], [sflag:$0x3] =	stream.indirect.gather [spmem:s5], $0x1, s1, s4, $0xb8;
	[tilespmem:$0x1F480] =	vst v63  }
0x34a: {  	_ =	swait.ge [sflag:s7], $0x2380  }
0x34b: {  	[sflag:s7] =	ssyncset.done $0x0  }
0x34c: {  	[sflag:s7] =	ssyncadd.s32 $0xFFFFDC80  }
0x34d: {  	[spmem:s2] =	stream.indirect.scatter.add.f32 [tilespmem:s23], [sflag:$0x4], $0x1, s8, s4, $0xb8;
	[tilespmem:$0x1F480] =	vst v63  }
0x34e: {  	_ = 	snop  }
0x34f: {  	[spmem:s3] =	stream.indirect.scatter.add.f32 [tilespmem:s30], [sflag:$0x5], $0x1, s8, s4, $0xb8;
	[tilespmem:$0x1F480] =	vst v63  }
0x350: {  	_ =	swait.ge [sflag:s11], $0x4700  }
0x351: {  	[sflag:s11] =	ssyncset.done $0x0  }
0x352: {  	s19 =	simm.s32 $0x0;
	[sflag:s11] =	ssyncadd.s32 $0xFFFFB900  }
0x353: {  	[tilespmem:s19], [sflag:$0x1] =	stream.linear.gather [hbm4b:s22+s19], $0x4700, $0x38;
	[tilespmem:$0x1F480] =	vst v63  }
0x354: {  	_ =	swait.ge [sflag:s15], $0x2380  }
0x355: {  	[sflag:s15] =	ssyncset.done $0x0  }
0x356: {  	[sflag:s15] =	ssyncadd.s32 $0xFFFFDC80  }
0x357: {  	_ =	swait.ge [sflag:s16], $0x2380  }
0x358: {  	[sflag:s16] =	ssyncset.done $0x0  }
0x359: {  	s18 =	simm.s32 $0x4780;
	[sflag:s16] =	ssyncadd.s32 $0xFFFFDC80  }
0x35a: {  	s20 =	simm.s32 $0x200;
	v0 =	vld [tilespmem:s18+$0xFFFFFF80]  }
.LBB2_20:
0x35b: {  	p1 =	sne.s32 s20, $0x8C00;
	_ =	sdelay $0x2  }
0x35c: {  	s21 =	sshra.s32 s19, $0x2;
	s19 =	smov.u32 s20  }
0x35d: {  	[tilespmem:s21+$0xB180] =	vst v0  }
0x35e: {  	v0 =	vld [tilespmem:s18+$0x0];
	_ =	sdelay $0x4  }
0x35f: {  	[tilespmem:s21+$0xF880] =	vst v0  }
0x360: {  	v0 =	vld [tilespmem:s18+$0xFFFFFF90];
	_ =	sdelay $0x4  }
0x361: {  	[tilespmem:s21+$0xB190] =	vst v0  }
0x362: {  	v0 =	vld [tilespmem:s18+$0x10];
	_ =	sdelay $0x4  }
0x363: {  	[tilespmem:s21+$0xF890] =	vst v0  }
0x364: {  	v0 =	vld [tilespmem:s18+$0xFFFFFFA0];
	_ =	sdelay $0x4  }
0x365: {  	[tilespmem:s21+$0xB1A0] =	vst v0  }
0x366: {  	v0 =	vld [tilespmem:s18+$0x20];
	_ =	sdelay $0x4  }
0x367: {  	[tilespmem:s21+$0xF8A0] =	vst v0  }
0x368: {  	v0 =	vld [tilespmem:s18+$0xFFFFFFB0];
	_ =	sdelay $0x4  }
0x369: {  	[tilespmem:s21+$0xB1B0] =	vst v0  }
0x36a: {  	v0 =	vld [tilespmem:s18+$0x30];
	_ =	sdelay $0x4  }
0x36b: {  	[tilespmem:s21+$0xF8B0] =	vst v0  }
0x36c: {  	v0 =	vld [tilespmem:s18+$0xFFFFFFC0];
	_ =	sdelay $0x4  }
0x36d: {  	[tilespmem:s21+$0xB1C0] =	vst v0  }
0x36e: {  	v0 =	vld [tilespmem:s18+$0x40];
	_ =	sdelay $0x4  }
0x36f: {  	[tilespmem:s21+$0xF8C0] =	vst v0  }
0x370: {  	v0 =	vld [tilespmem:s18+$0xFFFFFFD0];
	_ =	sdelay $0x4  }
0x371: {  	[tilespmem:s21+$0xB1D0] =	vst v0  }
0x372: {  	v0 =	vld [tilespmem:s18+$0x50];
	_ =	sdelay $0x4  }
0x373: {  	[tilespmem:s21+$0xF8D0] =	vst v0  }
0x374: {  	v0 =	vld [tilespmem:s18+$0xFFFFFFE0];
	_ =	sdelay $0x4  }
0x375: {  	[tilespmem:s21+$0xB1E0] =	vst v0  }
0x376: {  	v0 =	vld [tilespmem:s18+$0x60];
	_ =	sdelay $0x4  }
0x377: {  	[tilespmem:s21+$0xF8E0] =	vst v0  }
0x378: {  	v0 =	vld [tilespmem:s18+$0xFFFFFFF0];
	_ =	sdelay $0x4  }
0x379: {  	[tilespmem:s21+$0xB1F0] =	vst v0  }
0x37a: {  	v0 =	vld [tilespmem:s18+$0x70];
	_ =	sdelay $0x1  }
.Ltmp11:
0x37b: {  	(pc) =	sbr.rel @p1 .LBB2_20-.Ltmp11, $3  }
0x37c: {  	_ =	sdelay $0x1  }
0x37d: {  	s18 =	sadd.s32 $0x100, s18;
	[tilespmem:s21+$0xF8F0] =	vst v0  }
0x37e: {  	s20 =	sadd.s32 $0x200, s20;
	v0 =	vld [tilespmem:s18+$0xFFFFFF80]  }
0x37f: {  	_ =	sdelay $0x2  }
0x380: {  	s19 =	sshra.s32 s19, $0x2  }
0x381: {  	[tilespmem:s19+$0xB180] =	vst v0  }
0x382: {  	v0 =	vld [tilespmem:s18+$0x0];
	_ =	sdelay $0x4  }
0x383: {  	[tilespmem:s19+$0xF880] =	vst v0  }
0x384: {  	v0 =	vld [tilespmem:s18+$0xFFFFFF90];
	_ =	sdelay $0x4  }
0x385: {  	[tilespmem:s19+$0xB190] =	vst v0  }
0x386: {  	v0 =	vld [tilespmem:s18+$0x10];
	_ =	sdelay $0x4  }
0x387: {  	[tilespmem:s19+$0xF890] =	vst v0  }
0x388: {  	v0 =	vld [tilespmem:s18+$0xFFFFFFA0];
	_ =	sdelay $0x4  }
0x389: {  	[tilespmem:s19+$0xB1A0] =	vst v0  }
0x38a: {  	v0 =	vld [tilespmem:s18+$0x20];
	_ =	sdelay $0x4  }
0x38b: {  	[tilespmem:s19+$0xF8A0] =	vst v0  }
0x38c: {  	v0 =	vld [tilespmem:s18+$0xFFFFFFB0];
	_ =	sdelay $0x4  }
0x38d: {  	[tilespmem:s19+$0xB1B0] =	vst v0  }
0x38e: {  	v0 =	vld [tilespmem:s18+$0x30];
	_ =	sdelay $0x4  }
0x38f: {  	[tilespmem:s19+$0xF8B0] =	vst v0  }
0x390: {  	v0 =	vld [tilespmem:s18+$0xFFFFFFC0];
	_ =	sdelay $0x4  }
0x391: {  	[tilespmem:s19+$0xB1C0] =	vst v0  }
0x392: {  	v0 =	vld [tilespmem:s18+$0x40];
	_ =	sdelay $0x4  }
0x393: {  	[tilespmem:s19+$0xF8C0] =	vst v0  }
0x394: {  	v0 =	vld [tilespmem:s18+$0xFFFFFFD0];
	_ =	sdelay $0x4  }
0x395: {  	[tilespmem:s19+$0xB1D0] =	vst v0  }
0x396: {  	v0 =	vld [tilespmem:s18+$0x50];
	_ =	sdelay $0x4  }
0x397: {  	[tilespmem:s19+$0xF8D0] =	vst v0  }
0x398: {  	v0 =	vld [tilespmem:s18+$0xFFFFFFE0];
	_ =	sdelay $0x4  }
0x399: {  	[tilespmem:s19+$0xB1E0] =	vst v0  }
0x39a: {  	v0 =	vld [tilespmem:s18+$0x60];
	_ =	sdelay $0x4  }
0x39b: {  	[tilespmem:s19+$0xF8E0] =	vst v0  }
0x39c: {  	v0 =	vld [tilespmem:s18+$0xFFFFFFF0];
	_ =	sdelay $0x4  }
0x39d: {  	[tilespmem:s19+$0xB1F0] =	vst v0  }
0x39e: {  	v0 =	vld [tilespmem:s18+$0x70];
	_ =	sdelay $0x4  }
0x39f: {  	[tilespmem:s19+$0xF8F0] =	vst v0  }
0x3a0: {  	[tilespmem:s13], [sflag:$0x3] =	stream.indirect.gather [spmem:s5], $0x1, s12, s4, $0xb8;
	[tilespmem:$0x1F480] =	vst v63  }
0x3a1: {  	_ =	swait.ge [sflag:s7], $0x2380  }
0x3a2: {  	[sflag:s7] =	ssyncset.done $0x0  }
0x3a3: {  	[sflag:s7] =	ssyncadd.s32 $0xFFFFDC80  }
0x3a4: {  	[spmem:s2] =	stream.indirect.scatter.add.f32 [tilespmem:s13], [sflag:$0x4], $0x1, s14, s4, $0xb8;
	[tilespmem:$0x1F480] =	vst v63  }
0x3a5: {  	_ = 	snop  }
0x3a6: {  	[spmem:s3] =	stream.indirect.scatter.add.f32 [tilespmem:s30], [sflag:$0x5], $0x1, s14, s4, $0xb8;
	[tilespmem:$0x1F480] =	vst v63  }
0x3a7: {  	_ =	swait.ge [sflag:s31], $0x4700  }
0x3a8: {  	[sflag:s31] =	ssyncset.done $0x0  }
0x3a9: {  	[sflag:s31] =	ssyncadd.s32 $0xFFFFB900  }
0x3aa: {  	_ =	swait.ge [sflag:s15], $0x2380  }
0x3ab: {  	[sflag:s15] =	ssyncset.done $0x0  }
0x3ac: {  	[sflag:s15] =	ssyncadd.s32 $0xFFFFDC80  }
0x3ad: {  	_ =	swait.ge [sflag:s16], $0x2380  }
0x3ae: {  	[sflag:s16] =	ssyncset.done $0x0  }
0x3af: {  	s18 =	simm.s32 $0x80;
	[sflag:s16] =	ssyncadd.s32 $0xFFFFDC80  }
0x3b0: {  	s20 =	simm.s32 $0x200;
	s19 =	simm.s32 $0x0;
	v0 =	vld [tilespmem:s18+$0xFFFFFF80]  }
.LBB2_22:
0x3b1: {  	p1 =	sne.s32 s20, $0x8C00;
	_ =	sdelay $0x2  }
0x3b2: {  	s21 =	sshra.s32 s19, $0x2;
	s19 =	smov.u32 s20  }
0x3b3: {  	[tilespmem:s21+$0x8E00] =	vst v0  }
0x3b4: {  	v0 =	vld [tilespmem:s18+$0x0];
	_ =	sdelay $0x4  }
0x3b5: {  	[tilespmem:s21+$0xD500] =	vst v0  }
0x3b6: {  	v0 =	vld [tilespmem:s18+$0xFFFFFF90];
	_ =	sdelay $0x4  }
0x3b7: {  	[tilespmem:s21+$0x8E10] =	vst v0  }
0x3b8: {  	v0 =	vld [tilespmem:s18+$0x10];
	_ =	sdelay $0x4  }
0x3b9: {  	[tilespmem:s21+$0xD510] =	vst v0  }
0x3ba: {  	v0 =	vld [tilespmem:s18+$0xFFFFFFA0];
	_ =	sdelay $0x4  }
0x3bb: {  	[tilespmem:s21+$0x8E20] =	vst v0  }
0x3bc: {  	v0 =	vld [tilespmem:s18+$0x20];
	_ =	sdelay $0x4  }
0x3bd: {  	[tilespmem:s21+$0xD520] =	vst v0  }
0x3be: {  	v0 =	vld [tilespmem:s18+$0xFFFFFFB0];
	_ =	sdelay $0x4  }
0x3bf: {  	[tilespmem:s21+$0x8E30] =	vst v0  }
0x3c0: {  	v0 =	vld [tilespmem:s18+$0x30];
	_ =	sdelay $0x4  }
0x3c1: {  	[tilespmem:s21+$0xD530] =	vst v0  }
0x3c2: {  	v0 =	vld [tilespmem:s18+$0xFFFFFFC0];
	_ =	sdelay $0x4  }
0x3c3: {  	[tilespmem:s21+$0x8E40] =	vst v0  }
0x3c4: {  	v0 =	vld [tilespmem:s18+$0x40];
	_ =	sdelay $0x4  }
0x3c5: {  	[tilespmem:s21+$0xD540] =	vst v0  }
0x3c6: {  	v0 =	vld [tilespmem:s18+$0xFFFFFFD0];
	_ =	sdelay $0x4  }
0x3c7: {  	[tilespmem:s21+$0x8E50] =	vst v0  }
0x3c8: {  	v0 =	vld [tilespmem:s18+$0x50];
	_ =	sdelay $0x4  }
0x3c9: {  	[tilespmem:s21+$0xD550] =	vst v0  }
0x3ca: {  	v0 =	vld [tilespmem:s18+$0xFFFFFFE0];
	_ =	sdelay $0x4  }
0x3cb: {  	[tilespmem:s21+$0x8E60] =	vst v0  }
0x3cc: {  	v0 =	vld [tilespmem:s18+$0x60];
	_ =	sdelay $0x4  }
0x3cd: {  	[tilespmem:s21+$0xD560] =	vst v0  }
0x3ce: {  	v0 =	vld [tilespmem:s18+$0xFFFFFFF0];
	_ =	sdelay $0x4  }
0x3cf: {  	[tilespmem:s21+$0x8E70] =	vst v0  }
0x3d0: {  	v0 =	vld [tilespmem:s18+$0x70];
	_ =	sdelay $0x1  }
.Ltmp12:
0x3d1: {  	(pc) =	sbr.rel @p1 .LBB2_22-.Ltmp12, $3  }
0x3d2: {  	_ =	sdelay $0x1  }
0x3d3: {  	s18 =	sadd.s32 $0x100, s18;
	[tilespmem:s21+$0xD570] =	vst v0  }
0x3d4: {  	s20 =	sadd.s32 $0x200, s20;
	v0 =	vld [tilespmem:s18+$0xFFFFFF80]  }
0x3d5: {  	_ =	sdelay $0x2  }
0x3d6: {  	s19 =	sshra.s32 s19, $0x2  }
0x3d7: {  	[tilespmem:s19+$0x8E00] =	vst v0  }
0x3d8: {  	v0 =	vld [tilespmem:s18+$0x0];
	_ =	sdelay $0x4  }
0x3d9: {  	[tilespmem:s19+$0xD500] =	vst v0  }
0x3da: {  	v0 =	vld [tilespmem:s18+$0xFFFFFF90];
	_ =	sdelay $0x4  }
0x3db: {  	[tilespmem:s19+$0x8E10] =	vst v0  }
0x3dc: {  	v0 =	vld [tilespmem:s18+$0x10];
	_ =	sdelay $0x4  }
0x3dd: {  	[tilespmem:s19+$0xD510] =	vst v0  }
0x3de: {  	v0 =	vld [tilespmem:s18+$0xFFFFFFA0];
	_ =	sdelay $0x4  }
0x3df: {  	[tilespmem:s19+$0x8E20] =	vst v0  }
0x3e0: {  	v0 =	vld [tilespmem:s18+$0x20];
	_ =	sdelay $0x4  }
0x3e1: {  	[tilespmem:s19+$0xD520] =	vst v0  }
0x3e2: {  	v0 =	vld [tilespmem:s18+$0xFFFFFFB0];
	_ =	sdelay $0x4  }
0x3e3: {  	[tilespmem:s19+$0x8E30] =	vst v0  }
0x3e4: {  	v0 =	vld [tilespmem:s18+$0x30];
	_ =	sdelay $0x4  }
0x3e5: {  	[tilespmem:s19+$0xD530] =	vst v0  }
0x3e6: {  	v0 =	vld [tilespmem:s18+$0xFFFFFFC0];
	_ =	sdelay $0x4  }
0x3e7: {  	[tilespmem:s19+$0x8E40] =	vst v0  }
0x3e8: {  	v0 =	vld [tilespmem:s18+$0x40];
	_ =	sdelay $0x4  }
0x3e9: {  	[tilespmem:s19+$0xD540] =	vst v0  }
0x3ea: {  	v0 =	vld [tilespmem:s18+$0xFFFFFFD0];
	_ =	sdelay $0x4  }
0x3eb: {  	[tilespmem:s19+$0x8E50] =	vst v0  }
0x3ec: {  	v0 =	vld [tilespmem:s18+$0x50];
	_ =	sdelay $0x4  }
0x3ed: {  	[tilespmem:s19+$0xD550] =	vst v0  }
0x3ee: {  	v0 =	vld [tilespmem:s18+$0xFFFFFFE0];
	_ =	sdelay $0x4  }
0x3ef: {  	[tilespmem:s19+$0x8E60] =	vst v0  }
0x3f0: {  	v0 =	vld [tilespmem:s18+$0x60];
	_ =	sdelay $0x4  }
0x3f1: {  	[tilespmem:s19+$0xD560] =	vst v0  }
0x3f2: {  	v0 =	vld [tilespmem:s18+$0xFFFFFFF0];
	_ =	sdelay $0x4  }
0x3f3: {  	[tilespmem:s19+$0x8E70] =	vst v0  }
0x3f4: {  	v0 =	vld [tilespmem:s18+$0x70];
	_ =	sdelay $0x4  }
0x3f5: {  	[tilespmem:s19+$0xD570] =	vst v0  }
0x3f6: {  	[tilespmem:s23], [sflag:$0x3] =	stream.indirect.gather [spmem:s5], $0x1, s1, s4, $0xb8;
	[tilespmem:$0x1F480] =	vst v63  }
0x3f7: {  	_ =	swait.ge [sflag:s7], $0x2380  }
0x3f8: {  	[sflag:s7] =	ssyncset.done $0x0  }
0x3f9: {  	[sflag:s7] =	ssyncadd.s32 $0xFFFFDC80  }
0x3fa: {  	[spmem:s2] =	stream.indirect.scatter.add.f32 [tilespmem:s23], [sflag:$0x4], $0x1, s8, s4, $0xb8;
	[tilespmem:$0x1F480] =	vst v63  }
0x3fb: {  	_ = 	snop  }
0x3fc: {  	[spmem:s3] =	stream.indirect.scatter.add.f32 [tilespmem:s30], [sflag:$0x5], $0x1, s8, s4, $0xb8;
	[tilespmem:$0x1F480] =	vst v63  }
0x3fd: {  	_ =	swait.ge [sflag:s15], $0x2380  }
0x3fe: {  	[sflag:s15] =	ssyncset.done $0x0  }
0x3ff: {  	[sflag:s15] =	ssyncadd.s32 $0xFFFFDC80  }
0x400: {  	_ =	swait.ge [sflag:s16], $0x2380  }
0x401: {  	[sflag:s16] =	ssyncset.done $0x0  }
0x402: {  	[sflag:s16] =	ssyncadd.s32 $0xFFFFDC80  }
0x403: {  	_ =	swait.ge [sflag:s15], $0x2380  }
.Ltmp13:
0x404: {  	[sflag:s15] =	ssyncset.done $0x0;
	(pc) =	sbr.rel @p0 .LBB2_25-.Ltmp13, $4  }
0x405: {  	[sflag:s15] =	ssyncadd.s32 $0xFFFFDC80  }
0x406: {  	_ =	swait.ge [sflag:s16], $0x2380  }
0x407: {  	[sflag:s16] =	ssyncset.done $0x0  }
0x408: {  	[sflag:s16] =	ssyncadd.s32 $0xFFFFDC80  }
0x409: {  	s18 =	rddreg [dreg:$0x14]  }
0x40a: {  	[tilespmem:s6], [sflag:$0x6] =	stream.linear.gather [hbm4b:s18+s6], $0x800, $0x38;
	[tilespmem:$0x1F480] =	vst v63  }
0x40b: {  	_ =	swait.ge [sflag:s29], $0x800  }
0x40c: {  	[sflag:s29] =	ssyncset.done $0x0  }
0x40d: {  	[sflag:s29] =	ssyncadd.s32 $0xFFFFF800  }
0x40e: {  	v0 =	vld [tilespmem:$0x0]  }
0x40f: {  	v1 =	vld [tilespmem:$0x80]  }
0x410: {  	v2 =	vld [tilespmem:$0x10]  }
0x411: {  	v3 =	vld [tilespmem:$0x90]  }
0x412: {  	v4 =	vld [tilespmem:$0x20]  }
0x413: {  	v53 =	vld [tilespmem:$0xA0];
	[tilespmem:$0x19F00] =	vst v0  }
0x414: {  	v54 =	vld [tilespmem:$0x30];
	[tilespmem:$0x1A300] =	vst v1  }
0x415: {  	v55 =	vld [tilespmem:$0xB0];
	[tilespmem:$0x19F10] =	vst v2  }
0x416: {  	v56 =	vld [tilespmem:$0x40];
	[tilespmem:$0x1A310] =	vst v3  }
0x417: {  	v57 =	vld [tilespmem:$0xC0];
	[tilespmem:$0x19F20] =	vst v4  }
0x418: {  	v58 =	vld [tilespmem:$0x50];
	[tilespmem:$0x1A320] =	vst v53  }
0x419: {  	v59 =	vld [tilespmem:$0xD0];
	[tilespmem:$0x19F30] =	vst v54  }
0x41a: {  	v60 =	vld [tilespmem:$0x60];
	[tilespmem:$0x1A330] =	vst v55  }
0x41b: {  	v61 =	vld [tilespmem:$0xE0];
	[tilespmem:$0x19F40] =	vst v56  }
0x41c: {  	v62 =	vld [tilespmem:$0x70];
	[tilespmem:$0x1A340] =	vst v57  }
0x41d: {  	v63 =	vld [tilespmem:$0xF0];
	[tilespmem:$0x19F50] =	vst v58  }
0x41e: {  	v8 =	vld [tilespmem:$0x100];
	[tilespmem:$0x1A350] =	vst v59  }
0x41f: {  	v9 =	vld [tilespmem:$0x180];
	[tilespmem:$0x19F60] =	vst v60  }
0x420: {  	v10 =	vld [tilespmem:$0x110];
	[tilespmem:$0x1A360] =	vst v61  }
0x421: {  	v11 =	vld [tilespmem:$0x190];
	[tilespmem:$0x19F70] =	vst v62  }
0x422: {  	v12 =	vld [tilespmem:$0x120];
	[tilespmem:$0x1A370] =	vst v63  }
0x423: {  	v13 =	vld [tilespmem:$0x1A0];
	[tilespmem:$0x19F80] =	vst v8  }
0x424: {  	v14 =	vld [tilespmem:$0x130];
	[tilespmem:$0x1A380] =	vst v9  }
0x425: {  	v15 =	vld [tilespmem:$0x1B0];
	[tilespmem:$0x19F90] =	vst v10  }
0x426: {  	v16 =	vld [tilespmem:$0x140];
	[tilespmem:$0x1A390] =	vst v11  }
0x427: {  	v17 =	vld [tilespmem:$0x1C0];
	[tilespmem:$0x19FA0] =	vst v12  }
0x428: {  	v18 =	vld [tilespmem:$0x150];
	[tilespmem:$0x1A3A0] =	vst v13  }
0x429: {  	v19 =	vld [tilespmem:$0x1D0];
	[tilespmem:$0x19FB0] =	vst v14  }
0x42a: {  	v20 =	vld [tilespmem:$0x160];
	[tilespmem:$0x1A3B0] =	vst v15  }
0x42b: {  	v21 =	vld [tilespmem:$0x1E0];
	[tilespmem:$0x19FC0] =	vst v16  }
0x42c: {  	v22 =	vld [tilespmem:$0x170];
	[tilespmem:$0x1A3C0] =	vst v17  }
0x42d: {  	v23 =	vld [tilespmem:$0x1F0];
	[tilespmem:$0x19FD0] =	vst v18  }
0x42e: {  	v24 =	vld [tilespmem:$0x200];
	[tilespmem:$0x1A3D0] =	vst v19  }
0x42f: {  	v25 =	vld [tilespmem:$0x280];
	[tilespmem:$0x19FE0] =	vst v20  }
0x430: {  	v26 =	vld [tilespmem:$0x210];
	[tilespmem:$0x1A3E0] =	vst v21  }
0x431: {  	v27 =	vld [tilespmem:$0x290];
	[tilespmem:$0x19FF0] =	vst v22  }
0x432: {  	v28 =	vld [tilespmem:$0x220];
	[tilespmem:$0x1A3F0] =	vst v23  }
0x433: {  	v29 =	vld [tilespmem:$0x2A0];
	[tilespmem:$0x1A000] =	vst v24  }
0x434: {  	v30 =	vld [tilespmem:$0x230];
	[tilespmem:$0x1A400] =	vst v25  }
0x435: {  	v31 =	vld [tilespmem:$0x2B0];
	[tilespmem:$0x1A010] =	vst v26  }
0x436: {  	v32 =	vld [tilespmem:$0x240];
	[tilespmem:$0x1A410] =	vst v27  }
0x437: {  	v33 =	vld [tilespmem:$0x2C0];
	[tilespmem:$0x1A020] =	vst v28  }
0x438: {  	v34 =	vld [tilespmem:$0x250];
	[tilespmem:$0x1A420] =	vst v29  }
0x439: {  	v35 =	vld [tilespmem:$0x2D0];
	[tilespmem:$0x1A030] =	vst v30  }
0x43a: {  	v36 =	vld [tilespmem:$0x260];
	[tilespmem:$0x1A430] =	vst v31  }
0x43b: {  	v37 =	vld [tilespmem:$0x2E0];
	[tilespmem:$0x1A040] =	vst v32  }
0x43c: {  	v38 =	vld [tilespmem:$0x270];
	[tilespmem:$0x1A440] =	vst v33  }
0x43d: {  	v39 =	vld [tilespmem:$0x2F0];
	[tilespmem:$0x1A050] =	vst v34  }
0x43e: {  	v40 =	vld [tilespmem:$0x300];
	[tilespmem:$0x1A450] =	vst v35  }
0x43f: {  	v41 =	vld [tilespmem:$0x380];
	[tilespmem:$0x1A060] =	vst v36  }
0x440: {  	v42 =	vld [tilespmem:$0x310];
	[tilespmem:$0x1A460] =	vst v37  }
0x441: {  	v43 =	vld [tilespmem:$0x390];
	[tilespmem:$0x1A070] =	vst v38  }
0x442: {  	v44 =	vld [tilespmem:$0x320];
	[tilespmem:$0x1A470] =	vst v39  }
0x443: {  	v45 =	vld [tilespmem:$0x3A0];
	[tilespmem:$0x1A080] =	vst v40  }
0x444: {  	v46 =	vld [tilespmem:$0x330];
	[tilespmem:$0x1A480] =	vst v41  }
0x445: {  	v47 =	vld [tilespmem:$0x3B0];
	[tilespmem:$0x1A090] =	vst v42  }
0x446: {  	v48 =	vld [tilespmem:$0x340];
	[tilespmem:$0x1A490] =	vst v43  }
0x447: {  	v49 =	vld [tilespmem:$0x3C0];
	[tilespmem:$0x1A0A0] =	vst v44  }
0x448: {  	v50 =	vld [tilespmem:$0x350];
	[tilespmem:$0x1A4A0] =	vst v45  }
0x449: {  	v51 =	vld [tilespmem:$0x3D0];
	[tilespmem:$0x1A0B0] =	vst v46  }
0x44a: {  	v52 =	vld [tilespmem:$0x360];
	[tilespmem:$0x1A4B0] =	vst v47  }
0x44b: {  	[tilespmem:$0x1A0C0] =	vst v48;
	v53 =	vld [tilespmem:$0x3E0]  }
0x44c: {  	[tilespmem:$0x1A4C0] =	vst v49;
	v54 =	vld [tilespmem:$0x370]  }
0x44d: {  	[tilespmem:$0x1A0D0] =	vst v50;
	v55 =	vld [tilespmem:$0x3F0]  }
0x44e: {  	[tilespmem:$0x1A4D0] =	vst v51;
	v56 =	vld [tilespmem:$0x400]  }
0x44f: {  	[tilespmem:$0x1A0E0] =	vst v52;
	v57 =	vld [tilespmem:$0x480]  }
0x450: {  	v58 =	vld [tilespmem:$0x410];
	[tilespmem:$0x1A4E0] =	vst v53  }
0x451: {  	v59 =	vld [tilespmem:$0x490];
	[tilespmem:$0x1A0F0] =	vst v54  }
0x452: {  	v60 =	vld [tilespmem:$0x420];
	[tilespmem:$0x1A4F0] =	vst v55  }
0x453: {  	v61 =	vld [tilespmem:$0x4A0];
	[tilespmem:$0x1A100] =	vst v56  }
0x454: {  	v62 =	vld [tilespmem:$0x430];
	[tilespmem:$0x1A500] =	vst v57  }
0x455: {  	v63 =	vld [tilespmem:$0x4B0];
	[tilespmem:$0x1A110] =	vst v58  }
0x456: {  	v8 =	vld [tilespmem:$0x440];
	[tilespmem:$0x1A510] =	vst v59  }
0x457: {  	v9 =	vld [tilespmem:$0x4C0];
	[tilespmem:$0x1A120] =	vst v60  }
0x458: {  	v10 =	vld [tilespmem:$0x450];
	[tilespmem:$0x1A520] =	vst v61  }
0x459: {  	v11 =	vld [tilespmem:$0x4D0];
	[tilespmem:$0x1A130] =	vst v62  }
0x45a: {  	v12 =	vld [tilespmem:$0x460];
	[tilespmem:$0x1A530] =	vst v63  }
0x45b: {  	v13 =	vld [tilespmem:$0x4E0];
	[tilespmem:$0x1A140] =	vst v8  }
0x45c: {  	v14 =	vld [tilespmem:$0x470];
	[tilespmem:$0x1A540] =	vst v9  }
0x45d: {  	v15 =	vld [tilespmem:$0x4F0];
	[tilespmem:$0x1A150] =	vst v10  }
0x45e: {  	v16 =	vld [tilespmem:$0x500];
	[tilespmem:$0x1A550] =	vst v11  }
0x45f: {  	v17 =	vld [tilespmem:$0x580];
	[tilespmem:$0x1A160] =	vst v12  }
0x460: {  	v18 =	vld [tilespmem:$0x510];
	[tilespmem:$0x1A560] =	vst v13  }
0x461: {  	v19 =	vld [tilespmem:$0x590];
	[tilespmem:$0x1A170] =	vst v14  }
0x462: {  	v20 =	vld [tilespmem:$0x520];
	[tilespmem:$0x1A570] =	vst v15  }
0x463: {  	v21 =	vld [tilespmem:$0x5A0];
	[tilespmem:$0x1A180] =	vst v16  }
0x464: {  	v22 =	vld [tilespmem:$0x530];
	[tilespmem:$0x1A580] =	vst v17  }
0x465: {  	v23 =	vld [tilespmem:$0x5B0];
	[tilespmem:$0x1A190] =	vst v18  }
0x466: {  	v24 =	vld [tilespmem:$0x540];
	[tilespmem:$0x1A590] =	vst v19  }
0x467: {  	v25 =	vld [tilespmem:$0x5C0];
	[tilespmem:$0x1A1A0] =	vst v20  }
0x468: {  	v26 =	vld [tilespmem:$0x550];
	[tilespmem:$0x1A5A0] =	vst v21  }
0x469: {  	v27 =	vld [tilespmem:$0x5D0];
	[tilespmem:$0x1A1B0] =	vst v22  }
0x46a: {  	v28 =	vld [tilespmem:$0x560];
	[tilespmem:$0x1A5B0] =	vst v23  }
0x46b: {  	v29 =	vld [tilespmem:$0x5E0];
	[tilespmem:$0x1A1C0] =	vst v24  }
0x46c: {  	v30 =	vld [tilespmem:$0x570];
	[tilespmem:$0x1A5C0] =	vst v25  }
0x46d: {  	v31 =	vld [tilespmem:$0x5F0];
	[tilespmem:$0x1A1D0] =	vst v26  }
0x46e: {  	v32 =	vld [tilespmem:$0x600];
	[tilespmem:$0x1A5D0] =	vst v27  }
0x46f: {  	v33 =	vld [tilespmem:$0x680];
	[tilespmem:$0x1A1E0] =	vst v28  }
0x470: {  	v34 =	vld [tilespmem:$0x610];
	[tilespmem:$0x1A5E0] =	vst v29  }
0x471: {  	v35 =	vld [tilespmem:$0x690];
	[tilespmem:$0x1A1F0] =	vst v30  }
0x472: {  	v36 =	vld [tilespmem:$0x620];
	[tilespmem:$0x1A5F0] =	vst v31  }
0x473: {  	v37 =	vld [tilespmem:$0x6A0];
	[tilespmem:$0x1A200] =	vst v32  }
0x474: {  	v38 =	vld [tilespmem:$0x630];
	[tilespmem:$0x1A600] =	vst v33  }
0x475: {  	v39 =	vld [tilespmem:$0x6B0];
	[tilespmem:$0x1A210] =	vst v34  }
0x476: {  	v40 =	vld [tilespmem:$0x640];
	[tilespmem:$0x1A610] =	vst v35  }
0x477: {  	v41 =	vld [tilespmem:$0x6C0];
	[tilespmem:$0x1A220] =	vst v36  }
0x478: {  	v42 =	vld [tilespmem:$0x650];
	[tilespmem:$0x1A620] =	vst v37  }
0x479: {  	v43 =	vld [tilespmem:$0x6D0];
	[tilespmem:$0x1A230] =	vst v38  }
0x47a: {  	v44 =	vld [tilespmem:$0x660];
	[tilespmem:$0x1A630] =	vst v39  }
0x47b: {  	v45 =	vld [tilespmem:$0x6E0];
	[tilespmem:$0x1A240] =	vst v40  }
0x47c: {  	v46 =	vld [tilespmem:$0x670];
	[tilespmem:$0x1A640] =	vst v41  }
0x47d: {  	v47 =	vld [tilespmem:$0x6F0];
	[tilespmem:$0x1A250] =	vst v42  }
0x47e: {  	v48 =	vld [tilespmem:$0x700];
	[tilespmem:$0x1A650] =	vst v43  }
0x47f: {  	v49 =	vld [tilespmem:$0x780];
	[tilespmem:$0x1A260] =	vst v44  }
0x480: {  	v50 =	vld [tilespmem:$0x710];
	[tilespmem:$0x1A660] =	vst v45  }
0x481: {  	v51 =	vld [tilespmem:$0x790];
	[tilespmem:$0x1A270] =	vst v46  }
0x482: {  	v52 =	vld [tilespmem:$0x720];
	[tilespmem:$0x1A670] =	vst v47  }
0x483: {  	[tilespmem:$0x1A280] =	vst v48;
	v53 =	vld [tilespmem:$0x7A0]  }
0x484: {  	[tilespmem:$0x1A680] =	vst v49;
	v54 =	vld [tilespmem:$0x730]  }
0x485: {  	[tilespmem:$0x1A290] =	vst v50;
	v55 =	vld [tilespmem:$0x7B0]  }
0x486: {  	[tilespmem:$0x1A690] =	vst v51;
	v56 =	vld [tilespmem:$0x740]  }
0x487: {  	[tilespmem:$0x1A2A0] =	vst v52;
	v57 =	vld [tilespmem:$0x7C0]  }
0x488: {  	v58 =	vld [tilespmem:$0x750];
	[tilespmem:$0x1A6A0] =	vst v53  }
0x489: {  	v59 =	vld [tilespmem:$0x7D0];
	[tilespmem:$0x1A2B0] =	vst v54  }
0x48a: {  	v60 =	vld [tilespmem:$0x760];
	[tilespmem:$0x1A6B0] =	vst v55  }
0x48b: {  	v61 =	vld [tilespmem:$0x7E0];
	[tilespmem:$0x1A2C0] =	vst v56  }
0x48c: {  	v62 =	vld [tilespmem:$0x770];
	[tilespmem:$0x1A6C0] =	vst v57  }
0x48d: {  	v63 =	vld [tilespmem:$0x7F0];
	[tilespmem:$0x1A2D0] =	vst v58  }
0x48e: {  	[tilespmem:$0x1A6D0] =	vst v59  }
0x48f: {  	[tilespmem:$0x1A2E0] =	vst v60  }
0x490: {  	[tilespmem:$0x1A6E0] =	vst v61  }
0x491: {  	[tilespmem:$0x1A2F0] =	vst v62  }
0x492: {  	s19 =	simm.s32 $0x19F00;
	s20 =	simm.s32 $0x1A700;
	s18 =	simm.s32 $0x400;
	[tilespmem:$0x1A6F0] =	vst v63  }
0x493: {  	[tilespmem:s20], [sflag:$0x3] =	stream.indirect.gather [spmem:s5], $0x1, s19, s18, $0xb8;
	[tilespmem:$0x1F480] =	vst v63  }
0x494: {  	_ =	swait.ge [sflag:s7], $0x400  }
0x495: {  	[sflag:s7] =	ssyncset.done $0x0  }
0x496: {  	s21 =	simm.s32 $0x1A300;
	[sflag:s7] =	ssyncadd.s32 $0xFFFFFC00  }
0x497: {  	[spmem:s2] =	stream.indirect.scatter.add.f32 [tilespmem:s20], [sflag:$0x6], $0x1, s21, s18, $0xb8;
	[tilespmem:$0x1F480] =	vst v63  }
0x498: {  	_ =	swait.ge [sflag:s29], $0x400  }
0x499: {  	[sflag:s29] =	ssyncset.done $0x0  }
.Ltmp14:
0x49a: {  	[sflag:s29] =	ssyncadd.s32 $0xFFFFFC00;
	(pc) =	sbr.rel .LBB2_25-.Ltmp14, $4  }
0x49b: {  	[spmem:s3] =	stream.indirect.scatter.add.f32 [tilespmem:s30], [sflag:$0x6], $0x1, s21, s18, $0xb8;
	[tilespmem:$0x1F480] =	vst v63  }
0x49c: {  	_ =	swait.ge [sflag:s29], $0x400  }
0x49d: {  	[sflag:s29] =	ssyncset.done $0x0  }
0x49e: {  	[sflag:s29] =	ssyncadd.s32 $0xFFFFFC00  }
.LBB2_26:
0x49f: {  	_ =	sfence.sel $0x180000  }
0x4a0: {  	[bflag:$0x0] =	sbarrier.arrive $0xFFFF  }
0x4a1: {  	_ =	strace $0x90000047  }
0x4a2: {  	s0 =	stileid.u32;
	[bflag:$0x2] =	sbarrier.arrive $0xFFFF  }
0x4a3: {  	p0 =	sne.s32 s0, $0x0;
	s0 =	rddreg [dreg:$0x6]  }
0x4a4: {  	s0 =	sadd.s32 @!p0 $0x100000, s0  }
0x4a5: {  	[sflag:s0] =	ssyncadd.tile.s32 @!p0 $0x1;
	_ =	shalt  }
.Lfunc_end2:
_tile_overlayer_lowered:
.L_overlay_start_2:
0x4a6: {  	(tag) =	ssettag $0x2  }
0x4a7: {  	s0 =	rddreg [dreg:$0x0];
	s2 =	stileid.u32  }
0x4a8: {  	s1 =	rddreg [dreg:$0x1];
	p0 =	sne.s32 s2, $0x0  }
0x4a9: {  	s3 =	rddreg [dreg:$0x2];
	[bflag:$0x3] =	sbarrier.arrive $0xFFFF;
	s2 =	simm.s32 @!p0 $0x1C06  }
0x4aa: {  	[timem:s3], [sflag:s2] =	dma.local @!p0 [hbm:s0], s1  }
0x4ab: {  	s0 =	simm.s32 @!p0 $0x6  }
0x4ac: {  	_ =	swait.ge @!p0 [sflag:s0], s1  }
0x4ad: {  	s1 =	ssub.s32 @!p0 $0x0, s1;
	[sflag:s0] =	ssyncset.done @!p0 $0x0  }
0x4ae: {  	[sflag:s0] =	ssyncadd.s32 @!p0 s1  }
0x4af: {  	[bflag:$0x3] =	sbarrier.arrive $0xFFFF  }
0x4b0: {  	_ =	shalt  }

</sc_bundles>
